<compile_context>
chip_gen: v7x
topology: tpu7x:2x2x1
jax: 0.10.2.dev20260603
libtpu: 0.0.44.dev20260713+nightly
codegen_flags: <defaults>
</compile_context>

<pallas_src>
import functools

import jax
import jax.numpy as jnp
from jax import lax
from jax.experimental import pallas as pl
from jax.experimental.pallas import tpu as pltpu
from jax.experimental.pallas import tpu_sc as plsc

N = 4096
DIN = 384
D = 512
K = 6
KP = 8
BLK = 256
NBLK = N // BLK
OMIC_PAD = 1536
NEG = -1e30


def _leaky(x):
    return jnp.where(x > 0, x, 0.01 * x)


def _elu(x):
    return jnp.where(x > 0, x, jnp.exp(x) - 1.0)


def _omic_body(*refs):
    o_ref = refs[-1]
    for i in range(6):
        x, w0, b0, w1, b1 = refs[5 * i:5 * i + 5]
        h = lax.dot_general(x[...], w0[...], (((1,), (1,)), ((), ())),
                            preferred_element_type=jnp.float32)
        h = _elu(h + b0[...])
        h = lax.dot_general(h, w1[...], (((1,), (1,)), ((), ())),
                            preferred_element_type=jnp.float32)
        o_ref[i:i + 1, :] = _elu(h + b1[...])


def _omic(args):
    return pl.pallas_call(
        _omic_body,
        out_shape=jax.ShapeDtypeStruct((6, 256), jnp.float32),
    )(*args)


def _fc1_body(xp_ref, w_ref, b_ref, h_ref, s_ref):
    i = pl.program_id(0)
    h = lax.dot_general(xp_ref[...], w_ref[...], (((1,), (1,)), ((), ())),
                        preferred_element_type=jnp.float32)
    h = _leaky(h + b_ref[...])
    h_ref[...] = h
    ps = jnp.sum(h, axis=0, keepdims=True)

    @pl.when(i == 0)
    def _():
        s_ref[...] = ps

    @pl.when(i > 0)
    def _():
        s_ref[...] += ps


def _fc1(x_path, w, b):
    return pl.pallas_call(
        _fc1_body,
        grid=(NBLK,),
        in_specs=[
            pl.BlockSpec((BLK, DIN), lambda i: (i, 0)),
            pl.BlockSpec((D, DIN), lambda i: (0, 0)),
            pl.BlockSpec((1, D), lambda i: (0, 0)),
        ],
        out_specs=[
            pl.BlockSpec((BLK, D), lambda i: (i, 0)),
            pl.BlockSpec((1, D), lambda i: (0, 0)),
        ],
        out_shape=[
            jax.ShapeDtypeStruct((N, D), jnp.float32),
            jax.ShapeDtypeStruct((1, D), jnp.float32),
        ],
    )(x_path, w, b)


_PD = D // 2


def _f16_enc(x):
    y = lax.bitcast_convert_type(x * jnp.float32(2.0 ** -112), jnp.int32)
    y = y + 0xFFF + ((y >> 13) & 1)
    return ((y >> 16) & 0x8000) | ((y >> 13) & 0x7FFF)


def _f16_dec(h):
    z = ((h & 0x8000) << 16) | ((h & 0x7FFF) << 13)
    return lax.bitcast_convert_type(z, jnp.float32) * jnp.float32(2.0 ** 112)


def _proj_body(h_ref, s_ref, wh_ref, bh_ref, wt_ref, bt_ref, eh_ref, et_ref,
               pk_ref):
    x = (h_ref[...] + s_ref[...] * (1.0 / N)) * 0.5
    eh = lax.dot_general(x, wh_ref[...], (((1,), (1,)), ((), ())),
                         preferred_element_type=jnp.float32)
    eh_ref[...] = eh + bh_ref[...]
    et = lax.dot_general(x, wt_ref[...], (((1,), (1,)), ((), ())),
                         preferred_element_type=jnp.float32)
    et = et + bt_ref[...]
    et_ref[...] = et
    lo = _f16_enc(et[:, :_PD])
    hi = _f16_enc(et[:, _PD:])
    pk_ref[...] = lo | (hi << 16)


def _proj(h, s, wh, bh, wt, bt):
    return pl.pallas_call(
        _proj_body,
        grid=(NBLK,),
        in_specs=[
            pl.BlockSpec((BLK, D), lambda i: (i, 0)),
            pl.BlockSpec((1, D), lambda i: (0, 0)),
            pl.BlockSpec((D, D), lambda i: (0, 0)),
            pl.BlockSpec((1, D), lambda i: (0, 0)),
            pl.BlockSpec((D, D), lambda i: (0, 0)),
            pl.BlockSpec((1, D), lambda i: (0, 0)),
        ],
        out_specs=[
            pl.BlockSpec((BLK, D), lambda i: (i, 0)),
            pl.BlockSpec((BLK, D), lambda i: (i, 0)),
            pl.BlockSpec((BLK, _PD), lambda i: (i, 0)),
        ],
        out_shape=[
            jax.ShapeDtypeStruct((N, D), jnp.float32),
            jax.ShapeDtypeStruct((N, D), jnp.float32),
            jax.ShapeDtypeStruct((N, _PD), jnp.int32),
        ],
    )(h, s, wh, bh, wt, bt)


def _topk_body(eh_ref, et_ref, prob_ref, idx_ref):
    scale = D ** -0.5
    s = lax.dot_general(eh_ref[...] * scale, et_ref[...],
                        (((1,), (1,)), ((), ())),
                        preferred_element_type=jnp.float32)
    colid = lax.broadcasted_iota(jnp.int32, (BLK, N), 1)
    vals = s
    vcols = []
    icols = []
    for j in range(K):
        m = jnp.max(vals, axis=1, keepdims=True)
        sel = vals >= m
        idx = jnp.min(jnp.where(sel, colid, jnp.int32(2 ** 30)),
                      axis=1, keepdims=True)
        vcols.append(m)
        icols.append(idx)
        if j + 1 < K:
            vals = jnp.where(colid == idx, NEG, vals)
    v6 = jnp.concatenate(vcols, axis=1)
    mm = vcols[0]
    e6 = jnp.exp(v6 - mm)
    p6 = e6 / jnp.sum(e6, axis=1, keepdims=True)
    z1 = jnp.zeros((BLK, 1), jnp.float32)
    prob_ref[...] = jnp.concatenate([p6, z1, z1], axis=1)
    zi = jnp.zeros((BLK, 1), jnp.int32)
    idx_ref[...] = jnp.concatenate(icols + [zi, zi], axis=1)


NSPLIT = 4
HALF = N // NSPLIT
HBLK = HALF // BLK


def _topk(eh, et, h):
    return pl.pallas_call(
        _topk_body,
        grid=(HBLK,),
        in_specs=[
            pl.BlockSpec((BLK, D), lambda i, h=h: (i + h * HBLK, 0)),
            pl.BlockSpec((N, D), lambda i: (0, 0)),
        ],
        out_specs=[
            pl.BlockSpec((BLK, KP), lambda i: (i, 0)),
            pl.BlockSpec((BLK, KP), lambda i: (i, 0)),
        ],
        out_shape=[
            jax.ShapeDtypeStruct((HALF, KP), jnp.float32),
            jax.ShapeDtypeStruct((HALF, KP), jnp.int32),
        ],
    )(eh, et)


_GROWS = K * HALF
_GPER = _GROWS // 32
_GNB = 2
_GCH = 96
_GNCH = _GPER // _GCH


def _sc_gather_body(et_hbm, idx_hbm, out_hbm, idx_v, bufs, sems):
    wid = lax.axis_index("s") * 2 + lax.axis_index("c")
    base = wid * _GPER
    pltpu.sync_copy(idx_hbm.at[pl.ds(base, _GPER)], idx_v)
    cps = [None] * _GNCH
    for c in range(_GNB):
        cps[c] = pltpu.async_copy(
            et_hbm.at[idx_v.at[pl.ds(c * _GCH, _GCH)]], bufs[c], sems[c])
    for c in range(_GNCH):
        b = c % _GNB
        cps[c].wait()
        pltpu.sync_copy(bufs[b], out_hbm.at[pl.ds(base + c * _GCH, _GCH)])
        nxt = c + _GNB
        if nxt < _GNCH:
            cps[nxt] = pltpu.async_copy(
                et_hbm.at[idx_v.at[pl.ds(nxt * _GCH, _GCH)]], bufs[b],
                sems[b])


def _sc_gather(et_pack, idx_flat):
    mesh = plsc.VectorSubcoreMesh(core_axis_name="c", subcore_axis_name="s")
    fn = pl.kernel(
        _sc_gather_body,
        out_type=jax.ShapeDtypeStruct((_GROWS, _PD), jnp.int32),
        mesh=mesh,
        scratch_types=[
            pltpu.VMEM((_GPER,), jnp.int32),
            [pltpu.VMEM((_GCH, _PD), jnp.int32) for _ in range(_GNB)],
            [pltpu.SemaphoreType.DMA for _ in range(_GNB)],
        ],
    )
    return fn(et_pack, idx_flat)


def _agg_body(eh_ref, nb_ref, p_ref, w1_ref, b1_ref, w2_ref, b2_ref,
              aw0_ref, ab0_ref, aw1_ref, ab1_ref, eh2_ref, g_ref):
    eh = eh_ref[...]
    nbs = []
    for k in range(K):
        p = nb_ref[k]
        a = _f16_dec(p & 0xFFFF)
        b = _f16_dec((p >> 16) & 0xFFFF)
        nbs.append(jnp.concatenate([a, b], axis=1))
    kws = []
    for k in range(K):
        pk = p_ref[:, k:k + 1]
        gate = jnp.tanh((2.0 - pk) * eh + pk * nbs[k])
        kws.append(jnp.sum(nbs[k], axis=1, keepdims=True)
                   * jnp.sum(gate, axis=1, keepdims=True))
    kw = jnp.concatenate(kws, axis=1)
    m = jnp.max(kw, axis=1, keepdims=True)
    e = jnp.exp(kw - m)
    sinv = 1.0 / jnp.sum(e, axis=1, keepdims=True)
    enh = (e[:, 0:1] * sinv) * nbs[0]
    for k in range(1, K):
        enh = enh + (e[:, k:k + 1] * sinv) * nbs[k]
    se = lax.dot_general(eh + enh, w1_ref[...], (((1,), (1,)), ((), ())),
                         preferred_element_type=jnp.float32)
    se = _leaky(se + b1_ref[...])
    be = lax.dot_general(eh * enh, w2_ref[...], (((1,), (1,)), ((), ())),
                         preferred_element_type=jnp.float32)
    be = _leaky(be + b2_ref[...])
    eh2 = se + be
    eh2_ref[...] = eh2
    gh = lax.dot_general(eh2, aw0_ref[...], (((1,), (1,)), ((), ())),
                         preferred_element_type=jnp.float32)
    gh = _leaky(gh + ab0_ref[...])
    g = lax.dot_general(gh, aw1_ref[...], (((1,), (1,)), ((), ())),
                        preferred_element_type=jnp.float32)
    g_ref[...] = g + ab1_ref[...]


def _agg(eh, nb, prob, w1, b1, w2, b2, aw0, ab0, aw1, ab1, h):
    return pl.pallas_call(
        _agg_body,
        grid=(HBLK,),
        in_specs=[
            pl.BlockSpec((BLK, D), lambda i, h=h: (i + h * HBLK, 0)),
            pl.BlockSpec((K, BLK, _PD), lambda i: (0, i, 0)),
            pl.BlockSpec((BLK, KP), lambda i: (i, 0)),
            pl.BlockSpec((D, D), lambda i: (0, 0)),
            pl.BlockSpec((1, D), lambda i: (0, 0)),
            pl.BlockSpec((D, D), lambda i: (0, 0)),
            pl.BlockSpec((1, D), lambda i: (0, 0)),
            pl.BlockSpec((256, D), lambda i: (0, 0)),
            pl.BlockSpec((1, 256), lambda i: (0, 0)),
            pl.BlockSpec((128, 256), lambda i: (0, 0)),
            pl.BlockSpec((1, 128), lambda i: (0, 0)),
        ],
        out_specs=[
            pl.BlockSpec((BLK, D), lambda i: (i, 0)),
            pl.BlockSpec((BLK, 128), lambda i: (i, 0)),
        ],
        out_shape=[
            jax.ShapeDtypeStruct((HALF, D), jnp.float32),
            jax.ShapeDtypeStruct((HALF, 128), jnp.float32),
        ],
    )(eh, nb, prob, w1, b1, w2, b2, aw0, ab0, aw1, ab1)


def _read_body(eh2_ref, g_ref, out_ref):
    g = g_ref[:, 0:1]
    m = jnp.max(g)
    e = jnp.exp(g - m)
    w = e / jnp.sum(e)
    out_ref[...] = jnp.sum(w * eh2_ref[...], axis=0, keepdims=True)


def _read(eh2, g):
    return pl.pallas_call(
        _read_body,
        out_shape=jax.ShapeDtypeStruct((1, D), jnp.float32),
    )(eh2, g)


def kernel(x_omic1, x_omic2, x_omic3, x_omic4, x_omic5, x_omic6, x_path,
           sig0_w0, sig0_b0, sig0_w1, sig0_b1,
           sig1_w0, sig1_b0, sig1_w1, sig1_b1,
           sig2_w0, sig2_b0, sig2_w1, sig2_b1,
           sig3_w0, sig3_b0, sig3_w1, sig3_b1,
           sig4_w0, sig4_b0, sig4_w1, sig4_b1,
           sig5_w0, sig5_b0, sig5_w1, sig5_b1,
           fc1_w, fc1_b, wh_w, wh_b, wt_w, wt_b,
           lin1_w, lin1_b, lin2_w, lin2_b,
           att_w0, att_b0, att_w1, att_b1):
    xs = [x_omic1, x_omic2, x_omic3, x_omic4, x_omic5, x_omic6]
    w0s = [sig0_w0, sig1_w0, sig2_w0, sig3_w0, sig4_w0, sig5_w0]
    b0s = [sig0_b0, sig1_b0, sig2_b0, sig3_b0, sig4_b0, sig5_b0]
    w1s = [sig0_w1, sig1_w1, sig2_w1, sig3_w1, sig4_w1, sig5_w1]
    b1s = [sig0_b1, sig1_b1, sig2_b1, sig3_b1, sig4_b1, sig5_b1]
    oargs = []
    for i in range(6):
        oargs += [xs[i][None, :], w0s[i], b0s[i][None, :],
                  w1s[i], b1s[i][None, :]]
    e_omic = _omic(oargs)[:, None, :]

    h, hsum = _fc1(x_path, fc1_w, fc1_b[None, :])
    eh, et, et_pack = _proj(h, hsum, wh_w, wh_b[None, :], wt_w, wt_b[None, :])
    aw1p = jnp.pad(att_w1, ((0, 127), (0, 0)))
    ab1p = jnp.broadcast_to(att_b1[None, :], (1, 128))
    eh2s, gs = [], []
    for hh in range(NSPLIT):
        prob, idx = _topk(eh, et, hh)
        idx_flat = jnp.transpose(idx)[:K].reshape(-1)
        nb = _sc_gather(et_pack, idx_flat).reshape(K, HALF, _PD)
        eh2_h, g_h = _agg(eh, nb, prob,
                          lin1_w, lin1_b[None, :], lin2_w, lin2_b[None, :],
                          att_w0, att_b0[None, :], aw1p, ab1p, hh)
        eh2s.append(eh2_h)
        gs.append(g_h)
    eh2 = jnp.concatenate(eh2s, axis=0)
    g = jnp.concatenate(gs, axis=0)
    e_g = _read(eh2, g)
    return (e_omic, eh2[None], e_g)

# --- scband reference (transcript-rebuilt; emitter-appended) ---
"""Pipeline reference for scband-pgbf-12189117186116 (READ-ONLY COPY).

The authoritative reference and input builder live on the scoring server;
editing this copy changes nothing except your own understanding.
"""

import jax, jax.numpy as jnp
import numpy as np

OMIC_SIZES = [89, 334, 534, 471, 1510, 482]
N_PATH = 4096
DIM_IN = 384
DIM_HID = 512
TOPK = 6
HIDDEN = [256, 256]


def _lin(k, din, dout):
    w = (jax.random.normal(k, (dout, din), dtype=jnp.float32) / np.sqrt(din)).astype(jnp.float32)
    b = jnp.zeros((dout,), dtype=jnp.float32)
    return w, b


def setup_inputs(seed: int = 0):
    key = jax.random.key(seed)
    ki = iter(jax.random.split(key, 40))
    inp = {}
    for i, s in enumerate(OMIC_SIZES):
        inp['x_omic%d' % (i + 1)] = jax.random.normal(next(ki), (s,), dtype=jnp.float32)
    inp['x_path'] = jax.random.normal(next(ki), (N_PATH, DIM_IN), dtype=jnp.float32)
    for i, s in enumerate(OMIC_SIZES):
        w0, b0 = _lin(next(ki), s, HIDDEN[0])
        w1, b1 = _lin(next(ki), HIDDEN[0], HIDDEN[1])
        inp['sig%d_w0' % i] = w0
        inp['sig%d_b0' % i] = b0
        inp['sig%d_w1' % i] = w1
        inp['sig%d_b1' % i] = b1
    inp['fc1_w'], inp['fc1_b'] = _lin(next(ki), DIM_IN, DIM_HID)
    inp['wh_w'], inp['wh_b'] = _lin(next(ki), DIM_HID, DIM_HID)
    inp['wt_w'], inp['wt_b'] = _lin(next(ki), DIM_HID, DIM_HID)
    inp['lin1_w'], inp['lin1_b'] = _lin(next(ki), DIM_HID, DIM_HID)
    inp['lin2_w'], inp['lin2_b'] = _lin(next(ki), DIM_HID, DIM_HID)
    inp['att_w0'], inp['att_b0'] = _lin(next(ki), DIM_HID, DIM_HID // 2)
    inp['att_w1'], inp['att_b1'] = _lin(next(ki), DIM_HID // 2, 1)
    return inp


def _forward(p):
    # omic SNN branches (AlphaDropout is identity in eval mode)
    e_omic_list = []
    for i in range(6):
        h = p['x_omic%d' % (i + 1)]
        h = jax.nn.elu(h @ p['sig%d_w0' % i].T + p['sig%d_b0' % i])
        h = jax.nn.elu(h @ p['sig%d_w1' % i].T + p['sig%d_b1' % i])
        e_omic_list.append(h)
    e_omic = jnp.stack(e_omic_list)[:, None, :]  # [6,1,256]

    x = jax.nn.leaky_relu(p['x_path'] @ p['fc1_w'].T + p['fc1_b'], 0.01)[None]  # [1,N,512]
    x = (x + jnp.mean(x, axis=1, keepdims=True)) * 0.5
    e_h = x @ p['wh_w'].T + p['wh_b']
    e_t = x @ p['wt_w'].T + p['wt_b']
    scale = DIM_HID ** (-0.5)
    attn_logit = (e_h * scale) @ jnp.swapaxes(e_t, -2, -1)  # [1,N,N]
    topk_weight, topk_index = jax.lax.top_k(attn_logit, TOPK)  # [1,N,k]
    topk_prob = jax.nn.softmax(topk_weight, axis=2)
    Nb_h = jnp.take(e_t[0], topk_index[0], axis=0)[None]  # [1,N,k,512]
    eh_r = topk_prob[..., None] * Nb_h + jnp.matmul((1.0 - topk_prob)[..., None], e_h[:, :, None, :])
    gate = jnp.tanh(e_h[:, :, None, :] + eh_r)
    ka_weight = jnp.einsum('ijkl,ijkm->ijk', Nb_h, gate)
    ka_prob = jax.nn.softmax(ka_weight, axis=2)[:, :, None, :]  # [1,N,1,k]
    e_Nh = jnp.squeeze(jnp.matmul(ka_prob, Nb_h), axis=2)  # [1,N,512]
    sum_emb = jax.nn.leaky_relu((e_h + e_Nh) @ p['lin1_w'].T + p['lin1_b'], 0.01)
    bi_emb = jax.nn.leaky_relu((e_h * e_Nh) @ p['lin2_w'].T + p['lin2_b'], 0.01)
    e_h2 = sum_emb + bi_emb  # message dropout is identity in eval mode

    # GlobalAttention readout, batch=None -> single graph
    xg = e_h2[0]
    g = jax.nn.leaky_relu(xg @ p['att_w0'].T + p['att_b0'], 0.01) @ p['att_w1'].T + p['att_b1']
    g = jax.nn.softmax(g, axis=0)
    e_g = jnp.sum(g * xg, axis=0, keepdims=True)  # [1,512]
    return (e_omic, e_h2, e_g)


def reference(x_omic1, x_omic2, x_omic3, x_omic4, x_omic5, x_omic6, x_path,
              sig0_w0, sig0_b0, sig0_w1, sig0_b1,
              sig1_w0, sig1_b0, sig1_w1, sig1_b1,
              sig2_w0, sig2_b0, sig2_w1, sig2_b1,
              sig3_w0, sig3_b0, sig3_w1, sig3_b1,
              sig4_w0, sig4_b0, sig4_w1, sig4_b1,
              sig5_w0, sig5_b0, sig5_w1, sig5_b1,
              fc1_w, fc1_b, wh_w, wh_b, wt_w, wt_b,
              lin1_w, lin1_b, lin2_w, lin2_b,
              att_w0, att_b0, att_w1, att_b1):
    p = {
        'x_omic1': x_omic1, 'x_omic2': x_omic2, 'x_omic3': x_omic3,
        'x_omic4': x_omic4, 'x_omic5': x_omic5, 'x_omic6': x_omic6,
        'x_path': x_path,
        'sig0_w0': sig0_w0, 'sig0_b0': sig0_b0, 'sig0_w1': sig0_w1, 'sig0_b1': sig0_b1,
        'sig1_w0': sig1_w0, 'sig1_b0': sig1_b0, 'sig1_w1': sig1_w1, 'sig1_b1': sig1_b1,
        'sig2_w0': sig2_w0, 'sig2_b0': sig2_b0, 'sig2_w1': sig2_w1, 'sig2_b1': sig2_b1,
        'sig3_w0': sig3_w0, 'sig3_b0': sig3_b0, 'sig3_w1': sig3_w1, 'sig3_b1': sig3_b1,
        'sig4_w0': sig4_w0, 'sig4_b0': sig4_b0, 'sig4_w1': sig4_w1, 'sig4_b1': sig4_b1,
        'sig5_w0': sig5_w0, 'sig5_b0': sig5_b0, 'sig5_w1': sig5_w1, 'sig5_b1': sig5_b1,
        'fc1_w': fc1_w, 'fc1_b': fc1_b,
        'wh_w': wh_w, 'wh_b': wh_b, 'wt_w': wt_w, 'wt_b': wt_b,
        'lin1_w': lin1_w, 'lin1_b': lin1_b, 'lin2_w': lin2_w, 'lin2_b': lin2_b,
        'att_w0': att_w0, 'att_b0': att_b0, 'att_w1': att_w1, 'att_b1': att_b1,
    }
    return _forward(p)

if __name__ == "__main__":
    import jax
    _d = setup_inputs()
    print(jax.jit(kernel)(*tuple(_d.values())))

</pallas_src>

<mosaic_0001>
#map = affine_map<(d0, d1) -> (0, 0)>
#map1 = affine_map<(d0, d1) -> (0)>
module attributes {stable_mosaic.version = 14 : i64} {
  func.func @_sc_gather_body(%arg0: i32, %arg1: i32, %arg2: memref<4096x256xi32, #tpu.memory_space<hbm>>, %arg3: memref<6144xi32, #tpu.memory_space<hbm>>, %arg4: memref<6144x256xi32, #tpu.memory_space<hbm>>, %arg5: memref<192xi32, #tpu.memory_space<vmem>>, %arg6: memref<96x256xi32, #tpu.memory_space<vmem>>, %arg7: memref<96x256xi32, #tpu.memory_space<vmem>>, %arg8: memref<!tpu.dma_semaphore, #tpu.memory_space<semaphore_mem>>, %arg9: memref<!tpu.dma_semaphore, #tpu.memory_space<semaphore_mem>>) attributes {dimension_semantics = [#tpu.dimension_semantics<core_parallel>, #tpu.dimension_semantics<subcore_parallel>], iteration_bounds = array<i64: 2, 16>, scalar_prefetch = 0 : i64, scratch_operands = 5 : i64, tpu.core_type = #tpu.core_type<sc_vector_subcore>, window_params = [{transform_indices = #map}, {transform_indices = #map1}, {transform_indices = #map}]} {
    %mul3A = arith.constant 2 : i32
    %mul3A_0 = arith.muli %arg1, %mul3A : i32
    %add3A = arith.addi %mul3A_0, %arg0 : i32
    %mul3A_1 = arith.constant 192 : i32
    %mul3A_2 = arith.muli %add3A, %mul3A_1 : i32
    "tpu.region"() ({
      %run_scoped3A = tpu.sem_alloc : memref<!tpu.dma_semaphore, #tpu.memory_space<semaphore_mem>>
      %dma_start3A_25 = tpu.memref_slice %arg3[%mul3A_2] : memref<6144xi32, #tpu.memory_space<hbm>> -> memref<192xi32, #tpu.memory_space<hbm>>
      %dma_start3A_26 = tpu.memref_slice %arg3[%mul3A_2] : memref<6144xi32, #tpu.memory_space<hbm>> -> memref<192xi32, #tpu.memory_space<hbm>>
      tpu.enqueue_dma source(%dma_start3A_26 : memref<192xi32, #tpu.memory_space<hbm>>) target(%arg5 : memref<192xi32, #tpu.memory_space<vmem>>) target_semaphore(%run_scoped3A : memref<!tpu.dma_semaphore, #tpu.memory_space<semaphore_mem>>)
      %dma_wait3A_27 = tpu.memref_slice %arg3[%mul3A_2] : memref<6144xi32, #tpu.memory_space<hbm>> -> memref<192xi32, #tpu.memory_space<hbm>>
      %dma_wait3A_28 = tpu.memref_slice %arg3[%mul3A_2] : memref<6144xi32, #tpu.memory_space<hbm>> -> memref<192xi32, #tpu.memory_space<hbm>>
      tpu.wait_dma2 semaphore(%run_scoped3A : memref<!tpu.dma_semaphore, #tpu.memory_space<semaphore_mem>>) src(%dma_wait3A_28 : memref<192xi32, #tpu.memory_space<hbm>>) dst(%arg5 : memref<192xi32, #tpu.memory_space<vmem>>)
      tpu.yield
    }) : () -> ()
    %dma_start3A = arith.constant 0 : i32
    %dma_start3A_3 = tpu.memref_slice %arg5[%dma_start3A] : memref<192xi32, #tpu.memory_space<vmem>> -> memref<96xi32, #tpu.memory_space<vmem>>
    %dma_start3A_4 = arith.constant 0 : i32
    %dma_start3A_5 = arith.constant 0 : i32
    %dma_start3A_6 = tpu.memref_slice %arg2[%dma_start3A_4, %dma_start3A_5] : memref<4096x256xi32, #tpu.memory_space<hbm>> -> memref<4096x256xi32, #tpu.memory_space<hbm>>
    tpu.enqueue_indirect_dma source(%dma_start3A_6 : memref<4096x256xi32, #tpu.memory_space<hbm>>) target(%arg6 : memref<96x256xi32, #tpu.memory_space<vmem>>) offsets(%dma_start3A_3 : memref<96xi32, #tpu.memory_space<vmem>>) semaphore(%arg8 : memref<!tpu.dma_semaphore, #tpu.memory_space<semaphore_mem>>)
    %dma_start3A_7 = arith.constant 96 : i32
    %dma_start3A_8 = tpu.memref_slice %arg5[%dma_start3A_7] : memref<192xi32, #tpu.memory_space<vmem>> -> memref<96xi32, #tpu.memory_space<vmem>>
    %dma_start3A_9 = arith.constant 0 : i32
    %dma_start3A_10 = arith.constant 0 : i32
    %dma_start3A_11 = tpu.memref_slice %arg2[%dma_start3A_9, %dma_start3A_10] : memref<4096x256xi32, #tpu.memory_space<hbm>> -> memref<4096x256xi32, #tpu.memory_space<hbm>>
    tpu.enqueue_indirect_dma source(%dma_start3A_11 : memref<4096x256xi32, #tpu.memory_space<hbm>>) target(%arg7 : memref<96x256xi32, #tpu.memory_space<vmem>>) offsets(%dma_start3A_8 : memref<96xi32, #tpu.memory_space<vmem>>) semaphore(%arg9 : memref<!tpu.dma_semaphore, #tpu.memory_space<semaphore_mem>>)
    %dma_wait3A = arith.constant 0 : i32
    %dma_wait3A_12 = tpu.memref_slice %arg5[%dma_wait3A] : memref<192xi32, #tpu.memory_space<vmem>> -> memref<96xi32, #tpu.memory_space<vmem>>
    %dma_wait3A_13 = arith.constant 0 : i32
    %dma_wait3A_14 = arith.constant 0 : i32
    %dma_wait3A_15 = tpu.memref_slice %arg2[%dma_wait3A_13, %dma_wait3A_14] : memref<4096x256xi32, #tpu.memory_space<hbm>> -> memref<4096x256xi32, #tpu.memory_space<hbm>>
    tpu.wait_indirect_dma semaphore(%arg8 : memref<!tpu.dma_semaphore, #tpu.memory_space<semaphore_mem>>) src(%dma_wait3A_15 : memref<4096x256xi32, #tpu.memory_space<hbm>>) dst(%arg6 : memref<96x256xi32, #tpu.memory_space<vmem>>)
    %add3A_16 = arith.constant 0 : i32
    %add3A_17 = arith.addi %mul3A_2, %add3A_16 : i32
    "tpu.region"() ({
      %run_scoped3A = tpu.sem_alloc : memref<!tpu.dma_semaphore, #tpu.memory_space<semaphore_mem>>
      %dma_start3A_25 = arith.constant 0 : i32
      %dma_start3A_26 = tpu.memref_slice %arg4[%add3A_17, %dma_start3A_25] : memref<6144x256xi32, #tpu.memory_space<hbm>> -> memref<96x256xi32, #tpu.memory_space<hbm>>
      %dma_start3A_27 = arith.constant 0 : i32
      %dma_start3A_28 = tpu.memref_slice %arg4[%add3A_17, %dma_start3A_27] : memref<6144x256xi32, #tpu.memory_space<hbm>> -> memref<96x256xi32, #tpu.memory_space<hbm>>
      tpu.enqueue_dma source(%arg6 : memref<96x256xi32, #tpu.memory_space<vmem>>) target(%dma_start3A_28 : memref<96x256xi32, #tpu.memory_space<hbm>>) target_semaphore(%run_scoped3A : memref<!tpu.dma_semaphore, #tpu.memory_space<semaphore_mem>>)
      %dma_wait3A_29 = arith.constant 0 : i32
      %dma_wait3A_30 = tpu.memref_slice %arg4[%add3A_17, %dma_wait3A_29] : memref<6144x256xi32, #tpu.memory_space<hbm>> -> memref<96x256xi32, #tpu.memory_space<hbm>>
      %dma_wait3A_31 = arith.constant 0 : i32
      %dma_wait3A_32 = tpu.memref_slice %arg4[%add3A_17, %dma_wait3A_31] : memref<6144x256xi32, #tpu.memory_space<hbm>> -> memref<96x256xi32, #tpu.memory_space<hbm>>
      tpu.wait_dma2 semaphore(%run_scoped3A : memref<!tpu.dma_semaphore, #tpu.memory_space<semaphore_mem>>) src(%arg6 : memref<96x256xi32, #tpu.memory_space<vmem>>) dst(%dma_wait3A_32 : memref<96x256xi32, #tpu.memory_space<hbm>>)
      tpu.yield
    }) : () -> ()
    %dma_wait3A_18 = arith.constant 96 : i32
    %dma_wait3A_19 = tpu.memref_slice %arg5[%dma_wait3A_18] : memref<192xi32, #tpu.memory_space<vmem>> -> memref<96xi32, #tpu.memory_space<vmem>>
    %dma_wait3A_20 = arith.constant 0 : i32
    %dma_wait3A_21 = arith.constant 0 : i32
    %dma_wait3A_22 = tpu.memref_slice %arg2[%dma_wait3A_20, %dma_wait3A_21] : memref<4096x256xi32, #tpu.memory_space<hbm>> -> memref<4096x256xi32, #tpu.memory_space<hbm>>
    tpu.wait_indirect_dma semaphore(%arg9 : memref<!tpu.dma_semaphore, #tpu.memory_space<semaphore_mem>>) src(%dma_wait3A_22 : memref<4096x256xi32, #tpu.memory_space<hbm>>) dst(%arg7 : memref<96x256xi32, #tpu.memory_space<vmem>>)
    %add3A_23 = arith.constant 96 : i32
    %add3A_24 = arith.addi %mul3A_2, %add3A_23 : i32
    "tpu.region"() ({
      %run_scoped3A = tpu.sem_alloc : memref<!tpu.dma_semaphore, #tpu.memory_space<semaphore_mem>>
      %dma_start3A_25 = arith.constant 0 : i32
      %dma_start3A_26 = tpu.memref_slice %arg4[%add3A_24, %dma_start3A_25] : memref<6144x256xi32, #tpu.memory_space<hbm>> -> memref<96x256xi32, #tpu.memory_space<hbm>>
      %dma_start3A_27 = arith.constant 0 : i32
      %dma_start3A_28 = tpu.memref_slice %arg4[%add3A_24, %dma_start3A_27] : memref<6144x256xi32, #tpu.memory_space<hbm>> -> memref<96x256xi32, #tpu.memory_space<hbm>>
      tpu.enqueue_dma source(%arg7 : memref<96x256xi32, #tpu.memory_space<vmem>>) target(%dma_start3A_28 : memref<96x256xi32, #tpu.memory_space<hbm>>) target_semaphore(%run_scoped3A : memref<!tpu.dma_semaphore, #tpu.memory_space<semaphore_mem>>)
      %dma_wait3A_29 = arith.constant 0 : i32
      %dma_wait3A_30 = tpu.memref_slice %arg4[%add3A_24, %dma_wait3A_29] : memref<6144x256xi32, #tpu.memory_space<hbm>> -> memref<96x256xi32, #tpu.memory_space<hbm>>
      %dma_wait3A_31 = arith.constant 0 : i32
      %dma_wait3A_32 = tpu.memref_slice %arg4[%add3A_24, %dma_wait3A_31] : memref<6144x256xi32, #tpu.memory_space<hbm>> -> memref<96x256xi32, #tpu.memory_space<hbm>>
      tpu.wait_dma2 semaphore(%run_scoped3A : memref<!tpu.dma_semaphore, #tpu.memory_space<semaphore_mem>>) src(%arg7 : memref<96x256xi32, #tpu.memory_space<vmem>>) dst(%dma_wait3A_32 : memref<96x256xi32, #tpu.memory_space<hbm>>)
      tpu.yield
    }) : () -> ()
    return
  }
}

#map = affine_map<(d0, d1) -> (0, 0)>
#map1 = affine_map<(d0, d1) -> (0)>
module attributes {stable_mosaic.version = 14 : i64} {
  func.func @_sc_gather_body(%arg0: i32, %arg1: i32, %arg2: memref<4096x256xi32, #tpu.memory_space<hbm>>, %arg3: memref<6144xi32, #tpu.memory_space<hbm>>, %arg4: memref<6144x256xi32, #tpu.memory_space<hbm>>, %arg5: memref<192xi32, #tpu.memory_space<vmem>>, %arg6: memref<96x256xi32, #tpu.memory_space<vmem>>, %arg7: memref<96x256xi32, #tpu.memory_space<vmem>>, %arg8: memref<!tpu.dma_semaphore, #tpu.memory_space<semaphore_mem>>, %arg9: memref<!tpu.dma_semaphore, #tpu.memory_space<semaphore_mem>>) attributes {dimension_semantics = [#tpu.dimension_semantics<core_parallel>, #tpu.dimension_semantics<subcore_parallel>], iteration_bounds = array<i64: 2, 16>, scalar_prefetch = 0 : i64, scratch_operands = 5 : i64, tpu.core_type = #tpu.core_type<sc_vector_subcore>, window_params = [{transform_indices = #map}, {transform_indices = #map1}, {transform_indices = #map}]} {
    %mul3A = arith.constant 2 : i32
    %mul3A_0 = arith.muli %arg1, %mul3A : i32
    %add3A = arith.addi %mul3A_0, %arg0 : i32
    %mul3A_1 = arith.constant 192 : i32
    %mul3A_2 = arith.muli %add3A, %mul3A_1 : i32
    "tpu.region"() ({
      %run_scoped3A = tpu.sem_alloc : memref<!tpu.dma_semaphore, #tpu.memory_space<semaphore_mem>>
      %dma_start3A_25 = tpu.memref_slice %arg3[%mul3A_2] : memref<6144xi32, #tpu.memory_space<hbm>> -> memref<192xi32, #tpu.memory_space<hbm>>
      %dma_start3A_26 = tpu.memref_slice %arg3[%mul3A_2] : memref<6144xi32, #tpu.memory_space<hbm>> -> memref<192xi32, #tpu.memory_space<hbm>>
      tpu.enqueue_dma source(%dma_start3A_26 : memref<192xi32, #tpu.memory_space<hbm>>) target(%arg5 : memref<192xi32, #tpu.memory_space<vmem>>) target_semaphore(%run_scoped3A : memref<!tpu.dma_semaphore, #tpu.memory_space<semaphore_mem>>)
      %dma_wait3A_27 = tpu.memref_slice %arg3[%mul3A_2] : memref<6144xi32, #tpu.memory_space<hbm>> -> memref<192xi32, #tpu.memory_space<hbm>>
      %dma_wait3A_28 = tpu.memref_slice %arg3[%mul3A_2] : memref<6144xi32, #tpu.memory_space<hbm>> -> memref<192xi32, #tpu.memory_space<hbm>>
      tpu.wait_dma2 semaphore(%run_scoped3A : memref<!tpu.dma_semaphore, #tpu.memory_space<semaphore_mem>>) src(%dma_wait3A_28 : memref<192xi32, #tpu.memory_space<hbm>>) dst(%arg5 : memref<192xi32, #tpu.memory_space<vmem>>)
      tpu.yield
    }) : () -> ()
    %dma_start3A = arith.constant 0 : i32
    %dma_start3A_3 = tpu.memref_slice %arg5[%dma_start3A] : memref<192xi32, #tpu.memory_space<vmem>> -> memref<96xi32, #tpu.memory_space<vmem>>
    %dma_start3A_4 = arith.constant 0 : i32
    %dma_start3A_5 = arith.constant 0 : i32
    %dma_start3A_6 = tpu.memref_slice %arg2[%dma_start3A_4, %dma_start3A_5] : memref<4096x256xi32, #tpu.memory_space<hbm>> -> memref<4096x256xi32, #tpu.memory_space<hbm>>
    tpu.enqueue_indirect_dma source(%dma_start3A_6 : memref<4096x256xi32, #tpu.memory_space<hbm>>) target(%arg6 : memref<96x256xi32, #tpu.memory_space<vmem>>) offsets(%dma_start3A_3 : memref<96xi32, #tpu.memory_space<vmem>>) semaphore(%arg8 : memref<!tpu.dma_semaphore, #tpu.memory_space<semaphore_mem>>)
    %dma_start3A_7 = arith.constant 96 : i32
    %dma_start3A_8 = tpu.memref_slice %arg5[%dma_start3A_7] : memref<192xi32, #tpu.memory_space<vmem>> -> memref<96xi32, #tpu.memory_space<vmem>>
    %dma_start3A_9 = arith.constant 0 : i32
    %dma_start3A_10 = arith.constant 0 : i32
    %dma_start3A_11 = tpu.memref_slice %arg2[%dma_start3A_9, %dma_start3A_10] : memref<4096x256xi32, #tpu.memory_space<hbm>> -> memref<4096x256xi32, #tpu.memory_space<hbm>>
    tpu.enqueue_indirect_dma source(%dma_start3A_11 : memref<4096x256xi32, #tpu.memory_space<hbm>>) target(%arg7 : memref<96x256xi32, #tpu.memory_space<vmem>>) offsets(%dma_start3A_8 : memref<96xi32, #tpu.memory_space<vmem>>) semaphore(%arg9 : memref<!tpu.dma_semaphore, #tpu.memory_space<semaphore_mem>>)
    %dma_wait3A = arith.constant 0 : i32
    %dma_wait3A_12 = tpu.memref_slice %arg5[%dma_wait3A] : memref<192xi32, #tpu.memory_space<vmem>> -> memref<96xi32, #tpu.memory_space<vmem>>
    %dma_wait3A_13 = arith.constant 0 : i32
    %dma_wait3A_14 = arith.constant 0 : i32
    %dma_wait3A_15 = tpu.memref_slice %arg2[%dma_wait3A_13, %dma_wait3A_14] : memref<4096x256xi32, #tpu.memory_space<hbm>> -> memref<4096x256xi32, #tpu.memory_space<hbm>>
    tpu.wait_indirect_dma semaphore(%arg8 : memref<!tpu.dma_semaphore, #tpu.memory_space<semaphore_mem>>) src(%dma_wait3A_15 : memref<4096x256xi32, #tpu.memory_space<hbm>>) dst(%arg6 : memref<96x256xi32, #tpu.memory_space<vmem>>)
    %add3A_16 = arith.constant 0 : i32
    %add3A_17 = arith.addi %mul3A_2, %add3A_16 : i32
    "tpu.region"() ({
      %run_scoped3A = tpu.sem_alloc : memref<!tpu.dma_semaphore, #tpu.memory_space<semaphore_mem>>
      %dma_start3A_25 = arith.constant 0 : i32
      %dma_start3A_26 = tpu.memref_slice %arg4[%add3A_17, %dma_start3A_25] : memref<6144x256xi32, #tpu.memory_space<hbm>> -> memref<96x256xi32, #tpu.memory_space<hbm>>
      %dma_start3A_27 = arith.constant 0 : i32
      %dma_start3A_28 = tpu.memref_slice %arg4[%add3A_17, %dma_start3A_27] : memref<6144x256xi32, #tpu.memory_space<hbm>> -> memref<96x256xi32, #tpu.memory_space<hbm>>
      tpu.enqueue_dma source(%arg6 : memref<96x256xi32, #tpu.memory_space<vmem>>) target(%dma_start3A_28 : memref<96x256xi32, #tpu.memory_space<hbm>>) target_semaphore(%run_scoped3A : memref<!tpu.dma_semaphore, #tpu.memory_space<semaphore_mem>>)
      %dma_wait3A_29 = arith.constant 0 : i32
      %dma_wait3A_30 = tpu.memref_slice %arg4[%add3A_17, %dma_wait3A_29] : memref<6144x256xi32, #tpu.memory_space<hbm>> -> memref<96x256xi32, #tpu.memory_space<hbm>>
      %dma_wait3A_31 = arith.constant 0 : i32
      %dma_wait3A_32 = tpu.memref_slice %arg4[%add3A_17, %dma_wait3A_31] : memref<6144x256xi32, #tpu.memory_space<hbm>> -> memref<96x256xi32, #tpu.memory_space<hbm>>
      tpu.wait_dma2 semaphore(%run_scoped3A : memref<!tpu.dma_semaphore, #tpu.memory_space<semaphore_mem>>) src(%arg6 : memref<96x256xi32, #tpu.memory_space<vmem>>) dst(%dma_wait3A_32 : memref<96x256xi32, #tpu.memory_space<hbm>>)
      tpu.yield
    }) : () -> ()
    %dma_wait3A_18 = arith.constant 96 : i32
    %dma_wait3A_19 = tpu.memref_slice %arg5[%dma_wait3A_18] : memref<192xi32, #tpu.memory_space<vmem>> -> memref<96xi32, #tpu.memory_space<vmem>>
    %dma_wait3A_20 = arith.constant 0 : i32
    %dma_wait3A_21 = arith.constant 0 : i32
    %dma_wait3A_22 = tpu.memref_slice %arg2[%dma_wait3A_20, %dma_wait3A_21] : memref<4096x256xi32, #tpu.memory_space<hbm>> -> memref<4096x256xi32, #tpu.memory_space<hbm>>
    tpu.wait_indirect_dma semaphore(%arg9 : memref<!tpu.dma_semaphore, #tpu.memory_space<semaphore_mem>>) src(%dma_wait3A_22 : memref<4096x256xi32, #tpu.memory_space<hbm>>) dst(%arg7 : memref<96x256xi32, #tpu.memory_space<vmem>>)
    %add3A_23 = arith.constant 96 : i32
    %add3A_24 = arith.addi %mul3A_2, %add3A_23 : i32
    "tpu.region"() ({
      %run_scoped3A = tpu.sem_alloc : memref<!tpu.dma_semaphore, #tpu.memory_space<semaphore_mem>>
      %dma_start3A_25 = arith.constant 0 : i32
      %dma_start3A_26 = tpu.memref_slice %arg4[%add3A_24, %dma_start3A_25] : memref<6144x256xi32, #tpu.memory_space<hbm>> -> memref<96x256xi32, #tpu.memory_space<hbm>>
      %dma_start3A_27 = arith.constant 0 : i32
      %dma_start3A_28 = tpu.memref_slice %arg4[%add3A_24, %dma_start3A_27] : memref<6144x256xi32, #tpu.memory_space<hbm>> -> memref<96x256xi32, #tpu.memory_space<hbm>>
      tpu.enqueue_dma source(%arg7 : memref<96x256xi32, #tpu.memory_space<vmem>>) target(%dma_start3A_28 : memref<96x256xi32, #tpu.memory_space<hbm>>) target_semaphore(%run_scoped3A : memref<!tpu.dma_semaphore, #tpu.memory_space<semaphore_mem>>)
      %dma_wait3A_29 = arith.constant 0 : i32
      %dma_wait3A_30 = tpu.memref_slice %arg4[%add3A_24, %dma_wait3A_29] : memref<6144x256xi32, #tpu.memory_space<hbm>> -> memref<96x256xi32, #tpu.memory_space<hbm>>
      %dma_wait3A_31 = arith.constant 0 : i32
      %dma_wait3A_32 = tpu.memref_slice %arg4[%add3A_24, %dma_wait3A_31] : memref<6144x256xi32, #tpu.memory_space<hbm>> -> memref<96x256xi32, #tpu.memory_space<hbm>>
      tpu.wait_dma2 semaphore(%run_scoped3A : memref<!tpu.dma_semaphore, #tpu.memory_space<semaphore_mem>>) src(%arg7 : memref<96x256xi32, #tpu.memory_space<vmem>>) dst(%dma_wait3A_32 : memref<96x256xi32, #tpu.memory_space<hbm>>)
      tpu.yield
    }) : () -> ()
    return
  }
}

#map = affine_map<(d0, d1) -> (0, 0)>
#map1 = affine_map<(d0, d1) -> (0)>
module attributes {stable_mosaic.version = 14 : i64} {
  func.func @_sc_gather_body(%arg0: i32, %arg1: i32, %arg2: memref<4096x256xi32, #tpu.memory_space<hbm>>, %arg3: memref<6144xi32, #tpu.memory_space<hbm>>, %arg4: memref<6144x256xi32, #tpu.memory_space<hbm>>, %arg5: memref<192xi32, #tpu.memory_space<vmem>>, %arg6: memref<96x256xi32, #tpu.memory_space<vmem>>, %arg7: memref<96x256xi32, #tpu.memory_space<vmem>>, %arg8: memref<!tpu.dma_semaphore, #tpu.memory_space<semaphore_mem>>, %arg9: memref<!tpu.dma_semaphore, #tpu.memory_space<semaphore_mem>>) attributes {dimension_semantics = [#tpu.dimension_semantics<core_parallel>, #tpu.dimension_semantics<subcore_parallel>], iteration_bounds = array<i64: 2, 16>, scalar_prefetch = 0 : i64, scratch_operands = 5 : i64, tpu.core_type = #tpu.core_type<sc_vector_subcore>, window_params = [{transform_indices = #map}, {transform_indices = #map1}, {transform_indices = #map}]} {
    %mul3A = arith.constant 2 : i32
    %mul3A_0 = arith.muli %arg1, %mul3A : i32
    %add3A = arith.addi %mul3A_0, %arg0 : i32
    %mul3A_1 = arith.constant 192 : i32
    %mul3A_2 = arith.muli %add3A, %mul3A_1 : i32
    "tpu.region"() ({
      %run_scoped3A = tpu.sem_alloc : memref<!tpu.dma_semaphore, #tpu.memory_space<semaphore_mem>>
      %dma_start3A_25 = tpu.memref_slice %arg3[%mul3A_2] : memref<6144xi32, #tpu.memory_space<hbm>> -> memref<192xi32, #tpu.memory_space<hbm>>
      %dma_start3A_26 = tpu.memref_slice %arg3[%mul3A_2] : memref<6144xi32, #tpu.memory_space<hbm>> -> memref<192xi32, #tpu.memory_space<hbm>>
      tpu.enqueue_dma source(%dma_start3A_26 : memref<192xi32, #tpu.memory_space<hbm>>) target(%arg5 : memref<192xi32, #tpu.memory_space<vmem>>) target_semaphore(%run_scoped3A : memref<!tpu.dma_semaphore, #tpu.memory_space<semaphore_mem>>)
      %dma_wait3A_27 = tpu.memref_slice %arg3[%mul3A_2] : memref<6144xi32, #tpu.memory_space<hbm>> -> memref<192xi32, #tpu.memory_space<hbm>>
      %dma_wait3A_28 = tpu.memref_slice %arg3[%mul3A_2] : memref<6144xi32, #tpu.memory_space<hbm>> -> memref<192xi32, #tpu.memory_space<hbm>>
      tpu.wait_dma2 semaphore(%run_scoped3A : memref<!tpu.dma_semaphore, #tpu.memory_space<semaphore_mem>>) src(%dma_wait3A_28 : memref<192xi32, #tpu.memory_space<hbm>>) dst(%arg5 : memref<192xi32, #tpu.memory_space<vmem>>)
      tpu.yield
    }) : () -> ()
    %dma_start3A = arith.constant 0 : i32
    %dma_start3A_3 = tpu.memref_slice %arg5[%dma_start3A] : memref<192xi32, #tpu.memory_space<vmem>> -> memref<96xi32, #tpu.memory_space<vmem>>
    %dma_start3A_4 = arith.constant 0 : i32
    %dma_start3A_5 = arith.constant 0 : i32
    %dma_start3A_6 = tpu.memref_slice %arg2[%dma_start3A_4, %dma_start3A_5] : memref<4096x256xi32, #tpu.memory_space<hbm>> -> memref<4096x256xi32, #tpu.memory_space<hbm>>
    tpu.enqueue_indirect_dma source(%dma_start3A_6 : memref<4096x256xi32, #tpu.memory_space<hbm>>) target(%arg6 : memref<96x256xi32, #tpu.memory_space<vmem>>) offsets(%dma_start3A_3 : memref<96xi32, #tpu.memory_space<vmem>>) semaphore(%arg8 : memref<!tpu.dma_semaphore, #tpu.memory_space<semaphore_mem>>)
    %dma_start3A_7 = arith.constant 96 : i32
    %dma_start3A_8 = tpu.memref_slice %arg5[%dma_start3A_7] : memref<192xi32, #tpu.memory_space<vmem>> -> memref<96xi32, #tpu.memory_space<vmem>>
    %dma_start3A_9 = arith.constant 0 : i32
    %dma_start3A_10 = arith.constant 0 : i32
    %dma_start3A_11 = tpu.memref_slice %arg2[%dma_start3A_9, %dma_start3A_10] : memref<4096x256xi32, #tpu.memory_space<hbm>> -> memref<4096x256xi32, #tpu.memory_space<hbm>>
    tpu.enqueue_indirect_dma source(%dma_start3A_11 : memref<4096x256xi32, #tpu.memory_space<hbm>>) target(%arg7 : memref<96x256xi32, #tpu.memory_space<vmem>>) offsets(%dma_start3A_8 : memref<96xi32, #tpu.memory_space<vmem>>) semaphore(%arg9 : memref<!tpu.dma_semaphore, #tpu.memory_space<semaphore_mem>>)
    %dma_wait3A = arith.constant 0 : i32
    %dma_wait3A_12 = tpu.memref_slice %arg5[%dma_wait3A] : memref<192xi32, #tpu.memory_space<vmem>> -> memref<96xi32, #tpu.memory_space<vmem>>
    %dma_wait3A_13 = arith.constant 0 : i32
    %dma_wait3A_14 = arith.constant 0 : i32
    %dma_wait3A_15 = tpu.memref_slice %arg2[%dma_wait3A_13, %dma_wait3A_14] : memref<4096x256xi32, #tpu.memory_space<hbm>> -> memref<4096x256xi32, #tpu.memory_space<hbm>>
    tpu.wait_indirect_dma semaphore(%arg8 : memref<!tpu.dma_semaphore, #tpu.memory_space<semaphore_mem>>) src(%dma_wait3A_15 : memref<4096x256xi32, #tpu.memory_space<hbm>>) dst(%arg6 : memref<96x256xi32, #tpu.memory_space<vmem>>)
    %add3A_16 = arith.constant 0 : i32
    %add3A_17 = arith.addi %mul3A_2, %add3A_16 : i32
    "tpu.region"() ({
      %run_scoped3A = tpu.sem_alloc : memref<!tpu.dma_semaphore, #tpu.memory_space<semaphore_mem>>
      %dma_start3A_25 = arith.constant 0 : i32
      %dma_start3A_26 = tpu.memref_slice %arg4[%add3A_17, %dma_start3A_25] : memref<6144x256xi32, #tpu.memory_space<hbm>> -> memref<96x256xi32, #tpu.memory_space<hbm>>
      %dma_start3A_27 = arith.constant 0 : i32
      %dma_start3A_28 = tpu.memref_slice %arg4[%add3A_17, %dma_start3A_27] : memref<6144x256xi32, #tpu.memory_space<hbm>> -> memref<96x256xi32, #tpu.memory_space<hbm>>
      tpu.enqueue_dma source(%arg6 : memref<96x256xi32, #tpu.memory_space<vmem>>) target(%dma_start3A_28 : memref<96x256xi32, #tpu.memory_space<hbm>>) target_semaphore(%run_scoped3A : memref<!tpu.dma_semaphore, #tpu.memory_space<semaphore_mem>>)
      %dma_wait3A_29 = arith.constant 0 : i32
      %dma_wait3A_30 = tpu.memref_slice %arg4[%add3A_17, %dma_wait3A_29] : memref<6144x256xi32, #tpu.memory_space<hbm>> -> memref<96x256xi32, #tpu.memory_space<hbm>>
      %dma_wait3A_31 = arith.constant 0 : i32
      %dma_wait3A_32 = tpu.memref_slice %arg4[%add3A_17, %dma_wait3A_31] : memref<6144x256xi32, #tpu.memory_space<hbm>> -> memref<96x256xi32, #tpu.memory_space<hbm>>
      tpu.wait_dma2 semaphore(%run_scoped3A : memref<!tpu.dma_semaphore, #tpu.memory_space<semaphore_mem>>) src(%arg6 : memref<96x256xi32, #tpu.memory_space<vmem>>) dst(%dma_wait3A_32 : memref<96x256xi32, #tpu.memory_space<hbm>>)
      tpu.yield
    }) : () -> ()
    %dma_wait3A_18 = arith.constant 96 : i32
    %dma_wait3A_19 = tpu.memref_slice %arg5[%dma_wait3A_18] : memref<192xi32, #tpu.memory_space<vmem>> -> memref<96xi32, #tpu.memory_space<vmem>>
    %dma_wait3A_20 = arith.constant 0 : i32
    %dma_wait3A_21 = arith.constant 0 : i32
    %dma_wait3A_22 = tpu.memref_slice %arg2[%dma_wait3A_20, %dma_wait3A_21] : memref<4096x256xi32, #tpu.memory_space<hbm>> -> memref<4096x256xi32, #tpu.memory_space<hbm>>
    tpu.wait_indirect_dma semaphore(%arg9 : memref<!tpu.dma_semaphore, #tpu.memory_space<semaphore_mem>>) src(%dma_wait3A_22 : memref<4096x256xi32, #tpu.memory_space<hbm>>) dst(%arg7 : memref<96x256xi32, #tpu.memory_space<vmem>>)
    %add3A_23 = arith.constant 96 : i32
    %add3A_24 = arith.addi %mul3A_2, %add3A_23 : i32
    "tpu.region"() ({
      %run_scoped3A = tpu.sem_alloc : memref<!tpu.dma_semaphore, #tpu.memory_space<semaphore_mem>>
      %dma_start3A_25 = arith.constant 0 : i32
      %dma_start3A_26 = tpu.memref_slice %arg4[%add3A_24, %dma_start3A_25] : memref<6144x256xi32, #tpu.memory_space<hbm>> -> memref<96x256xi32, #tpu.memory_space<hbm>>
      %dma_start3A_27 = arith.constant 0 : i32
      %dma_start3A_28 = tpu.memref_slice %arg4[%add3A_24, %dma_start3A_27] : memref<6144x256xi32, #tpu.memory_space<hbm>> -> memref<96x256xi32, #tpu.memory_space<hbm>>
      tpu.enqueue_dma source(%arg7 : memref<96x256xi32, #tpu.memory_space<vmem>>) target(%dma_start3A_28 : memref<96x256xi32, #tpu.memory_space<hbm>>) target_semaphore(%run_scoped3A : memref<!tpu.dma_semaphore, #tpu.memory_space<semaphore_mem>>)
      %dma_wait3A_29 = arith.constant 0 : i32
      %dma_wait3A_30 = tpu.memref_slice %arg4[%add3A_24, %dma_wait3A_29] : memref<6144x256xi32, #tpu.memory_space<hbm>> -> memref<96x256xi32, #tpu.memory_space<hbm>>
      %dma_wait3A_31 = arith.constant 0 : i32
      %dma_wait3A_32 = tpu.memref_slice %arg4[%add3A_24, %dma_wait3A_31] : memref<6144x256xi32, #tpu.memory_space<hbm>> -> memref<96x256xi32, #tpu.memory_space<hbm>>
      tpu.wait_dma2 semaphore(%run_scoped3A : memref<!tpu.dma_semaphore, #tpu.memory_space<semaphore_mem>>) src(%arg7 : memref<96x256xi32, #tpu.memory_space<vmem>>) dst(%dma_wait3A_32 : memref<96x256xi32, #tpu.memory_space<hbm>>)
      tpu.yield
    }) : () -> ()
    return
  }
}

#map = affine_map<(d0, d1) -> (0, 0)>
#map1 = affine_map<(d0, d1) -> (0)>
module attributes {stable_mosaic.version = 14 : i64} {
  func.func @_sc_gather_body(%arg0: i32, %arg1: i32, %arg2: memref<4096x256xi32, #tpu.memory_space<hbm>>, %arg3: memref<6144xi32, #tpu.memory_space<hbm>>, %arg4: memref<6144x256xi32, #tpu.memory_space<hbm>>, %arg5: memref<192xi32, #tpu.memory_space<vmem>>, %arg6: memref<96x256xi32, #tpu.memory_space<vmem>>, %arg7: memref<96x256xi32, #tpu.memory_space<vmem>>, %arg8: memref<!tpu.dma_semaphore, #tpu.memory_space<semaphore_mem>>, %arg9: memref<!tpu.dma_semaphore, #tpu.memory_space<semaphore_mem>>) attributes {dimension_semantics = [#tpu.dimension_semantics<core_parallel>, #tpu.dimension_semantics<subcore_parallel>], iteration_bounds = array<i64: 2, 16>, scalar_prefetch = 0 : i64, scratch_operands = 5 : i64, tpu.core_type = #tpu.core_type<sc_vector_subcore>, window_params = [{transform_indices = #map}, {transform_indices = #map1}, {transform_indices = #map}]} {
    %mul3A = arith.constant 2 : i32
    %mul3A_0 = arith.muli %arg1, %mul3A : i32
    %add3A = arith.addi %mul3A_0, %arg0 : i32
    %mul3A_1 = arith.constant 192 : i32
    %mul3A_2 = arith.muli %add3A, %mul3A_1 : i32
    "tpu.region"() ({
      %run_scoped3A = tpu.sem_alloc : memref<!tpu.dma_semaphore, #tpu.memory_space<semaphore_mem>>
      %dma_start3A_25 = tpu.memref_slice %arg3[%mul3A_2] : memref<6144xi32, #tpu.memory_space<hbm>> -> memref<192xi32, #tpu.memory_space<hbm>>
      %dma_start3A_26 = tpu.memref_slice %arg3[%mul3A_2] : memref<6144xi32, #tpu.memory_space<hbm>> -> memref<192xi32, #tpu.memory_space<hbm>>
      tpu.enqueue_dma source(%dma_start3A_26 : memref<192xi32, #tpu.memory_space<hbm>>) target(%arg5 : memref<192xi32, #tpu.memory_space<vmem>>) target_semaphore(%run_scoped3A : memref<!tpu.dma_semaphore, #tpu.memory_space<semaphore_mem>>)
      %dma_wait3A_27 = tpu.memref_slice %arg3[%mul3A_2] : memref<6144xi32, #tpu.memory_space<hbm>> -> memref<192xi32, #tpu.memory_space<hbm>>
      %dma_wait3A_28 = tpu.memref_slice %arg3[%mul3A_2] : memref<6144xi32, #tpu.memory_space<hbm>> -> memref<192xi32, #tpu.memory_space<hbm>>
      tpu.wait_dma2 semaphore(%run_scoped3A : memref<!tpu.dma_semaphore, #tpu.memory_space<semaphore_mem>>) src(%dma_wait3A_28 : memref<192xi32, #tpu.memory_space<hbm>>) dst(%arg5 : memref<192xi32, #tpu.memory_space<vmem>>)
      tpu.yield
    }) : () -> ()
    %dma_start3A = arith.constant 0 : i32
    %dma_start3A_3 = tpu.memref_slice %arg5[%dma_start3A] : memref<192xi32, #tpu.memory_space<vmem>> -> memref<96xi32, #tpu.memory_space<vmem>>
    %dma_start3A_4 = arith.constant 0 : i32
    %dma_start3A_5 = arith.constant 0 : i32
    %dma_start3A_6 = tpu.memref_slice %arg2[%dma_start3A_4, %dma_start3A_5] : memref<4096x256xi32, #tpu.memory_space<hbm>> -> memref<4096x256xi32, #tpu.memory_space<hbm>>
    tpu.enqueue_indirect_dma source(%dma_start3A_6 : memref<4096x256xi32, #tpu.memory_space<hbm>>) target(%arg6 : memref<96x256xi32, #tpu.memory_space<vmem>>) offsets(%dma_start3A_3 : memref<96xi32, #tpu.memory_space<vmem>>) semaphore(%arg8 : memref<!tpu.dma_semaphore, #tpu.memory_space<semaphore_mem>>)
    %dma_start3A_7 = arith.constant 96 : i32
    %dma_start3A_8 = tpu.memref_slice %arg5[%dma_start3A_7] : memref<192xi32, #tpu.memory_space<vmem>> -> memref<96xi32, #tpu.memory_space<vmem>>
    %dma_start3A_9 = arith.constant 0 : i32
    %dma_start3A_10 = arith.constant 0 : i32
    %dma_start3A_11 = tpu.memref_slice %arg2[%dma_start3A_9, %dma_start3A_10] : memref<4096x256xi32, #tpu.memory_space<hbm>> -> memref<4096x256xi32, #tpu.memory_space<hbm>>
    tpu.enqueue_indirect_dma source(%dma_start3A_11 : memref<4096x256xi32, #tpu.memory_space<hbm>>) target(%arg7 : memref<96x256xi32, #tpu.memory_space<vmem>>) offsets(%dma_start3A_8 : memref<96xi32, #tpu.memory_space<vmem>>) semaphore(%arg9 : memref<!tpu.dma_semaphore, #tpu.memory_space<semaphore_mem>>)
    %dma_wait3A = arith.constant 0 : i32
    %dma_wait3A_12 = tpu.memref_slice %arg5[%dma_wait3A] : memref<192xi32, #tpu.memory_space<vmem>> -> memref<96xi32, #tpu.memory_space<vmem>>
    %dma_wait3A_13 = arith.constant 0 : i32
    %dma_wait3A_14 = arith.constant 0 : i32
    %dma_wait3A_15 = tpu.memref_slice %arg2[%dma_wait3A_13, %dma_wait3A_14] : memref<4096x256xi32, #tpu.memory_space<hbm>> -> memref<4096x256xi32, #tpu.memory_space<hbm>>
    tpu.wait_indirect_dma semaphore(%arg8 : memref<!tpu.dma_semaphore, #tpu.memory_space<semaphore_mem>>) src(%dma_wait3A_15 : memref<4096x256xi32, #tpu.memory_space<hbm>>) dst(%arg6 : memref<96x256xi32, #tpu.memory_space<vmem>>)
    %add3A_16 = arith.constant 0 : i32
    %add3A_17 = arith.addi %mul3A_2, %add3A_16 : i32
    "tpu.region"() ({
      %run_scoped3A = tpu.sem_alloc : memref<!tpu.dma_semaphore, #tpu.memory_space<semaphore_mem>>
      %dma_start3A_25 = arith.constant 0 : i32
      %dma_start3A_26 = tpu.memref_slice %arg4[%add3A_17, %dma_start3A_25] : memref<6144x256xi32, #tpu.memory_space<hbm>> -> memref<96x256xi32, #tpu.memory_space<hbm>>
      %dma_start3A_27 = arith.constant 0 : i32
      %dma_start3A_28 = tpu.memref_slice %arg4[%add3A_17, %dma_start3A_27] : memref<6144x256xi32, #tpu.memory_space<hbm>> -> memref<96x256xi32, #tpu.memory_space<hbm>>
      tpu.enqueue_dma source(%arg6 : memref<96x256xi32, #tpu.memory_space<vmem>>) target(%dma_start3A_28 : memref<96x256xi32, #tpu.memory_space<hbm>>) target_semaphore(%run_scoped3A : memref<!tpu.dma_semaphore, #tpu.memory_space<semaphore_mem>>)
      %dma_wait3A_29 = arith.constant 0 : i32
      %dma_wait3A_30 = tpu.memref_slice %arg4[%add3A_17, %dma_wait3A_29] : memref<6144x256xi32, #tpu.memory_space<hbm>> -> memref<96x256xi32, #tpu.memory_space<hbm>>
      %dma_wait3A_31 = arith.constant 0 : i32
      %dma_wait3A_32 = tpu.memref_slice %arg4[%add3A_17, %dma_wait3A_31] : memref<6144x256xi32, #tpu.memory_space<hbm>> -> memref<96x256xi32, #tpu.memory_space<hbm>>
      tpu.wait_dma2 semaphore(%run_scoped3A : memref<!tpu.dma_semaphore, #tpu.memory_space<semaphore_mem>>) src(%arg6 : memref<96x256xi32, #tpu.memory_space<vmem>>) dst(%dma_wait3A_32 : memref<96x256xi32, #tpu.memory_space<hbm>>)
      tpu.yield
    }) : () -> ()
    %dma_wait3A_18 = arith.constant 96 : i32
    %dma_wait3A_19 = tpu.memref_slice %arg5[%dma_wait3A_18] : memref<192xi32, #tpu.memory_space<vmem>> -> memref<96xi32, #tpu.memory_space<vmem>>
    %dma_wait3A_20 = arith.constant 0 : i32
    %dma_wait3A_21 = arith.constant 0 : i32
    %dma_wait3A_22 = tpu.memref_slice %arg2[%dma_wait3A_20, %dma_wait3A_21] : memref<4096x256xi32, #tpu.memory_space<hbm>> -> memref<4096x256xi32, #tpu.memory_space<hbm>>
    tpu.wait_indirect_dma semaphore(%arg9 : memref<!tpu.dma_semaphore, #tpu.memory_space<semaphore_mem>>) src(%dma_wait3A_22 : memref<4096x256xi32, #tpu.memory_space<hbm>>) dst(%arg7 : memref<96x256xi32, #tpu.memory_space<vmem>>)
    %add3A_23 = arith.constant 96 : i32
    %add3A_24 = arith.addi %mul3A_2, %add3A_23 : i32
    "tpu.region"() ({
      %run_scoped3A = tpu.sem_alloc : memref<!tpu.dma_semaphore, #tpu.memory_space<semaphore_mem>>
      %dma_start3A_25 = arith.constant 0 : i32
      %dma_start3A_26 = tpu.memref_slice %arg4[%add3A_24, %dma_start3A_25] : memref<6144x256xi32, #tpu.memory_space<hbm>> -> memref<96x256xi32, #tpu.memory_space<hbm>>
      %dma_start3A_27 = arith.constant 0 : i32
      %dma_start3A_28 = tpu.memref_slice %arg4[%add3A_24, %dma_start3A_27] : memref<6144x256xi32, #tpu.memory_space<hbm>> -> memref<96x256xi32, #tpu.memory_space<hbm>>
      tpu.enqueue_dma source(%arg7 : memref<96x256xi32, #tpu.memory_space<vmem>>) target(%dma_start3A_28 : memref<96x256xi32, #tpu.memory_space<hbm>>) target_semaphore(%run_scoped3A : memref<!tpu.dma_semaphore, #tpu.memory_space<semaphore_mem>>)
      %dma_wait3A_29 = arith.constant 0 : i32
      %dma_wait3A_30 = tpu.memref_slice %arg4[%add3A_24, %dma_wait3A_29] : memref<6144x256xi32, #tpu.memory_space<hbm>> -> memref<96x256xi32, #tpu.memory_space<hbm>>
      %dma_wait3A_31 = arith.constant 0 : i32
      %dma_wait3A_32 = tpu.memref_slice %arg4[%add3A_24, %dma_wait3A_31] : memref<6144x256xi32, #tpu.memory_space<hbm>> -> memref<96x256xi32, #tpu.memory_space<hbm>>
      tpu.wait_dma2 semaphore(%run_scoped3A : memref<!tpu.dma_semaphore, #tpu.memory_space<semaphore_mem>>) src(%arg7 : memref<96x256xi32, #tpu.memory_space<vmem>>) dst(%dma_wait3A_32 : memref<96x256xi32, #tpu.memory_space<hbm>>)
      tpu.yield
    }) : () -> ()
    return
  }
}

module attributes {stable_mosaic.version = 14 : i64} {
  func.func @_topk_body(%arg0: i32, %arg1: memref<256x512xf32, #tpu.memory_space<vmem>>, %arg2: memref<4096x512xf32, #tpu.memory_space<vmem>>, %arg3: memref<256x8xf32, #tpu.memory_space<vmem>>, %arg4: memref<256x8xi32, #tpu.memory_space<vmem>>) attributes {dimension_semantics = [#tpu.dimension_semantics<arbitrary>], iteration_bounds = array<i64: 4>, scalar_prefetch = 0 : i64, scratch_operands = 0 : i64, tpu.core_type = #tpu.core_type<tc>, window_params = [{transform_indices = @transform_0, window_bounds = array<i64: 256, 512>}, {pipeline_mode = #tpu.pipeline_mode<synchronous>, transform_indices = @transform_1, window_bounds = array<i64: 4096, 512>}, {transform_indices = @transform_2, window_bounds = array<i64: 256, 8>}, {transform_indices = @transform_3, window_bounds = array<i64: 256, 8>}]} {
    %get3A = arith.constant 0 : index
    %get3A_0 = arith.constant 0 : index
    %get3A_1 = vector.load %arg1[%get3A, %get3A_0] : memref<256x512xf32, #tpu.memory_space<vmem>>, vector<256x512xf32>
    %mul3A = arith.constant 0.0441941731 : f32
    %mul3A_2 = vector.broadcast %mul3A : f32 to vector<256x512xf32>
    %mul3A_3 = arith.mulf %get3A_1, %mul3A_2 : vector<256x512xf32>
    %get3A_4 = arith.constant 0 : index
    %get3A_5 = arith.constant 0 : index
    %get3A_6 = vector.load %arg2[%get3A_4, %get3A_5] : memref<4096x512xf32, #tpu.memory_space<vmem>>, vector<4096x512xf32>
    %dot_general3A = arith.constant dense<0.000000e+00> : vector<256x4096xf32>
    %dot_general3A_7 = tpu.matmul %mul3A_3, %get3A_6, %dot_general3A {dimension_numbers = #tpu.dot_dimension_numbers<[1], [1], [0], [0], [0, 0, 1, 0], [], []>, transpose_lhs_hint = false} : vector<256x512xf32>, vector<4096x512xf32>, vector<256x4096xf32> -> vector<256x4096xf32>
    %iota3A = tpu.iota {dimensions = array<i32: 1>} : vector<256x4096xi32>
    %reduce_max3A = arith.constant dense<0xFF800000> : vector<256xf32>
    %reduce_max3A_8 = vector.multi_reduction <maximumf>, %dot_general3A_7, %reduce_max3A [1] : vector<256x4096xf32> to vector<256xf32>
    %broadcast_in_dim3A = vector.shape_cast %reduce_max3A_8 : vector<256xf32> to vector<256x1xf32>
    %ge3A = vector.broadcast %broadcast_in_dim3A : vector<256x1xf32> to vector<256x4096xf32>
    %ge3A_9 = arith.cmpf oge, %dot_general3A_7, %ge3A : vector<256x4096xf32>
    %jit3A = arith.constant 1073741824 : i32
    %broadcast_in_dim3A_10 = vector.broadcast %jit3A : i32 to vector<256x4096xi32>
    %select_n3A = arith.select %ge3A_9, %iota3A, %broadcast_in_dim3A_10 : vector<256x4096xi1>, vector<256x4096xi32>
    %reduce_min3A = arith.constant dense<2147483647> : vector<256xi32>
    %reduce_min3A_11 = vector.multi_reduction <minsi>, %select_n3A, %reduce_min3A [1] : vector<256x4096xi32> to vector<256xi32>
    %broadcast_in_dim3A_12 = vector.shape_cast %reduce_min3A_11 : vector<256xi32> to vector<256x1xi32>
    %eq3A = vector.broadcast %broadcast_in_dim3A_12 : vector<256x1xi32> to vector<256x4096xi32>
    %eq3A_13 = arith.cmpi eq, %iota3A, %eq3A : vector<256x4096xi32>
    %jit3A_14 = arith.constant -1.000000e+30 : f32
    %broadcast_in_dim3A_15 = vector.broadcast %jit3A_14 : f32 to vector<256x4096xf32>
    %select_n3A_16 = arith.select %eq3A_13, %broadcast_in_dim3A_15, %dot_general3A_7 : vector<256x4096xi1>, vector<256x4096xf32>
    %reduce_max3A_17 = arith.constant dense<0xFF800000> : vector<256xf32>
    %reduce_max3A_18 = vector.multi_reduction <maximumf>, %select_n3A_16, %reduce_max3A_17 [1] : vector<256x4096xf32> to vector<256xf32>
    %broadcast_in_dim3A_19 = vector.shape_cast %reduce_max3A_18 : vector<256xf32> to vector<256x1xf32>
    %ge3A_20 = vector.broadcast %broadcast_in_dim3A_19 : vector<256x1xf32> to vector<256x4096xf32>
    %ge3A_21 = arith.cmpf oge, %select_n3A_16, %ge3A_20 : vector<256x4096xf32>
    %jit3A_22 = arith.constant 1073741824 : i32
    %broadcast_in_dim3A_23 = vector.broadcast %jit3A_22 : i32 to vector<256x4096xi32>
    %select_n3A_24 = arith.select %ge3A_21, %iota3A, %broadcast_in_dim3A_23 : vector<256x4096xi1>, vector<256x4096xi32>
    %reduce_min3A_25 = arith.constant dense<2147483647> : vector<256xi32>
    %reduce_min3A_26 = vector.multi_reduction <minsi>, %select_n3A_24, %reduce_min3A_25 [1] : vector<256x4096xi32> to vector<256xi32>
    %broadcast_in_dim3A_27 = vector.shape_cast %reduce_min3A_26 : vector<256xi32> to vector<256x1xi32>
    %eq3A_28 = vector.broadcast %broadcast_in_dim3A_27 : vector<256x1xi32> to vector<256x4096xi32>
    %eq3A_29 = arith.cmpi eq, %iota3A, %eq3A_28 : vector<256x4096xi32>
    %jit3A_30 = arith.constant -1.000000e+30 : f32
    %broadcast_in_dim3A_31 = vector.broadcast %jit3A_30 : f32 to vector<256x4096xf32>
    %select_n3A_32 = arith.select %eq3A_29, %broadcast_in_dim3A_31, %select_n3A_16 : vector<256x4096xi1>, vector<256x4096xf32>
    %reduce_max3A_33 = arith.constant dense<0xFF800000> : vector<256xf32>
    %reduce_max3A_34 = vector.multi_reduction <maximumf>, %select_n3A_32, %reduce_max3A_33 [1] : vector<256x4096xf32> to vector<256xf32>
    %broadcast_in_dim3A_35 = vector.shape_cast %reduce_max3A_34 : vector<256xf32> to vector<256x1xf32>
    %ge3A_36 = vector.broadcast %broadcast_in_dim3A_35 : vector<256x1xf32> to vector<256x4096xf32>
    %ge3A_37 = arith.cmpf oge, %select_n3A_32, %ge3A_36 : vector<256x4096xf32>
    %jit3A_38 = arith.constant 1073741824 : i32
    %broadcast_in_dim3A_39 = vector.broadcast %jit3A_38 : i32 to vector<256x4096xi32>
    %select_n3A_40 = arith.select %ge3A_37, %iota3A, %broadcast_in_dim3A_39 : vector<256x4096xi1>, vector<256x4096xi32>
    %reduce_min3A_41 = arith.constant dense<2147483647> : vector<256xi32>
    %reduce_min3A_42 = vector.multi_reduction <minsi>, %select_n3A_40, %reduce_min3A_41 [1] : vector<256x4096xi32> to vector<256xi32>
    %broadcast_in_dim3A_43 = vector.shape_cast %reduce_min3A_42 : vector<256xi32> to vector<256x1xi32>
    %eq3A_44 = vector.broadcast %broadcast_in_dim3A_43 : vector<256x1xi32> to vector<256x4096xi32>
    %eq3A_45 = arith.cmpi eq, %iota3A, %eq3A_44 : vector<256x4096xi32>
    %jit3A_46 = arith.constant -1.000000e+30 : f32
    %broadcast_in_dim3A_47 = vector.broadcast %jit3A_46 : f32 to vector<256x4096xf32>
    %select_n3A_48 = arith.select %eq3A_45, %broadcast_in_dim3A_47, %select_n3A_32 : vector<256x4096xi1>, vector<256x4096xf32>
    %reduce_max3A_49 = arith.constant dense<0xFF800000> : vector<256xf32>
    %reduce_max3A_50 = vector.multi_reduction <maximumf>, %select_n3A_48, %reduce_max3A_49 [1] : vector<256x4096xf32> to vector<256xf32>
    %broadcast_in_dim3A_51 = vector.shape_cast %reduce_max3A_50 : vector<256xf32> to vector<256x1xf32>
    %ge3A_52 = vector.broadcast %broadcast_in_dim3A_51 : vector<256x1xf32> to vector<256x4096xf32>
    %ge3A_53 = arith.cmpf oge, %select_n3A_48, %ge3A_52 : vector<256x4096xf32>
    %jit3A_54 = arith.constant 1073741824 : i32
    %broadcast_in_dim3A_55 = vector.broadcast %jit3A_54 : i32 to vector<256x4096xi32>
    %select_n3A_56 = arith.select %ge3A_53, %iota3A, %broadcast_in_dim3A_55 : vector<256x4096xi1>, vector<256x4096xi32>
    %reduce_min3A_57 = arith.constant dense<2147483647> : vector<256xi32>
    %reduce_min3A_58 = vector.multi_reduction <minsi>, %select_n3A_56, %reduce_min3A_57 [1] : vector<256x4096xi32> to vector<256xi32>
    %broadcast_in_dim3A_59 = vector.shape_cast %reduce_min3A_58 : vector<256xi32> to vector<256x1xi32>
    %eq3A_60 = vector.broadcast %broadcast_in_dim3A_59 : vector<256x1xi32> to vector<256x4096xi32>
    %eq3A_61 = arith.cmpi eq, %iota3A, %eq3A_60 : vector<256x4096xi32>
    %jit3A_62 = arith.constant -1.000000e+30 : f32
    %broadcast_in_dim3A_63 = vector.broadcast %jit3A_62 : f32 to vector<256x4096xf32>
    %select_n3A_64 = arith.select %eq3A_61, %broadcast_in_dim3A_63, %select_n3A_48 : vector<256x4096xi1>, vector<256x4096xf32>
    %reduce_max3A_65 = arith.constant dense<0xFF800000> : vector<256xf32>
    %reduce_max3A_66 = vector.multi_reduction <maximumf>, %select_n3A_64, %reduce_max3A_65 [1] : vector<256x4096xf32> to vector<256xf32>
    %broadcast_in_dim3A_67 = vector.shape_cast %reduce_max3A_66 : vector<256xf32> to vector<256x1xf32>
    %ge3A_68 = vector.broadcast %broadcast_in_dim3A_67 : vector<256x1xf32> to vector<256x4096xf32>
    %ge3A_69 = arith.cmpf oge, %select_n3A_64, %ge3A_68 : vector<256x4096xf32>
    %jit3A_70 = arith.constant 1073741824 : i32
    %broadcast_in_dim3A_71 = vector.broadcast %jit3A_70 : i32 to vector<256x4096xi32>
    %select_n3A_72 = arith.select %ge3A_69, %iota3A, %broadcast_in_dim3A_71 : vector<256x4096xi1>, vector<256x4096xi32>
    %reduce_min3A_73 = arith.constant dense<2147483647> : vector<256xi32>
    %reduce_min3A_74 = vector.multi_reduction <minsi>, %select_n3A_72, %reduce_min3A_73 [1] : vector<256x4096xi32> to vector<256xi32>
    %broadcast_in_dim3A_75 = vector.shape_cast %reduce_min3A_74 : vector<256xi32> to vector<256x1xi32>
    %eq3A_76 = vector.broadcast %broadcast_in_dim3A_75 : vector<256x1xi32> to vector<256x4096xi32>
    %eq3A_77 = arith.cmpi eq, %iota3A, %eq3A_76 : vector<256x4096xi32>
    %jit3A_78 = arith.constant -1.000000e+30 : f32
    %broadcast_in_dim3A_79 = vector.broadcast %jit3A_78 : f32 to vector<256x4096xf32>
    %select_n3A_80 = arith.select %eq3A_77, %broadcast_in_dim3A_79, %select_n3A_64 : vector<256x4096xi1>, vector<256x4096xf32>
    %reduce_max3A_81 = arith.constant dense<0xFF800000> : vector<256xf32>
    %reduce_max3A_82 = vector.multi_reduction <maximumf>, %select_n3A_80, %reduce_max3A_81 [1] : vector<256x4096xf32> to vector<256xf32>
    %broadcast_in_dim3A_83 = vector.shape_cast %reduce_max3A_82 : vector<256xf32> to vector<256x1xf32>
    %ge3A_84 = vector.broadcast %broadcast_in_dim3A_83 : vector<256x1xf32> to vector<256x4096xf32>
    %ge3A_85 = arith.cmpf oge, %select_n3A_80, %ge3A_84 : vector<256x4096xf32>
    %jit3A_86 = arith.constant 1073741824 : i32
    %broadcast_in_dim3A_87 = vector.broadcast %jit3A_86 : i32 to vector<256x4096xi32>
    %select_n3A_88 = arith.select %ge3A_85, %iota3A, %broadcast_in_dim3A_87 : vector<256x4096xi1>, vector<256x4096xi32>
    %reduce_min3A_89 = arith.constant dense<2147483647> : vector<256xi32>
    %reduce_min3A_90 = vector.multi_reduction <minsi>, %select_n3A_88, %reduce_min3A_89 [1] : vector<256x4096xi32> to vector<256xi32>
    %broadcast_in_dim3A_91 = vector.shape_cast %reduce_min3A_90 : vector<256xi32> to vector<256x1xi32>
    %concatenate3A = tpu.concatenate %broadcast_in_dim3A, %broadcast_in_dim3A_19, %broadcast_in_dim3A_35, %broadcast_in_dim3A_51, %broadcast_in_dim3A_67, %broadcast_in_dim3A_83 in 1 : vector<256x1xf32>, vector<256x1xf32>, vector<256x1xf32>, vector<256x1xf32>, vector<256x1xf32>, vector<256x1xf32> -> vector<256x6xf32>
    %sub3A = vector.broadcast %broadcast_in_dim3A : vector<256x1xf32> to vector<256x6xf32>
    %sub3A_92 = arith.subf %concatenate3A, %sub3A : vector<256x6xf32>
    %exp3A = math.exp %sub3A_92 : vector<256x6xf32>
    %reduce_sum3A = arith.constant dense<0.000000e+00> : vector<256xf32>
    %reduce_sum3A_93 = vector.multi_reduction <add>, %exp3A, %reduce_sum3A [1] : vector<256x6xf32> to vector<256xf32>
    %broadcast_in_dim3A_94 = vector.shape_cast %reduce_sum3A_93 : vector<256xf32> to vector<256x1xf32>
    %div3A = vector.broadcast %broadcast_in_dim3A_94 : vector<256x1xf32> to vector<256x6xf32>
    %div3A_95 = arith.divf %exp3A, %div3A : vector<256x6xf32>
    %broadcast_in_dim3A_96 = arith.constant 0.000000e+00 : f32
    %broadcast_in_dim3A_97 = vector.broadcast %broadcast_in_dim3A_96 : f32 to vector<256x1xf32>
    %concatenate3A_98 = tpu.concatenate %div3A_95, %broadcast_in_dim3A_97, %broadcast_in_dim3A_97 in 1 : vector<256x6xf32>, vector<256x1xf32>, vector<256x1xf32> -> vector<256x8xf32>
    %swap3A = arith.constant 0 : index
    %swap3A_99 = arith.constant 0 : index
    %swap3A_100 = vector.load %arg3[%swap3A, %swap3A_99] : memref<256x8xf32, #tpu.memory_space<vmem>>, vector<256x8xf32>
    tpu.vector_store %arg3[%swap3A, %swap3A_99], %concatenate3A_98 {strides = array<i32>} : memref<256x8xf32, #tpu.memory_space<vmem>>, vector<256x8xf32>,
    %broadcast_in_dim3A_101 = arith.constant 0 : i32
    %broadcast_in_dim3A_102 = vector.broadcast %broadcast_in_dim3A_101 : i32 to vector<256x1xi32>
    %concatenate3A_103 = tpu.concatenate %broadcast_in_dim3A_12, %broadcast_in_dim3A_27, %broadcast_in_dim3A_43, %broadcast_in_dim3A_59, %broadcast_in_dim3A_75, %broadcast_in_dim3A_91, %broadcast_in_dim3A_102, %broadcast_in_dim3A_102 in 1 : vector<256x1xi32>, vector<256x1xi32>, vector<256x1xi32>, vector<256x1xi32>, vector<256x1xi32>, vector<256x1xi32>, vector<256x1xi32>, vector<256x1xi32> -> vector<256x8xi32>
    %swap3A_104 = arith.constant 0 : index
    %swap3A_105 = arith.constant 0 : index
    %swap3A_106 = vector.load %arg4[%swap3A_104, %swap3A_105] : memref<256x8xi32, #tpu.memory_space<vmem>>, vector<256x8xi32>
    tpu.vector_store %arg4[%swap3A_104, %swap3A_105], %concatenate3A_103 {strides = array<i32>} : memref<256x8xi32, #tpu.memory_space<vmem>>, vector<256x8xi32>,
    return
  }
  func.func @transform_0(%arg0: i32) -> (i32, i32) {
    %add3A = arith.constant 4 : i32
    %add3A_0 = arith.addi %arg0, %add3A : i32
    %c0_i32 = arith.constant 0 : i32
    %c0_i32_1 = arith.constant 0 : i32
    return %add3A_0, %c0_i32 : i32, i32
  }
  func.func @transform_1(%arg0: i32) -> (i32, i32) {
    %c0_i32 = arith.constant 0 : i32
    %c0_i32_0 = arith.constant 0 : i32
    %c0_i32_1 = arith.constant 0 : i32
    return %c0_i32, %c0_i32_0 : i32, i32
  }
  func.func @transform_2(%arg0: i32) -> (i32, i32) {
    %c0_i32 = arith.constant 0 : i32
    %c0_i32_0 = arith.constant 0 : i32
    return %arg0, %c0_i32 : i32, i32
  }
  func.func @transform_3(%arg0: i32) -> (i32, i32) {
    %c0_i32 = arith.constant 0 : i32
    %c0_i32_0 = arith.constant 0 : i32
    return %arg0, %c0_i32 : i32, i32
  }
}

module attributes {stable_mosaic.version = 14 : i64} {
  func.func @_fc1_body(%arg0: i32, %arg1: memref<256x384xf32, #tpu.memory_space<vmem>>, %arg2: memref<512x384xf32, #tpu.memory_space<vmem>>, %arg3: memref<1x512xf32, #tpu.memory_space<vmem>>, %arg4: memref<256x512xf32, #tpu.memory_space<vmem>>, %arg5: memref<1x512xf32, #tpu.memory_space<vmem>>) attributes {dimension_semantics = [#tpu.dimension_semantics<arbitrary>], iteration_bounds = array<i64: 16>, scalar_prefetch = 0 : i64, scratch_operands = 0 : i64, tpu.core_type = #tpu.core_type<tc>, window_params = [{transform_indices = @transform_0, window_bounds = array<i64: 256, 384>}, {pipeline_mode = #tpu.pipeline_mode<synchronous>, transform_indices = @transform_1, window_bounds = array<i64: 512, 384>}, {pipeline_mode = #tpu.pipeline_mode<synchronous>, transform_indices = @transform_2, window_bounds = array<i64: 1, 512>}, {transform_indices = @transform_3, window_bounds = array<i64: 256, 512>}, {pipeline_mode = #tpu.pipeline_mode<synchronous>, transform_indices = @transform_4, window_bounds = array<i64: 1, 512>}]} {
    %get3A = arith.constant 0 : index
    %get3A_0 = arith.constant 0 : index
    %get3A_1 = vector.load %arg1[%get3A, %get3A_0] : memref<256x384xf32, #tpu.memory_space<vmem>>, vector<256x384xf32>
    %get3A_2 = arith.constant 0 : index
    %get3A_3 = arith.constant 0 : index
    %get3A_4 = vector.load %arg2[%get3A_2, %get3A_3] : memref<512x384xf32, #tpu.memory_space<vmem>>, vector<512x384xf32>
    %dot_general3A = arith.constant dense<0.000000e+00> : vector<256x512xf32>
    %dot_general3A_5 = tpu.matmul %get3A_1, %get3A_4, %dot_general3A {dimension_numbers = #tpu.dot_dimension_numbers<[1], [1], [0], [0], [0, 0, 1, 0], [], []>, transpose_lhs_hint = false} : vector<256x384xf32>, vector<512x384xf32>, vector<256x512xf32> -> vector<256x512xf32>
    %get3A_6 = arith.constant 0 : index
    %get3A_7 = arith.constant 0 : index
    %get3A_8 = vector.load %arg3[%get3A_6, %get3A_7] : memref<1x512xf32, #tpu.memory_space<vmem>>, vector<1x512xf32>
    %add3A = vector.broadcast %get3A_8 : vector<1x512xf32> to vector<256x512xf32>
    %add3A_9 = arith.addf %dot_general3A_5, %add3A : vector<256x512xf32>
    %gt3A = arith.constant 0.000000e+00 : f32
    %gt3A_10 = vector.broadcast %gt3A : f32 to vector<256x512xf32>
    %gt3A_11 = arith.cmpf ogt, %add3A_9, %gt3A_10 : vector<256x512xf32>
    %mul3A = arith.constant 0.00999999977 : f32
    %mul3A_12 = vector.broadcast %mul3A : f32 to vector<256x512xf32>
    %mul3A_13 = arith.mulf %mul3A_12, %add3A_9 : vector<256x512xf32>
    %select_n3A = arith.select %gt3A_11, %add3A_9, %mul3A_13 : vector<256x512xi1>, vector<256x512xf32>
    %swap3A = arith.constant 0 : index
    %swap3A_14 = arith.constant 0 : index
    %swap3A_15 = vector.load %arg4[%swap3A, %swap3A_14] : memref<256x512xf32, #tpu.memory_space<vmem>>, vector<256x512xf32>
    tpu.vector_store %arg4[%swap3A, %swap3A_14], %select_n3A {strides = array<i32>} : memref<256x512xf32, #tpu.memory_space<vmem>>, vector<256x512xf32>,
    %reduce_sum3A = arith.constant dense<0.000000e+00> : vector<512xf32>
    %reduce_sum3A_16 = vector.multi_reduction <add>, %select_n3A, %reduce_sum3A [0] : vector<256x512xf32> to vector<512xf32>
    %broadcast_in_dim3A = vector.shape_cast %reduce_sum3A_16 : vector<512xf32> to vector<1x512xf32>
    %eq3A = arith.constant 0 : i32
    %eq3A_17 = arith.cmpi eq, %arg0, %eq3A : i32
    %convert_element_type3A = arith.extui %eq3A_17 : i1 to i32
    %cond3A = arith.constant 0 : i32
    %cond3A_18 = arith.cmpi ne, %convert_element_type3A, %cond3A : i32
    scf.if %cond3A_18 {
      %swap3A_24 = arith.constant 0 : index
      %swap3A_25 = arith.constant 0 : index
      %swap3A_26 = vector.load %arg5[%swap3A_24, %swap3A_25] : memref<1x512xf32, #tpu.memory_space<vmem>>, vector<1x512xf32>
      tpu.vector_store %arg5[%swap3A_24, %swap3A_25], %broadcast_in_dim3A {strides = array<i32>} : memref<1x512xf32, #tpu.memory_space<vmem>>, vector<1x512xf32>,
    } else {
    }
    %gt3A_19 = arith.constant 0 : i32
    %gt3A_20 = arith.cmpi sgt, %arg0, %gt3A_19 : i32
    %convert_element_type3A_21 = arith.extui %gt3A_20 : i1 to i32
    %cond3A_22 = arith.constant 0 : i32
    %cond3A_23 = arith.cmpi ne, %convert_element_type3A_21, %cond3A_22 : i32
    scf.if %cond3A_23 {
      %get3A_24 = arith.constant 0 : index
      %get3A_25 = arith.constant 0 : index
      %get3A_26 = vector.load %arg5[%get3A_24, %get3A_25] : memref<1x512xf32, #tpu.memory_space<vmem>>, vector<1x512xf32>
      %add3A_27 = arith.addf %get3A_26, %broadcast_in_dim3A : vector<1x512xf32>
      %swap3A_28 = arith.constant 0 : index
      %swap3A_29 = arith.constant 0 : index
      %swap3A_30 = vector.load %arg5[%swap3A_28, %swap3A_29] : memref<1x512xf32, #tpu.memory_space<vmem>>, vector<1x512xf32>
      tpu.vector_store %arg5[%swap3A_28, %swap3A_29], %add3A_27 {strides = array<i32>} : memref<1x512xf32, #tpu.memory_space<vmem>>, vector<1x512xf32>,
    } else {
    }
    return
  }
  func.func @transform_0(%arg0: i32) -> (i32, i32) {
    %c0_i32 = arith.constant 0 : i32
    %c0_i32_0 = arith.constant 0 : i32
    return %arg0, %c0_i32 : i32, i32
  }
  func.func @transform_1(%arg0: i32) -> (i32, i32) {
    %c0_i32 = arith.constant 0 : i32
    %c0_i32_0 = arith.constant 0 : i32
    %c0_i32_1 = arith.constant 0 : i32
    return %c0_i32, %c0_i32_0 : i32, i32
  }
  func.func @transform_2(%arg0: i32) -> (i32, i32) {
    %c0_i32 = arith.constant 0 : i32
    %c0_i32_0 = arith.constant 0 : i32
    %c0_i32_1 = arith.constant 0 : i32
    return %c0_i32, %c0_i32_0 : i32, i32
  }
  func.func @transform_3(%arg0: i32) -> (i32, i32) {
    %c0_i32 = arith.constant 0 : i32
    %c0_i32_0 = arith.constant 0 : i32
    return %arg0, %c0_i32 : i32, i32
  }
  func.func @transform_4(%arg0: i32) -> (i32, i32) {
    %c0_i32 = arith.constant 0 : i32
    %c0_i32_0 = arith.constant 0 : i32
    %c0_i32_1 = arith.constant 0 : i32
    return %c0_i32, %c0_i32_0 : i32, i32
  }
}

module attributes {stable_mosaic.version = 14 : i64} {
  func.func @_proj_body(%arg0: i32, %arg1: memref<256x512xf32, #tpu.memory_space<vmem>>, %arg2: memref<1x512xf32, #tpu.memory_space<vmem>>, %arg3: memref<512x512xf32, #tpu.memory_space<vmem>>, %arg4: memref<1x512xf32, #tpu.memory_space<vmem>>, %arg5: memref<512x512xf32, #tpu.memory_space<vmem>>, %arg6: memref<1x512xf32, #tpu.memory_space<vmem>>, %arg7: memref<256x512xf32, #tpu.memory_space<vmem>>, %arg8: memref<256x512xf32, #tpu.memory_space<vmem>>, %arg9: memref<256x256xi32, #tpu.memory_space<vmem>>) attributes {dimension_semantics = [#tpu.dimension_semantics<arbitrary>], iteration_bounds = array<i64: 16>, scalar_prefetch = 0 : i64, scratch_operands = 0 : i64, tpu.core_type = #tpu.core_type<tc>, window_params = [{transform_indices = @transform_0, window_bounds = array<i64: 256, 512>}, {pipeline_mode = #tpu.pipeline_mode<synchronous>, transform_indices = @transform_1, window_bounds = array<i64: 1, 512>}, {pipeline_mode = #tpu.pipeline_mode<synchronous>, transform_indices = @transform_2, window_bounds = array<i64: 512, 512>}, {pipeline_mode = #tpu.pipeline_mode<synchronous>, transform_indices = @transform_3, window_bounds = array<i64: 1, 512>}, {pipeline_mode = #tpu.pipeline_mode<synchronous>, transform_indices = @transform_4, window_bounds = array<i64: 512, 512>}, {pipeline_mode = #tpu.pipeline_mode<synchronous>, transform_indices = @transform_5, window_bounds = array<i64: 1, 512>}, {transform_indices = @transform_6, window_bounds = array<i64: 256, 512>}, {transform_indices = @transform_7, window_bounds = array<i64: 256, 512>}, {transform_indices = @transform_8, window_bounds = array<i64: 256, 256>}]} {
    %get3A = arith.constant 0 : index
    %get3A_0 = arith.constant 0 : index
    %get3A_1 = vector.load %arg1[%get3A, %get3A_0] : memref<256x512xf32, #tpu.memory_space<vmem>>, vector<256x512xf32>
    %get3A_2 = arith.constant 0 : index
    %get3A_3 = arith.constant 0 : index
    %get3A_4 = vector.load %arg2[%get3A_2, %get3A_3] : memref<1x512xf32, #tpu.memory_space<vmem>>, vector<1x512xf32>
    %mul3A = arith.constant 2.44140625E-4 : f32
    %mul3A_5 = vector.broadcast %mul3A : f32 to vector<1x512xf32>
    %mul3A_6 = arith.mulf %get3A_4, %mul3A_5 : vector<1x512xf32>
    %add3A = vector.broadcast %mul3A_6 : vector<1x512xf32> to vector<256x512xf32>
    %add3A_7 = arith.addf %get3A_1, %add3A : vector<256x512xf32>
    %mul3A_8 = arith.constant 5.000000e-01 : f32
    %mul3A_9 = vector.broadcast %mul3A_8 : f32 to vector<256x512xf32>
    %mul3A_10 = arith.mulf %add3A_7, %mul3A_9 : vector<256x512xf32>
    %get3A_11 = arith.constant 0 : index
    %get3A_12 = arith.constant 0 : index
    %get3A_13 = vector.load %arg3[%get3A_11, %get3A_12] : memref<512x512xf32, #tpu.memory_space<vmem>>, vector<512x512xf32>
    %dot_general3A = arith.constant dense<0.000000e+00> : vector<256x512xf32>
    %dot_general3A_14 = tpu.matmul %mul3A_10, %get3A_13, %dot_general3A {dimension_numbers = #tpu.dot_dimension_numbers<[1], [1], [0], [0], [0, 0, 1, 0], [], []>, transpose_lhs_hint = false} : vector<256x512xf32>, vector<512x512xf32>, vector<256x512xf32> -> vector<256x512xf32>
    %get3A_15 = arith.constant 0 : index
    %get3A_16 = arith.constant 0 : index
    %get3A_17 = vector.load %arg4[%get3A_15, %get3A_16] : memref<1x512xf32, #tpu.memory_space<vmem>>, vector<1x512xf32>
    %add3A_18 = vector.broadcast %get3A_17 : vector<1x512xf32> to vector<256x512xf32>
    %add3A_19 = arith.addf %dot_general3A_14, %add3A_18 : vector<256x512xf32>
    %swap3A = arith.constant 0 : index
    %swap3A_20 = arith.constant 0 : index
    %swap3A_21 = vector.load %arg7[%swap3A, %swap3A_20] : memref<256x512xf32, #tpu.memory_space<vmem>>, vector<256x512xf32>
    tpu.vector_store %arg7[%swap3A, %swap3A_20], %add3A_19 {strides = array<i32>} : memref<256x512xf32, #tpu.memory_space<vmem>>, vector<256x512xf32>,
    %get3A_22 = arith.constant 0 : index
    %get3A_23 = arith.constant 0 : index
    %get3A_24 = vector.load %arg5[%get3A_22, %get3A_23] : memref<512x512xf32, #tpu.memory_space<vmem>>, vector<512x512xf32>
    %dot_general3A_25 = arith.constant dense<0.000000e+00> : vector<256x512xf32>
    %dot_general3A_26 = tpu.matmul %mul3A_10, %get3A_24, %dot_general3A_25 {dimension_numbers = #tpu.dot_dimension_numbers<[1], [1], [0], [0], [0, 0, 1, 0], [], []>, transpose_lhs_hint = false} : vector<256x512xf32>, vector<512x512xf32>, vector<256x512xf32> -> vector<256x512xf32>
    %get3A_27 = arith.constant 0 : index
    %get3A_28 = arith.constant 0 : index
    %get3A_29 = vector.load %arg6[%get3A_27, %get3A_28] : memref<1x512xf32, #tpu.memory_space<vmem>>, vector<1x512xf32>
    %add3A_30 = vector.broadcast %get3A_29 : vector<1x512xf32> to vector<256x512xf32>
    %add3A_31 = arith.addf %dot_general3A_26, %add3A_30 : vector<256x512xf32>
    %swap3A_32 = arith.constant 0 : index
    %swap3A_33 = arith.constant 0 : index
    %swap3A_34 = vector.load %arg8[%swap3A_32, %swap3A_33] : memref<256x512xf32, #tpu.memory_space<vmem>>, vector<256x512xf32>
    tpu.vector_store %arg8[%swap3A_32, %swap3A_33], %add3A_31 {strides = array<i32>} : memref<256x512xf32, #tpu.memory_space<vmem>>, vector<256x512xf32>,
    %slice3A = vector.extract_strided_slice %add3A_31 {offsets = [0, 0], sizes = [256, 256], strides = [1, 1]} : vector<256x512xf32> to vector<256x256xf32>
    %mul3A_35 = arith.constant 1.925930e-34 : f32
    %mul3A_36 = vector.broadcast %mul3A_35 : f32 to vector<256x256xf32>
    %mul3A_37 = arith.mulf %slice3A, %mul3A_36 : vector<256x256xf32>
    %bitcast_convert_type3A = tpu.bitcast %mul3A_37 : vector<256x256xf32> -> vector<256x256xi32>
    %add3A_38 = arith.constant 4095 : i32
    %add3A_39 = vector.broadcast %add3A_38 : i32 to vector<256x256xi32>
    %add3A_40 = arith.addi %bitcast_convert_type3A, %add3A_39 : vector<256x256xi32>
    %shift_right_arithmetic3A = arith.constant 13 : i32
    %shift_right_arithmetic3A_41 = vector.broadcast %shift_right_arithmetic3A : i32 to vector<256x256xi32>
    %shift_right_arithmetic3A_42 = arith.shrsi %bitcast_convert_type3A, %shift_right_arithmetic3A_41 : vector<256x256xi32>
    %and3A = arith.constant 1 : i32
    %and3A_43 = vector.broadcast %and3A : i32 to vector<256x256xi32>
    %and3A_44 = arith.andi %shift_right_arithmetic3A_42, %and3A_43 : vector<256x256xi32>
    %add3A_45 = arith.addi %add3A_40, %and3A_44 : vector<256x256xi32>
    %shift_right_arithmetic3A_46 = arith.constant 16 : i32
    %shift_right_arithmetic3A_47 = vector.broadcast %shift_right_arithmetic3A_46 : i32 to vector<256x256xi32>
    %shift_right_arithmetic3A_48 = arith.shrsi %add3A_45, %shift_right_arithmetic3A_47 : vector<256x256xi32>
    %and3A_49 = arith.constant 32768 : i32
    %and3A_50 = vector.broadcast %and3A_49 : i32 to vector<256x256xi32>
    %and3A_51 = arith.andi %shift_right_arithmetic3A_48, %and3A_50 : vector<256x256xi32>
    %shift_right_arithmetic3A_52 = arith.constant 13 : i32
    %shift_right_arithmetic3A_53 = vector.broadcast %shift_right_arithmetic3A_52 : i32 to vector<256x256xi32>
    %shift_right_arithmetic3A_54 = arith.shrsi %add3A_45, %shift_right_arithmetic3A_53 : vector<256x256xi32>
    %and3A_55 = arith.constant 32767 : i32
    %and3A_56 = vector.broadcast %and3A_55 : i32 to vector<256x256xi32>
    %and3A_57 = arith.andi %shift_right_arithmetic3A_54, %and3A_56 : vector<256x256xi32>
    %or3A = arith.ori %and3A_51, %and3A_57 : vector<256x256xi32>
    %slice3A_58 = vector.extract_strided_slice %add3A_31 {offsets = [0, 256], sizes = [256, 256], strides = [1, 1]} : vector<256x512xf32> to vector<256x256xf32>
    %mul3A_59 = arith.constant 1.925930e-34 : f32
    %mul3A_60 = vector.broadcast %mul3A_59 : f32 to vector<256x256xf32>
    %mul3A_61 = arith.mulf %slice3A_58, %mul3A_60 : vector<256x256xf32>
    %bitcast_convert_type3A_62 = tpu.bitcast %mul3A_61 : vector<256x256xf32> -> vector<256x256xi32>
    %add3A_63 = arith.constant 4095 : i32
    %add3A_64 = vector.broadcast %add3A_63 : i32 to vector<256x256xi32>
    %add3A_65 = arith.addi %bitcast_convert_type3A_62, %add3A_64 : vector<256x256xi32>
    %shift_right_arithmetic3A_66 = arith.constant 13 : i32
    %shift_right_arithmetic3A_67 = vector.broadcast %shift_right_arithmetic3A_66 : i32 to vector<256x256xi32>
    %shift_right_arithmetic3A_68 = arith.shrsi %bitcast_convert_type3A_62, %shift_right_arithmetic3A_67 : vector<256x256xi32>
    %and3A_69 = arith.constant 1 : i32
    %and3A_70 = vector.broadcast %and3A_69 : i32 to vector<256x256xi32>
    %and3A_71 = arith.andi %shift_right_arithmetic3A_68, %and3A_70 : vector<256x256xi32>
    %add3A_72 = arith.addi %add3A_65, %and3A_71 : vector<256x256xi32>
    %shift_right_arithmetic3A_73 = arith.constant 16 : i32
    %shift_right_arithmetic3A_74 = vector.broadcast %shift_right_arithmetic3A_73 : i32 to vector<256x256xi32>
    %shift_right_arithmetic3A_75 = arith.shrsi %add3A_72, %shift_right_arithmetic3A_74 : vector<256x256xi32>
    %and3A_76 = arith.constant 32768 : i32
    %and3A_77 = vector.broadcast %and3A_76 : i32 to vector<256x256xi32>
    %and3A_78 = arith.andi %shift_right_arithmetic3A_75, %and3A_77 : vector<256x256xi32>
    %shift_right_arithmetic3A_79 = arith.constant 13 : i32
    %shift_right_arithmetic3A_80 = vector.broadcast %shift_right_arithmetic3A_79 : i32 to vector<256x256xi32>
    %shift_right_arithmetic3A_81 = arith.shrsi %add3A_72, %shift_right_arithmetic3A_80 : vector<256x256xi32>
    %and3A_82 = arith.constant 32767 : i32
    %and3A_83 = vector.broadcast %and3A_82 : i32 to vector<256x256xi32>
    %and3A_84 = arith.andi %shift_right_arithmetic3A_81, %and3A_83 : vector<256x256xi32>
    %or3A_85 = arith.ori %and3A_78, %and3A_84 : vector<256x256xi32>
    %shift_left3A = arith.constant 16 : i32
    %shift_left3A_86 = vector.broadcast %shift_left3A : i32 to vector<256x256xi32>
    %shift_left3A_87 = arith.shli %or3A_85, %shift_left3A_86 : vector<256x256xi32>
    %or3A_88 = arith.ori %or3A, %shift_left3A_87 : vector<256x256xi32>
    %swap3A_89 = arith.constant 0 : index
    %swap3A_90 = arith.constant 0 : index
    %swap3A_91 = vector.load %arg9[%swap3A_89, %swap3A_90] : memref<256x256xi32, #tpu.memory_space<vmem>>, vector<256x256xi32>
    tpu.vector_store %arg9[%swap3A_89, %swap3A_90], %or3A_88 {strides = array<i32>} : memref<256x256xi32, #tpu.memory_space<vmem>>, vector<256x256xi32>,
    return
  }
  func.func @transform_0(%arg0: i32) -> (i32, i32) {
    %c0_i32 = arith.constant 0 : i32
    %c0_i32_0 = arith.constant 0 : i32
    return %arg0, %c0_i32 : i32, i32
  }
  func.func @transform_1(%arg0: i32) -> (i32, i32) {
    %c0_i32 = arith.constant 0 : i32
    %c0_i32_0 = arith.constant 0 : i32
    %c0_i32_1 = arith.constant 0 : i32
    return %c0_i32, %c0_i32_0 : i32, i32
  }
  func.func @transform_2(%arg0: i32) -> (i32, i32) {
    %c0_i32 = arith.constant 0 : i32
    %c0_i32_0 = arith.constant 0 : i32
    %c0_i32_1 = arith.constant 0 : i32
    return %c0_i32, %c0_i32_0 : i32, i32
  }
  func.func @transform_3(%arg0: i32) -> (i32, i32) {
    %c0_i32 = arith.constant 0 : i32
    %c0_i32_0 = arith.constant 0 : i32
    %c0_i32_1 = arith.constant 0 : i32
    return %c0_i32, %c0_i32_0 : i32, i32
  }
  func.func @transform_4(%arg0: i32) -> (i32, i32) {
    %c0_i32 = arith.constant 0 : i32
    %c0_i32_0 = arith.constant 0 : i32
    %c0_i32_1 = arith.constant 0 : i32
    return %c0_i32, %c0_i32_0 : i32, i32
  }
  func.func @transform_5(%arg0: i32) -> (i32, i32) {
    %c0_i32 = arith.constant 0 : i32
    %c0_i32_0 = arith.constant 0 : i32
    %c0_i32_1 = arith.constant 0 : i32
    return %c0_i32, %c0_i32_0 : i32, i32
  }
  func.func @transform_6(%arg0: i32) -> (i32, i32) {
    %c0_i32 = arith.constant 0 : i32
    %c0_i32_0 = arith.constant 0 : i32
    return %arg0, %c0_i32 : i32, i32
  }
  func.func @transform_7(%arg0: i32) -> (i32, i32) {
    %c0_i32 = arith.constant 0 : i32
    %c0_i32_0 = arith.constant 0 : i32
    return %arg0, %c0_i32 : i32, i32
  }
  func.func @transform_8(%arg0: i32) -> (i32, i32) {
    %c0_i32 = arith.constant 0 : i32
    %c0_i32_0 = arith.constant 0 : i32
    return %arg0, %c0_i32 : i32, i32
  }
}

module attributes {stable_mosaic.version = 14 : i64} {
  func.func @_topk_body(%arg0: i32, %arg1: memref<256x512xf32, #tpu.memory_space<vmem>>, %arg2: memref<4096x512xf32, #tpu.memory_space<vmem>>, %arg3: memref<256x8xf32, #tpu.memory_space<vmem>>, %arg4: memref<256x8xi32, #tpu.memory_space<vmem>>) attributes {dimension_semantics = [#tpu.dimension_semantics<arbitrary>], iteration_bounds = array<i64: 4>, scalar_prefetch = 0 : i64, scratch_operands = 0 : i64, tpu.core_type = #tpu.core_type<tc>, window_params = [{transform_indices = @transform_0, window_bounds = array<i64: 256, 512>}, {pipeline_mode = #tpu.pipeline_mode<synchronous>, transform_indices = @transform_1, window_bounds = array<i64: 4096, 512>}, {transform_indices = @transform_2, window_bounds = array<i64: 256, 8>}, {transform_indices = @transform_3, window_bounds = array<i64: 256, 8>}]} {
    %get3A = arith.constant 0 : index
    %get3A_0 = arith.constant 0 : index
    %get3A_1 = vector.load %arg1[%get3A, %get3A_0] : memref<256x512xf32, #tpu.memory_space<vmem>>, vector<256x512xf32>
    %mul3A = arith.constant 0.0441941731 : f32
    %mul3A_2 = vector.broadcast %mul3A : f32 to vector<256x512xf32>
    %mul3A_3 = arith.mulf %get3A_1, %mul3A_2 : vector<256x512xf32>
    %get3A_4 = arith.constant 0 : index
    %get3A_5 = arith.constant 0 : index
    %get3A_6 = vector.load %arg2[%get3A_4, %get3A_5] : memref<4096x512xf32, #tpu.memory_space<vmem>>, vector<4096x512xf32>
    %dot_general3A = arith.constant dense<0.000000e+00> : vector<256x4096xf32>
    %dot_general3A_7 = tpu.matmul %mul3A_3, %get3A_6, %dot_general3A {dimension_numbers = #tpu.dot_dimension_numbers<[1], [1], [0], [0], [0, 0, 1, 0], [], []>, transpose_lhs_hint = false} : vector<256x512xf32>, vector<4096x512xf32>, vector<256x4096xf32> -> vector<256x4096xf32>
    %iota3A = tpu.iota {dimensions = array<i32: 1>} : vector<256x4096xi32>
    %reduce_max3A = arith.constant dense<0xFF800000> : vector<256xf32>
    %reduce_max3A_8 = vector.multi_reduction <maximumf>, %dot_general3A_7, %reduce_max3A [1] : vector<256x4096xf32> to vector<256xf32>
    %broadcast_in_dim3A = vector.shape_cast %reduce_max3A_8 : vector<256xf32> to vector<256x1xf32>
    %ge3A = vector.broadcast %broadcast_in_dim3A : vector<256x1xf32> to vector<256x4096xf32>
    %ge3A_9 = arith.cmpf oge, %dot_general3A_7, %ge3A : vector<256x4096xf32>
    %jit3A = arith.constant 1073741824 : i32
    %broadcast_in_dim3A_10 = vector.broadcast %jit3A : i32 to vector<256x4096xi32>
    %select_n3A = arith.select %ge3A_9, %iota3A, %broadcast_in_dim3A_10 : vector<256x4096xi1>, vector<256x4096xi32>
    %reduce_min3A = arith.constant dense<2147483647> : vector<256xi32>
    %reduce_min3A_11 = vector.multi_reduction <minsi>, %select_n3A, %reduce_min3A [1] : vector<256x4096xi32> to vector<256xi32>
    %broadcast_in_dim3A_12 = vector.shape_cast %reduce_min3A_11 : vector<256xi32> to vector<256x1xi32>
    %eq3A = vector.broadcast %broadcast_in_dim3A_12 : vector<256x1xi32> to vector<256x4096xi32>
    %eq3A_13 = arith.cmpi eq, %iota3A, %eq3A : vector<256x4096xi32>
    %jit3A_14 = arith.constant -1.000000e+30 : f32
    %broadcast_in_dim3A_15 = vector.broadcast %jit3A_14 : f32 to vector<256x4096xf32>
    %select_n3A_16 = arith.select %eq3A_13, %broadcast_in_dim3A_15, %dot_general3A_7 : vector<256x4096xi1>, vector<256x4096xf32>
    %reduce_max3A_17 = arith.constant dense<0xFF800000> : vector<256xf32>
    %reduce_max3A_18 = vector.multi_reduction <maximumf>, %select_n3A_16, %reduce_max3A_17 [1] : vector<256x4096xf32> to vector<256xf32>
    %broadcast_in_dim3A_19 = vector.shape_cast %reduce_max3A_18 : vector<256xf32> to vector<256x1xf32>
    %ge3A_20 = vector.broadcast %broadcast_in_dim3A_19 : vector<256x1xf32> to vector<256x4096xf32>
    %ge3A_21 = arith.cmpf oge, %select_n3A_16, %ge3A_20 : vector<256x4096xf32>
    %jit3A_22 = arith.constant 1073741824 : i32
    %broadcast_in_dim3A_23 = vector.broadcast %jit3A_22 : i32 to vector<256x4096xi32>
    %select_n3A_24 = arith.select %ge3A_21, %iota3A, %broadcast_in_dim3A_23 : vector<256x4096xi1>, vector<256x4096xi32>
    %reduce_min3A_25 = arith.constant dense<2147483647> : vector<256xi32>
    %reduce_min3A_26 = vector.multi_reduction <minsi>, %select_n3A_24, %reduce_min3A_25 [1] : vector<256x4096xi32> to vector<256xi32>
    %broadcast_in_dim3A_27 = vector.shape_cast %reduce_min3A_26 : vector<256xi32> to vector<256x1xi32>
    %eq3A_28 = vector.broadcast %broadcast_in_dim3A_27 : vector<256x1xi32> to vector<256x4096xi32>
    %eq3A_29 = arith.cmpi eq, %iota3A, %eq3A_28 : vector<256x4096xi32>
    %jit3A_30 = arith.constant -1.000000e+30 : f32
    %broadcast_in_dim3A_31 = vector.broadcast %jit3A_30 : f32 to vector<256x4096xf32>
    %select_n3A_32 = arith.select %eq3A_29, %broadcast_in_dim3A_31, %select_n3A_16 : vector<256x4096xi1>, vector<256x4096xf32>
    %reduce_max3A_33 = arith.constant dense<0xFF800000> : vector<256xf32>
    %reduce_max3A_34 = vector.multi_reduction <maximumf>, %select_n3A_32, %reduce_max3A_33 [1] : vector<256x4096xf32> to vector<256xf32>
    %broadcast_in_dim3A_35 = vector.shape_cast %reduce_max3A_34 : vector<256xf32> to vector<256x1xf32>
    %ge3A_36 = vector.broadcast %broadcast_in_dim3A_35 : vector<256x1xf32> to vector<256x4096xf32>
    %ge3A_37 = arith.cmpf oge, %select_n3A_32, %ge3A_36 : vector<256x4096xf32>
    %jit3A_38 = arith.constant 1073741824 : i32
    %broadcast_in_dim3A_39 = vector.broadcast %jit3A_38 : i32 to vector<256x4096xi32>
    %select_n3A_40 = arith.select %ge3A_37, %iota3A, %broadcast_in_dim3A_39 : vector<256x4096xi1>, vector<256x4096xi32>
    %reduce_min3A_41 = arith.constant dense<2147483647> : vector<256xi32>
    %reduce_min3A_42 = vector.multi_reduction <minsi>, %select_n3A_40, %reduce_min3A_41 [1] : vector<256x4096xi32> to vector<256xi32>
    %broadcast_in_dim3A_43 = vector.shape_cast %reduce_min3A_42 : vector<256xi32> to vector<256x1xi32>
    %eq3A_44 = vector.broadcast %broadcast_in_dim3A_43 : vector<256x1xi32> to vector<256x4096xi32>
    %eq3A_45 = arith.cmpi eq, %iota3A, %eq3A_44 : vector<256x4096xi32>
    %jit3A_46 = arith.constant -1.000000e+30 : f32
    %broadcast_in_dim3A_47 = vector.broadcast %jit3A_46 : f32 to vector<256x4096xf32>
    %select_n3A_48 = arith.select %eq3A_45, %broadcast_in_dim3A_47, %select_n3A_32 : vector<256x4096xi1>, vector<256x4096xf32>
    %reduce_max3A_49 = arith.constant dense<0xFF800000> : vector<256xf32>
    %reduce_max3A_50 = vector.multi_reduction <maximumf>, %select_n3A_48, %reduce_max3A_49 [1] : vector<256x4096xf32> to vector<256xf32>
    %broadcast_in_dim3A_51 = vector.shape_cast %reduce_max3A_50 : vector<256xf32> to vector<256x1xf32>
    %ge3A_52 = vector.broadcast %broadcast_in_dim3A_51 : vector<256x1xf32> to vector<256x4096xf32>
    %ge3A_53 = arith.cmpf oge, %select_n3A_48, %ge3A_52 : vector<256x4096xf32>
    %jit3A_54 = arith.constant 1073741824 : i32
    %broadcast_in_dim3A_55 = vector.broadcast %jit3A_54 : i32 to vector<256x4096xi32>
    %select_n3A_56 = arith.select %ge3A_53, %iota3A, %broadcast_in_dim3A_55 : vector<256x4096xi1>, vector<256x4096xi32>
    %reduce_min3A_57 = arith.constant dense<2147483647> : vector<256xi32>
    %reduce_min3A_58 = vector.multi_reduction <minsi>, %select_n3A_56, %reduce_min3A_57 [1] : vector<256x4096xi32> to vector<256xi32>
    %broadcast_in_dim3A_59 = vector.shape_cast %reduce_min3A_58 : vector<256xi32> to vector<256x1xi32>
    %eq3A_60 = vector.broadcast %broadcast_in_dim3A_59 : vector<256x1xi32> to vector<256x4096xi32>
    %eq3A_61 = arith.cmpi eq, %iota3A, %eq3A_60 : vector<256x4096xi32>
    %jit3A_62 = arith.constant -1.000000e+30 : f32
    %broadcast_in_dim3A_63 = vector.broadcast %jit3A_62 : f32 to vector<256x4096xf32>
    %select_n3A_64 = arith.select %eq3A_61, %broadcast_in_dim3A_63, %select_n3A_48 : vector<256x4096xi1>, vector<256x4096xf32>
    %reduce_max3A_65 = arith.constant dense<0xFF800000> : vector<256xf32>
    %reduce_max3A_66 = vector.multi_reduction <maximumf>, %select_n3A_64, %reduce_max3A_65 [1] : vector<256x4096xf32> to vector<256xf32>
    %broadcast_in_dim3A_67 = vector.shape_cast %reduce_max3A_66 : vector<256xf32> to vector<256x1xf32>
    %ge3A_68 = vector.broadcast %broadcast_in_dim3A_67 : vector<256x1xf32> to vector<256x4096xf32>
    %ge3A_69 = arith.cmpf oge, %select_n3A_64, %ge3A_68 : vector<256x4096xf32>
    %jit3A_70 = arith.constant 1073741824 : i32
    %broadcast_in_dim3A_71 = vector.broadcast %jit3A_70 : i32 to vector<256x4096xi32>
    %select_n3A_72 = arith.select %ge3A_69, %iota3A, %broadcast_in_dim3A_71 : vector<256x4096xi1>, vector<256x4096xi32>
    %reduce_min3A_73 = arith.constant dense<2147483647> : vector<256xi32>
    %reduce_min3A_74 = vector.multi_reduction <minsi>, %select_n3A_72, %reduce_min3A_73 [1] : vector<256x4096xi32> to vector<256xi32>
    %broadcast_in_dim3A_75 = vector.shape_cast %reduce_min3A_74 : vector<256xi32> to vector<256x1xi32>
    %eq3A_76 = vector.broadcast %broadcast_in_dim3A_75 : vector<256x1xi32> to vector<256x4096xi32>
    %eq3A_77 = arith.cmpi eq, %iota3A, %eq3A_76 : vector<256x4096xi32>
    %jit3A_78 = arith.constant -1.000000e+30 : f32
    %broadcast_in_dim3A_79 = vector.broadcast %jit3A_78 : f32 to vector<256x4096xf32>
    %select_n3A_80 = arith.select %eq3A_77, %broadcast_in_dim3A_79, %select_n3A_64 : vector<256x4096xi1>, vector<256x4096xf32>
    %reduce_max3A_81 = arith.constant dense<0xFF800000> : vector<256xf32>
    %reduce_max3A_82 = vector.multi_reduction <maximumf>, %select_n3A_80, %reduce_max3A_81 [1] : vector<256x4096xf32> to vector<256xf32>
    %broadcast_in_dim3A_83 = vector.shape_cast %reduce_max3A_82 : vector<256xf32> to vector<256x1xf32>
    %ge3A_84 = vector.broadcast %broadcast_in_dim3A_83 : vector<256x1xf32> to vector<256x4096xf32>
    %ge3A_85 = arith.cmpf oge, %select_n3A_80, %ge3A_84 : vector<256x4096xf32>
    %jit3A_86 = arith.constant 1073741824 : i32
    %broadcast_in_dim3A_87 = vector.broadcast %jit3A_86 : i32 to vector<256x4096xi32>
    %select_n3A_88 = arith.select %ge3A_85, %iota3A, %broadcast_in_dim3A_87 : vector<256x4096xi1>, vector<256x4096xi32>
    %reduce_min3A_89 = arith.constant dense<2147483647> : vector<256xi32>
    %reduce_min3A_90 = vector.multi_reduction <minsi>, %select_n3A_88, %reduce_min3A_89 [1] : vector<256x4096xi32> to vector<256xi32>
    %broadcast_in_dim3A_91 = vector.shape_cast %reduce_min3A_90 : vector<256xi32> to vector<256x1xi32>
    %concatenate3A = tpu.concatenate %broadcast_in_dim3A, %broadcast_in_dim3A_19, %broadcast_in_dim3A_35, %broadcast_in_dim3A_51, %broadcast_in_dim3A_67, %broadcast_in_dim3A_83 in 1 : vector<256x1xf32>, vector<256x1xf32>, vector<256x1xf32>, vector<256x1xf32>, vector<256x1xf32>, vector<256x1xf32> -> vector<256x6xf32>
    %sub3A = vector.broadcast %broadcast_in_dim3A : vector<256x1xf32> to vector<256x6xf32>
    %sub3A_92 = arith.subf %concatenate3A, %sub3A : vector<256x6xf32>
    %exp3A = math.exp %sub3A_92 : vector<256x6xf32>
    %reduce_sum3A = arith.constant dense<0.000000e+00> : vector<256xf32>
    %reduce_sum3A_93 = vector.multi_reduction <add>, %exp3A, %reduce_sum3A [1] : vector<256x6xf32> to vector<256xf32>
    %broadcast_in_dim3A_94 = vector.shape_cast %reduce_sum3A_93 : vector<256xf32> to vector<256x1xf32>
    %div3A = vector.broadcast %broadcast_in_dim3A_94 : vector<256x1xf32> to vector<256x6xf32>
    %div3A_95 = arith.divf %exp3A, %div3A : vector<256x6xf32>
    %broadcast_in_dim3A_96 = arith.constant 0.000000e+00 : f32
    %broadcast_in_dim3A_97 = vector.broadcast %broadcast_in_dim3A_96 : f32 to vector<256x1xf32>
    %concatenate3A_98 = tpu.concatenate %div3A_95, %broadcast_in_dim3A_97, %broadcast_in_dim3A_97 in 1 : vector<256x6xf32>, vector<256x1xf32>, vector<256x1xf32> -> vector<256x8xf32>
    %swap3A = arith.constant 0 : index
    %swap3A_99 = arith.constant 0 : index
    %swap3A_100 = vector.load %arg3[%swap3A, %swap3A_99] : memref<256x8xf32, #tpu.memory_space<vmem>>, vector<256x8xf32>
    tpu.vector_store %arg3[%swap3A, %swap3A_99], %concatenate3A_98 {strides = array<i32>} : memref<256x8xf32, #tpu.memory_space<vmem>>, vector<256x8xf32>,
    %broadcast_in_dim3A_101 = arith.constant 0 : i32
    %broadcast_in_dim3A_102 = vector.broadcast %broadcast_in_dim3A_101 : i32 to vector<256x1xi32>
    %concatenate3A_103 = tpu.concatenate %broadcast_in_dim3A_12, %broadcast_in_dim3A_27, %broadcast_in_dim3A_43, %broadcast_in_dim3A_59, %broadcast_in_dim3A_75, %broadcast_in_dim3A_91, %broadcast_in_dim3A_102, %broadcast_in_dim3A_102 in 1 : vector<256x1xi32>, vector<256x1xi32>, vector<256x1xi32>, vector<256x1xi32>, vector<256x1xi32>, vector<256x1xi32>, vector<256x1xi32>, vector<256x1xi32> -> vector<256x8xi32>
    %swap3A_104 = arith.constant 0 : index
    %swap3A_105 = arith.constant 0 : index
    %swap3A_106 = vector.load %arg4[%swap3A_104, %swap3A_105] : memref<256x8xi32, #tpu.memory_space<vmem>>, vector<256x8xi32>
    tpu.vector_store %arg4[%swap3A_104, %swap3A_105], %concatenate3A_103 {strides = array<i32>} : memref<256x8xi32, #tpu.memory_space<vmem>>, vector<256x8xi32>,
    return
  }
  func.func @transform_0(%arg0: i32) -> (i32, i32) {
    %add3A = arith.constant 0 : i32
    %add3A_0 = arith.addi %arg0, %add3A : i32
    %c0_i32 = arith.constant 0 : i32
    %c0_i32_1 = arith.constant 0 : i32
    return %add3A_0, %c0_i32 : i32, i32
  }
  func.func @transform_1(%arg0: i32) -> (i32, i32) {
    %c0_i32 = arith.constant 0 : i32
    %c0_i32_0 = arith.constant 0 : i32
    %c0_i32_1 = arith.constant 0 : i32
    return %c0_i32, %c0_i32_0 : i32, i32
  }
  func.func @transform_2(%arg0: i32) -> (i32, i32) {
    %c0_i32 = arith.constant 0 : i32
    %c0_i32_0 = arith.constant 0 : i32
    return %arg0, %c0_i32 : i32, i32
  }
  func.func @transform_3(%arg0: i32) -> (i32, i32) {
    %c0_i32 = arith.constant 0 : i32
    %c0_i32_0 = arith.constant 0 : i32
    return %arg0, %c0_i32 : i32, i32
  }
}

module attributes {stable_mosaic.version = 14 : i64} {
  func.func @_topk_body(%arg0: i32, %arg1: memref<256x512xf32, #tpu.memory_space<vmem>>, %arg2: memref<4096x512xf32, #tpu.memory_space<vmem>>, %arg3: memref<256x8xf32, #tpu.memory_space<vmem>>, %arg4: memref<256x8xi32, #tpu.memory_space<vmem>>) attributes {dimension_semantics = [#tpu.dimension_semantics<arbitrary>], iteration_bounds = array<i64: 4>, scalar_prefetch = 0 : i64, scratch_operands = 0 : i64, tpu.core_type = #tpu.core_type<tc>, window_params = [{transform_indices = @transform_0, window_bounds = array<i64: 256, 512>}, {pipeline_mode = #tpu.pipeline_mode<synchronous>, transform_indices = @transform_1, window_bounds = array<i64: 4096, 512>}, {transform_indices = @transform_2, window_bounds = array<i64: 256, 8>}, {transform_indices = @transform_3, window_bounds = array<i64: 256, 8>}]} {
    %get3A = arith.constant 0 : index
    %get3A_0 = arith.constant 0 : index
    %get3A_1 = vector.load %arg1[%get3A, %get3A_0] : memref<256x512xf32, #tpu.memory_space<vmem>>, vector<256x512xf32>
    %mul3A = arith.constant 0.0441941731 : f32
    %mul3A_2 = vector.broadcast %mul3A : f32 to vector<256x512xf32>
    %mul3A_3 = arith.mulf %get3A_1, %mul3A_2 : vector<256x512xf32>
    %get3A_4 = arith.constant 0 : index
    %get3A_5 = arith.constant 0 : index
    %get3A_6 = vector.load %arg2[%get3A_4, %get3A_5] : memref<4096x512xf32, #tpu.memory_space<vmem>>, vector<4096x512xf32>
    %dot_general3A = arith.constant dense<0.000000e+00> : vector<256x4096xf32>
    %dot_general3A_7 = tpu.matmul %mul3A_3, %get3A_6, %dot_general3A {dimension_numbers = #tpu.dot_dimension_numbers<[1], [1], [0], [0], [0, 0, 1, 0], [], []>, transpose_lhs_hint = false} : vector<256x512xf32>, vector<4096x512xf32>, vector<256x4096xf32> -> vector<256x4096xf32>
    %iota3A = tpu.iota {dimensions = array<i32: 1>} : vector<256x4096xi32>
    %reduce_max3A = arith.constant dense<0xFF800000> : vector<256xf32>
    %reduce_max3A_8 = vector.multi_reduction <maximumf>, %dot_general3A_7, %reduce_max3A [1] : vector<256x4096xf32> to vector<256xf32>
    %broadcast_in_dim3A = vector.shape_cast %reduce_max3A_8 : vector<256xf32> to vector<256x1xf32>
    %ge3A = vector.broadcast %broadcast_in_dim3A : vector<256x1xf32> to vector<256x4096xf32>
    %ge3A_9 = arith.cmpf oge, %dot_general3A_7, %ge3A : vector<256x4096xf32>
    %jit3A = arith.constant 1073741824 : i32
    %broadcast_in_dim3A_10 = vector.broadcast %jit3A : i32 to vector<256x4096xi32>
    %select_n3A = arith.select %ge3A_9, %iota3A, %broadcast_in_dim3A_10 : vector<256x4096xi1>, vector<256x4096xi32>
    %reduce_min3A = arith.constant dense<2147483647> : vector<256xi32>
    %reduce_min3A_11 = vector.multi_reduction <minsi>, %select_n3A, %reduce_min3A [1] : vector<256x4096xi32> to vector<256xi32>
    %broadcast_in_dim3A_12 = vector.shape_cast %reduce_min3A_11 : vector<256xi32> to vector<256x1xi32>
    %eq3A = vector.broadcast %broadcast_in_dim3A_12 : vector<256x1xi32> to vector<256x4096xi32>
    %eq3A_13 = arith.cmpi eq, %iota3A, %eq3A : vector<256x4096xi32>
    %jit3A_14 = arith.constant -1.000000e+30 : f32
    %broadcast_in_dim3A_15 = vector.broadcast %jit3A_14 : f32 to vector<256x4096xf32>
    %select_n3A_16 = arith.select %eq3A_13, %broadcast_in_dim3A_15, %dot_general3A_7 : vector<256x4096xi1>, vector<256x4096xf32>
    %reduce_max3A_17 = arith.constant dense<0xFF800000> : vector<256xf32>
    %reduce_max3A_18 = vector.multi_reduction <maximumf>, %select_n3A_16, %reduce_max3A_17 [1] : vector<256x4096xf32> to vector<256xf32>
    %broadcast_in_dim3A_19 = vector.shape_cast %reduce_max3A_18 : vector<256xf32> to vector<256x1xf32>
    %ge3A_20 = vector.broadcast %broadcast_in_dim3A_19 : vector<256x1xf32> to vector<256x4096xf32>
    %ge3A_21 = arith.cmpf oge, %select_n3A_16, %ge3A_20 : vector<256x4096xf32>
    %jit3A_22 = arith.constant 1073741824 : i32
    %broadcast_in_dim3A_23 = vector.broadcast %jit3A_22 : i32 to vector<256x4096xi32>
    %select_n3A_24 = arith.select %ge3A_21, %iota3A, %broadcast_in_dim3A_23 : vector<256x4096xi1>, vector<256x4096xi32>
    %reduce_min3A_25 = arith.constant dense<2147483647> : vector<256xi32>
    %reduce_min3A_26 = vector.multi_reduction <minsi>, %select_n3A_24, %reduce_min3A_25 [1] : vector<256x4096xi32> to vector<256xi32>
    %broadcast_in_dim3A_27 = vector.shape_cast %reduce_min3A_26 : vector<256xi32> to vector<256x1xi32>
    %eq3A_28 = vector.broadcast %broadcast_in_dim3A_27 : vector<256x1xi32> to vector<256x4096xi32>
    %eq3A_29 = arith.cmpi eq, %iota3A, %eq3A_28 : vector<256x4096xi32>
    %jit3A_30 = arith.constant -1.000000e+30 : f32
    %broadcast_in_dim3A_31 = vector.broadcast %jit3A_30 : f32 to vector<256x4096xf32>
    %select_n3A_32 = arith.select %eq3A_29, %broadcast_in_dim3A_31, %select_n3A_16 : vector<256x4096xi1>, vector<256x4096xf32>
    %reduce_max3A_33 = arith.constant dense<0xFF800000> : vector<256xf32>
    %reduce_max3A_34 = vector.multi_reduction <maximumf>, %select_n3A_32, %reduce_max3A_33 [1] : vector<256x4096xf32> to vector<256xf32>
    %broadcast_in_dim3A_35 = vector.shape_cast %reduce_max3A_34 : vector<256xf32> to vector<256x1xf32>
    %ge3A_36 = vector.broadcast %broadcast_in_dim3A_35 : vector<256x1xf32> to vector<256x4096xf32>
    %ge3A_37 = arith.cmpf oge, %select_n3A_32, %ge3A_36 : vector<256x4096xf32>
    %jit3A_38 = arith.constant 1073741824 : i32
    %broadcast_in_dim3A_39 = vector.broadcast %jit3A_38 : i32 to vector<256x4096xi32>
    %select_n3A_40 = arith.select %ge3A_37, %iota3A, %broadcast_in_dim3A_39 : vector<256x4096xi1>, vector<256x4096xi32>
    %reduce_min3A_41 = arith.constant dense<2147483647> : vector<256xi32>
    %reduce_min3A_42 = vector.multi_reduction <minsi>, %select_n3A_40, %reduce_min3A_41 [1] : vector<256x4096xi32> to vector<256xi32>
    %broadcast_in_dim3A_43 = vector.shape_cast %reduce_min3A_42 : vector<256xi32> to vector<256x1xi32>
    %eq3A_44 = vector.broadcast %broadcast_in_dim3A_43 : vector<256x1xi32> to vector<256x4096xi32>
    %eq3A_45 = arith.cmpi eq, %iota3A, %eq3A_44 : vector<256x4096xi32>
    %jit3A_46 = arith.constant -1.000000e+30 : f32
    %broadcast_in_dim3A_47 = vector.broadcast %jit3A_46 : f32 to vector<256x4096xf32>
    %select_n3A_48 = arith.select %eq3A_45, %broadcast_in_dim3A_47, %select_n3A_32 : vector<256x4096xi1>, vector<256x4096xf32>
    %reduce_max3A_49 = arith.constant dense<0xFF800000> : vector<256xf32>
    %reduce_max3A_50 = vector.multi_reduction <maximumf>, %select_n3A_48, %reduce_max3A_49 [1] : vector<256x4096xf32> to vector<256xf32>
    %broadcast_in_dim3A_51 = vector.shape_cast %reduce_max3A_50 : vector<256xf32> to vector<256x1xf32>
    %ge3A_52 = vector.broadcast %broadcast_in_dim3A_51 : vector<256x1xf32> to vector<256x4096xf32>
    %ge3A_53 = arith.cmpf oge, %select_n3A_48, %ge3A_52 : vector<256x4096xf32>
    %jit3A_54 = arith.constant 1073741824 : i32
    %broadcast_in_dim3A_55 = vector.broadcast %jit3A_54 : i32 to vector<256x4096xi32>
    %select_n3A_56 = arith.select %ge3A_53, %iota3A, %broadcast_in_dim3A_55 : vector<256x4096xi1>, vector<256x4096xi32>
    %reduce_min3A_57 = arith.constant dense<2147483647> : vector<256xi32>
    %reduce_min3A_58 = vector.multi_reduction <minsi>, %select_n3A_56, %reduce_min3A_57 [1] : vector<256x4096xi32> to vector<256xi32>
    %broadcast_in_dim3A_59 = vector.shape_cast %reduce_min3A_58 : vector<256xi32> to vector<256x1xi32>
    %eq3A_60 = vector.broadcast %broadcast_in_dim3A_59 : vector<256x1xi32> to vector<256x4096xi32>
    %eq3A_61 = arith.cmpi eq, %iota3A, %eq3A_60 : vector<256x4096xi32>
    %jit3A_62 = arith.constant -1.000000e+30 : f32
    %broadcast_in_dim3A_63 = vector.broadcast %jit3A_62 : f32 to vector<256x4096xf32>
    %select_n3A_64 = arith.select %eq3A_61, %broadcast_in_dim3A_63, %select_n3A_48 : vector<256x4096xi1>, vector<256x4096xf32>
    %reduce_max3A_65 = arith.constant dense<0xFF800000> : vector<256xf32>
    %reduce_max3A_66 = vector.multi_reduction <maximumf>, %select_n3A_64, %reduce_max3A_65 [1] : vector<256x4096xf32> to vector<256xf32>
    %broadcast_in_dim3A_67 = vector.shape_cast %reduce_max3A_66 : vector<256xf32> to vector<256x1xf32>
    %ge3A_68 = vector.broadcast %broadcast_in_dim3A_67 : vector<256x1xf32> to vector<256x4096xf32>
    %ge3A_69 = arith.cmpf oge, %select_n3A_64, %ge3A_68 : vector<256x4096xf32>
    %jit3A_70 = arith.constant 1073741824 : i32
    %broadcast_in_dim3A_71 = vector.broadcast %jit3A_70 : i32 to vector<256x4096xi32>
    %select_n3A_72 = arith.select %ge3A_69, %iota3A, %broadcast_in_dim3A_71 : vector<256x4096xi1>, vector<256x4096xi32>
    %reduce_min3A_73 = arith.constant dense<2147483647> : vector<256xi32>
    %reduce_min3A_74 = vector.multi_reduction <minsi>, %select_n3A_72, %reduce_min3A_73 [1] : vector<256x4096xi32> to vector<256xi32>
    %broadcast_in_dim3A_75 = vector.shape_cast %reduce_min3A_74 : vector<256xi32> to vector<256x1xi32>
    %eq3A_76 = vector.broadcast %broadcast_in_dim3A_75 : vector<256x1xi32> to vector<256x4096xi32>
    %eq3A_77 = arith.cmpi eq, %iota3A, %eq3A_76 : vector<256x4096xi32>
    %jit3A_78 = arith.constant -1.000000e+30 : f32
    %broadcast_in_dim3A_79 = vector.broadcast %jit3A_78 : f32 to vector<256x4096xf32>
    %select_n3A_80 = arith.select %eq3A_77, %broadcast_in_dim3A_79, %select_n3A_64 : vector<256x4096xi1>, vector<256x4096xf32>
    %reduce_max3A_81 = arith.constant dense<0xFF800000> : vector<256xf32>
    %reduce_max3A_82 = vector.multi_reduction <maximumf>, %select_n3A_80, %reduce_max3A_81 [1] : vector<256x4096xf32> to vector<256xf32>
    %broadcast_in_dim3A_83 = vector.shape_cast %reduce_max3A_82 : vector<256xf32> to vector<256x1xf32>
    %ge3A_84 = vector.broadcast %broadcast_in_dim3A_83 : vector<256x1xf32> to vector<256x4096xf32>
    %ge3A_85 = arith.cmpf oge, %select_n3A_80, %ge3A_84 : vector<256x4096xf32>
    %jit3A_86 = arith.constant 1073741824 : i32
    %broadcast_in_dim3A_87 = vector.broadcast %jit3A_86 : i32 to vector<256x4096xi32>
    %select_n3A_88 = arith.select %ge3A_85, %iota3A, %broadcast_in_dim3A_87 : vector<256x4096xi1>, vector<256x4096xi32>
    %reduce_min3A_89 = arith.constant dense<2147483647> : vector<256xi32>
    %reduce_min3A_90 = vector.multi_reduction <minsi>, %select_n3A_88, %reduce_min3A_89 [1] : vector<256x4096xi32> to vector<256xi32>
    %broadcast_in_dim3A_91 = vector.shape_cast %reduce_min3A_90 : vector<256xi32> to vector<256x1xi32>
    %concatenate3A = tpu.concatenate %broadcast_in_dim3A, %broadcast_in_dim3A_19, %broadcast_in_dim3A_35, %broadcast_in_dim3A_51, %broadcast_in_dim3A_67, %broadcast_in_dim3A_83 in 1 : vector<256x1xf32>, vector<256x1xf32>, vector<256x1xf32>, vector<256x1xf32>, vector<256x1xf32>, vector<256x1xf32> -> vector<256x6xf32>
    %sub3A = vector.broadcast %broadcast_in_dim3A : vector<256x1xf32> to vector<256x6xf32>
    %sub3A_92 = arith.subf %concatenate3A, %sub3A : vector<256x6xf32>
    %exp3A = math.exp %sub3A_92 : vector<256x6xf32>
    %reduce_sum3A = arith.constant dense<0.000000e+00> : vector<256xf32>
    %reduce_sum3A_93 = vector.multi_reduction <add>, %exp3A, %reduce_sum3A [1] : vector<256x6xf32> to vector<256xf32>
    %broadcast_in_dim3A_94 = vector.shape_cast %reduce_sum3A_93 : vector<256xf32> to vector<256x1xf32>
    %div3A = vector.broadcast %broadcast_in_dim3A_94 : vector<256x1xf32> to vector<256x6xf32>
    %div3A_95 = arith.divf %exp3A, %div3A : vector<256x6xf32>
    %broadcast_in_dim3A_96 = arith.constant 0.000000e+00 : f32
    %broadcast_in_dim3A_97 = vector.broadcast %broadcast_in_dim3A_96 : f32 to vector<256x1xf32>
    %concatenate3A_98 = tpu.concatenate %div3A_95, %broadcast_in_dim3A_97, %broadcast_in_dim3A_97 in 1 : vector<256x6xf32>, vector<256x1xf32>, vector<256x1xf32> -> vector<256x8xf32>
    %swap3A = arith.constant 0 : index
    %swap3A_99 = arith.constant 0 : index
    %swap3A_100 = vector.load %arg3[%swap3A, %swap3A_99] : memref<256x8xf32, #tpu.memory_space<vmem>>, vector<256x8xf32>
    tpu.vector_store %arg3[%swap3A, %swap3A_99], %concatenate3A_98 {strides = array<i32>} : memref<256x8xf32, #tpu.memory_space<vmem>>, vector<256x8xf32>,
    %broadcast_in_dim3A_101 = arith.constant 0 : i32
    %broadcast_in_dim3A_102 = vector.broadcast %broadcast_in_dim3A_101 : i32 to vector<256x1xi32>
    %concatenate3A_103 = tpu.concatenate %broadcast_in_dim3A_12, %broadcast_in_dim3A_27, %broadcast_in_dim3A_43, %broadcast_in_dim3A_59, %broadcast_in_dim3A_75, %broadcast_in_dim3A_91, %broadcast_in_dim3A_102, %broadcast_in_dim3A_102 in 1 : vector<256x1xi32>, vector<256x1xi32>, vector<256x1xi32>, vector<256x1xi32>, vector<256x1xi32>, vector<256x1xi32>, vector<256x1xi32>, vector<256x1xi32> -> vector<256x8xi32>
    %swap3A_104 = arith.constant 0 : index
    %swap3A_105 = arith.constant 0 : index
    %swap3A_106 = vector.load %arg4[%swap3A_104, %swap3A_105] : memref<256x8xi32, #tpu.memory_space<vmem>>, vector<256x8xi32>
    tpu.vector_store %arg4[%swap3A_104, %swap3A_105], %concatenate3A_103 {strides = array<i32>} : memref<256x8xi32, #tpu.memory_space<vmem>>, vector<256x8xi32>,
    return
  }
  func.func @transform_0(%arg0: i32) -> (i32, i32) {
    %add3A = arith.constant 8 : i32
    %add3A_0 = arith.addi %arg0, %add3A : i32
    %c0_i32 = arith.constant 0 : i32
    %c0_i32_1 = arith.constant 0 : i32
    return %add3A_0, %c0_i32 : i32, i32
  }
  func.func @transform_1(%arg0: i32) -> (i32, i32) {
    %c0_i32 = arith.constant 0 : i32
    %c0_i32_0 = arith.constant 0 : i32
    %c0_i32_1 = arith.constant 0 : i32
    return %c0_i32, %c0_i32_0 : i32, i32
  }
  func.func @transform_2(%arg0: i32) -> (i32, i32) {
    %c0_i32 = arith.constant 0 : i32
    %c0_i32_0 = arith.constant 0 : i32
    return %arg0, %c0_i32 : i32, i32
  }
  func.func @transform_3(%arg0: i32) -> (i32, i32) {
    %c0_i32 = arith.constant 0 : i32
    %c0_i32_0 = arith.constant 0 : i32
    return %arg0, %c0_i32 : i32, i32
  }
}

module attributes {stable_mosaic.version = 14 : i64} {
  func.func @_topk_body(%arg0: i32, %arg1: memref<256x512xf32, #tpu.memory_space<vmem>>, %arg2: memref<4096x512xf32, #tpu.memory_space<vmem>>, %arg3: memref<256x8xf32, #tpu.memory_space<vmem>>, %arg4: memref<256x8xi32, #tpu.memory_space<vmem>>) attributes {dimension_semantics = [#tpu.dimension_semantics<arbitrary>], iteration_bounds = array<i64: 4>, scalar_prefetch = 0 : i64, scratch_operands = 0 : i64, tpu.core_type = #tpu.core_type<tc>, window_params = [{transform_indices = @transform_0, window_bounds = array<i64: 256, 512>}, {pipeline_mode = #tpu.pipeline_mode<synchronous>, transform_indices = @transform_1, window_bounds = array<i64: 4096, 512>}, {transform_indices = @transform_2, window_bounds = array<i64: 256, 8>}, {transform_indices = @transform_3, window_bounds = array<i64: 256, 8>}]} {
    %get3A = arith.constant 0 : index
    %get3A_0 = arith.constant 0 : index
    %get3A_1 = vector.load %arg1[%get3A, %get3A_0] : memref<256x512xf32, #tpu.memory_space<vmem>>, vector<256x512xf32>
    %mul3A = arith.constant 0.0441941731 : f32
    %mul3A_2 = vector.broadcast %mul3A : f32 to vector<256x512xf32>
    %mul3A_3 = arith.mulf %get3A_1, %mul3A_2 : vector<256x512xf32>
    %get3A_4 = arith.constant 0 : index
    %get3A_5 = arith.constant 0 : index
    %get3A_6 = vector.load %arg2[%get3A_4, %get3A_5] : memref<4096x512xf32, #tpu.memory_space<vmem>>, vector<4096x512xf32>
    %dot_general3A = arith.constant dense<0.000000e+00> : vector<256x4096xf32>
    %dot_general3A_7 = tpu.matmul %mul3A_3, %get3A_6, %dot_general3A {dimension_numbers = #tpu.dot_dimension_numbers<[1], [1], [0], [0], [0, 0, 1, 0], [], []>, transpose_lhs_hint = false} : vector<256x512xf32>, vector<4096x512xf32>, vector<256x4096xf32> -> vector<256x4096xf32>
    %iota3A = tpu.iota {dimensions = array<i32: 1>} : vector<256x4096xi32>
    %reduce_max3A = arith.constant dense<0xFF800000> : vector<256xf32>
    %reduce_max3A_8 = vector.multi_reduction <maximumf>, %dot_general3A_7, %reduce_max3A [1] : vector<256x4096xf32> to vector<256xf32>
    %broadcast_in_dim3A = vector.shape_cast %reduce_max3A_8 : vector<256xf32> to vector<256x1xf32>
    %ge3A = vector.broadcast %broadcast_in_dim3A : vector<256x1xf32> to vector<256x4096xf32>
    %ge3A_9 = arith.cmpf oge, %dot_general3A_7, %ge3A : vector<256x4096xf32>
    %jit3A = arith.constant 1073741824 : i32
    %broadcast_in_dim3A_10 = vector.broadcast %jit3A : i32 to vector<256x4096xi32>
    %select_n3A = arith.select %ge3A_9, %iota3A, %broadcast_in_dim3A_10 : vector<256x4096xi1>, vector<256x4096xi32>
    %reduce_min3A = arith.constant dense<2147483647> : vector<256xi32>
    %reduce_min3A_11 = vector.multi_reduction <minsi>, %select_n3A, %reduce_min3A [1] : vector<256x4096xi32> to vector<256xi32>
    %broadcast_in_dim3A_12 = vector.shape_cast %reduce_min3A_11 : vector<256xi32> to vector<256x1xi32>
    %eq3A = vector.broadcast %broadcast_in_dim3A_12 : vector<256x1xi32> to vector<256x4096xi32>
    %eq3A_13 = arith.cmpi eq, %iota3A, %eq3A : vector<256x4096xi32>
    %jit3A_14 = arith.constant -1.000000e+30 : f32
    %broadcast_in_dim3A_15 = vector.broadcast %jit3A_14 : f32 to vector<256x4096xf32>
    %select_n3A_16 = arith.select %eq3A_13, %broadcast_in_dim3A_15, %dot_general3A_7 : vector<256x4096xi1>, vector<256x4096xf32>
    %reduce_max3A_17 = arith.constant dense<0xFF800000> : vector<256xf32>
    %reduce_max3A_18 = vector.multi_reduction <maximumf>, %select_n3A_16, %reduce_max3A_17 [1] : vector<256x4096xf32> to vector<256xf32>
    %broadcast_in_dim3A_19 = vector.shape_cast %reduce_max3A_18 : vector<256xf32> to vector<256x1xf32>
    %ge3A_20 = vector.broadcast %broadcast_in_dim3A_19 : vector<256x1xf32> to vector<256x4096xf32>
    %ge3A_21 = arith.cmpf oge, %select_n3A_16, %ge3A_20 : vector<256x4096xf32>
    %jit3A_22 = arith.constant 1073741824 : i32
    %broadcast_in_dim3A_23 = vector.broadcast %jit3A_22 : i32 to vector<256x4096xi32>
    %select_n3A_24 = arith.select %ge3A_21, %iota3A, %broadcast_in_dim3A_23 : vector<256x4096xi1>, vector<256x4096xi32>
    %reduce_min3A_25 = arith.constant dense<2147483647> : vector<256xi32>
    %reduce_min3A_26 = vector.multi_reduction <minsi>, %select_n3A_24, %reduce_min3A_25 [1] : vector<256x4096xi32> to vector<256xi32>
    %broadcast_in_dim3A_27 = vector.shape_cast %reduce_min3A_26 : vector<256xi32> to vector<256x1xi32>
    %eq3A_28 = vector.broadcast %broadcast_in_dim3A_27 : vector<256x1xi32> to vector<256x4096xi32>
    %eq3A_29 = arith.cmpi eq, %iota3A, %eq3A_28 : vector<256x4096xi32>
    %jit3A_30 = arith.constant -1.000000e+30 : f32
    %broadcast_in_dim3A_31 = vector.broadcast %jit3A_30 : f32 to vector<256x4096xf32>
    %select_n3A_32 = arith.select %eq3A_29, %broadcast_in_dim3A_31, %select_n3A_16 : vector<256x4096xi1>, vector<256x4096xf32>
    %reduce_max3A_33 = arith.constant dense<0xFF800000> : vector<256xf32>
    %reduce_max3A_34 = vector.multi_reduction <maximumf>, %select_n3A_32, %reduce_max3A_33 [1] : vector<256x4096xf32> to vector<256xf32>
    %broadcast_in_dim3A_35 = vector.shape_cast %reduce_max3A_34 : vector<256xf32> to vector<256x1xf32>
    %ge3A_36 = vector.broadcast %broadcast_in_dim3A_35 : vector<256x1xf32> to vector<256x4096xf32>
    %ge3A_37 = arith.cmpf oge, %select_n3A_32, %ge3A_36 : vector<256x4096xf32>
    %jit3A_38 = arith.constant 1073741824 : i32
    %broadcast_in_dim3A_39 = vector.broadcast %jit3A_38 : i32 to vector<256x4096xi32>
    %select_n3A_40 = arith.select %ge3A_37, %iota3A, %broadcast_in_dim3A_39 : vector<256x4096xi1>, vector<256x4096xi32>
    %reduce_min3A_41 = arith.constant dense<2147483647> : vector<256xi32>
    %reduce_min3A_42 = vector.multi_reduction <minsi>, %select_n3A_40, %reduce_min3A_41 [1] : vector<256x4096xi32> to vector<256xi32>
    %broadcast_in_dim3A_43 = vector.shape_cast %reduce_min3A_42 : vector<256xi32> to vector<256x1xi32>
    %eq3A_44 = vector.broadcast %broadcast_in_dim3A_43 : vector<256x1xi32> to vector<256x4096xi32>
    %eq3A_45 = arith.cmpi eq, %iota3A, %eq3A_44 : vector<256x4096xi32>
    %jit3A_46 = arith.constant -1.000000e+30 : f32
    %broadcast_in_dim3A_47 = vector.broadcast %jit3A_46 : f32 to vector<256x4096xf32>
    %select_n3A_48 = arith.select %eq3A_45, %broadcast_in_dim3A_47, %select_n3A_32 : vector<256x4096xi1>, vector<256x4096xf32>
    %reduce_max3A_49 = arith.constant dense<0xFF800000> : vector<256xf32>
    %reduce_max3A_50 = vector.multi_reduction <maximumf>, %select_n3A_48, %reduce_max3A_49 [1] : vector<256x4096xf32> to vector<256xf32>
    %broadcast_in_dim3A_51 = vector.shape_cast %reduce_max3A_50 : vector<256xf32> to vector<256x1xf32>
    %ge3A_52 = vector.broadcast %broadcast_in_dim3A_51 : vector<256x1xf32> to vector<256x4096xf32>
    %ge3A_53 = arith.cmpf oge, %select_n3A_48, %ge3A_52 : vector<256x4096xf32>
    %jit3A_54 = arith.constant 1073741824 : i32
    %broadcast_in_dim3A_55 = vector.broadcast %jit3A_54 : i32 to vector<256x4096xi32>
    %select_n3A_56 = arith.select %ge3A_53, %iota3A, %broadcast_in_dim3A_55 : vector<256x4096xi1>, vector<256x4096xi32>
    %reduce_min3A_57 = arith.constant dense<2147483647> : vector<256xi32>
    %reduce_min3A_58 = vector.multi_reduction <minsi>, %select_n3A_56, %reduce_min3A_57 [1] : vector<256x4096xi32> to vector<256xi32>
    %broadcast_in_dim3A_59 = vector.shape_cast %reduce_min3A_58 : vector<256xi32> to vector<256x1xi32>
    %eq3A_60 = vector.broadcast %broadcast_in_dim3A_59 : vector<256x1xi32> to vector<256x4096xi32>
    %eq3A_61 = arith.cmpi eq, %iota3A, %eq3A_60 : vector<256x4096xi32>
    %jit3A_62 = arith.constant -1.000000e+30 : f32
    %broadcast_in_dim3A_63 = vector.broadcast %jit3A_62 : f32 to vector<256x4096xf32>
    %select_n3A_64 = arith.select %eq3A_61, %broadcast_in_dim3A_63, %select_n3A_48 : vector<256x4096xi1>, vector<256x4096xf32>
    %reduce_max3A_65 = arith.constant dense<0xFF800000> : vector<256xf32>
    %reduce_max3A_66 = vector.multi_reduction <maximumf>, %select_n3A_64, %reduce_max3A_65 [1] : vector<256x4096xf32> to vector<256xf32>
    %broadcast_in_dim3A_67 = vector.shape_cast %reduce_max3A_66 : vector<256xf32> to vector<256x1xf32>
    %ge3A_68 = vector.broadcast %broadcast_in_dim3A_67 : vector<256x1xf32> to vector<256x4096xf32>
    %ge3A_69 = arith.cmpf oge, %select_n3A_64, %ge3A_68 : vector<256x4096xf32>
    %jit3A_70 = arith.constant 1073741824 : i32
    %broadcast_in_dim3A_71 = vector.broadcast %jit3A_70 : i32 to vector<256x4096xi32>
    %select_n3A_72 = arith.select %ge3A_69, %iota3A, %broadcast_in_dim3A_71 : vector<256x4096xi1>, vector<256x4096xi32>
    %reduce_min3A_73 = arith.constant dense<2147483647> : vector<256xi32>
    %reduce_min3A_74 = vector.multi_reduction <minsi>, %select_n3A_72, %reduce_min3A_73 [1] : vector<256x4096xi32> to vector<256xi32>
    %broadcast_in_dim3A_75 = vector.shape_cast %reduce_min3A_74 : vector<256xi32> to vector<256x1xi32>
    %eq3A_76 = vector.broadcast %broadcast_in_dim3A_75 : vector<256x1xi32> to vector<256x4096xi32>
    %eq3A_77 = arith.cmpi eq, %iota3A, %eq3A_76 : vector<256x4096xi32>
    %jit3A_78 = arith.constant -1.000000e+30 : f32
    %broadcast_in_dim3A_79 = vector.broadcast %jit3A_78 : f32 to vector<256x4096xf32>
    %select_n3A_80 = arith.select %eq3A_77, %broadcast_in_dim3A_79, %select_n3A_64 : vector<256x4096xi1>, vector<256x4096xf32>
    %reduce_max3A_81 = arith.constant dense<0xFF800000> : vector<256xf32>
    %reduce_max3A_82 = vector.multi_reduction <maximumf>, %select_n3A_80, %reduce_max3A_81 [1] : vector<256x4096xf32> to vector<256xf32>
    %broadcast_in_dim3A_83 = vector.shape_cast %reduce_max3A_82 : vector<256xf32> to vector<256x1xf32>
    %ge3A_84 = vector.broadcast %broadcast_in_dim3A_83 : vector<256x1xf32> to vector<256x4096xf32>
    %ge3A_85 = arith.cmpf oge, %select_n3A_80, %ge3A_84 : vector<256x4096xf32>
    %jit3A_86 = arith.constant 1073741824 : i32
    %broadcast_in_dim3A_87 = vector.broadcast %jit3A_86 : i32 to vector<256x4096xi32>
    %select_n3A_88 = arith.select %ge3A_85, %iota3A, %broadcast_in_dim3A_87 : vector<256x4096xi1>, vector<256x4096xi32>
    %reduce_min3A_89 = arith.constant dense<2147483647> : vector<256xi32>
    %reduce_min3A_90 = vector.multi_reduction <minsi>, %select_n3A_88, %reduce_min3A_89 [1] : vector<256x4096xi32> to vector<256xi32>
    %broadcast_in_dim3A_91 = vector.shape_cast %reduce_min3A_90 : vector<256xi32> to vector<256x1xi32>
    %concatenate3A = tpu.concatenate %broadcast_in_dim3A, %broadcast_in_dim3A_19, %broadcast_in_dim3A_35, %broadcast_in_dim3A_51, %broadcast_in_dim3A_67, %broadcast_in_dim3A_83 in 1 : vector<256x1xf32>, vector<256x1xf32>, vector<256x1xf32>, vector<256x1xf32>, vector<256x1xf32>, vector<256x1xf32> -> vector<256x6xf32>
    %sub3A = vector.broadcast %broadcast_in_dim3A : vector<256x1xf32> to vector<256x6xf32>
    %sub3A_92 = arith.subf %concatenate3A, %sub3A : vector<256x6xf32>
    %exp3A = math.exp %sub3A_92 : vector<256x6xf32>
    %reduce_sum3A = arith.constant dense<0.000000e+00> : vector<256xf32>
    %reduce_sum3A_93 = vector.multi_reduction <add>, %exp3A, %reduce_sum3A [1] : vector<256x6xf32> to vector<256xf32>
    %broadcast_in_dim3A_94 = vector.shape_cast %reduce_sum3A_93 : vector<256xf32> to vector<256x1xf32>
    %div3A = vector.broadcast %broadcast_in_dim3A_94 : vector<256x1xf32> to vector<256x6xf32>
    %div3A_95 = arith.divf %exp3A, %div3A : vector<256x6xf32>
    %broadcast_in_dim3A_96 = arith.constant 0.000000e+00 : f32
    %broadcast_in_dim3A_97 = vector.broadcast %broadcast_in_dim3A_96 : f32 to vector<256x1xf32>
    %concatenate3A_98 = tpu.concatenate %div3A_95, %broadcast_in_dim3A_97, %broadcast_in_dim3A_97 in 1 : vector<256x6xf32>, vector<256x1xf32>, vector<256x1xf32> -> vector<256x8xf32>
    %swap3A = arith.constant 0 : index
    %swap3A_99 = arith.constant 0 : index
    %swap3A_100 = vector.load %arg3[%swap3A, %swap3A_99] : memref<256x8xf32, #tpu.memory_space<vmem>>, vector<256x8xf32>
    tpu.vector_store %arg3[%swap3A, %swap3A_99], %concatenate3A_98 {strides = array<i32>} : memref<256x8xf32, #tpu.memory_space<vmem>>, vector<256x8xf32>,
    %broadcast_in_dim3A_101 = arith.constant 0 : i32
    %broadcast_in_dim3A_102 = vector.broadcast %broadcast_in_dim3A_101 : i32 to vector<256x1xi32>
    %concatenate3A_103 = tpu.concatenate %broadcast_in_dim3A_12, %broadcast_in_dim3A_27, %broadcast_in_dim3A_43, %broadcast_in_dim3A_59, %broadcast_in_dim3A_75, %broadcast_in_dim3A_91, %broadcast_in_dim3A_102, %broadcast_in_dim3A_102 in 1 : vector<256x1xi32>, vector<256x1xi32>, vector<256x1xi32>, vector<256x1xi32>, vector<256x1xi32>, vector<256x1xi32>, vector<256x1xi32>, vector<256x1xi32> -> vector<256x8xi32>
    %swap3A_104 = arith.constant 0 : index
    %swap3A_105 = arith.constant 0 : index
    %swap3A_106 = vector.load %arg4[%swap3A_104, %swap3A_105] : memref<256x8xi32, #tpu.memory_space<vmem>>, vector<256x8xi32>
    tpu.vector_store %arg4[%swap3A_104, %swap3A_105], %concatenate3A_103 {strides = array<i32>} : memref<256x8xi32, #tpu.memory_space<vmem>>, vector<256x8xi32>,
    return
  }
  func.func @transform_0(%arg0: i32) -> (i32, i32) {
    %add3A = arith.constant 12 : i32
    %add3A_0 = arith.addi %arg0, %add3A : i32
    %c0_i32 = arith.constant 0 : i32
    %c0_i32_1 = arith.constant 0 : i32
    return %add3A_0, %c0_i32 : i32, i32
  }
  func.func @transform_1(%arg0: i32) -> (i32, i32) {
    %c0_i32 = arith.constant 0 : i32
    %c0_i32_0 = arith.constant 0 : i32
    %c0_i32_1 = arith.constant 0 : i32
    return %c0_i32, %c0_i32_0 : i32, i32
  }
  func.func @transform_2(%arg0: i32) -> (i32, i32) {
    %c0_i32 = arith.constant 0 : i32
    %c0_i32_0 = arith.constant 0 : i32
    return %arg0, %c0_i32 : i32, i32
  }
  func.func @transform_3(%arg0: i32) -> (i32, i32) {
    %c0_i32 = arith.constant 0 : i32
    %c0_i32_0 = arith.constant 0 : i32
    return %arg0, %c0_i32 : i32, i32
  }
}

module attributes {stable_mosaic.version = 14 : i64} {
  func.func @_omic_body(%arg0: memref<1x89xf32, #tpu.memory_space<vmem>>, %arg1: memref<256x89xf32, #tpu.memory_space<vmem>>, %arg2: memref<1x256xf32, #tpu.memory_space<vmem>>, %arg3: memref<256x256xf32, #tpu.memory_space<vmem>>, %arg4: memref<1x256xf32, #tpu.memory_space<vmem>>, %arg5: memref<1x334xf32, #tpu.memory_space<vmem>>, %arg6: memref<256x334xf32, #tpu.memory_space<vmem>>, %arg7: memref<1x256xf32, #tpu.memory_space<vmem>>, %arg8: memref<256x256xf32, #tpu.memory_space<vmem>>, %arg9: memref<1x256xf32, #tpu.memory_space<vmem>>, %arg10: memref<1x534xf32, #tpu.memory_space<vmem>>, %arg11: memref<256x534xf32, #tpu.memory_space<vmem>>, %arg12: memref<1x256xf32, #tpu.memory_space<vmem>>, %arg13: memref<256x256xf32, #tpu.memory_space<vmem>>, %arg14: memref<1x256xf32, #tpu.memory_space<vmem>>, %arg15: memref<1x471xf32, #tpu.memory_space<vmem>>, %arg16: memref<256x471xf32, #tpu.memory_space<vmem>>, %arg17: memref<1x256xf32, #tpu.memory_space<vmem>>, %arg18: memref<256x256xf32, #tpu.memory_space<vmem>>, %arg19: memref<1x256xf32, #tpu.memory_space<vmem>>, %arg20: memref<1x1510xf32, #tpu.memory_space<vmem>>, %arg21: memref<256x1510xf32, #tpu.memory_space<vmem>>, %arg22: memref<1x256xf32, #tpu.memory_space<vmem>>, %arg23: memref<256x256xf32, #tpu.memory_space<vmem>>, %arg24: memref<1x256xf32, #tpu.memory_space<vmem>>, %arg25: memref<1x482xf32, #tpu.memory_space<vmem>>, %arg26: memref<256x482xf32, #tpu.memory_space<vmem>>, %arg27: memref<1x256xf32, #tpu.memory_space<vmem>>, %arg28: memref<256x256xf32, #tpu.memory_space<vmem>>, %arg29: memref<1x256xf32, #tpu.memory_space<vmem>>, %arg30: memref<6x256xf32, #tpu.memory_space<vmem>>) attributes {dimension_semantics = [], scalar_prefetch = 0 : i64, scratch_operands = 0 : i64, tpu.core_type = #tpu.core_type<tc>} {
    %get3A = arith.constant 0 : index
    %get3A_0 = arith.constant 0 : index
    %get3A_1 = vector.load %arg0[%get3A, %get3A_0] : memref<1x89xf32, #tpu.memory_space<vmem>>, vector<1x89xf32>
    %get3A_2 = arith.constant 0 : index
    %get3A_3 = arith.constant 0 : index
    %get3A_4 = vector.load %arg1[%get3A_2, %get3A_3] : memref<256x89xf32, #tpu.memory_space<vmem>>, vector<256x89xf32>
    %dot_general3A = arith.constant dense<0.000000e+00> : vector<1x256xf32>
    %dot_general3A_5 = tpu.matmul %get3A_1, %get3A_4, %dot_general3A {dimension_numbers = #tpu.dot_dimension_numbers<[1], [1], [0], [0], [0, 0, 1, 0], [], []>, transpose_lhs_hint = false} : vector<1x89xf32>, vector<256x89xf32>, vector<1x256xf32> -> vector<1x256xf32>
    %get3A_6 = arith.constant 0 : index
    %get3A_7 = arith.constant 0 : index
    %get3A_8 = vector.load %arg2[%get3A_6, %get3A_7] : memref<1x256xf32, #tpu.memory_space<vmem>>, vector<1x256xf32>
    %add3A = arith.addf %dot_general3A_5, %get3A_8 : vector<1x256xf32>
    %gt3A = arith.constant 0.000000e+00 : f32
    %gt3A_9 = vector.broadcast %gt3A : f32 to vector<1x256xf32>
    %gt3A_10 = arith.cmpf ogt, %add3A, %gt3A_9 : vector<1x256xf32>
    %exp3A = math.exp %add3A : vector<1x256xf32>
    %sub3A = arith.constant 1.000000e+00 : f32
    %sub3A_11 = vector.broadcast %sub3A : f32 to vector<1x256xf32>
    %sub3A_12 = arith.subf %exp3A, %sub3A_11 : vector<1x256xf32>
    %select_n3A = arith.select %gt3A_10, %add3A, %sub3A_12 : vector<1x256xi1>, vector<1x256xf32>
    %get3A_13 = arith.constant 0 : index
    %get3A_14 = arith.constant 0 : index
    %get3A_15 = vector.load %arg3[%get3A_13, %get3A_14] : memref<256x256xf32, #tpu.memory_space<vmem>>, vector<256x256xf32>
    %dot_general3A_16 = arith.constant dense<0.000000e+00> : vector<1x256xf32>
    %dot_general3A_17 = tpu.matmul %select_n3A, %get3A_15, %dot_general3A_16 {dimension_numbers = #tpu.dot_dimension_numbers<[1], [1], [0], [0], [0, 0, 1, 0], [], []>, transpose_lhs_hint = false} : vector<1x256xf32>, vector<256x256xf32>, vector<1x256xf32> -> vector<1x256xf32>
    %get3A_18 = arith.constant 0 : index
    %get3A_19 = arith.constant 0 : index
    %get3A_20 = vector.load %arg4[%get3A_18, %get3A_19] : memref<1x256xf32, #tpu.memory_space<vmem>>, vector<1x256xf32>
    %add3A_21 = arith.addf %dot_general3A_17, %get3A_20 : vector<1x256xf32>
    %gt3A_22 = arith.constant 0.000000e+00 : f32
    %gt3A_23 = vector.broadcast %gt3A_22 : f32 to vector<1x256xf32>
    %gt3A_24 = arith.cmpf ogt, %add3A_21, %gt3A_23 : vector<1x256xf32>
    %exp3A_25 = math.exp %add3A_21 : vector<1x256xf32>
    %sub3A_26 = arith.constant 1.000000e+00 : f32
    %sub3A_27 = vector.broadcast %sub3A_26 : f32 to vector<1x256xf32>
    %sub3A_28 = arith.subf %exp3A_25, %sub3A_27 : vector<1x256xf32>
    %select_n3A_29 = arith.select %gt3A_24, %add3A_21, %sub3A_28 : vector<1x256xi1>, vector<1x256xf32>
    %swap3A = arith.constant 0 : index
    %swap3A_30 = arith.constant 0 : index
    %swap3A_31 = vector.load %arg30[%swap3A, %swap3A_30] : memref<6x256xf32, #tpu.memory_space<vmem>>, vector<1x256xf32>
    tpu.vector_store %arg30[%swap3A, %swap3A_30], %select_n3A_29 {strides = array<i32>} : memref<6x256xf32, #tpu.memory_space<vmem>>, vector<1x256xf32>,
    %get3A_32 = arith.constant 0 : index
    %get3A_33 = arith.constant 0 : index
    %get3A_34 = vector.load %arg5[%get3A_32, %get3A_33] : memref<1x334xf32, #tpu.memory_space<vmem>>, vector<1x334xf32>
    %get3A_35 = arith.constant 0 : index
    %get3A_36 = arith.constant 0 : index
    %get3A_37 = vector.load %arg6[%get3A_35, %get3A_36] : memref<256x334xf32, #tpu.memory_space<vmem>>, vector<256x334xf32>
    %dot_general3A_38 = arith.constant dense<0.000000e+00> : vector<1x256xf32>
    %dot_general3A_39 = tpu.matmul %get3A_34, %get3A_37, %dot_general3A_38 {dimension_numbers = #tpu.dot_dimension_numbers<[1], [1], [0], [0], [0, 0, 1, 0], [], []>, transpose_lhs_hint = false} : vector<1x334xf32>, vector<256x334xf32>, vector<1x256xf32> -> vector<1x256xf32>
    %get3A_40 = arith.constant 0 : index
    %get3A_41 = arith.constant 0 : index
    %get3A_42 = vector.load %arg7[%get3A_40, %get3A_41] : memref<1x256xf32, #tpu.memory_space<vmem>>, vector<1x256xf32>
    %add3A_43 = arith.addf %dot_general3A_39, %get3A_42 : vector<1x256xf32>
    %gt3A_44 = arith.constant 0.000000e+00 : f32
    %gt3A_45 = vector.broadcast %gt3A_44 : f32 to vector<1x256xf32>
    %gt3A_46 = arith.cmpf ogt, %add3A_43, %gt3A_45 : vector<1x256xf32>
    %exp3A_47 = math.exp %add3A_43 : vector<1x256xf32>
    %sub3A_48 = arith.constant 1.000000e+00 : f32
    %sub3A_49 = vector.broadcast %sub3A_48 : f32 to vector<1x256xf32>
    %sub3A_50 = arith.subf %exp3A_47, %sub3A_49 : vector<1x256xf32>
    %select_n3A_51 = arith.select %gt3A_46, %add3A_43, %sub3A_50 : vector<1x256xi1>, vector<1x256xf32>
    %get3A_52 = arith.constant 0 : index
    %get3A_53 = arith.constant 0 : index
    %get3A_54 = vector.load %arg8[%get3A_52, %get3A_53] : memref<256x256xf32, #tpu.memory_space<vmem>>, vector<256x256xf32>
    %dot_general3A_55 = arith.constant dense<0.000000e+00> : vector<1x256xf32>
    %dot_general3A_56 = tpu.matmul %select_n3A_51, %get3A_54, %dot_general3A_55 {dimension_numbers = #tpu.dot_dimension_numbers<[1], [1], [0], [0], [0, 0, 1, 0], [], []>, transpose_lhs_hint = false} : vector<1x256xf32>, vector<256x256xf32>, vector<1x256xf32> -> vector<1x256xf32>
    %get3A_57 = arith.constant 0 : index
    %get3A_58 = arith.constant 0 : index
    %get3A_59 = vector.load %arg9[%get3A_57, %get3A_58] : memref<1x256xf32, #tpu.memory_space<vmem>>, vector<1x256xf32>
    %add3A_60 = arith.addf %dot_general3A_56, %get3A_59 : vector<1x256xf32>
    %gt3A_61 = arith.constant 0.000000e+00 : f32
    %gt3A_62 = vector.broadcast %gt3A_61 : f32 to vector<1x256xf32>
    %gt3A_63 = arith.cmpf ogt, %add3A_60, %gt3A_62 : vector<1x256xf32>
    %exp3A_64 = math.exp %add3A_60 : vector<1x256xf32>
    %sub3A_65 = arith.constant 1.000000e+00 : f32
    %sub3A_66 = vector.broadcast %sub3A_65 : f32 to vector<1x256xf32>
    %sub3A_67 = arith.subf %exp3A_64, %sub3A_66 : vector<1x256xf32>
    %select_n3A_68 = arith.select %gt3A_63, %add3A_60, %sub3A_67 : vector<1x256xi1>, vector<1x256xf32>
    %swap3A_69 = arith.constant 1 : index
    %swap3A_70 = arith.constant 0 : index
    %swap3A_71 = vector.load %arg30[%swap3A_69, %swap3A_70] : memref<6x256xf32, #tpu.memory_space<vmem>>, vector<1x256xf32>
    tpu.vector_store %arg30[%swap3A_69, %swap3A_70], %select_n3A_68 {strides = array<i32>} : memref<6x256xf32, #tpu.memory_space<vmem>>, vector<1x256xf32>,
    %get3A_72 = arith.constant 0 : index
    %get3A_73 = arith.constant 0 : index
    %get3A_74 = vector.load %arg10[%get3A_72, %get3A_73] : memref<1x534xf32, #tpu.memory_space<vmem>>, vector<1x534xf32>
    %get3A_75 = arith.constant 0 : index
    %get3A_76 = arith.constant 0 : index
    %get3A_77 = vector.load %arg11[%get3A_75, %get3A_76] : memref<256x534xf32, #tpu.memory_space<vmem>>, vector<256x534xf32>
    %dot_general3A_78 = arith.constant dense<0.000000e+00> : vector<1x256xf32>
    %dot_general3A_79 = tpu.matmul %get3A_74, %get3A_77, %dot_general3A_78 {dimension_numbers = #tpu.dot_dimension_numbers<[1], [1], [0], [0], [0, 0, 1, 0], [], []>, transpose_lhs_hint = false} : vector<1x534xf32>, vector<256x534xf32>, vector<1x256xf32> -> vector<1x256xf32>
    %get3A_80 = arith.constant 0 : index
    %get3A_81 = arith.constant 0 : index
    %get3A_82 = vector.load %arg12[%get3A_80, %get3A_81] : memref<1x256xf32, #tpu.memory_space<vmem>>, vector<1x256xf32>
    %add3A_83 = arith.addf %dot_general3A_79, %get3A_82 : vector<1x256xf32>
    %gt3A_84 = arith.constant 0.000000e+00 : f32
    %gt3A_85 = vector.broadcast %gt3A_84 : f32 to vector<1x256xf32>
    %gt3A_86 = arith.cmpf ogt, %add3A_83, %gt3A_85 : vector<1x256xf32>
    %exp3A_87 = math.exp %add3A_83 : vector<1x256xf32>
    %sub3A_88 = arith.constant 1.000000e+00 : f32
    %sub3A_89 = vector.broadcast %sub3A_88 : f32 to vector<1x256xf32>
    %sub3A_90 = arith.subf %exp3A_87, %sub3A_89 : vector<1x256xf32>
    %select_n3A_91 = arith.select %gt3A_86, %add3A_83, %sub3A_90 : vector<1x256xi1>, vector<1x256xf32>
    %get3A_92 = arith.constant 0 : index
    %get3A_93 = arith.constant 0 : index
    %get3A_94 = vector.load %arg13[%get3A_92, %get3A_93] : memref<256x256xf32, #tpu.memory_space<vmem>>, vector<256x256xf32>
    %dot_general3A_95 = arith.constant dense<0.000000e+00> : vector<1x256xf32>
    %dot_general3A_96 = tpu.matmul %select_n3A_91, %get3A_94, %dot_general3A_95 {dimension_numbers = #tpu.dot_dimension_numbers<[1], [1], [0], [0], [0, 0, 1, 0], [], []>, transpose_lhs_hint = false} : vector<1x256xf32>, vector<256x256xf32>, vector<1x256xf32> -> vector<1x256xf32>
    %get3A_97 = arith.constant 0 : index
    %get3A_98 = arith.constant 0 : index
    %get3A_99 = vector.load %arg14[%get3A_97, %get3A_98] : memref<1x256xf32, #tpu.memory_space<vmem>>, vector<1x256xf32>
    %add3A_100 = arith.addf %dot_general3A_96, %get3A_99 : vector<1x256xf32>
    %gt3A_101 = arith.constant 0.000000e+00 : f32
    %gt3A_102 = vector.broadcast %gt3A_101 : f32 to vector<1x256xf32>
    %gt3A_103 = arith.cmpf ogt, %add3A_100, %gt3A_102 : vector<1x256xf32>
    %exp3A_104 = math.exp %add3A_100 : vector<1x256xf32>
    %sub3A_105 = arith.constant 1.000000e+00 : f32
    %sub3A_106 = vector.broadcast %sub3A_105 : f32 to vector<1x256xf32>
    %sub3A_107 = arith.subf %exp3A_104, %sub3A_106 : vector<1x256xf32>
    %select_n3A_108 = arith.select %gt3A_103, %add3A_100, %sub3A_107 : vector<1x256xi1>, vector<1x256xf32>
    %swap3A_109 = arith.constant 2 : index
    %swap3A_110 = arith.constant 0 : index
    %swap3A_111 = vector.load %arg30[%swap3A_109, %swap3A_110] : memref<6x256xf32, #tpu.memory_space<vmem>>, vector<1x256xf32>
    tpu.vector_store %arg30[%swap3A_109, %swap3A_110], %select_n3A_108 {strides = array<i32>} : memref<6x256xf32, #tpu.memory_space<vmem>>, vector<1x256xf32>,
    %get3A_112 = arith.constant 0 : index
    %get3A_113 = arith.constant 0 : index
    %get3A_114 = vector.load %arg15[%get3A_112, %get3A_113] : memref<1x471xf32, #tpu.memory_space<vmem>>, vector<1x471xf32>
    %get3A_115 = arith.constant 0 : index
    %get3A_116 = arith.constant 0 : index
    %get3A_117 = vector.load %arg16[%get3A_115, %get3A_116] : memref<256x471xf32, #tpu.memory_space<vmem>>, vector<256x471xf32>
    %dot_general3A_118 = arith.constant dense<0.000000e+00> : vector<1x256xf32>
    %dot_general3A_119 = tpu.matmul %get3A_114, %get3A_117, %dot_general3A_118 {dimension_numbers = #tpu.dot_dimension_numbers<[1], [1], [0], [0], [0, 0, 1, 0], [], []>, transpose_lhs_hint = false} : vector<1x471xf32>, vector<256x471xf32>, vector<1x256xf32> -> vector<1x256xf32>
    %get3A_120 = arith.constant 0 : index
    %get3A_121 = arith.constant 0 : index
    %get3A_122 = vector.load %arg17[%get3A_120, %get3A_121] : memref<1x256xf32, #tpu.memory_space<vmem>>, vector<1x256xf32>
    %add3A_123 = arith.addf %dot_general3A_119, %get3A_122 : vector<1x256xf32>
    %gt3A_124 = arith.constant 0.000000e+00 : f32
    %gt3A_125 = vector.broadcast %gt3A_124 : f32 to vector<1x256xf32>
    %gt3A_126 = arith.cmpf ogt, %add3A_123, %gt3A_125 : vector<1x256xf32>
    %exp3A_127 = math.exp %add3A_123 : vector<1x256xf32>
    %sub3A_128 = arith.constant 1.000000e+00 : f32
    %sub3A_129 = vector.broadcast %sub3A_128 : f32 to vector<1x256xf32>
    %sub3A_130 = arith.subf %exp3A_127, %sub3A_129 : vector<1x256xf32>
    %select_n3A_131 = arith.select %gt3A_126, %add3A_123, %sub3A_130 : vector<1x256xi1>, vector<1x256xf32>
    %get3A_132 = arith.constant 0 : index
    %get3A_133 = arith.constant 0 : index
    %get3A_134 = vector.load %arg18[%get3A_132, %get3A_133] : memref<256x256xf32, #tpu.memory_space<vmem>>, vector<256x256xf32>
    %dot_general3A_135 = arith.constant dense<0.000000e+00> : vector<1x256xf32>
    %dot_general3A_136 = tpu.matmul %select_n3A_131, %get3A_134, %dot_general3A_135 {dimension_numbers = #tpu.dot_dimension_numbers<[1], [1], [0], [0], [0, 0, 1, 0], [], []>, transpose_lhs_hint = false} : vector<1x256xf32>, vector<256x256xf32>, vector<1x256xf32> -> vector<1x256xf32>
    %get3A_137 = arith.constant 0 : index
    %get3A_138 = arith.constant 0 : index
    %get3A_139 = vector.load %arg19[%get3A_137, %get3A_138] : memref<1x256xf32, #tpu.memory_space<vmem>>, vector<1x256xf32>
    %add3A_140 = arith.addf %dot_general3A_136, %get3A_139 : vector<1x256xf32>
    %gt3A_141 = arith.constant 0.000000e+00 : f32
    %gt3A_142 = vector.broadcast %gt3A_141 : f32 to vector<1x256xf32>
    %gt3A_143 = arith.cmpf ogt, %add3A_140, %gt3A_142 : vector<1x256xf32>
    %exp3A_144 = math.exp %add3A_140 : vector<1x256xf32>
    %sub3A_145 = arith.constant 1.000000e+00 : f32
    %sub3A_146 = vector.broadcast %sub3A_145 : f32 to vector<1x256xf32>
    %sub3A_147 = arith.subf %exp3A_144, %sub3A_146 : vector<1x256xf32>
    %select_n3A_148 = arith.select %gt3A_143, %add3A_140, %sub3A_147 : vector<1x256xi1>, vector<1x256xf32>
    %swap3A_149 = arith.constant 3 : index
    %swap3A_150 = arith.constant 0 : index
    %swap3A_151 = vector.load %arg30[%swap3A_149, %swap3A_150] : memref<6x256xf32, #tpu.memory_space<vmem>>, vector<1x256xf32>
    tpu.vector_store %arg30[%swap3A_149, %swap3A_150], %select_n3A_148 {strides = array<i32>} : memref<6x256xf32, #tpu.memory_space<vmem>>, vector<1x256xf32>,
    %get3A_152 = arith.constant 0 : index
    %get3A_153 = arith.constant 0 : index
    %get3A_154 = vector.load %arg20[%get3A_152, %get3A_153] : memref<1x1510xf32, #tpu.memory_space<vmem>>, vector<1x1510xf32>
    %get3A_155 = arith.constant 0 : index
    %get3A_156 = arith.constant 0 : index
    %get3A_157 = vector.load %arg21[%get3A_155, %get3A_156] : memref<256x1510xf32, #tpu.memory_space<vmem>>, vector<256x1510xf32>
    %dot_general3A_158 = arith.constant dense<0.000000e+00> : vector<1x256xf32>
    %dot_general3A_159 = tpu.matmul %get3A_154, %get3A_157, %dot_general3A_158 {dimension_numbers = #tpu.dot_dimension_numbers<[1], [1], [0], [0], [0, 0, 1, 0], [], []>, transpose_lhs_hint = false} : vector<1x1510xf32>, vector<256x1510xf32>, vector<1x256xf32> -> vector<1x256xf32>
    %get3A_160 = arith.constant 0 : index
    %get3A_161 = arith.constant 0 : index
    %get3A_162 = vector.load %arg22[%get3A_160, %get3A_161] : memref<1x256xf32, #tpu.memory_space<vmem>>, vector<1x256xf32>
    %add3A_163 = arith.addf %dot_general3A_159, %get3A_162 : vector<1x256xf32>
    %gt3A_164 = arith.constant 0.000000e+00 : f32
    %gt3A_165 = vector.broadcast %gt3A_164 : f32 to vector<1x256xf32>
    %gt3A_166 = arith.cmpf ogt, %add3A_163, %gt3A_165 : vector<1x256xf32>
    %exp3A_167 = math.exp %add3A_163 : vector<1x256xf32>
    %sub3A_168 = arith.constant 1.000000e+00 : f32
    %sub3A_169 = vector.broadcast %sub3A_168 : f32 to vector<1x256xf32>
    %sub3A_170 = arith.subf %exp3A_167, %sub3A_169 : vector<1x256xf32>
    %select_n3A_171 = arith.select %gt3A_166, %add3A_163, %sub3A_170 : vector<1x256xi1>, vector<1x256xf32>
    %get3A_172 = arith.constant 0 : index
    %get3A_173 = arith.constant 0 : index
    %get3A_174 = vector.load %arg23[%get3A_172, %get3A_173] : memref<256x256xf32, #tpu.memory_space<vmem>>, vector<256x256xf32>
    %dot_general3A_175 = arith.constant dense<0.000000e+00> : vector<1x256xf32>
    %dot_general3A_176 = tpu.matmul %select_n3A_171, %get3A_174, %dot_general3A_175 {dimension_numbers = #tpu.dot_dimension_numbers<[1], [1], [0], [0], [0, 0, 1, 0], [], []>, transpose_lhs_hint = false} : vector<1x256xf32>, vector<256x256xf32>, vector<1x256xf32> -> vector<1x256xf32>
    %get3A_177 = arith.constant 0 : index
    %get3A_178 = arith.constant 0 : index
    %get3A_179 = vector.load %arg24[%get3A_177, %get3A_178] : memref<1x256xf32, #tpu.memory_space<vmem>>, vector<1x256xf32>
    %add3A_180 = arith.addf %dot_general3A_176, %get3A_179 : vector<1x256xf32>
    %gt3A_181 = arith.constant 0.000000e+00 : f32
    %gt3A_182 = vector.broadcast %gt3A_181 : f32 to vector<1x256xf32>
    %gt3A_183 = arith.cmpf ogt, %add3A_180, %gt3A_182 : vector<1x256xf32>
    %exp3A_184 = math.exp %add3A_180 : vector<1x256xf32>
    %sub3A_185 = arith.constant 1.000000e+00 : f32
    %sub3A_186 = vector.broadcast %sub3A_185 : f32 to vector<1x256xf32>
    %sub3A_187 = arith.subf %exp3A_184, %sub3A_186 : vector<1x256xf32>
    %select_n3A_188 = arith.select %gt3A_183, %add3A_180, %sub3A_187 : vector<1x256xi1>, vector<1x256xf32>
    %swap3A_189 = arith.constant 4 : index
    %swap3A_190 = arith.constant 0 : index
    %swap3A_191 = vector.load %arg30[%swap3A_189, %swap3A_190] : memref<6x256xf32, #tpu.memory_space<vmem>>, vector<1x256xf32>
    tpu.vector_store %arg30[%swap3A_189, %swap3A_190], %select_n3A_188 {strides = array<i32>} : memref<6x256xf32, #tpu.memory_space<vmem>>, vector<1x256xf32>,
    %get3A_192 = arith.constant 0 : index
    %get3A_193 = arith.constant 0 : index
    %get3A_194 = vector.load %arg25[%get3A_192, %get3A_193] : memref<1x482xf32, #tpu.memory_space<vmem>>, vector<1x482xf32>
    %get3A_195 = arith.constant 0 : index
    %get3A_196 = arith.constant 0 : index
    %get3A_197 = vector.load %arg26[%get3A_195, %get3A_196] : memref<256x482xf32, #tpu.memory_space<vmem>>, vector<256x482xf32>
    %dot_general3A_198 = arith.constant dense<0.000000e+00> : vector<1x256xf32>
    %dot_general3A_199 = tpu.matmul %get3A_194, %get3A_197, %dot_general3A_198 {dimension_numbers = #tpu.dot_dimension_numbers<[1], [1], [0], [0], [0, 0, 1, 0], [], []>, transpose_lhs_hint = false} : vector<1x482xf32>, vector<256x482xf32>, vector<1x256xf32> -> vector<1x256xf32>
    %get3A_200 = arith.constant 0 : index
    %get3A_201 = arith.constant 0 : index
    %get3A_202 = vector.load %arg27[%get3A_200, %get3A_201] : memref<1x256xf32, #tpu.memory_space<vmem>>, vector<1x256xf32>
    %add3A_203 = arith.addf %dot_general3A_199, %get3A_202 : vector<1x256xf32>
    %gt3A_204 = arith.constant 0.000000e+00 : f32
    %gt3A_205 = vector.broadcast %gt3A_204 : f32 to vector<1x256xf32>
    %gt3A_206 = arith.cmpf ogt, %add3A_203, %gt3A_205 : vector<1x256xf32>
    %exp3A_207 = math.exp %add3A_203 : vector<1x256xf32>
    %sub3A_208 = arith.constant 1.000000e+00 : f32
    %sub3A_209 = vector.broadcast %sub3A_208 : f32 to vector<1x256xf32>
    %sub3A_210 = arith.subf %exp3A_207, %sub3A_209 : vector<1x256xf32>
    %select_n3A_211 = arith.select %gt3A_206, %add3A_203, %sub3A_210 : vector<1x256xi1>, vector<1x256xf32>
    %get3A_212 = arith.constant 0 : index
    %get3A_213 = arith.constant 0 : index
    %get3A_214 = vector.load %arg28[%get3A_212, %get3A_213] : memref<256x256xf32, #tpu.memory_space<vmem>>, vector<256x256xf32>
    %dot_general3A_215 = arith.constant dense<0.000000e+00> : vector<1x256xf32>
    %dot_general3A_216 = tpu.matmul %select_n3A_211, %get3A_214, %dot_general3A_215 {dimension_numbers = #tpu.dot_dimension_numbers<[1], [1], [0], [0], [0, 0, 1, 0], [], []>, transpose_lhs_hint = false} : vector<1x256xf32>, vector<256x256xf32>, vector<1x256xf32> -> vector<1x256xf32>
    %get3A_217 = arith.constant 0 : index
    %get3A_218 = arith.constant 0 : index
    %get3A_219 = vector.load %arg29[%get3A_217, %get3A_218] : memref<1x256xf32, #tpu.memory_space<vmem>>, vector<1x256xf32>
    %add3A_220 = arith.addf %dot_general3A_216, %get3A_219 : vector<1x256xf32>
    %gt3A_221 = arith.constant 0.000000e+00 : f32
    %gt3A_222 = vector.broadcast %gt3A_221 : f32 to vector<1x256xf32>
    %gt3A_223 = arith.cmpf ogt, %add3A_220, %gt3A_222 : vector<1x256xf32>
    %exp3A_224 = math.exp %add3A_220 : vector<1x256xf32>
    %sub3A_225 = arith.constant 1.000000e+00 : f32
    %sub3A_226 = vector.broadcast %sub3A_225 : f32 to vector<1x256xf32>
    %sub3A_227 = arith.subf %exp3A_224, %sub3A_226 : vector<1x256xf32>
    %select_n3A_228 = arith.select %gt3A_223, %add3A_220, %sub3A_227 : vector<1x256xi1>, vector<1x256xf32>
    %swap3A_229 = arith.constant 5 : index
    %swap3A_230 = arith.constant 0 : index
    %swap3A_231 = vector.load %arg30[%swap3A_229, %swap3A_230] : memref<6x256xf32, #tpu.memory_space<vmem>>, vector<1x256xf32>
    tpu.vector_store %arg30[%swap3A_229, %swap3A_230], %select_n3A_228 {strides = array<i32>} : memref<6x256xf32, #tpu.memory_space<vmem>>, vector<1x256xf32>,
    return
  }
}

module attributes {stable_mosaic.version = 14 : i64} {
  func.func @_agg_body(%arg0: i32, %arg1: memref<256x512xf32, #tpu.memory_space<vmem>>, %arg2: memref<6x256x256xi32, #tpu.memory_space<vmem>>, %arg3: memref<256x8xf32, #tpu.memory_space<vmem>>, %arg4: memref<512x512xf32, #tpu.memory_space<vmem>>, %arg5: memref<1x512xf32, #tpu.memory_space<vmem>>, %arg6: memref<512x512xf32, #tpu.memory_space<vmem>>, %arg7: memref<1x512xf32, #tpu.memory_space<vmem>>, %arg8: memref<256x512xf32, #tpu.memory_space<vmem>>, %arg9: memref<1x256xf32, #tpu.memory_space<vmem>>, %arg10: memref<128x256xf32, #tpu.memory_space<vmem>>, %arg11: memref<1x128xf32, #tpu.memory_space<vmem>>, %arg12: memref<256x512xf32, #tpu.memory_space<vmem>>, %arg13: memref<256x128xf32, #tpu.memory_space<vmem>>) attributes {dimension_semantics = [#tpu.dimension_semantics<arbitrary>], iteration_bounds = array<i64: 4>, scalar_prefetch = 0 : i64, scratch_operands = 0 : i64, tpu.core_type = #tpu.core_type<tc>, window_params = [{transform_indices = @transform_0, window_bounds = array<i64: 256, 512>}, {transform_indices = @transform_1, window_bounds = array<i64: 6, 256, 256>}, {transform_indices = @transform_2, window_bounds = array<i64: 256, 8>}, {pipeline_mode = #tpu.pipeline_mode<synchronous>, transform_indices = @transform_3, window_bounds = array<i64: 512, 512>}, {pipeline_mode = #tpu.pipeline_mode<synchronous>, transform_indices = @transform_4, window_bounds = array<i64: 1, 512>}, {pipeline_mode = #tpu.pipeline_mode<synchronous>, transform_indices = @transform_5, window_bounds = array<i64: 512, 512>}, {pipeline_mode = #tpu.pipeline_mode<synchronous>, transform_indices = @transform_6, window_bounds = array<i64: 1, 512>}, {pipeline_mode = #tpu.pipeline_mode<synchronous>, transform_indices = @transform_7, window_bounds = array<i64: 256, 512>}, {pipeline_mode = #tpu.pipeline_mode<synchronous>, transform_indices = @transform_8, window_bounds = array<i64: 1, 256>}, {pipeline_mode = #tpu.pipeline_mode<synchronous>, transform_indices = @transform_9, window_bounds = array<i64: 128, 256>}, {pipeline_mode = #tpu.pipeline_mode<synchronous>, transform_indices = @transform_10, window_bounds = array<i64: 1, 128>}, {transform_indices = @transform_11, window_bounds = array<i64: 256, 512>}, {transform_indices = @transform_12, window_bounds = array<i64: 256, 128>}]} {
    %get3A = arith.constant 0 : index
    %get3A_0 = arith.constant 0 : index
    %get3A_1 = vector.load %arg1[%get3A, %get3A_0] : memref<256x512xf32, #tpu.memory_space<vmem>>, vector<256x512xf32>
    %get3A_2 = arith.constant 0 : index
    %get3A_3 = arith.constant 0 : index
    %get3A_4 = arith.constant 0 : index
    %get3A_5 = vector.load %arg2[%get3A_2, %get3A_3, %get3A_4] : memref<6x256x256xi32, #tpu.memory_space<vmem>>, vector<1x256x256xi32>
    %get3A_6 = vector.shape_cast %get3A_5 : vector<1x256x256xi32> to vector<256x256xi32>
    %and3A = arith.constant 65535 : i32
    %and3A_7 = vector.broadcast %and3A : i32 to vector<256x256xi32>
    %and3A_8 = arith.andi %get3A_6, %and3A_7 : vector<256x256xi32>
    %and3A_9 = arith.constant 32768 : i32
    %and3A_10 = vector.broadcast %and3A_9 : i32 to vector<256x256xi32>
    %and3A_11 = arith.andi %and3A_8, %and3A_10 : vector<256x256xi32>
    %shift_left3A = arith.constant 16 : i32
    %shift_left3A_12 = vector.broadcast %shift_left3A : i32 to vector<256x256xi32>
    %shift_left3A_13 = arith.shli %and3A_11, %shift_left3A_12 : vector<256x256xi32>
    %and3A_14 = arith.constant 32767 : i32
    %and3A_15 = vector.broadcast %and3A_14 : i32 to vector<256x256xi32>
    %and3A_16 = arith.andi %and3A_8, %and3A_15 : vector<256x256xi32>
    %shift_left3A_17 = arith.constant 13 : i32
    %shift_left3A_18 = vector.broadcast %shift_left3A_17 : i32 to vector<256x256xi32>
    %shift_left3A_19 = arith.shli %and3A_16, %shift_left3A_18 : vector<256x256xi32>
    %or3A = arith.ori %shift_left3A_13, %shift_left3A_19 : vector<256x256xi32>
    %bitcast_convert_type3A = tpu.bitcast %or3A : vector<256x256xi32> -> vector<256x256xf32>
    %mul3A = arith.constant 5.19229686E+33 : f32
    %mul3A_20 = vector.broadcast %mul3A : f32 to vector<256x256xf32>
    %mul3A_21 = arith.mulf %bitcast_convert_type3A, %mul3A_20 : vector<256x256xf32>
    %shift_right_arithmetic3A = arith.constant 16 : i32
    %shift_right_arithmetic3A_22 = vector.broadcast %shift_right_arithmetic3A : i32 to vector<256x256xi32>
    %shift_right_arithmetic3A_23 = arith.shrsi %get3A_6, %shift_right_arithmetic3A_22 : vector<256x256xi32>
    %and3A_24 = arith.constant 65535 : i32
    %and3A_25 = vector.broadcast %and3A_24 : i32 to vector<256x256xi32>
    %and3A_26 = arith.andi %shift_right_arithmetic3A_23, %and3A_25 : vector<256x256xi32>
    %and3A_27 = arith.constant 32768 : i32
    %and3A_28 = vector.broadcast %and3A_27 : i32 to vector<256x256xi32>
    %and3A_29 = arith.andi %and3A_26, %and3A_28 : vector<256x256xi32>
    %shift_left3A_30 = arith.constant 16 : i32
    %shift_left3A_31 = vector.broadcast %shift_left3A_30 : i32 to vector<256x256xi32>
    %shift_left3A_32 = arith.shli %and3A_29, %shift_left3A_31 : vector<256x256xi32>
    %and3A_33 = arith.constant 32767 : i32
    %and3A_34 = vector.broadcast %and3A_33 : i32 to vector<256x256xi32>
    %and3A_35 = arith.andi %and3A_26, %and3A_34 : vector<256x256xi32>
    %shift_left3A_36 = arith.constant 13 : i32
    %shift_left3A_37 = vector.broadcast %shift_left3A_36 : i32 to vector<256x256xi32>
    %shift_left3A_38 = arith.shli %and3A_35, %shift_left3A_37 : vector<256x256xi32>
    %or3A_39 = arith.ori %shift_left3A_32, %shift_left3A_38 : vector<256x256xi32>
    %bitcast_convert_type3A_40 = tpu.bitcast %or3A_39 : vector<256x256xi32> -> vector<256x256xf32>
    %mul3A_41 = arith.constant 5.19229686E+33 : f32
    %mul3A_42 = vector.broadcast %mul3A_41 : f32 to vector<256x256xf32>
    %mul3A_43 = arith.mulf %bitcast_convert_type3A_40, %mul3A_42 : vector<256x256xf32>
    %concatenate3A = tpu.concatenate %mul3A_21, %mul3A_43 in 1 : vector<256x256xf32>, vector<256x256xf32> -> vector<256x512xf32>
    %get3A_44 = arith.constant 1 : index
    %get3A_45 = arith.constant 0 : index
    %get3A_46 = arith.constant 0 : index
    %get3A_47 = vector.load %arg2[%get3A_44, %get3A_45, %get3A_46] : memref<6x256x256xi32, #tpu.memory_space<vmem>>, vector<1x256x256xi32>
    %get3A_48 = vector.shape_cast %get3A_47 : vector<1x256x256xi32> to vector<256x256xi32>
    %and3A_49 = arith.constant 65535 : i32
    %and3A_50 = vector.broadcast %and3A_49 : i32 to vector<256x256xi32>
    %and3A_51 = arith.andi %get3A_48, %and3A_50 : vector<256x256xi32>
    %and3A_52 = arith.constant 32768 : i32
    %and3A_53 = vector.broadcast %and3A_52 : i32 to vector<256x256xi32>
    %and3A_54 = arith.andi %and3A_51, %and3A_53 : vector<256x256xi32>
    %shift_left3A_55 = arith.constant 16 : i32
    %shift_left3A_56 = vector.broadcast %shift_left3A_55 : i32 to vector<256x256xi32>
    %shift_left3A_57 = arith.shli %and3A_54, %shift_left3A_56 : vector<256x256xi32>
    %and3A_58 = arith.constant 32767 : i32
    %and3A_59 = vector.broadcast %and3A_58 : i32 to vector<256x256xi32>
    %and3A_60 = arith.andi %and3A_51, %and3A_59 : vector<256x256xi32>
    %shift_left3A_61 = arith.constant 13 : i32
    %shift_left3A_62 = vector.broadcast %shift_left3A_61 : i32 to vector<256x256xi32>
    %shift_left3A_63 = arith.shli %and3A_60, %shift_left3A_62 : vector<256x256xi32>
    %or3A_64 = arith.ori %shift_left3A_57, %shift_left3A_63 : vector<256x256xi32>
    %bitcast_convert_type3A_65 = tpu.bitcast %or3A_64 : vector<256x256xi32> -> vector<256x256xf32>
    %mul3A_66 = arith.constant 5.19229686E+33 : f32
    %mul3A_67 = vector.broadcast %mul3A_66 : f32 to vector<256x256xf32>
    %mul3A_68 = arith.mulf %bitcast_convert_type3A_65, %mul3A_67 : vector<256x256xf32>
    %shift_right_arithmetic3A_69 = arith.constant 16 : i32
    %shift_right_arithmetic3A_70 = vector.broadcast %shift_right_arithmetic3A_69 : i32 to vector<256x256xi32>
    %shift_right_arithmetic3A_71 = arith.shrsi %get3A_48, %shift_right_arithmetic3A_70 : vector<256x256xi32>
    %and3A_72 = arith.constant 65535 : i32
    %and3A_73 = vector.broadcast %and3A_72 : i32 to vector<256x256xi32>
    %and3A_74 = arith.andi %shift_right_arithmetic3A_71, %and3A_73 : vector<256x256xi32>
    %and3A_75 = arith.constant 32768 : i32
    %and3A_76 = vector.broadcast %and3A_75 : i32 to vector<256x256xi32>
    %and3A_77 = arith.andi %and3A_74, %and3A_76 : vector<256x256xi32>
    %shift_left3A_78 = arith.constant 16 : i32
    %shift_left3A_79 = vector.broadcast %shift_left3A_78 : i32 to vector<256x256xi32>
    %shift_left3A_80 = arith.shli %and3A_77, %shift_left3A_79 : vector<256x256xi32>
    %and3A_81 = arith.constant 32767 : i32
    %and3A_82 = vector.broadcast %and3A_81 : i32 to vector<256x256xi32>
    %and3A_83 = arith.andi %and3A_74, %and3A_82 : vector<256x256xi32>
    %shift_left3A_84 = arith.constant 13 : i32
    %shift_left3A_85 = vector.broadcast %shift_left3A_84 : i32 to vector<256x256xi32>
    %shift_left3A_86 = arith.shli %and3A_83, %shift_left3A_85 : vector<256x256xi32>
    %or3A_87 = arith.ori %shift_left3A_80, %shift_left3A_86 : vector<256x256xi32>
    %bitcast_convert_type3A_88 = tpu.bitcast %or3A_87 : vector<256x256xi32> -> vector<256x256xf32>
    %mul3A_89 = arith.constant 5.19229686E+33 : f32
    %mul3A_90 = vector.broadcast %mul3A_89 : f32 to vector<256x256xf32>
    %mul3A_91 = arith.mulf %bitcast_convert_type3A_88, %mul3A_90 : vector<256x256xf32>
    %concatenate3A_92 = tpu.concatenate %mul3A_68, %mul3A_91 in 1 : vector<256x256xf32>, vector<256x256xf32> -> vector<256x512xf32>
    %get3A_93 = arith.constant 2 : index
    %get3A_94 = arith.constant 0 : index
    %get3A_95 = arith.constant 0 : index
    %get3A_96 = vector.load %arg2[%get3A_93, %get3A_94, %get3A_95] : memref<6x256x256xi32, #tpu.memory_space<vmem>>, vector<1x256x256xi32>
    %get3A_97 = vector.shape_cast %get3A_96 : vector<1x256x256xi32> to vector<256x256xi32>
    %and3A_98 = arith.constant 65535 : i32
    %and3A_99 = vector.broadcast %and3A_98 : i32 to vector<256x256xi32>
    %and3A_100 = arith.andi %get3A_97, %and3A_99 : vector<256x256xi32>
    %and3A_101 = arith.constant 32768 : i32
    %and3A_102 = vector.broadcast %and3A_101 : i32 to vector<256x256xi32>
    %and3A_103 = arith.andi %and3A_100, %and3A_102 : vector<256x256xi32>
    %shift_left3A_104 = arith.constant 16 : i32
    %shift_left3A_105 = vector.broadcast %shift_left3A_104 : i32 to vector<256x256xi32>
    %shift_left3A_106 = arith.shli %and3A_103, %shift_left3A_105 : vector<256x256xi32>
    %and3A_107 = arith.constant 32767 : i32
    %and3A_108 = vector.broadcast %and3A_107 : i32 to vector<256x256xi32>
    %and3A_109 = arith.andi %and3A_100, %and3A_108 : vector<256x256xi32>
    %shift_left3A_110 = arith.constant 13 : i32
    %shift_left3A_111 = vector.broadcast %shift_left3A_110 : i32 to vector<256x256xi32>
    %shift_left3A_112 = arith.shli %and3A_109, %shift_left3A_111 : vector<256x256xi32>
    %or3A_113 = arith.ori %shift_left3A_106, %shift_left3A_112 : vector<256x256xi32>
    %bitcast_convert_type3A_114 = tpu.bitcast %or3A_113 : vector<256x256xi32> -> vector<256x256xf32>
    %mul3A_115 = arith.constant 5.19229686E+33 : f32
    %mul3A_116 = vector.broadcast %mul3A_115 : f32 to vector<256x256xf32>
    %mul3A_117 = arith.mulf %bitcast_convert_type3A_114, %mul3A_116 : vector<256x256xf32>
    %shift_right_arithmetic3A_118 = arith.constant 16 : i32
    %shift_right_arithmetic3A_119 = vector.broadcast %shift_right_arithmetic3A_118 : i32 to vector<256x256xi32>
    %shift_right_arithmetic3A_120 = arith.shrsi %get3A_97, %shift_right_arithmetic3A_119 : vector<256x256xi32>
    %and3A_121 = arith.constant 65535 : i32
    %and3A_122 = vector.broadcast %and3A_121 : i32 to vector<256x256xi32>
    %and3A_123 = arith.andi %shift_right_arithmetic3A_120, %and3A_122 : vector<256x256xi32>
    %and3A_124 = arith.constant 32768 : i32
    %and3A_125 = vector.broadcast %and3A_124 : i32 to vector<256x256xi32>
    %and3A_126 = arith.andi %and3A_123, %and3A_125 : vector<256x256xi32>
    %shift_left3A_127 = arith.constant 16 : i32
    %shift_left3A_128 = vector.broadcast %shift_left3A_127 : i32 to vector<256x256xi32>
    %shift_left3A_129 = arith.shli %and3A_126, %shift_left3A_128 : vector<256x256xi32>
    %and3A_130 = arith.constant 32767 : i32
    %and3A_131 = vector.broadcast %and3A_130 : i32 to vector<256x256xi32>
    %and3A_132 = arith.andi %and3A_123, %and3A_131 : vector<256x256xi32>
    %shift_left3A_133 = arith.constant 13 : i32
    %shift_left3A_134 = vector.broadcast %shift_left3A_133 : i32 to vector<256x256xi32>
    %shift_left3A_135 = arith.shli %and3A_132, %shift_left3A_134 : vector<256x256xi32>
    %or3A_136 = arith.ori %shift_left3A_129, %shift_left3A_135 : vector<256x256xi32>
    %bitcast_convert_type3A_137 = tpu.bitcast %or3A_136 : vector<256x256xi32> -> vector<256x256xf32>
    %mul3A_138 = arith.constant 5.19229686E+33 : f32
    %mul3A_139 = vector.broadcast %mul3A_138 : f32 to vector<256x256xf32>
    %mul3A_140 = arith.mulf %bitcast_convert_type3A_137, %mul3A_139 : vector<256x256xf32>
    %concatenate3A_141 = tpu.concatenate %mul3A_117, %mul3A_140 in 1 : vector<256x256xf32>, vector<256x256xf32> -> vector<256x512xf32>
    %get3A_142 = arith.constant 3 : index
    %get3A_143 = arith.constant 0 : index
    %get3A_144 = arith.constant 0 : index
    %get3A_145 = vector.load %arg2[%get3A_142, %get3A_143, %get3A_144] : memref<6x256x256xi32, #tpu.memory_space<vmem>>, vector<1x256x256xi32>
    %get3A_146 = vector.shape_cast %get3A_145 : vector<1x256x256xi32> to vector<256x256xi32>
    %and3A_147 = arith.constant 65535 : i32
    %and3A_148 = vector.broadcast %and3A_147 : i32 to vector<256x256xi32>
    %and3A_149 = arith.andi %get3A_146, %and3A_148 : vector<256x256xi32>
    %and3A_150 = arith.constant 32768 : i32
    %and3A_151 = vector.broadcast %and3A_150 : i32 to vector<256x256xi32>
    %and3A_152 = arith.andi %and3A_149, %and3A_151 : vector<256x256xi32>
    %shift_left3A_153 = arith.constant 16 : i32
    %shift_left3A_154 = vector.broadcast %shift_left3A_153 : i32 to vector<256x256xi32>
    %shift_left3A_155 = arith.shli %and3A_152, %shift_left3A_154 : vector<256x256xi32>
    %and3A_156 = arith.constant 32767 : i32
    %and3A_157 = vector.broadcast %and3A_156 : i32 to vector<256x256xi32>
    %and3A_158 = arith.andi %and3A_149, %and3A_157 : vector<256x256xi32>
    %shift_left3A_159 = arith.constant 13 : i32
    %shift_left3A_160 = vector.broadcast %shift_left3A_159 : i32 to vector<256x256xi32>
    %shift_left3A_161 = arith.shli %and3A_158, %shift_left3A_160 : vector<256x256xi32>
    %or3A_162 = arith.ori %shift_left3A_155, %shift_left3A_161 : vector<256x256xi32>
    %bitcast_convert_type3A_163 = tpu.bitcast %or3A_162 : vector<256x256xi32> -> vector<256x256xf32>
    %mul3A_164 = arith.constant 5.19229686E+33 : f32
    %mul3A_165 = vector.broadcast %mul3A_164 : f32 to vector<256x256xf32>
    %mul3A_166 = arith.mulf %bitcast_convert_type3A_163, %mul3A_165 : vector<256x256xf32>
    %shift_right_arithmetic3A_167 = arith.constant 16 : i32
    %shift_right_arithmetic3A_168 = vector.broadcast %shift_right_arithmetic3A_167 : i32 to vector<256x256xi32>
    %shift_right_arithmetic3A_169 = arith.shrsi %get3A_146, %shift_right_arithmetic3A_168 : vector<256x256xi32>
    %and3A_170 = arith.constant 65535 : i32
    %and3A_171 = vector.broadcast %and3A_170 : i32 to vector<256x256xi32>
    %and3A_172 = arith.andi %shift_right_arithmetic3A_169, %and3A_171 : vector<256x256xi32>
    %and3A_173 = arith.constant 32768 : i32
    %and3A_174 = vector.broadcast %and3A_173 : i32 to vector<256x256xi32>
    %and3A_175 = arith.andi %and3A_172, %and3A_174 : vector<256x256xi32>
    %shift_left3A_176 = arith.constant 16 : i32
    %shift_left3A_177 = vector.broadcast %shift_left3A_176 : i32 to vector<256x256xi32>
    %shift_left3A_178 = arith.shli %and3A_175, %shift_left3A_177 : vector<256x256xi32>
    %and3A_179 = arith.constant 32767 : i32
    %and3A_180 = vector.broadcast %and3A_179 : i32 to vector<256x256xi32>
    %and3A_181 = arith.andi %and3A_172, %and3A_180 : vector<256x256xi32>
    %shift_left3A_182 = arith.constant 13 : i32
    %shift_left3A_183 = vector.broadcast %shift_left3A_182 : i32 to vector<256x256xi32>
    %shift_left3A_184 = arith.shli %and3A_181, %shift_left3A_183 : vector<256x256xi32>
    %or3A_185 = arith.ori %shift_left3A_178, %shift_left3A_184 : vector<256x256xi32>
    %bitcast_convert_type3A_186 = tpu.bitcast %or3A_185 : vector<256x256xi32> -> vector<256x256xf32>
    %mul3A_187 = arith.constant 5.19229686E+33 : f32
    %mul3A_188 = vector.broadcast %mul3A_187 : f32 to vector<256x256xf32>
    %mul3A_189 = arith.mulf %bitcast_convert_type3A_186, %mul3A_188 : vector<256x256xf32>
    %concatenate3A_190 = tpu.concatenate %mul3A_166, %mul3A_189 in 1 : vector<256x256xf32>, vector<256x256xf32> -> vector<256x512xf32>
    %get3A_191 = arith.constant 4 : index
    %get3A_192 = arith.constant 0 : index
    %get3A_193 = arith.constant 0 : index
    %get3A_194 = vector.load %arg2[%get3A_191, %get3A_192, %get3A_193] : memref<6x256x256xi32, #tpu.memory_space<vmem>>, vector<1x256x256xi32>
    %get3A_195 = vector.shape_cast %get3A_194 : vector<1x256x256xi32> to vector<256x256xi32>
    %and3A_196 = arith.constant 65535 : i32
    %and3A_197 = vector.broadcast %and3A_196 : i32 to vector<256x256xi32>
    %and3A_198 = arith.andi %get3A_195, %and3A_197 : vector<256x256xi32>
    %and3A_199 = arith.constant 32768 : i32
    %and3A_200 = vector.broadcast %and3A_199 : i32 to vector<256x256xi32>
    %and3A_201 = arith.andi %and3A_198, %and3A_200 : vector<256x256xi32>
    %shift_left3A_202 = arith.constant 16 : i32
    %shift_left3A_203 = vector.broadcast %shift_left3A_202 : i32 to vector<256x256xi32>
    %shift_left3A_204 = arith.shli %and3A_201, %shift_left3A_203 : vector<256x256xi32>
    %and3A_205 = arith.constant 32767 : i32
    %and3A_206 = vector.broadcast %and3A_205 : i32 to vector<256x256xi32>
    %and3A_207 = arith.andi %and3A_198, %and3A_206 : vector<256x256xi32>
    %shift_left3A_208 = arith.constant 13 : i32
    %shift_left3A_209 = vector.broadcast %shift_left3A_208 : i32 to vector<256x256xi32>
    %shift_left3A_210 = arith.shli %and3A_207, %shift_left3A_209 : vector<256x256xi32>
    %or3A_211 = arith.ori %shift_left3A_204, %shift_left3A_210 : vector<256x256xi32>
    %bitcast_convert_type3A_212 = tpu.bitcast %or3A_211 : vector<256x256xi32> -> vector<256x256xf32>
    %mul3A_213 = arith.constant 5.19229686E+33 : f32
    %mul3A_214 = vector.broadcast %mul3A_213 : f32 to vector<256x256xf32>
    %mul3A_215 = arith.mulf %bitcast_convert_type3A_212, %mul3A_214 : vector<256x256xf32>
    %shift_right_arithmetic3A_216 = arith.constant 16 : i32
    %shift_right_arithmetic3A_217 = vector.broadcast %shift_right_arithmetic3A_216 : i32 to vector<256x256xi32>
    %shift_right_arithmetic3A_218 = arith.shrsi %get3A_195, %shift_right_arithmetic3A_217 : vector<256x256xi32>
    %and3A_219 = arith.constant 65535 : i32
    %and3A_220 = vector.broadcast %and3A_219 : i32 to vector<256x256xi32>
    %and3A_221 = arith.andi %shift_right_arithmetic3A_218, %and3A_220 : vector<256x256xi32>
    %and3A_222 = arith.constant 32768 : i32
    %and3A_223 = vector.broadcast %and3A_222 : i32 to vector<256x256xi32>
    %and3A_224 = arith.andi %and3A_221, %and3A_223 : vector<256x256xi32>
    %shift_left3A_225 = arith.constant 16 : i32
    %shift_left3A_226 = vector.broadcast %shift_left3A_225 : i32 to vector<256x256xi32>
    %shift_left3A_227 = arith.shli %and3A_224, %shift_left3A_226 : vector<256x256xi32>
    %and3A_228 = arith.constant 32767 : i32
    %and3A_229 = vector.broadcast %and3A_228 : i32 to vector<256x256xi32>
    %and3A_230 = arith.andi %and3A_221, %and3A_229 : vector<256x256xi32>
    %shift_left3A_231 = arith.constant 13 : i32
    %shift_left3A_232 = vector.broadcast %shift_left3A_231 : i32 to vector<256x256xi32>
    %shift_left3A_233 = arith.shli %and3A_230, %shift_left3A_232 : vector<256x256xi32>
    %or3A_234 = arith.ori %shift_left3A_227, %shift_left3A_233 : vector<256x256xi32>
    %bitcast_convert_type3A_235 = tpu.bitcast %or3A_234 : vector<256x256xi32> -> vector<256x256xf32>
    %mul3A_236 = arith.constant 5.19229686E+33 : f32
    %mul3A_237 = vector.broadcast %mul3A_236 : f32 to vector<256x256xf32>
    %mul3A_238 = arith.mulf %bitcast_convert_type3A_235, %mul3A_237 : vector<256x256xf32>
    %concatenate3A_239 = tpu.concatenate %mul3A_215, %mul3A_238 in 1 : vector<256x256xf32>, vector<256x256xf32> -> vector<256x512xf32>
    %get3A_240 = arith.constant 5 : index
    %get3A_241 = arith.constant 0 : index
    %get3A_242 = arith.constant 0 : index
    %get3A_243 = vector.load %arg2[%get3A_240, %get3A_241, %get3A_242] : memref<6x256x256xi32, #tpu.memory_space<vmem>>, vector<1x256x256xi32>
    %get3A_244 = vector.shape_cast %get3A_243 : vector<1x256x256xi32> to vector<256x256xi32>
    %and3A_245 = arith.constant 65535 : i32
    %and3A_246 = vector.broadcast %and3A_245 : i32 to vector<256x256xi32>
    %and3A_247 = arith.andi %get3A_244, %and3A_246 : vector<256x256xi32>
    %and3A_248 = arith.constant 32768 : i32
    %and3A_249 = vector.broadcast %and3A_248 : i32 to vector<256x256xi32>
    %and3A_250 = arith.andi %and3A_247, %and3A_249 : vector<256x256xi32>
    %shift_left3A_251 = arith.constant 16 : i32
    %shift_left3A_252 = vector.broadcast %shift_left3A_251 : i32 to vector<256x256xi32>
    %shift_left3A_253 = arith.shli %and3A_250, %shift_left3A_252 : vector<256x256xi32>
    %and3A_254 = arith.constant 32767 : i32
    %and3A_255 = vector.broadcast %and3A_254 : i32 to vector<256x256xi32>
    %and3A_256 = arith.andi %and3A_247, %and3A_255 : vector<256x256xi32>
    %shift_left3A_257 = arith.constant 13 : i32
    %shift_left3A_258 = vector.broadcast %shift_left3A_257 : i32 to vector<256x256xi32>
    %shift_left3A_259 = arith.shli %and3A_256, %shift_left3A_258 : vector<256x256xi32>
    %or3A_260 = arith.ori %shift_left3A_253, %shift_left3A_259 : vector<256x256xi32>
    %bitcast_convert_type3A_261 = tpu.bitcast %or3A_260 : vector<256x256xi32> -> vector<256x256xf32>
    %mul3A_262 = arith.constant 5.19229686E+33 : f32
    %mul3A_263 = vector.broadcast %mul3A_262 : f32 to vector<256x256xf32>
    %mul3A_264 = arith.mulf %bitcast_convert_type3A_261, %mul3A_263 : vector<256x256xf32>
    %shift_right_arithmetic3A_265 = arith.constant 16 : i32
    %shift_right_arithmetic3A_266 = vector.broadcast %shift_right_arithmetic3A_265 : i32 to vector<256x256xi32>
    %shift_right_arithmetic3A_267 = arith.shrsi %get3A_244, %shift_right_arithmetic3A_266 : vector<256x256xi32>
    %and3A_268 = arith.constant 65535 : i32
    %and3A_269 = vector.broadcast %and3A_268 : i32 to vector<256x256xi32>
    %and3A_270 = arith.andi %shift_right_arithmetic3A_267, %and3A_269 : vector<256x256xi32>
    %and3A_271 = arith.constant 32768 : i32
    %and3A_272 = vector.broadcast %and3A_271 : i32 to vector<256x256xi32>
    %and3A_273 = arith.andi %and3A_270, %and3A_272 : vector<256x256xi32>
    %shift_left3A_274 = arith.constant 16 : i32
    %shift_left3A_275 = vector.broadcast %shift_left3A_274 : i32 to vector<256x256xi32>
    %shift_left3A_276 = arith.shli %and3A_273, %shift_left3A_275 : vector<256x256xi32>
    %and3A_277 = arith.constant 32767 : i32
    %and3A_278 = vector.broadcast %and3A_277 : i32 to vector<256x256xi32>
    %and3A_279 = arith.andi %and3A_270, %and3A_278 : vector<256x256xi32>
    %shift_left3A_280 = arith.constant 13 : i32
    %shift_left3A_281 = vector.broadcast %shift_left3A_280 : i32 to vector<256x256xi32>
    %shift_left3A_282 = arith.shli %and3A_279, %shift_left3A_281 : vector<256x256xi32>
    %or3A_283 = arith.ori %shift_left3A_276, %shift_left3A_282 : vector<256x256xi32>
    %bitcast_convert_type3A_284 = tpu.bitcast %or3A_283 : vector<256x256xi32> -> vector<256x256xf32>
    %mul3A_285 = arith.constant 5.19229686E+33 : f32
    %mul3A_286 = vector.broadcast %mul3A_285 : f32 to vector<256x256xf32>
    %mul3A_287 = arith.mulf %bitcast_convert_type3A_284, %mul3A_286 : vector<256x256xf32>
    %concatenate3A_288 = tpu.concatenate %mul3A_264, %mul3A_287 in 1 : vector<256x256xf32>, vector<256x256xf32> -> vector<256x512xf32>
    %get3A_289 = arith.constant 0 : index
    %get3A_290 = arith.constant 0 : index
    %get3A_291 = vector.load %arg3[%get3A_289, %get3A_290] : memref<256x8xf32, #tpu.memory_space<vmem>>, vector<256x1xf32>
    %sub3A = arith.constant 2.000000e+00 : f32
    %sub3A_292 = vector.broadcast %sub3A : f32 to vector<256x1xf32>
    %sub3A_293 = arith.subf %sub3A_292, %get3A_291 : vector<256x1xf32>
    %mul3A_294 = vector.broadcast %sub3A_293 : vector<256x1xf32> to vector<256x512xf32>
    %mul3A_295 = arith.mulf %mul3A_294, %get3A_1 : vector<256x512xf32>
    %mul3A_296 = vector.broadcast %get3A_291 : vector<256x1xf32> to vector<256x512xf32>
    %mul3A_297 = arith.mulf %mul3A_296, %concatenate3A : vector<256x512xf32>
    %add3A = arith.addf %mul3A_295, %mul3A_297 : vector<256x512xf32>
    %tanh3A = math.tanh %add3A : vector<256x512xf32>
    %reduce_sum3A = arith.constant dense<0.000000e+00> : vector<256xf32>
    %reduce_sum3A_298 = vector.multi_reduction <add>, %concatenate3A, %reduce_sum3A [1] : vector<256x512xf32> to vector<256xf32>
    %broadcast_in_dim3A = vector.shape_cast %reduce_sum3A_298 : vector<256xf32> to vector<256x1xf32>
    %reduce_sum3A_299 = arith.constant dense<0.000000e+00> : vector<256xf32>
    %reduce_sum3A_300 = vector.multi_reduction <add>, %tanh3A, %reduce_sum3A_299 [1] : vector<256x512xf32> to vector<256xf32>
    %broadcast_in_dim3A_301 = vector.shape_cast %reduce_sum3A_300 : vector<256xf32> to vector<256x1xf32>
    %mul3A_302 = arith.mulf %broadcast_in_dim3A, %broadcast_in_dim3A_301 : vector<256x1xf32>
    %get3A_303 = arith.constant 0 : index
    %get3A_304 = arith.constant 1 : index
    %get3A_305 = vector.load %arg3[%get3A_303, %get3A_304] : memref<256x8xf32, #tpu.memory_space<vmem>>, vector<256x1xf32>
    %sub3A_306 = arith.constant 2.000000e+00 : f32
    %sub3A_307 = vector.broadcast %sub3A_306 : f32 to vector<256x1xf32>
    %sub3A_308 = arith.subf %sub3A_307, %get3A_305 : vector<256x1xf32>
    %mul3A_309 = vector.broadcast %sub3A_308 : vector<256x1xf32> to vector<256x512xf32>
    %mul3A_310 = arith.mulf %mul3A_309, %get3A_1 : vector<256x512xf32>
    %mul3A_311 = vector.broadcast %get3A_305 : vector<256x1xf32> to vector<256x512xf32>
    %mul3A_312 = arith.mulf %mul3A_311, %concatenate3A_92 : vector<256x512xf32>
    %add3A_313 = arith.addf %mul3A_310, %mul3A_312 : vector<256x512xf32>
    %tanh3A_314 = math.tanh %add3A_313 : vector<256x512xf32>
    %reduce_sum3A_315 = arith.constant dense<0.000000e+00> : vector<256xf32>
    %reduce_sum3A_316 = vector.multi_reduction <add>, %concatenate3A_92, %reduce_sum3A_315 [1] : vector<256x512xf32> to vector<256xf32>
    %broadcast_in_dim3A_317 = vector.shape_cast %reduce_sum3A_316 : vector<256xf32> to vector<256x1xf32>
    %reduce_sum3A_318 = arith.constant dense<0.000000e+00> : vector<256xf32>
    %reduce_sum3A_319 = vector.multi_reduction <add>, %tanh3A_314, %reduce_sum3A_318 [1] : vector<256x512xf32> to vector<256xf32>
    %broadcast_in_dim3A_320 = vector.shape_cast %reduce_sum3A_319 : vector<256xf32> to vector<256x1xf32>
    %mul3A_321 = arith.mulf %broadcast_in_dim3A_317, %broadcast_in_dim3A_320 : vector<256x1xf32>
    %get3A_322 = arith.constant 0 : index
    %get3A_323 = arith.constant 2 : index
    %get3A_324 = vector.load %arg3[%get3A_322, %get3A_323] : memref<256x8xf32, #tpu.memory_space<vmem>>, vector<256x1xf32>
    %sub3A_325 = arith.constant 2.000000e+00 : f32
    %sub3A_326 = vector.broadcast %sub3A_325 : f32 to vector<256x1xf32>
    %sub3A_327 = arith.subf %sub3A_326, %get3A_324 : vector<256x1xf32>
    %mul3A_328 = vector.broadcast %sub3A_327 : vector<256x1xf32> to vector<256x512xf32>
    %mul3A_329 = arith.mulf %mul3A_328, %get3A_1 : vector<256x512xf32>
    %mul3A_330 = vector.broadcast %get3A_324 : vector<256x1xf32> to vector<256x512xf32>
    %mul3A_331 = arith.mulf %mul3A_330, %concatenate3A_141 : vector<256x512xf32>
    %add3A_332 = arith.addf %mul3A_329, %mul3A_331 : vector<256x512xf32>
    %tanh3A_333 = math.tanh %add3A_332 : vector<256x512xf32>
    %reduce_sum3A_334 = arith.constant dense<0.000000e+00> : vector<256xf32>
    %reduce_sum3A_335 = vector.multi_reduction <add>, %concatenate3A_141, %reduce_sum3A_334 [1] : vector<256x512xf32> to vector<256xf32>
    %broadcast_in_dim3A_336 = vector.shape_cast %reduce_sum3A_335 : vector<256xf32> to vector<256x1xf32>
    %reduce_sum3A_337 = arith.constant dense<0.000000e+00> : vector<256xf32>
    %reduce_sum3A_338 = vector.multi_reduction <add>, %tanh3A_333, %reduce_sum3A_337 [1] : vector<256x512xf32> to vector<256xf32>
    %broadcast_in_dim3A_339 = vector.shape_cast %reduce_sum3A_338 : vector<256xf32> to vector<256x1xf32>
    %mul3A_340 = arith.mulf %broadcast_in_dim3A_336, %broadcast_in_dim3A_339 : vector<256x1xf32>
    %get3A_341 = arith.constant 0 : index
    %get3A_342 = arith.constant 3 : index
    %get3A_343 = vector.load %arg3[%get3A_341, %get3A_342] : memref<256x8xf32, #tpu.memory_space<vmem>>, vector<256x1xf32>
    %sub3A_344 = arith.constant 2.000000e+00 : f32
    %sub3A_345 = vector.broadcast %sub3A_344 : f32 to vector<256x1xf32>
    %sub3A_346 = arith.subf %sub3A_345, %get3A_343 : vector<256x1xf32>
    %mul3A_347 = vector.broadcast %sub3A_346 : vector<256x1xf32> to vector<256x512xf32>
    %mul3A_348 = arith.mulf %mul3A_347, %get3A_1 : vector<256x512xf32>
    %mul3A_349 = vector.broadcast %get3A_343 : vector<256x1xf32> to vector<256x512xf32>
    %mul3A_350 = arith.mulf %mul3A_349, %concatenate3A_190 : vector<256x512xf32>
    %add3A_351 = arith.addf %mul3A_348, %mul3A_350 : vector<256x512xf32>
    %tanh3A_352 = math.tanh %add3A_351 : vector<256x512xf32>
    %reduce_sum3A_353 = arith.constant dense<0.000000e+00> : vector<256xf32>
    %reduce_sum3A_354 = vector.multi_reduction <add>, %concatenate3A_190, %reduce_sum3A_353 [1] : vector<256x512xf32> to vector<256xf32>
    %broadcast_in_dim3A_355 = vector.shape_cast %reduce_sum3A_354 : vector<256xf32> to vector<256x1xf32>
    %reduce_sum3A_356 = arith.constant dense<0.000000e+00> : vector<256xf32>
    %reduce_sum3A_357 = vector.multi_reduction <add>, %tanh3A_352, %reduce_sum3A_356 [1] : vector<256x512xf32> to vector<256xf32>
    %broadcast_in_dim3A_358 = vector.shape_cast %reduce_sum3A_357 : vector<256xf32> to vector<256x1xf32>
    %mul3A_359 = arith.mulf %broadcast_in_dim3A_355, %broadcast_in_dim3A_358 : vector<256x1xf32>
    %get3A_360 = arith.constant 0 : index
    %get3A_361 = arith.constant 4 : index
    %get3A_362 = vector.load %arg3[%get3A_360, %get3A_361] : memref<256x8xf32, #tpu.memory_space<vmem>>, vector<256x1xf32>
    %sub3A_363 = arith.constant 2.000000e+00 : f32
    %sub3A_364 = vector.broadcast %sub3A_363 : f32 to vector<256x1xf32>
    %sub3A_365 = arith.subf %sub3A_364, %get3A_362 : vector<256x1xf32>
    %mul3A_366 = vector.broadcast %sub3A_365 : vector<256x1xf32> to vector<256x512xf32>
    %mul3A_367 = arith.mulf %mul3A_366, %get3A_1 : vector<256x512xf32>
    %mul3A_368 = vector.broadcast %get3A_362 : vector<256x1xf32> to vector<256x512xf32>
    %mul3A_369 = arith.mulf %mul3A_368, %concatenate3A_239 : vector<256x512xf32>
    %add3A_370 = arith.addf %mul3A_367, %mul3A_369 : vector<256x512xf32>
    %tanh3A_371 = math.tanh %add3A_370 : vector<256x512xf32>
    %reduce_sum3A_372 = arith.constant dense<0.000000e+00> : vector<256xf32>
    %reduce_sum3A_373 = vector.multi_reduction <add>, %concatenate3A_239, %reduce_sum3A_372 [1] : vector<256x512xf32> to vector<256xf32>
    %broadcast_in_dim3A_374 = vector.shape_cast %reduce_sum3A_373 : vector<256xf32> to vector<256x1xf32>
    %reduce_sum3A_375 = arith.constant dense<0.000000e+00> : vector<256xf32>
    %reduce_sum3A_376 = vector.multi_reduction <add>, %tanh3A_371, %reduce_sum3A_375 [1] : vector<256x512xf32> to vector<256xf32>
    %broadcast_in_dim3A_377 = vector.shape_cast %reduce_sum3A_376 : vector<256xf32> to vector<256x1xf32>
    %mul3A_378 = arith.mulf %broadcast_in_dim3A_374, %broadcast_in_dim3A_377 : vector<256x1xf32>
    %get3A_379 = arith.constant 0 : index
    %get3A_380 = arith.constant 5 : index
    %get3A_381 = vector.load %arg3[%get3A_379, %get3A_380] : memref<256x8xf32, #tpu.memory_space<vmem>>, vector<256x1xf32>
    %sub3A_382 = arith.constant 2.000000e+00 : f32
    %sub3A_383 = vector.broadcast %sub3A_382 : f32 to vector<256x1xf32>
    %sub3A_384 = arith.subf %sub3A_383, %get3A_381 : vector<256x1xf32>
    %mul3A_385 = vector.broadcast %sub3A_384 : vector<256x1xf32> to vector<256x512xf32>
    %mul3A_386 = arith.mulf %mul3A_385, %get3A_1 : vector<256x512xf32>
    %mul3A_387 = vector.broadcast %get3A_381 : vector<256x1xf32> to vector<256x512xf32>
    %mul3A_388 = arith.mulf %mul3A_387, %concatenate3A_288 : vector<256x512xf32>
    %add3A_389 = arith.addf %mul3A_386, %mul3A_388 : vector<256x512xf32>
    %tanh3A_390 = math.tanh %add3A_389 : vector<256x512xf32>
    %reduce_sum3A_391 = arith.constant dense<0.000000e+00> : vector<256xf32>
    %reduce_sum3A_392 = vector.multi_reduction <add>, %concatenate3A_288, %reduce_sum3A_391 [1] : vector<256x512xf32> to vector<256xf32>
    %broadcast_in_dim3A_393 = vector.shape_cast %reduce_sum3A_392 : vector<256xf32> to vector<256x1xf32>
    %reduce_sum3A_394 = arith.constant dense<0.000000e+00> : vector<256xf32>
    %reduce_sum3A_395 = vector.multi_reduction <add>, %tanh3A_390, %reduce_sum3A_394 [1] : vector<256x512xf32> to vector<256xf32>
    %broadcast_in_dim3A_396 = vector.shape_cast %reduce_sum3A_395 : vector<256xf32> to vector<256x1xf32>
    %mul3A_397 = arith.mulf %broadcast_in_dim3A_393, %broadcast_in_dim3A_396 : vector<256x1xf32>
    %concatenate3A_398 = tpu.concatenate %mul3A_302, %mul3A_321, %mul3A_340, %mul3A_359, %mul3A_378, %mul3A_397 in 1 : vector<256x1xf32>, vector<256x1xf32>, vector<256x1xf32>, vector<256x1xf32>, vector<256x1xf32>, vector<256x1xf32> -> vector<256x6xf32>
    %reduce_max3A = arith.constant dense<0xFF800000> : vector<256xf32>
    %reduce_max3A_399 = vector.multi_reduction <maximumf>, %concatenate3A_398, %reduce_max3A [1] : vector<256x6xf32> to vector<256xf32>
    %broadcast_in_dim3A_400 = vector.shape_cast %reduce_max3A_399 : vector<256xf32> to vector<256x1xf32>
    %sub3A_401 = vector.broadcast %broadcast_in_dim3A_400 : vector<256x1xf32> to vector<256x6xf32>
    %sub3A_402 = arith.subf %concatenate3A_398, %sub3A_401 : vector<256x6xf32>
    %exp3A = math.exp %sub3A_402 : vector<256x6xf32>
    %reduce_sum3A_403 = arith.constant dense<0.000000e+00> : vector<256xf32>
    %reduce_sum3A_404 = vector.multi_reduction <add>, %exp3A, %reduce_sum3A_403 [1] : vector<256x6xf32> to vector<256xf32>
    %broadcast_in_dim3A_405 = vector.shape_cast %reduce_sum3A_404 : vector<256xf32> to vector<256x1xf32>
    %div3A = arith.constant 1.000000e+00 : f32
    %div3A_406 = vector.broadcast %div3A : f32 to vector<256x1xf32>
    %div3A_407 = arith.divf %div3A_406, %broadcast_in_dim3A_405 : vector<256x1xf32>
    %slice3A = vector.extract_strided_slice %exp3A {offsets = [0, 0], sizes = [256, 1], strides = [1, 1]} : vector<256x6xf32> to vector<256x1xf32>
    %mul3A_408 = arith.mulf %slice3A, %div3A_407 : vector<256x1xf32>
    %mul3A_409 = vector.broadcast %mul3A_408 : vector<256x1xf32> to vector<256x512xf32>
    %mul3A_410 = arith.mulf %mul3A_409, %concatenate3A : vector<256x512xf32>
    %slice3A_411 = vector.extract_strided_slice %exp3A {offsets = [0, 1], sizes = [256, 1], strides = [1, 1]} : vector<256x6xf32> to vector<256x1xf32>
    %mul3A_412 = arith.mulf %slice3A_411, %div3A_407 : vector<256x1xf32>
    %mul3A_413 = vector.broadcast %mul3A_412 : vector<256x1xf32> to vector<256x512xf32>
    %mul3A_414 = arith.mulf %mul3A_413, %concatenate3A_92 : vector<256x512xf32>
    %add3A_415 = arith.addf %mul3A_410, %mul3A_414 : vector<256x512xf32>
    %slice3A_416 = vector.extract_strided_slice %exp3A {offsets = [0, 2], sizes = [256, 1], strides = [1, 1]} : vector<256x6xf32> to vector<256x1xf32>
    %mul3A_417 = arith.mulf %slice3A_416, %div3A_407 : vector<256x1xf32>
    %mul3A_418 = vector.broadcast %mul3A_417 : vector<256x1xf32> to vector<256x512xf32>
    %mul3A_419 = arith.mulf %mul3A_418, %concatenate3A_141 : vector<256x512xf32>
    %add3A_420 = arith.addf %add3A_415, %mul3A_419 : vector<256x512xf32>
    %slice3A_421 = vector.extract_strided_slice %exp3A {offsets = [0, 3], sizes = [256, 1], strides = [1, 1]} : vector<256x6xf32> to vector<256x1xf32>
    %mul3A_422 = arith.mulf %slice3A_421, %div3A_407 : vector<256x1xf32>
    %mul3A_423 = vector.broadcast %mul3A_422 : vector<256x1xf32> to vector<256x512xf32>
    %mul3A_424 = arith.mulf %mul3A_423, %concatenate3A_190 : vector<256x512xf32>
    %add3A_425 = arith.addf %add3A_420, %mul3A_424 : vector<256x512xf32>
    %slice3A_426 = vector.extract_strided_slice %exp3A {offsets = [0, 4], sizes = [256, 1], strides = [1, 1]} : vector<256x6xf32> to vector<256x1xf32>
    %mul3A_427 = arith.mulf %slice3A_426, %div3A_407 : vector<256x1xf32>
    %mul3A_428 = vector.broadcast %mul3A_427 : vector<256x1xf32> to vector<256x512xf32>
    %mul3A_429 = arith.mulf %mul3A_428, %concatenate3A_239 : vector<256x512xf32>
    %add3A_430 = arith.addf %add3A_425, %mul3A_429 : vector<256x512xf32>
    %slice3A_431 = vector.extract_strided_slice %exp3A {offsets = [0, 5], sizes = [256, 1], strides = [1, 1]} : vector<256x6xf32> to vector<256x1xf32>
    %mul3A_432 = arith.mulf %slice3A_431, %div3A_407 : vector<256x1xf32>
    %mul3A_433 = vector.broadcast %mul3A_432 : vector<256x1xf32> to vector<256x512xf32>
    %mul3A_434 = arith.mulf %mul3A_433, %concatenate3A_288 : vector<256x512xf32>
    %add3A_435 = arith.addf %add3A_430, %mul3A_434 : vector<256x512xf32>
    %add3A_436 = arith.addf %get3A_1, %add3A_435 : vector<256x512xf32>
    %get3A_437 = arith.constant 0 : index
    %get3A_438 = arith.constant 0 : index
    %get3A_439 = vector.load %arg4[%get3A_437, %get3A_438] : memref<512x512xf32, #tpu.memory_space<vmem>>, vector<512x512xf32>
    %dot_general3A = arith.constant dense<0.000000e+00> : vector<256x512xf32>
    %dot_general3A_440 = tpu.matmul %add3A_436, %get3A_439, %dot_general3A {dimension_numbers = #tpu.dot_dimension_numbers<[1], [1], [0], [0], [0, 0, 1, 0], [], []>, transpose_lhs_hint = false} : vector<256x512xf32>, vector<512x512xf32>, vector<256x512xf32> -> vector<256x512xf32>
    %get3A_441 = arith.constant 0 : index
    %get3A_442 = arith.constant 0 : index
    %get3A_443 = vector.load %arg5[%get3A_441, %get3A_442] : memref<1x512xf32, #tpu.memory_space<vmem>>, vector<1x512xf32>
    %add3A_444 = vector.broadcast %get3A_443 : vector<1x512xf32> to vector<256x512xf32>
    %add3A_445 = arith.addf %dot_general3A_440, %add3A_444 : vector<256x512xf32>
    %gt3A = arith.constant 0.000000e+00 : f32
    %gt3A_446 = vector.broadcast %gt3A : f32 to vector<256x512xf32>
    %gt3A_447 = arith.cmpf ogt, %add3A_445, %gt3A_446 : vector<256x512xf32>
    %mul3A_448 = arith.constant 0.00999999977 : f32
    %mul3A_449 = vector.broadcast %mul3A_448 : f32 to vector<256x512xf32>
    %mul3A_450 = arith.mulf %mul3A_449, %add3A_445 : vector<256x512xf32>
    %select_n3A = arith.select %gt3A_447, %add3A_445, %mul3A_450 : vector<256x512xi1>, vector<256x512xf32>
    %mul3A_451 = arith.mulf %get3A_1, %add3A_435 : vector<256x512xf32>
    %get3A_452 = arith.constant 0 : index
    %get3A_453 = arith.constant 0 : index
    %get3A_454 = vector.load %arg6[%get3A_452, %get3A_453] : memref<512x512xf32, #tpu.memory_space<vmem>>, vector<512x512xf32>
    %dot_general3A_455 = arith.constant dense<0.000000e+00> : vector<256x512xf32>
    %dot_general3A_456 = tpu.matmul %mul3A_451, %get3A_454, %dot_general3A_455 {dimension_numbers = #tpu.dot_dimension_numbers<[1], [1], [0], [0], [0, 0, 1, 0], [], []>, transpose_lhs_hint = false} : vector<256x512xf32>, vector<512x512xf32>, vector<256x512xf32> -> vector<256x512xf32>
    %get3A_457 = arith.constant 0 : index
    %get3A_458 = arith.constant 0 : index
    %get3A_459 = vector.load %arg7[%get3A_457, %get3A_458] : memref<1x512xf32, #tpu.memory_space<vmem>>, vector<1x512xf32>
    %add3A_460 = vector.broadcast %get3A_459 : vector<1x512xf32> to vector<256x512xf32>
    %add3A_461 = arith.addf %dot_general3A_456, %add3A_460 : vector<256x512xf32>
    %gt3A_462 = arith.constant 0.000000e+00 : f32
    %gt3A_463 = vector.broadcast %gt3A_462 : f32 to vector<256x512xf32>
    %gt3A_464 = arith.cmpf ogt, %add3A_461, %gt3A_463 : vector<256x512xf32>
    %mul3A_465 = arith.constant 0.00999999977 : f32
    %mul3A_466 = vector.broadcast %mul3A_465 : f32 to vector<256x512xf32>
    %mul3A_467 = arith.mulf %mul3A_466, %add3A_461 : vector<256x512xf32>
    %select_n3A_468 = arith.select %gt3A_464, %add3A_461, %mul3A_467 : vector<256x512xi1>, vector<256x512xf32>
    %add3A_469 = arith.addf %select_n3A, %select_n3A_468 : vector<256x512xf32>
    %swap3A = arith.constant 0 : index
    %swap3A_470 = arith.constant 0 : index
    %swap3A_471 = vector.load %arg12[%swap3A, %swap3A_470] : memref<256x512xf32, #tpu.memory_space<vmem>>, vector<256x512xf32>
    tpu.vector_store %arg12[%swap3A, %swap3A_470], %add3A_469 {strides = array<i32>} : memref<256x512xf32, #tpu.memory_space<vmem>>, vector<256x512xf32>,
    %get3A_472 = arith.constant 0 : index
    %get3A_473 = arith.constant 0 : index
    %get3A_474 = vector.load %arg8[%get3A_472, %get3A_473] : memref<256x512xf32, #tpu.memory_space<vmem>>, vector<256x512xf32>
    %dot_general3A_475 = arith.constant dense<0.000000e+00> : vector<256x256xf32>
    %dot_general3A_476 = tpu.matmul %add3A_469, %get3A_474, %dot_general3A_475 {dimension_numbers = #tpu.dot_dimension_numbers<[1], [1], [0], [0], [0, 0, 1, 0], [], []>, transpose_lhs_hint = false} : vector<256x512xf32>, vector<256x512xf32>, vector<256x256xf32> -> vector<256x256xf32>
    %get3A_477 = arith.constant 0 : index
    %get3A_478 = arith.constant 0 : index
    %get3A_479 = vector.load %arg9[%get3A_477, %get3A_478] : memref<1x256xf32, #tpu.memory_space<vmem>>, vector<1x256xf32>
    %add3A_480 = vector.broadcast %get3A_479 : vector<1x256xf32> to vector<256x256xf32>
    %add3A_481 = arith.addf %dot_general3A_476, %add3A_480 : vector<256x256xf32>
    %gt3A_482 = arith.constant 0.000000e+00 : f32
    %gt3A_483 = vector.broadcast %gt3A_482 : f32 to vector<256x256xf32>
    %gt3A_484 = arith.cmpf ogt, %add3A_481, %gt3A_483 : vector<256x256xf32>
    %mul3A_485 = arith.constant 0.00999999977 : f32
    %mul3A_486 = vector.broadcast %mul3A_485 : f32 to vector<256x256xf32>
    %mul3A_487 = arith.mulf %mul3A_486, %add3A_481 : vector<256x256xf32>
    %select_n3A_488 = arith.select %gt3A_484, %add3A_481, %mul3A_487 : vector<256x256xi1>, vector<256x256xf32>
    %get3A_489 = arith.constant 0 : index
    %get3A_490 = arith.constant 0 : index
    %get3A_491 = vector.load %arg10[%get3A_489, %get3A_490] : memref<128x256xf32, #tpu.memory_space<vmem>>, vector<128x256xf32>
    %dot_general3A_492 = arith.constant dense<0.000000e+00> : vector<256x128xf32>
    %dot_general3A_493 = tpu.matmul %select_n3A_488, %get3A_491, %dot_general3A_492 {dimension_numbers = #tpu.dot_dimension_numbers<[1], [1], [0], [0], [0, 0, 1, 0], [], []>, transpose_lhs_hint = false} : vector<256x256xf32>, vector<128x256xf32>, vector<256x128xf32> -> vector<256x128xf32>
    %get3A_494 = arith.constant 0 : index
    %get3A_495 = arith.constant 0 : index
    %get3A_496 = vector.load %arg11[%get3A_494, %get3A_495] : memref<1x128xf32, #tpu.memory_space<vmem>>, vector<1x128xf32>
    %add3A_497 = vector.broadcast %get3A_496 : vector<1x128xf32> to vector<256x128xf32>
    %add3A_498 = arith.addf %dot_general3A_493, %add3A_497 : vector<256x128xf32>
    %swap3A_499 = arith.constant 0 : index
    %swap3A_500 = arith.constant 0 : index
    %swap3A_501 = vector.load %arg13[%swap3A_499, %swap3A_500] : memref<256x128xf32, #tpu.memory_space<vmem>>, vector<256x128xf32>
    tpu.vector_store %arg13[%swap3A_499, %swap3A_500], %add3A_498 {strides = array<i32>} : memref<256x128xf32, #tpu.memory_space<vmem>>, vector<256x128xf32>,
    return
  }
  func.func @transform_0(%arg0: i32) -> (i32, i32) {
    %add3A = arith.constant 4 : i32
    %add3A_0 = arith.addi %arg0, %add3A : i32
    %c0_i32 = arith.constant 0 : i32
    %c0_i32_1 = arith.constant 0 : i32
    return %add3A_0, %c0_i32 : i32, i32
  }
  func.func @transform_1(%arg0: i32) -> (i32, i32, i32) {
    %c0_i32 = arith.constant 0 : i32
    %c0_i32_0 = arith.constant 0 : i32
    %c0_i32_1 = arith.constant 0 : i32
    return %c0_i32, %arg0, %c0_i32_0 : i32, i32, i32
  }
  func.func @transform_2(%arg0: i32) -> (i32, i32) {
    %c0_i32 = arith.constant 0 : i32
    %c0_i32_0 = arith.constant 0 : i32
    return %arg0, %c0_i32 : i32, i32
  }
  func.func @transform_3(%arg0: i32) -> (i32, i32) {
    %c0_i32 = arith.constant 0 : i32
    %c0_i32_0 = arith.constant 0 : i32
    %c0_i32_1 = arith.constant 0 : i32
    return %c0_i32, %c0_i32_0 : i32, i32
  }
  func.func @transform_4(%arg0: i32) -> (i32, i32) {
    %c0_i32 = arith.constant 0 : i32
    %c0_i32_0 = arith.constant 0 : i32
    %c0_i32_1 = arith.constant 0 : i32
    return %c0_i32, %c0_i32_0 : i32, i32
  }
  func.func @transform_5(%arg0: i32) -> (i32, i32) {
    %c0_i32 = arith.constant 0 : i32
    %c0_i32_0 = arith.constant 0 : i32
    %c0_i32_1 = arith.constant 0 : i32
    return %c0_i32, %c0_i32_0 : i32, i32
  }
  func.func @transform_6(%arg0: i32) -> (i32, i32) {
    %c0_i32 = arith.constant 0 : i32
    %c0_i32_0 = arith.constant 0 : i32
    %c0_i32_1 = arith.constant 0 : i32
    return %c0_i32, %c0_i32_0 : i32, i32
  }
  func.func @transform_7(%arg0: i32) -> (i32, i32) {
    %c0_i32 = arith.constant 0 : i32
    %c0_i32_0 = arith.constant 0 : i32
    %c0_i32_1 = arith.constant 0 : i32
    return %c0_i32, %c0_i32_0 : i32, i32
  }
  func.func @transform_8(%arg0: i32) -> (i32, i32) {
    %c0_i32 = arith.constant 0 : i32
    %c0_i32_0 = arith.constant 0 : i32
    %c0_i32_1 = arith.constant 0 : i32
    return %c0_i32, %c0_i32_0 : i32, i32
  }
  func.func @transform_9(%arg0: i32) -> (i32, i32) {
    %c0_i32 = arith.constant 0 : i32
    %c0_i32_0 = arith.constant 0 : i32
    %c0_i32_1 = arith.constant 0 : i32
    return %c0_i32, %c0_i32_0 : i32, i32
  }
  func.func @transform_10(%arg0: i32) -> (i32, i32) {
    %c0_i32 = arith.constant 0 : i32
    %c0_i32_0 = arith.constant 0 : i32
    %c0_i32_1 = arith.constant 0 : i32
    return %c0_i32, %c0_i32_0 : i32, i32
  }
  func.func @transform_11(%arg0: i32) -> (i32, i32) {
    %c0_i32 = arith.constant 0 : i32
    %c0_i32_0 = arith.constant 0 : i32
    return %arg0, %c0_i32 : i32, i32
  }
  func.func @transform_12(%arg0: i32) -> (i32, i32) {
    %c0_i32 = arith.constant 0 : i32
    %c0_i32_0 = arith.constant 0 : i32
    return %arg0, %c0_i32 : i32, i32
  }
}

module attributes {stable_mosaic.version = 14 : i64} {
  func.func @_agg_body(%arg0: i32, %arg1: memref<256x512xf32, #tpu.memory_space<vmem>>, %arg2: memref<6x256x256xi32, #tpu.memory_space<vmem>>, %arg3: memref<256x8xf32, #tpu.memory_space<vmem>>, %arg4: memref<512x512xf32, #tpu.memory_space<vmem>>, %arg5: memref<1x512xf32, #tpu.memory_space<vmem>>, %arg6: memref<512x512xf32, #tpu.memory_space<vmem>>, %arg7: memref<1x512xf32, #tpu.memory_space<vmem>>, %arg8: memref<256x512xf32, #tpu.memory_space<vmem>>, %arg9: memref<1x256xf32, #tpu.memory_space<vmem>>, %arg10: memref<128x256xf32, #tpu.memory_space<vmem>>, %arg11: memref<1x128xf32, #tpu.memory_space<vmem>>, %arg12: memref<256x512xf32, #tpu.memory_space<vmem>>, %arg13: memref<256x128xf32, #tpu.memory_space<vmem>>) attributes {dimension_semantics = [#tpu.dimension_semantics<arbitrary>], iteration_bounds = array<i64: 4>, scalar_prefetch = 0 : i64, scratch_operands = 0 : i64, tpu.core_type = #tpu.core_type<tc>, window_params = [{transform_indices = @transform_0, window_bounds = array<i64: 256, 512>}, {transform_indices = @transform_1, window_bounds = array<i64: 6, 256, 256>}, {transform_indices = @transform_2, window_bounds = array<i64: 256, 8>}, {pipeline_mode = #tpu.pipeline_mode<synchronous>, transform_indices = @transform_3, window_bounds = array<i64: 512, 512>}, {pipeline_mode = #tpu.pipeline_mode<synchronous>, transform_indices = @transform_4, window_bounds = array<i64: 1, 512>}, {pipeline_mode = #tpu.pipeline_mode<synchronous>, transform_indices = @transform_5, window_bounds = array<i64: 512, 512>}, {pipeline_mode = #tpu.pipeline_mode<synchronous>, transform_indices = @transform_6, window_bounds = array<i64: 1, 512>}, {pipeline_mode = #tpu.pipeline_mode<synchronous>, transform_indices = @transform_7, window_bounds = array<i64: 256, 512>}, {pipeline_mode = #tpu.pipeline_mode<synchronous>, transform_indices = @transform_8, window_bounds = array<i64: 1, 256>}, {pipeline_mode = #tpu.pipeline_mode<synchronous>, transform_indices = @transform_9, window_bounds = array<i64: 128, 256>}, {pipeline_mode = #tpu.pipeline_mode<synchronous>, transform_indices = @transform_10, window_bounds = array<i64: 1, 128>}, {transform_indices = @transform_11, window_bounds = array<i64: 256, 512>}, {transform_indices = @transform_12, window_bounds = array<i64: 256, 128>}]} {
    %get3A = arith.constant 0 : index
    %get3A_0 = arith.constant 0 : index
    %get3A_1 = vector.load %arg1[%get3A, %get3A_0] : memref<256x512xf32, #tpu.memory_space<vmem>>, vector<256x512xf32>
    %get3A_2 = arith.constant 0 : index
    %get3A_3 = arith.constant 0 : index
    %get3A_4 = arith.constant 0 : index
    %get3A_5 = vector.load %arg2[%get3A_2, %get3A_3, %get3A_4] : memref<6x256x256xi32, #tpu.memory_space<vmem>>, vector<1x256x256xi32>
    %get3A_6 = vector.shape_cast %get3A_5 : vector<1x256x256xi32> to vector<256x256xi32>
    %and3A = arith.constant 65535 : i32
    %and3A_7 = vector.broadcast %and3A : i32 to vector<256x256xi32>
    %and3A_8 = arith.andi %get3A_6, %and3A_7 : vector<256x256xi32>
    %and3A_9 = arith.constant 32768 : i32
    %and3A_10 = vector.broadcast %and3A_9 : i32 to vector<256x256xi32>
    %and3A_11 = arith.andi %and3A_8, %and3A_10 : vector<256x256xi32>
    %shift_left3A = arith.constant 16 : i32
    %shift_left3A_12 = vector.broadcast %shift_left3A : i32 to vector<256x256xi32>
    %shift_left3A_13 = arith.shli %and3A_11, %shift_left3A_12 : vector<256x256xi32>
    %and3A_14 = arith.constant 32767 : i32
    %and3A_15 = vector.broadcast %and3A_14 : i32 to vector<256x256xi32>
    %and3A_16 = arith.andi %and3A_8, %and3A_15 : vector<256x256xi32>
    %shift_left3A_17 = arith.constant 13 : i32
    %shift_left3A_18 = vector.broadcast %shift_left3A_17 : i32 to vector<256x256xi32>
    %shift_left3A_19 = arith.shli %and3A_16, %shift_left3A_18 : vector<256x256xi32>
    %or3A = arith.ori %shift_left3A_13, %shift_left3A_19 : vector<256x256xi32>
    %bitcast_convert_type3A = tpu.bitcast %or3A : vector<256x256xi32> -> vector<256x256xf32>
    %mul3A = arith.constant 5.19229686E+33 : f32
    %mul3A_20 = vector.broadcast %mul3A : f32 to vector<256x256xf32>
    %mul3A_21 = arith.mulf %bitcast_convert_type3A, %mul3A_20 : vector<256x256xf32>
    %shift_right_arithmetic3A = arith.constant 16 : i32
    %shift_right_arithmetic3A_22 = vector.broadcast %shift_right_arithmetic3A : i32 to vector<256x256xi32>
    %shift_right_arithmetic3A_23 = arith.shrsi %get3A_6, %shift_right_arithmetic3A_22 : vector<256x256xi32>
    %and3A_24 = arith.constant 65535 : i32
    %and3A_25 = vector.broadcast %and3A_24 : i32 to vector<256x256xi32>
    %and3A_26 = arith.andi %shift_right_arithmetic3A_23, %and3A_25 : vector<256x256xi32>
    %and3A_27 = arith.constant 32768 : i32
    %and3A_28 = vector.broadcast %and3A_27 : i32 to vector<256x256xi32>
    %and3A_29 = arith.andi %and3A_26, %and3A_28 : vector<256x256xi32>
    %shift_left3A_30 = arith.constant 16 : i32
    %shift_left3A_31 = vector.broadcast %shift_left3A_30 : i32 to vector<256x256xi32>
    %shift_left3A_32 = arith.shli %and3A_29, %shift_left3A_31 : vector<256x256xi32>
    %and3A_33 = arith.constant 32767 : i32
    %and3A_34 = vector.broadcast %and3A_33 : i32 to vector<256x256xi32>
    %and3A_35 = arith.andi %and3A_26, %and3A_34 : vector<256x256xi32>
    %shift_left3A_36 = arith.constant 13 : i32
    %shift_left3A_37 = vector.broadcast %shift_left3A_36 : i32 to vector<256x256xi32>
    %shift_left3A_38 = arith.shli %and3A_35, %shift_left3A_37 : vector<256x256xi32>
    %or3A_39 = arith.ori %shift_left3A_32, %shift_left3A_38 : vector<256x256xi32>
    %bitcast_convert_type3A_40 = tpu.bitcast %or3A_39 : vector<256x256xi32> -> vector<256x256xf32>
    %mul3A_41 = arith.constant 5.19229686E+33 : f32
    %mul3A_42 = vector.broadcast %mul3A_41 : f32 to vector<256x256xf32>
    %mul3A_43 = arith.mulf %bitcast_convert_type3A_40, %mul3A_42 : vector<256x256xf32>
    %concatenate3A = tpu.concatenate %mul3A_21, %mul3A_43 in 1 : vector<256x256xf32>, vector<256x256xf32> -> vector<256x512xf32>
    %get3A_44 = arith.constant 1 : index
    %get3A_45 = arith.constant 0 : index
    %get3A_46 = arith.constant 0 : index
    %get3A_47 = vector.load %arg2[%get3A_44, %get3A_45, %get3A_46] : memref<6x256x256xi32, #tpu.memory_space<vmem>>, vector<1x256x256xi32>
    %get3A_48 = vector.shape_cast %get3A_47 : vector<1x256x256xi32> to vector<256x256xi32>
    %and3A_49 = arith.constant 65535 : i32
    %and3A_50 = vector.broadcast %and3A_49 : i32 to vector<256x256xi32>
    %and3A_51 = arith.andi %get3A_48, %and3A_50 : vector<256x256xi32>
    %and3A_52 = arith.constant 32768 : i32
    %and3A_53 = vector.broadcast %and3A_52 : i32 to vector<256x256xi32>
    %and3A_54 = arith.andi %and3A_51, %and3A_53 : vector<256x256xi32>
    %shift_left3A_55 = arith.constant 16 : i32
    %shift_left3A_56 = vector.broadcast %shift_left3A_55 : i32 to vector<256x256xi32>
    %shift_left3A_57 = arith.shli %and3A_54, %shift_left3A_56 : vector<256x256xi32>
    %and3A_58 = arith.constant 32767 : i32
    %and3A_59 = vector.broadcast %and3A_58 : i32 to vector<256x256xi32>
    %and3A_60 = arith.andi %and3A_51, %and3A_59 : vector<256x256xi32>
    %shift_left3A_61 = arith.constant 13 : i32
    %shift_left3A_62 = vector.broadcast %shift_left3A_61 : i32 to vector<256x256xi32>
    %shift_left3A_63 = arith.shli %and3A_60, %shift_left3A_62 : vector<256x256xi32>
    %or3A_64 = arith.ori %shift_left3A_57, %shift_left3A_63 : vector<256x256xi32>
    %bitcast_convert_type3A_65 = tpu.bitcast %or3A_64 : vector<256x256xi32> -> vector<256x256xf32>
    %mul3A_66 = arith.constant 5.19229686E+33 : f32
    %mul3A_67 = vector.broadcast %mul3A_66 : f32 to vector<256x256xf32>
    %mul3A_68 = arith.mulf %bitcast_convert_type3A_65, %mul3A_67 : vector<256x256xf32>
    %shift_right_arithmetic3A_69 = arith.constant 16 : i32
    %shift_right_arithmetic3A_70 = vector.broadcast %shift_right_arithmetic3A_69 : i32 to vector<256x256xi32>
    %shift_right_arithmetic3A_71 = arith.shrsi %get3A_48, %shift_right_arithmetic3A_70 : vector<256x256xi32>
    %and3A_72 = arith.constant 65535 : i32
    %and3A_73 = vector.broadcast %and3A_72 : i32 to vector<256x256xi32>
    %and3A_74 = arith.andi %shift_right_arithmetic3A_71, %and3A_73 : vector<256x256xi32>
    %and3A_75 = arith.constant 32768 : i32
    %and3A_76 = vector.broadcast %and3A_75 : i32 to vector<256x256xi32>
    %and3A_77 = arith.andi %and3A_74, %and3A_76 : vector<256x256xi32>
    %shift_left3A_78 = arith.constant 16 : i32
    %shift_left3A_79 = vector.broadcast %shift_left3A_78 : i32 to vector<256x256xi32>
    %shift_left3A_80 = arith.shli %and3A_77, %shift_left3A_79 : vector<256x256xi32>
    %and3A_81 = arith.constant 32767 : i32
    %and3A_82 = vector.broadcast %and3A_81 : i32 to vector<256x256xi32>
    %and3A_83 = arith.andi %and3A_74, %and3A_82 : vector<256x256xi32>
    %shift_left3A_84 = arith.constant 13 : i32
    %shift_left3A_85 = vector.broadcast %shift_left3A_84 : i32 to vector<256x256xi32>
    %shift_left3A_86 = arith.shli %and3A_83, %shift_left3A_85 : vector<256x256xi32>
    %or3A_87 = arith.ori %shift_left3A_80, %shift_left3A_86 : vector<256x256xi32>
    %bitcast_convert_type3A_88 = tpu.bitcast %or3A_87 : vector<256x256xi32> -> vector<256x256xf32>
    %mul3A_89 = arith.constant 5.19229686E+33 : f32
    %mul3A_90 = vector.broadcast %mul3A_89 : f32 to vector<256x256xf32>
    %mul3A_91 = arith.mulf %bitcast_convert_type3A_88, %mul3A_90 : vector<256x256xf32>
    %concatenate3A_92 = tpu.concatenate %mul3A_68, %mul3A_91 in 1 : vector<256x256xf32>, vector<256x256xf32> -> vector<256x512xf32>
    %get3A_93 = arith.constant 2 : index
    %get3A_94 = arith.constant 0 : index
    %get3A_95 = arith.constant 0 : index
    %get3A_96 = vector.load %arg2[%get3A_93, %get3A_94, %get3A_95] : memref<6x256x256xi32, #tpu.memory_space<vmem>>, vector<1x256x256xi32>
    %get3A_97 = vector.shape_cast %get3A_96 : vector<1x256x256xi32> to vector<256x256xi32>
    %and3A_98 = arith.constant 65535 : i32
    %and3A_99 = vector.broadcast %and3A_98 : i32 to vector<256x256xi32>
    %and3A_100 = arith.andi %get3A_97, %and3A_99 : vector<256x256xi32>
    %and3A_101 = arith.constant 32768 : i32
    %and3A_102 = vector.broadcast %and3A_101 : i32 to vector<256x256xi32>
    %and3A_103 = arith.andi %and3A_100, %and3A_102 : vector<256x256xi32>
    %shift_left3A_104 = arith.constant 16 : i32
    %shift_left3A_105 = vector.broadcast %shift_left3A_104 : i32 to vector<256x256xi32>
    %shift_left3A_106 = arith.shli %and3A_103, %shift_left3A_105 : vector<256x256xi32>
    %and3A_107 = arith.constant 32767 : i32
    %and3A_108 = vector.broadcast %and3A_107 : i32 to vector<256x256xi32>
    %and3A_109 = arith.andi %and3A_100, %and3A_108 : vector<256x256xi32>
    %shift_left3A_110 = arith.constant 13 : i32
    %shift_left3A_111 = vector.broadcast %shift_left3A_110 : i32 to vector<256x256xi32>
    %shift_left3A_112 = arith.shli %and3A_109, %shift_left3A_111 : vector<256x256xi32>
    %or3A_113 = arith.ori %shift_left3A_106, %shift_left3A_112 : vector<256x256xi32>
    %bitcast_convert_type3A_114 = tpu.bitcast %or3A_113 : vector<256x256xi32> -> vector<256x256xf32>
    %mul3A_115 = arith.constant 5.19229686E+33 : f32
    %mul3A_116 = vector.broadcast %mul3A_115 : f32 to vector<256x256xf32>
    %mul3A_117 = arith.mulf %bitcast_convert_type3A_114, %mul3A_116 : vector<256x256xf32>
    %shift_right_arithmetic3A_118 = arith.constant 16 : i32
    %shift_right_arithmetic3A_119 = vector.broadcast %shift_right_arithmetic3A_118 : i32 to vector<256x256xi32>
    %shift_right_arithmetic3A_120 = arith.shrsi %get3A_97, %shift_right_arithmetic3A_119 : vector<256x256xi32>
    %and3A_121 = arith.constant 65535 : i32
    %and3A_122 = vector.broadcast %and3A_121 : i32 to vector<256x256xi32>
    %and3A_123 = arith.andi %shift_right_arithmetic3A_120, %and3A_122 : vector<256x256xi32>
    %and3A_124 = arith.constant 32768 : i32
    %and3A_125 = vector.broadcast %and3A_124 : i32 to vector<256x256xi32>
    %and3A_126 = arith.andi %and3A_123, %and3A_125 : vector<256x256xi32>
    %shift_left3A_127 = arith.constant 16 : i32
    %shift_left3A_128 = vector.broadcast %shift_left3A_127 : i32 to vector<256x256xi32>
    %shift_left3A_129 = arith.shli %and3A_126, %shift_left3A_128 : vector<256x256xi32>
    %and3A_130 = arith.constant 32767 : i32
    %and3A_131 = vector.broadcast %and3A_130 : i32 to vector<256x256xi32>
    %and3A_132 = arith.andi %and3A_123, %and3A_131 : vector<256x256xi32>
    %shift_left3A_133 = arith.constant 13 : i32
    %shift_left3A_134 = vector.broadcast %shift_left3A_133 : i32 to vector<256x256xi32>
    %shift_left3A_135 = arith.shli %and3A_132, %shift_left3A_134 : vector<256x256xi32>
    %or3A_136 = arith.ori %shift_left3A_129, %shift_left3A_135 : vector<256x256xi32>
    %bitcast_convert_type3A_137 = tpu.bitcast %or3A_136 : vector<256x256xi32> -> vector<256x256xf32>
    %mul3A_138 = arith.constant 5.19229686E+33 : f32
    %mul3A_139 = vector.broadcast %mul3A_138 : f32 to vector<256x256xf32>
    %mul3A_140 = arith.mulf %bitcast_convert_type3A_137, %mul3A_139 : vector<256x256xf32>
    %concatenate3A_141 = tpu.concatenate %mul3A_117, %mul3A_140 in 1 : vector<256x256xf32>, vector<256x256xf32> -> vector<256x512xf32>
    %get3A_142 = arith.constant 3 : index
    %get3A_143 = arith.constant 0 : index
    %get3A_144 = arith.constant 0 : index
    %get3A_145 = vector.load %arg2[%get3A_142, %get3A_143, %get3A_144] : memref<6x256x256xi32, #tpu.memory_space<vmem>>, vector<1x256x256xi32>
    %get3A_146 = vector.shape_cast %get3A_145 : vector<1x256x256xi32> to vector<256x256xi32>
    %and3A_147 = arith.constant 65535 : i32
    %and3A_148 = vector.broadcast %and3A_147 : i32 to vector<256x256xi32>
    %and3A_149 = arith.andi %get3A_146, %and3A_148 : vector<256x256xi32>
    %and3A_150 = arith.constant 32768 : i32
    %and3A_151 = vector.broadcast %and3A_150 : i32 to vector<256x256xi32>
    %and3A_152 = arith.andi %and3A_149, %and3A_151 : vector<256x256xi32>
    %shift_left3A_153 = arith.constant 16 : i32
    %shift_left3A_154 = vector.broadcast %shift_left3A_153 : i32 to vector<256x256xi32>
    %shift_left3A_155 = arith.shli %and3A_152, %shift_left3A_154 : vector<256x256xi32>
    %and3A_156 = arith.constant 32767 : i32
    %and3A_157 = vector.broadcast %and3A_156 : i32 to vector<256x256xi32>
    %and3A_158 = arith.andi %and3A_149, %and3A_157 : vector<256x256xi32>
    %shift_left3A_159 = arith.constant 13 : i32
    %shift_left3A_160 = vector.broadcast %shift_left3A_159 : i32 to vector<256x256xi32>
    %shift_left3A_161 = arith.shli %and3A_158, %shift_left3A_160 : vector<256x256xi32>
    %or3A_162 = arith.ori %shift_left3A_155, %shift_left3A_161 : vector<256x256xi32>
    %bitcast_convert_type3A_163 = tpu.bitcast %or3A_162 : vector<256x256xi32> -> vector<256x256xf32>
    %mul3A_164 = arith.constant 5.19229686E+33 : f32
    %mul3A_165 = vector.broadcast %mul3A_164 : f32 to vector<256x256xf32>
    %mul3A_166 = arith.mulf %bitcast_convert_type3A_163, %mul3A_165 : vector<256x256xf32>
    %shift_right_arithmetic3A_167 = arith.constant 16 : i32
    %shift_right_arithmetic3A_168 = vector.broadcast %shift_right_arithmetic3A_167 : i32 to vector<256x256xi32>
    %shift_right_arithmetic3A_169 = arith.shrsi %get3A_146, %shift_right_arithmetic3A_168 : vector<256x256xi32>
    %and3A_170 = arith.constant 65535 : i32
    %and3A_171 = vector.broadcast %and3A_170 : i32 to vector<256x256xi32>
    %and3A_172 = arith.andi %shift_right_arithmetic3A_169, %and3A_171 : vector<256x256xi32>
    %and3A_173 = arith.constant 32768 : i32
    %and3A_174 = vector.broadcast %and3A_173 : i32 to vector<256x256xi32>
    %and3A_175 = arith.andi %and3A_172, %and3A_174 : vector<256x256xi32>
    %shift_left3A_176 = arith.constant 16 : i32
    %shift_left3A_177 = vector.broadcast %shift_left3A_176 : i32 to vector<256x256xi32>
    %shift_left3A_178 = arith.shli %and3A_175, %shift_left3A_177 : vector<256x256xi32>
    %and3A_179 = arith.constant 32767 : i32
    %and3A_180 = vector.broadcast %and3A_179 : i32 to vector<256x256xi32>
    %and3A_181 = arith.andi %and3A_172, %and3A_180 : vector<256x256xi32>
    %shift_left3A_182 = arith.constant 13 : i32
    %shift_left3A_183 = vector.broadcast %shift_left3A_182 : i32 to vector<256x256xi32>
    %shift_left3A_184 = arith.shli %and3A_181, %shift_left3A_183 : vector<256x256xi32>
    %or3A_185 = arith.ori %shift_left3A_178, %shift_left3A_184 : vector<256x256xi32>
    %bitcast_convert_type3A_186 = tpu.bitcast %or3A_185 : vector<256x256xi32> -> vector<256x256xf32>
    %mul3A_187 = arith.constant 5.19229686E+33 : f32
    %mul3A_188 = vector.broadcast %mul3A_187 : f32 to vector<256x256xf32>
    %mul3A_189 = arith.mulf %bitcast_convert_type3A_186, %mul3A_188 : vector<256x256xf32>
    %concatenate3A_190 = tpu.concatenate %mul3A_166, %mul3A_189 in 1 : vector<256x256xf32>, vector<256x256xf32> -> vector<256x512xf32>
    %get3A_191 = arith.constant 4 : index
    %get3A_192 = arith.constant 0 : index
    %get3A_193 = arith.constant 0 : index
    %get3A_194 = vector.load %arg2[%get3A_191, %get3A_192, %get3A_193] : memref<6x256x256xi32, #tpu.memory_space<vmem>>, vector<1x256x256xi32>
    %get3A_195 = vector.shape_cast %get3A_194 : vector<1x256x256xi32> to vector<256x256xi32>
    %and3A_196 = arith.constant 65535 : i32
    %and3A_197 = vector.broadcast %and3A_196 : i32 to vector<256x256xi32>
    %and3A_198 = arith.andi %get3A_195, %and3A_197 : vector<256x256xi32>
    %and3A_199 = arith.constant 32768 : i32
    %and3A_200 = vector.broadcast %and3A_199 : i32 to vector<256x256xi32>
    %and3A_201 = arith.andi %and3A_198, %and3A_200 : vector<256x256xi32>
    %shift_left3A_202 = arith.constant 16 : i32
    %shift_left3A_203 = vector.broadcast %shift_left3A_202 : i32 to vector<256x256xi32>
    %shift_left3A_204 = arith.shli %and3A_201, %shift_left3A_203 : vector<256x256xi32>
    %and3A_205 = arith.constant 32767 : i32
    %and3A_206 = vector.broadcast %and3A_205 : i32 to vector<256x256xi32>
    %and3A_207 = arith.andi %and3A_198, %and3A_206 : vector<256x256xi32>
    %shift_left3A_208 = arith.constant 13 : i32
    %shift_left3A_209 = vector.broadcast %shift_left3A_208 : i32 to vector<256x256xi32>
    %shift_left3A_210 = arith.shli %and3A_207, %shift_left3A_209 : vector<256x256xi32>
    %or3A_211 = arith.ori %shift_left3A_204, %shift_left3A_210 : vector<256x256xi32>
    %bitcast_convert_type3A_212 = tpu.bitcast %or3A_211 : vector<256x256xi32> -> vector<256x256xf32>
    %mul3A_213 = arith.constant 5.19229686E+33 : f32
    %mul3A_214 = vector.broadcast %mul3A_213 : f32 to vector<256x256xf32>
    %mul3A_215 = arith.mulf %bitcast_convert_type3A_212, %mul3A_214 : vector<256x256xf32>
    %shift_right_arithmetic3A_216 = arith.constant 16 : i32
    %shift_right_arithmetic3A_217 = vector.broadcast %shift_right_arithmetic3A_216 : i32 to vector<256x256xi32>
    %shift_right_arithmetic3A_218 = arith.shrsi %get3A_195, %shift_right_arithmetic3A_217 : vector<256x256xi32>
    %and3A_219 = arith.constant 65535 : i32
    %and3A_220 = vector.broadcast %and3A_219 : i32 to vector<256x256xi32>
    %and3A_221 = arith.andi %shift_right_arithmetic3A_218, %and3A_220 : vector<256x256xi32>
    %and3A_222 = arith.constant 32768 : i32
    %and3A_223 = vector.broadcast %and3A_222 : i32 to vector<256x256xi32>
    %and3A_224 = arith.andi %and3A_221, %and3A_223 : vector<256x256xi32>
    %shift_left3A_225 = arith.constant 16 : i32
    %shift_left3A_226 = vector.broadcast %shift_left3A_225 : i32 to vector<256x256xi32>
    %shift_left3A_227 = arith.shli %and3A_224, %shift_left3A_226 : vector<256x256xi32>
    %and3A_228 = arith.constant 32767 : i32
    %and3A_229 = vector.broadcast %and3A_228 : i32 to vector<256x256xi32>
    %and3A_230 = arith.andi %and3A_221, %and3A_229 : vector<256x256xi32>
    %shift_left3A_231 = arith.constant 13 : i32
    %shift_left3A_232 = vector.broadcast %shift_left3A_231 : i32 to vector<256x256xi32>
    %shift_left3A_233 = arith.shli %and3A_230, %shift_left3A_232 : vector<256x256xi32>
    %or3A_234 = arith.ori %shift_left3A_227, %shift_left3A_233 : vector<256x256xi32>
    %bitcast_convert_type3A_235 = tpu.bitcast %or3A_234 : vector<256x256xi32> -> vector<256x256xf32>
    %mul3A_236 = arith.constant 5.19229686E+33 : f32
    %mul3A_237 = vector.broadcast %mul3A_236 : f32 to vector<256x256xf32>
    %mul3A_238 = arith.mulf %bitcast_convert_type3A_235, %mul3A_237 : vector<256x256xf32>
    %concatenate3A_239 = tpu.concatenate %mul3A_215, %mul3A_238 in 1 : vector<256x256xf32>, vector<256x256xf32> -> vector<256x512xf32>
    %get3A_240 = arith.constant 5 : index
    %get3A_241 = arith.constant 0 : index
    %get3A_242 = arith.constant 0 : index
    %get3A_243 = vector.load %arg2[%get3A_240, %get3A_241, %get3A_242] : memref<6x256x256xi32, #tpu.memory_space<vmem>>, vector<1x256x256xi32>
    %get3A_244 = vector.shape_cast %get3A_243 : vector<1x256x256xi32> to vector<256x256xi32>
    %and3A_245 = arith.constant 65535 : i32
    %and3A_246 = vector.broadcast %and3A_245 : i32 to vector<256x256xi32>
    %and3A_247 = arith.andi %get3A_244, %and3A_246 : vector<256x256xi32>
    %and3A_248 = arith.constant 32768 : i32
    %and3A_249 = vector.broadcast %and3A_248 : i32 to vector<256x256xi32>
    %and3A_250 = arith.andi %and3A_247, %and3A_249 : vector<256x256xi32>
    %shift_left3A_251 = arith.constant 16 : i32
    %shift_left3A_252 = vector.broadcast %shift_left3A_251 : i32 to vector<256x256xi32>
    %shift_left3A_253 = arith.shli %and3A_250, %shift_left3A_252 : vector<256x256xi32>
    %and3A_254 = arith.constant 32767 : i32
    %and3A_255 = vector.broadcast %and3A_254 : i32 to vector<256x256xi32>
    %and3A_256 = arith.andi %and3A_247, %and3A_255 : vector<256x256xi32>
    %shift_left3A_257 = arith.constant 13 : i32
    %shift_left3A_258 = vector.broadcast %shift_left3A_257 : i32 to vector<256x256xi32>
    %shift_left3A_259 = arith.shli %and3A_256, %shift_left3A_258 : vector<256x256xi32>
    %or3A_260 = arith.ori %shift_left3A_253, %shift_left3A_259 : vector<256x256xi32>
    %bitcast_convert_type3A_261 = tpu.bitcast %or3A_260 : vector<256x256xi32> -> vector<256x256xf32>
    %mul3A_262 = arith.constant 5.19229686E+33 : f32
    %mul3A_263 = vector.broadcast %mul3A_262 : f32 to vector<256x256xf32>
    %mul3A_264 = arith.mulf %bitcast_convert_type3A_261, %mul3A_263 : vector<256x256xf32>
    %shift_right_arithmetic3A_265 = arith.constant 16 : i32
    %shift_right_arithmetic3A_266 = vector.broadcast %shift_right_arithmetic3A_265 : i32 to vector<256x256xi32>
    %shift_right_arithmetic3A_267 = arith.shrsi %get3A_244, %shift_right_arithmetic3A_266 : vector<256x256xi32>
    %and3A_268 = arith.constant 65535 : i32
    %and3A_269 = vector.broadcast %and3A_268 : i32 to vector<256x256xi32>
    %and3A_270 = arith.andi %shift_right_arithmetic3A_267, %and3A_269 : vector<256x256xi32>
    %and3A_271 = arith.constant 32768 : i32
    %and3A_272 = vector.broadcast %and3A_271 : i32 to vector<256x256xi32>
    %and3A_273 = arith.andi %and3A_270, %and3A_272 : vector<256x256xi32>
    %shift_left3A_274 = arith.constant 16 : i32
    %shift_left3A_275 = vector.broadcast %shift_left3A_274 : i32 to vector<256x256xi32>
    %shift_left3A_276 = arith.shli %and3A_273, %shift_left3A_275 : vector<256x256xi32>
    %and3A_277 = arith.constant 32767 : i32
    %and3A_278 = vector.broadcast %and3A_277 : i32 to vector<256x256xi32>
    %and3A_279 = arith.andi %and3A_270, %and3A_278 : vector<256x256xi32>
    %shift_left3A_280 = arith.constant 13 : i32
    %shift_left3A_281 = vector.broadcast %shift_left3A_280 : i32 to vector<256x256xi32>
    %shift_left3A_282 = arith.shli %and3A_279, %shift_left3A_281 : vector<256x256xi32>
    %or3A_283 = arith.ori %shift_left3A_276, %shift_left3A_282 : vector<256x256xi32>
    %bitcast_convert_type3A_284 = tpu.bitcast %or3A_283 : vector<256x256xi32> -> vector<256x256xf32>
    %mul3A_285 = arith.constant 5.19229686E+33 : f32
    %mul3A_286 = vector.broadcast %mul3A_285 : f32 to vector<256x256xf32>
    %mul3A_287 = arith.mulf %bitcast_convert_type3A_284, %mul3A_286 : vector<256x256xf32>
    %concatenate3A_288 = tpu.concatenate %mul3A_264, %mul3A_287 in 1 : vector<256x256xf32>, vector<256x256xf32> -> vector<256x512xf32>
    %get3A_289 = arith.constant 0 : index
    %get3A_290 = arith.constant 0 : index
    %get3A_291 = vector.load %arg3[%get3A_289, %get3A_290] : memref<256x8xf32, #tpu.memory_space<vmem>>, vector<256x1xf32>
    %sub3A = arith.constant 2.000000e+00 : f32
    %sub3A_292 = vector.broadcast %sub3A : f32 to vector<256x1xf32>
    %sub3A_293 = arith.subf %sub3A_292, %get3A_291 : vector<256x1xf32>
    %mul3A_294 = vector.broadcast %sub3A_293 : vector<256x1xf32> to vector<256x512xf32>
    %mul3A_295 = arith.mulf %mul3A_294, %get3A_1 : vector<256x512xf32>
    %mul3A_296 = vector.broadcast %get3A_291 : vector<256x1xf32> to vector<256x512xf32>
    %mul3A_297 = arith.mulf %mul3A_296, %concatenate3A : vector<256x512xf32>
    %add3A = arith.addf %mul3A_295, %mul3A_297 : vector<256x512xf32>
    %tanh3A = math.tanh %add3A : vector<256x512xf32>
    %reduce_sum3A = arith.constant dense<0.000000e+00> : vector<256xf32>
    %reduce_sum3A_298 = vector.multi_reduction <add>, %concatenate3A, %reduce_sum3A [1] : vector<256x512xf32> to vector<256xf32>
    %broadcast_in_dim3A = vector.shape_cast %reduce_sum3A_298 : vector<256xf32> to vector<256x1xf32>
    %reduce_sum3A_299 = arith.constant dense<0.000000e+00> : vector<256xf32>
    %reduce_sum3A_300 = vector.multi_reduction <add>, %tanh3A, %reduce_sum3A_299 [1] : vector<256x512xf32> to vector<256xf32>
    %broadcast_in_dim3A_301 = vector.shape_cast %reduce_sum3A_300 : vector<256xf32> to vector<256x1xf32>
    %mul3A_302 = arith.mulf %broadcast_in_dim3A, %broadcast_in_dim3A_301 : vector<256x1xf32>
    %get3A_303 = arith.constant 0 : index
    %get3A_304 = arith.constant 1 : index
    %get3A_305 = vector.load %arg3[%get3A_303, %get3A_304] : memref<256x8xf32, #tpu.memory_space<vmem>>, vector<256x1xf32>
    %sub3A_306 = arith.constant 2.000000e+00 : f32
    %sub3A_307 = vector.broadcast %sub3A_306 : f32 to vector<256x1xf32>
    %sub3A_308 = arith.subf %sub3A_307, %get3A_305 : vector<256x1xf32>
    %mul3A_309 = vector.broadcast %sub3A_308 : vector<256x1xf32> to vector<256x512xf32>
    %mul3A_310 = arith.mulf %mul3A_309, %get3A_1 : vector<256x512xf32>
    %mul3A_311 = vector.broadcast %get3A_305 : vector<256x1xf32> to vector<256x512xf32>
    %mul3A_312 = arith.mulf %mul3A_311, %concatenate3A_92 : vector<256x512xf32>
    %add3A_313 = arith.addf %mul3A_310, %mul3A_312 : vector<256x512xf32>
    %tanh3A_314 = math.tanh %add3A_313 : vector<256x512xf32>
    %reduce_sum3A_315 = arith.constant dense<0.000000e+00> : vector<256xf32>
    %reduce_sum3A_316 = vector.multi_reduction <add>, %concatenate3A_92, %reduce_sum3A_315 [1] : vector<256x512xf32> to vector<256xf32>
    %broadcast_in_dim3A_317 = vector.shape_cast %reduce_sum3A_316 : vector<256xf32> to vector<256x1xf32>
    %reduce_sum3A_318 = arith.constant dense<0.000000e+00> : vector<256xf32>
    %reduce_sum3A_319 = vector.multi_reduction <add>, %tanh3A_314, %reduce_sum3A_318 [1] : vector<256x512xf32> to vector<256xf32>
    %broadcast_in_dim3A_320 = vector.shape_cast %reduce_sum3A_319 : vector<256xf32> to vector<256x1xf32>
    %mul3A_321 = arith.mulf %broadcast_in_dim3A_317, %broadcast_in_dim3A_320 : vector<256x1xf32>
    %get3A_322 = arith.constant 0 : index
    %get3A_323 = arith.constant 2 : index
    %get3A_324 = vector.load %arg3[%get3A_322, %get3A_323] : memref<256x8xf32, #tpu.memory_space<vmem>>, vector<256x1xf32>
    %sub3A_325 = arith.constant 2.000000e+00 : f32
    %sub3A_326 = vector.broadcast %sub3A_325 : f32 to vector<256x1xf32>
    %sub3A_327 = arith.subf %sub3A_326, %get3A_324 : vector<256x1xf32>
    %mul3A_328 = vector.broadcast %sub3A_327 : vector<256x1xf32> to vector<256x512xf32>
    %mul3A_329 = arith.mulf %mul3A_328, %get3A_1 : vector<256x512xf32>
    %mul3A_330 = vector.broadcast %get3A_324 : vector<256x1xf32> to vector<256x512xf32>
    %mul3A_331 = arith.mulf %mul3A_330, %concatenate3A_141 : vector<256x512xf32>
    %add3A_332 = arith.addf %mul3A_329, %mul3A_331 : vector<256x512xf32>
    %tanh3A_333 = math.tanh %add3A_332 : vector<256x512xf32>
    %reduce_sum3A_334 = arith.constant dense<0.000000e+00> : vector<256xf32>
    %reduce_sum3A_335 = vector.multi_reduction <add>, %concatenate3A_141, %reduce_sum3A_334 [1] : vector<256x512xf32> to vector<256xf32>
    %broadcast_in_dim3A_336 = vector.shape_cast %reduce_sum3A_335 : vector<256xf32> to vector<256x1xf32>
    %reduce_sum3A_337 = arith.constant dense<0.000000e+00> : vector<256xf32>
    %reduce_sum3A_338 = vector.multi_reduction <add>, %tanh3A_333, %reduce_sum3A_337 [1] : vector<256x512xf32> to vector<256xf32>
    %broadcast_in_dim3A_339 = vector.shape_cast %reduce_sum3A_338 : vector<256xf32> to vector<256x1xf32>
    %mul3A_340 = arith.mulf %broadcast_in_dim3A_336, %broadcast_in_dim3A_339 : vector<256x1xf32>
    %get3A_341 = arith.constant 0 : index
    %get3A_342 = arith.constant 3 : index
    %get3A_343 = vector.load %arg3[%get3A_341, %get3A_342] : memref<256x8xf32, #tpu.memory_space<vmem>>, vector<256x1xf32>
    %sub3A_344 = arith.constant 2.000000e+00 : f32
    %sub3A_345 = vector.broadcast %sub3A_344 : f32 to vector<256x1xf32>
    %sub3A_346 = arith.subf %sub3A_345, %get3A_343 : vector<256x1xf32>
    %mul3A_347 = vector.broadcast %sub3A_346 : vector<256x1xf32> to vector<256x512xf32>
    %mul3A_348 = arith.mulf %mul3A_347, %get3A_1 : vector<256x512xf32>
    %mul3A_349 = vector.broadcast %get3A_343 : vector<256x1xf32> to vector<256x512xf32>
    %mul3A_350 = arith.mulf %mul3A_349, %concatenate3A_190 : vector<256x512xf32>
    %add3A_351 = arith.addf %mul3A_348, %mul3A_350 : vector<256x512xf32>
    %tanh3A_352 = math.tanh %add3A_351 : vector<256x512xf32>
    %reduce_sum3A_353 = arith.constant dense<0.000000e+00> : vector<256xf32>
    %reduce_sum3A_354 = vector.multi_reduction <add>, %concatenate3A_190, %reduce_sum3A_353 [1] : vector<256x512xf32> to vector<256xf32>
    %broadcast_in_dim3A_355 = vector.shape_cast %reduce_sum3A_354 : vector<256xf32> to vector<256x1xf32>
    %reduce_sum3A_356 = arith.constant dense<0.000000e+00> : vector<256xf32>
    %reduce_sum3A_357 = vector.multi_reduction <add>, %tanh3A_352, %reduce_sum3A_356 [1] : vector<256x512xf32> to vector<256xf32>
    %broadcast_in_dim3A_358 = vector.shape_cast %reduce_sum3A_357 : vector<256xf32> to vector<256x1xf32>
    %mul3A_359 = arith.mulf %broadcast_in_dim3A_355, %broadcast_in_dim3A_358 : vector<256x1xf32>
    %get3A_360 = arith.constant 0 : index
    %get3A_361 = arith.constant 4 : index
    %get3A_362 = vector.load %arg3[%get3A_360, %get3A_361] : memref<256x8xf32, #tpu.memory_space<vmem>>, vector<256x1xf32>
    %sub3A_363 = arith.constant 2.000000e+00 : f32
    %sub3A_364 = vector.broadcast %sub3A_363 : f32 to vector<256x1xf32>
    %sub3A_365 = arith.subf %sub3A_364, %get3A_362 : vector<256x1xf32>
    %mul3A_366 = vector.broadcast %sub3A_365 : vector<256x1xf32> to vector<256x512xf32>
    %mul3A_367 = arith.mulf %mul3A_366, %get3A_1 : vector<256x512xf32>
    %mul3A_368 = vector.broadcast %get3A_362 : vector<256x1xf32> to vector<256x512xf32>
    %mul3A_369 = arith.mulf %mul3A_368, %concatenate3A_239 : vector<256x512xf32>
    %add3A_370 = arith.addf %mul3A_367, %mul3A_369 : vector<256x512xf32>
    %tanh3A_371 = math.tanh %add3A_370 : vector<256x512xf32>
    %reduce_sum3A_372 = arith.constant dense<0.000000e+00> : vector<256xf32>
    %reduce_sum3A_373 = vector.multi_reduction <add>, %concatenate3A_239, %reduce_sum3A_372 [1] : vector<256x512xf32> to vector<256xf32>
    %broadcast_in_dim3A_374 = vector.shape_cast %reduce_sum3A_373 : vector<256xf32> to vector<256x1xf32>
    %reduce_sum3A_375 = arith.constant dense<0.000000e+00> : vector<256xf32>
    %reduce_sum3A_376 = vector.multi_reduction <add>, %tanh3A_371, %reduce_sum3A_375 [1] : vector<256x512xf32> to vector<256xf32>
    %broadcast_in_dim3A_377 = vector.shape_cast %reduce_sum3A_376 : vector<256xf32> to vector<256x1xf32>
    %mul3A_378 = arith.mulf %broadcast_in_dim3A_374, %broadcast_in_dim3A_377 : vector<256x1xf32>
    %get3A_379 = arith.constant 0 : index
    %get3A_380 = arith.constant 5 : index
    %get3A_381 = vector.load %arg3[%get3A_379, %get3A_380] : memref<256x8xf32, #tpu.memory_space<vmem>>, vector<256x1xf32>
    %sub3A_382 = arith.constant 2.000000e+00 : f32
    %sub3A_383 = vector.broadcast %sub3A_382 : f32 to vector<256x1xf32>
    %sub3A_384 = arith.subf %sub3A_383, %get3A_381 : vector<256x1xf32>
    %mul3A_385 = vector.broadcast %sub3A_384 : vector<256x1xf32> to vector<256x512xf32>
    %mul3A_386 = arith.mulf %mul3A_385, %get3A_1 : vector<256x512xf32>
    %mul3A_387 = vector.broadcast %get3A_381 : vector<256x1xf32> to vector<256x512xf32>
    %mul3A_388 = arith.mulf %mul3A_387, %concatenate3A_288 : vector<256x512xf32>
    %add3A_389 = arith.addf %mul3A_386, %mul3A_388 : vector<256x512xf32>
    %tanh3A_390 = math.tanh %add3A_389 : vector<256x512xf32>
    %reduce_sum3A_391 = arith.constant dense<0.000000e+00> : vector<256xf32>
    %reduce_sum3A_392 = vector.multi_reduction <add>, %concatenate3A_288, %reduce_sum3A_391 [1] : vector<256x512xf32> to vector<256xf32>
    %broadcast_in_dim3A_393 = vector.shape_cast %reduce_sum3A_392 : vector<256xf32> to vector<256x1xf32>
    %reduce_sum3A_394 = arith.constant dense<0.000000e+00> : vector<256xf32>
    %reduce_sum3A_395 = vector.multi_reduction <add>, %tanh3A_390, %reduce_sum3A_394 [1] : vector<256x512xf32> to vector<256xf32>
    %broadcast_in_dim3A_396 = vector.shape_cast %reduce_sum3A_395 : vector<256xf32> to vector<256x1xf32>
    %mul3A_397 = arith.mulf %broadcast_in_dim3A_393, %broadcast_in_dim3A_396 : vector<256x1xf32>
    %concatenate3A_398 = tpu.concatenate %mul3A_302, %mul3A_321, %mul3A_340, %mul3A_359, %mul3A_378, %mul3A_397 in 1 : vector<256x1xf32>, vector<256x1xf32>, vector<256x1xf32>, vector<256x1xf32>, vector<256x1xf32>, vector<256x1xf32> -> vector<256x6xf32>
    %reduce_max3A = arith.constant dense<0xFF800000> : vector<256xf32>
    %reduce_max3A_399 = vector.multi_reduction <maximumf>, %concatenate3A_398, %reduce_max3A [1] : vector<256x6xf32> to vector<256xf32>
    %broadcast_in_dim3A_400 = vector.shape_cast %reduce_max3A_399 : vector<256xf32> to vector<256x1xf32>
    %sub3A_401 = vector.broadcast %broadcast_in_dim3A_400 : vector<256x1xf32> to vector<256x6xf32>
    %sub3A_402 = arith.subf %concatenate3A_398, %sub3A_401 : vector<256x6xf32>
    %exp3A = math.exp %sub3A_402 : vector<256x6xf32>
    %reduce_sum3A_403 = arith.constant dense<0.000000e+00> : vector<256xf32>
    %reduce_sum3A_404 = vector.multi_reduction <add>, %exp3A, %reduce_sum3A_403 [1] : vector<256x6xf32> to vector<256xf32>
    %broadcast_in_dim3A_405 = vector.shape_cast %reduce_sum3A_404 : vector<256xf32> to vector<256x1xf32>
    %div3A = arith.constant 1.000000e+00 : f32
    %div3A_406 = vector.broadcast %div3A : f32 to vector<256x1xf32>
    %div3A_407 = arith.divf %div3A_406, %broadcast_in_dim3A_405 : vector<256x1xf32>
    %slice3A = vector.extract_strided_slice %exp3A {offsets = [0, 0], sizes = [256, 1], strides = [1, 1]} : vector<256x6xf32> to vector<256x1xf32>
    %mul3A_408 = arith.mulf %slice3A, %div3A_407 : vector<256x1xf32>
    %mul3A_409 = vector.broadcast %mul3A_408 : vector<256x1xf32> to vector<256x512xf32>
    %mul3A_410 = arith.mulf %mul3A_409, %concatenate3A : vector<256x512xf32>
    %slice3A_411 = vector.extract_strided_slice %exp3A {offsets = [0, 1], sizes = [256, 1], strides = [1, 1]} : vector<256x6xf32> to vector<256x1xf32>
    %mul3A_412 = arith.mulf %slice3A_411, %div3A_407 : vector<256x1xf32>
    %mul3A_413 = vector.broadcast %mul3A_412 : vector<256x1xf32> to vector<256x512xf32>
    %mul3A_414 = arith.mulf %mul3A_413, %concatenate3A_92 : vector<256x512xf32>
    %add3A_415 = arith.addf %mul3A_410, %mul3A_414 : vector<256x512xf32>
    %slice3A_416 = vector.extract_strided_slice %exp3A {offsets = [0, 2], sizes = [256, 1], strides = [1, 1]} : vector<256x6xf32> to vector<256x1xf32>
    %mul3A_417 = arith.mulf %slice3A_416, %div3A_407 : vector<256x1xf32>
    %mul3A_418 = vector.broadcast %mul3A_417 : vector<256x1xf32> to vector<256x512xf32>
    %mul3A_419 = arith.mulf %mul3A_418, %concatenate3A_141 : vector<256x512xf32>
    %add3A_420 = arith.addf %add3A_415, %mul3A_419 : vector<256x512xf32>
    %slice3A_421 = vector.extract_strided_slice %exp3A {offsets = [0, 3], sizes = [256, 1], strides = [1, 1]} : vector<256x6xf32> to vector<256x1xf32>
    %mul3A_422 = arith.mulf %slice3A_421, %div3A_407 : vector<256x1xf32>
    %mul3A_423 = vector.broadcast %mul3A_422 : vector<256x1xf32> to vector<256x512xf32>
    %mul3A_424 = arith.mulf %mul3A_423, %concatenate3A_190 : vector<256x512xf32>
    %add3A_425 = arith.addf %add3A_420, %mul3A_424 : vector<256x512xf32>
    %slice3A_426 = vector.extract_strided_slice %exp3A {offsets = [0, 4], sizes = [256, 1], strides = [1, 1]} : vector<256x6xf32> to vector<256x1xf32>
    %mul3A_427 = arith.mulf %slice3A_426, %div3A_407 : vector<256x1xf32>
    %mul3A_428 = vector.broadcast %mul3A_427 : vector<256x1xf32> to vector<256x512xf32>
    %mul3A_429 = arith.mulf %mul3A_428, %concatenate3A_239 : vector<256x512xf32>
    %add3A_430 = arith.addf %add3A_425, %mul3A_429 : vector<256x512xf32>
    %slice3A_431 = vector.extract_strided_slice %exp3A {offsets = [0, 5], sizes = [256, 1], strides = [1, 1]} : vector<256x6xf32> to vector<256x1xf32>
    %mul3A_432 = arith.mulf %slice3A_431, %div3A_407 : vector<256x1xf32>
    %mul3A_433 = vector.broadcast %mul3A_432 : vector<256x1xf32> to vector<256x512xf32>
    %mul3A_434 = arith.mulf %mul3A_433, %concatenate3A_288 : vector<256x512xf32>
    %add3A_435 = arith.addf %add3A_430, %mul3A_434 : vector<256x512xf32>
    %add3A_436 = arith.addf %get3A_1, %add3A_435 : vector<256x512xf32>
    %get3A_437 = arith.constant 0 : index
    %get3A_438 = arith.constant 0 : index
    %get3A_439 = vector.load %arg4[%get3A_437, %get3A_438] : memref<512x512xf32, #tpu.memory_space<vmem>>, vector<512x512xf32>
    %dot_general3A = arith.constant dense<0.000000e+00> : vector<256x512xf32>
    %dot_general3A_440 = tpu.matmul %add3A_436, %get3A_439, %dot_general3A {dimension_numbers = #tpu.dot_dimension_numbers<[1], [1], [0], [0], [0, 0, 1, 0], [], []>, transpose_lhs_hint = false} : vector<256x512xf32>, vector<512x512xf32>, vector<256x512xf32> -> vector<256x512xf32>
    %get3A_441 = arith.constant 0 : index
    %get3A_442 = arith.constant 0 : index
    %get3A_443 = vector.load %arg5[%get3A_441, %get3A_442] : memref<1x512xf32, #tpu.memory_space<vmem>>, vector<1x512xf32>
    %add3A_444 = vector.broadcast %get3A_443 : vector<1x512xf32> to vector<256x512xf32>
    %add3A_445 = arith.addf %dot_general3A_440, %add3A_444 : vector<256x512xf32>
    %gt3A = arith.constant 0.000000e+00 : f32
    %gt3A_446 = vector.broadcast %gt3A : f32 to vector<256x512xf32>
    %gt3A_447 = arith.cmpf ogt, %add3A_445, %gt3A_446 : vector<256x512xf32>
    %mul3A_448 = arith.constant 0.00999999977 : f32
    %mul3A_449 = vector.broadcast %mul3A_448 : f32 to vector<256x512xf32>
    %mul3A_450 = arith.mulf %mul3A_449, %add3A_445 : vector<256x512xf32>
    %select_n3A = arith.select %gt3A_447, %add3A_445, %mul3A_450 : vector<256x512xi1>, vector<256x512xf32>
    %mul3A_451 = arith.mulf %get3A_1, %add3A_435 : vector<256x512xf32>
    %get3A_452 = arith.constant 0 : index
    %get3A_453 = arith.constant 0 : index
    %get3A_454 = vector.load %arg6[%get3A_452, %get3A_453] : memref<512x512xf32, #tpu.memory_space<vmem>>, vector<512x512xf32>
    %dot_general3A_455 = arith.constant dense<0.000000e+00> : vector<256x512xf32>
    %dot_general3A_456 = tpu.matmul %mul3A_451, %get3A_454, %dot_general3A_455 {dimension_numbers = #tpu.dot_dimension_numbers<[1], [1], [0], [0], [0, 0, 1, 0], [], []>, transpose_lhs_hint = false} : vector<256x512xf32>, vector<512x512xf32>, vector<256x512xf32> -> vector<256x512xf32>
    %get3A_457 = arith.constant 0 : index
    %get3A_458 = arith.constant 0 : index
    %get3A_459 = vector.load %arg7[%get3A_457, %get3A_458] : memref<1x512xf32, #tpu.memory_space<vmem>>, vector<1x512xf32>
    %add3A_460 = vector.broadcast %get3A_459 : vector<1x512xf32> to vector<256x512xf32>
    %add3A_461 = arith.addf %dot_general3A_456, %add3A_460 : vector<256x512xf32>
    %gt3A_462 = arith.constant 0.000000e+00 : f32
    %gt3A_463 = vector.broadcast %gt3A_462 : f32 to vector<256x512xf32>
    %gt3A_464 = arith.cmpf ogt, %add3A_461, %gt3A_463 : vector<256x512xf32>
    %mul3A_465 = arith.constant 0.00999999977 : f32
    %mul3A_466 = vector.broadcast %mul3A_465 : f32 to vector<256x512xf32>
    %mul3A_467 = arith.mulf %mul3A_466, %add3A_461 : vector<256x512xf32>
    %select_n3A_468 = arith.select %gt3A_464, %add3A_461, %mul3A_467 : vector<256x512xi1>, vector<256x512xf32>
    %add3A_469 = arith.addf %select_n3A, %select_n3A_468 : vector<256x512xf32>
    %swap3A = arith.constant 0 : index
    %swap3A_470 = arith.constant 0 : index
    %swap3A_471 = vector.load %arg12[%swap3A, %swap3A_470] : memref<256x512xf32, #tpu.memory_space<vmem>>, vector<256x512xf32>
    tpu.vector_store %arg12[%swap3A, %swap3A_470], %add3A_469 {strides = array<i32>} : memref<256x512xf32, #tpu.memory_space<vmem>>, vector<256x512xf32>,
    %get3A_472 = arith.constant 0 : index
    %get3A_473 = arith.constant 0 : index
    %get3A_474 = vector.load %arg8[%get3A_472, %get3A_473] : memref<256x512xf32, #tpu.memory_space<vmem>>, vector<256x512xf32>
    %dot_general3A_475 = arith.constant dense<0.000000e+00> : vector<256x256xf32>
    %dot_general3A_476 = tpu.matmul %add3A_469, %get3A_474, %dot_general3A_475 {dimension_numbers = #tpu.dot_dimension_numbers<[1], [1], [0], [0], [0, 0, 1, 0], [], []>, transpose_lhs_hint = false} : vector<256x512xf32>, vector<256x512xf32>, vector<256x256xf32> -> vector<256x256xf32>
    %get3A_477 = arith.constant 0 : index
    %get3A_478 = arith.constant 0 : index
    %get3A_479 = vector.load %arg9[%get3A_477, %get3A_478] : memref<1x256xf32, #tpu.memory_space<vmem>>, vector<1x256xf32>
    %add3A_480 = vector.broadcast %get3A_479 : vector<1x256xf32> to vector<256x256xf32>
    %add3A_481 = arith.addf %dot_general3A_476, %add3A_480 : vector<256x256xf32>
    %gt3A_482 = arith.constant 0.000000e+00 : f32
    %gt3A_483 = vector.broadcast %gt3A_482 : f32 to vector<256x256xf32>
    %gt3A_484 = arith.cmpf ogt, %add3A_481, %gt3A_483 : vector<256x256xf32>
    %mul3A_485 = arith.constant 0.00999999977 : f32
    %mul3A_486 = vector.broadcast %mul3A_485 : f32 to vector<256x256xf32>
    %mul3A_487 = arith.mulf %mul3A_486, %add3A_481 : vector<256x256xf32>
    %select_n3A_488 = arith.select %gt3A_484, %add3A_481, %mul3A_487 : vector<256x256xi1>, vector<256x256xf32>
    %get3A_489 = arith.constant 0 : index
    %get3A_490 = arith.constant 0 : index
    %get3A_491 = vector.load %arg10[%get3A_489, %get3A_490] : memref<128x256xf32, #tpu.memory_space<vmem>>, vector<128x256xf32>
    %dot_general3A_492 = arith.constant dense<0.000000e+00> : vector<256x128xf32>
    %dot_general3A_493 = tpu.matmul %select_n3A_488, %get3A_491, %dot_general3A_492 {dimension_numbers = #tpu.dot_dimension_numbers<[1], [1], [0], [0], [0, 0, 1, 0], [], []>, transpose_lhs_hint = false} : vector<256x256xf32>, vector<128x256xf32>, vector<256x128xf32> -> vector<256x128xf32>
    %get3A_494 = arith.constant 0 : index
    %get3A_495 = arith.constant 0 : index
    %get3A_496 = vector.load %arg11[%get3A_494, %get3A_495] : memref<1x128xf32, #tpu.memory_space<vmem>>, vector<1x128xf32>
    %add3A_497 = vector.broadcast %get3A_496 : vector<1x128xf32> to vector<256x128xf32>
    %add3A_498 = arith.addf %dot_general3A_493, %add3A_497 : vector<256x128xf32>
    %swap3A_499 = arith.constant 0 : index
    %swap3A_500 = arith.constant 0 : index
    %swap3A_501 = vector.load %arg13[%swap3A_499, %swap3A_500] : memref<256x128xf32, #tpu.memory_space<vmem>>, vector<256x128xf32>
    tpu.vector_store %arg13[%swap3A_499, %swap3A_500], %add3A_498 {strides = array<i32>} : memref<256x128xf32, #tpu.memory_space<vmem>>, vector<256x128xf32>,
    return
  }
  func.func @transform_0(%arg0: i32) -> (i32, i32) {
    %add3A = arith.constant 0 : i32
    %add3A_0 = arith.addi %arg0, %add3A : i32
    %c0_i32 = arith.constant 0 : i32
    %c0_i32_1 = arith.constant 0 : i32
    return %add3A_0, %c0_i32 : i32, i32
  }
  func.func @transform_1(%arg0: i32) -> (i32, i32, i32) {
    %c0_i32 = arith.constant 0 : i32
    %c0_i32_0 = arith.constant 0 : i32
    %c0_i32_1 = arith.constant 0 : i32
    return %c0_i32, %arg0, %c0_i32_0 : i32, i32, i32
  }
  func.func @transform_2(%arg0: i32) -> (i32, i32) {
    %c0_i32 = arith.constant 0 : i32
    %c0_i32_0 = arith.constant 0 : i32
    return %arg0, %c0_i32 : i32, i32
  }
  func.func @transform_3(%arg0: i32) -> (i32, i32) {
    %c0_i32 = arith.constant 0 : i32
    %c0_i32_0 = arith.constant 0 : i32
    %c0_i32_1 = arith.constant 0 : i32
    return %c0_i32, %c0_i32_0 : i32, i32
  }
  func.func @transform_4(%arg0: i32) -> (i32, i32) {
    %c0_i32 = arith.constant 0 : i32
    %c0_i32_0 = arith.constant 0 : i32
    %c0_i32_1 = arith.constant 0 : i32
    return %c0_i32, %c0_i32_0 : i32, i32
  }
  func.func @transform_5(%arg0: i32) -> (i32, i32) {
    %c0_i32 = arith.constant 0 : i32
    %c0_i32_0 = arith.constant 0 : i32
    %c0_i32_1 = arith.constant 0 : i32
    return %c0_i32, %c0_i32_0 : i32, i32
  }
  func.func @transform_6(%arg0: i32) -> (i32, i32) {
    %c0_i32 = arith.constant 0 : i32
    %c0_i32_0 = arith.constant 0 : i32
    %c0_i32_1 = arith.constant 0 : i32
    return %c0_i32, %c0_i32_0 : i32, i32
  }
  func.func @transform_7(%arg0: i32) -> (i32, i32) {
    %c0_i32 = arith.constant 0 : i32
    %c0_i32_0 = arith.constant 0 : i32
    %c0_i32_1 = arith.constant 0 : i32
    return %c0_i32, %c0_i32_0 : i32, i32
  }
  func.func @transform_8(%arg0: i32) -> (i32, i32) {
    %c0_i32 = arith.constant 0 : i32
    %c0_i32_0 = arith.constant 0 : i32
    %c0_i32_1 = arith.constant 0 : i32
    return %c0_i32, %c0_i32_0 : i32, i32
  }
  func.func @transform_9(%arg0: i32) -> (i32, i32) {
    %c0_i32 = arith.constant 0 : i32
    %c0_i32_0 = arith.constant 0 : i32
    %c0_i32_1 = arith.constant 0 : i32
    return %c0_i32, %c0_i32_0 : i32, i32
  }
  func.func @transform_10(%arg0: i32) -> (i32, i32) {
    %c0_i32 = arith.constant 0 : i32
    %c0_i32_0 = arith.constant 0 : i32
    %c0_i32_1 = arith.constant 0 : i32
    return %c0_i32, %c0_i32_0 : i32, i32
  }
  func.func @transform_11(%arg0: i32) -> (i32, i32) {
    %c0_i32 = arith.constant 0 : i32
    %c0_i32_0 = arith.constant 0 : i32
    return %arg0, %c0_i32 : i32, i32
  }
  func.func @transform_12(%arg0: i32) -> (i32, i32) {
    %c0_i32 = arith.constant 0 : i32
    %c0_i32_0 = arith.constant 0 : i32
    return %arg0, %c0_i32 : i32, i32
  }
}

module attributes {stable_mosaic.version = 14 : i64} {
  func.func @_agg_body(%arg0: i32, %arg1: memref<256x512xf32, #tpu.memory_space<vmem>>, %arg2: memref<6x256x256xi32, #tpu.memory_space<vmem>>, %arg3: memref<256x8xf32, #tpu.memory_space<vmem>>, %arg4: memref<512x512xf32, #tpu.memory_space<vmem>>, %arg5: memref<1x512xf32, #tpu.memory_space<vmem>>, %arg6: memref<512x512xf32, #tpu.memory_space<vmem>>, %arg7: memref<1x512xf32, #tpu.memory_space<vmem>>, %arg8: memref<256x512xf32, #tpu.memory_space<vmem>>, %arg9: memref<1x256xf32, #tpu.memory_space<vmem>>, %arg10: memref<128x256xf32, #tpu.memory_space<vmem>>, %arg11: memref<1x128xf32, #tpu.memory_space<vmem>>, %arg12: memref<256x512xf32, #tpu.memory_space<vmem>>, %arg13: memref<256x128xf32, #tpu.memory_space<vmem>>) attributes {dimension_semantics = [#tpu.dimension_semantics<arbitrary>], iteration_bounds = array<i64: 4>, scalar_prefetch = 0 : i64, scratch_operands = 0 : i64, tpu.core_type = #tpu.core_type<tc>, window_params = [{transform_indices = @transform_0, window_bounds = array<i64: 256, 512>}, {transform_indices = @transform_1, window_bounds = array<i64: 6, 256, 256>}, {transform_indices = @transform_2, window_bounds = array<i64: 256, 8>}, {pipeline_mode = #tpu.pipeline_mode<synchronous>, transform_indices = @transform_3, window_bounds = array<i64: 512, 512>}, {pipeline_mode = #tpu.pipeline_mode<synchronous>, transform_indices = @transform_4, window_bounds = array<i64: 1, 512>}, {pipeline_mode = #tpu.pipeline_mode<synchronous>, transform_indices = @transform_5, window_bounds = array<i64: 512, 512>}, {pipeline_mode = #tpu.pipeline_mode<synchronous>, transform_indices = @transform_6, window_bounds = array<i64: 1, 512>}, {pipeline_mode = #tpu.pipeline_mode<synchronous>, transform_indices = @transform_7, window_bounds = array<i64: 256, 512>}, {pipeline_mode = #tpu.pipeline_mode<synchronous>, transform_indices = @transform_8, window_bounds = array<i64: 1, 256>}, {pipeline_mode = #tpu.pipeline_mode<synchronous>, transform_indices = @transform_9, window_bounds = array<i64: 128, 256>}, {pipeline_mode = #tpu.pipeline_mode<synchronous>, transform_indices = @transform_10, window_bounds = array<i64: 1, 128>}, {transform_indices = @transform_11, window_bounds = array<i64: 256, 512>}, {transform_indices = @transform_12, window_bounds = array<i64: 256, 128>}]} {
    %get3A = arith.constant 0 : index
    %get3A_0 = arith.constant 0 : index
    %get3A_1 = vector.load %arg1[%get3A, %get3A_0] : memref<256x512xf32, #tpu.memory_space<vmem>>, vector<256x512xf32>
    %get3A_2 = arith.constant 0 : index
    %get3A_3 = arith.constant 0 : index
    %get3A_4 = arith.constant 0 : index
    %get3A_5 = vector.load %arg2[%get3A_2, %get3A_3, %get3A_4] : memref<6x256x256xi32, #tpu.memory_space<vmem>>, vector<1x256x256xi32>
    %get3A_6 = vector.shape_cast %get3A_5 : vector<1x256x256xi32> to vector<256x256xi32>
    %and3A = arith.constant 65535 : i32
    %and3A_7 = vector.broadcast %and3A : i32 to vector<256x256xi32>
    %and3A_8 = arith.andi %get3A_6, %and3A_7 : vector<256x256xi32>
    %and3A_9 = arith.constant 32768 : i32
    %and3A_10 = vector.broadcast %and3A_9 : i32 to vector<256x256xi32>
    %and3A_11 = arith.andi %and3A_8, %and3A_10 : vector<256x256xi32>
    %shift_left3A = arith.constant 16 : i32
    %shift_left3A_12 = vector.broadcast %shift_left3A : i32 to vector<256x256xi32>
    %shift_left3A_13 = arith.shli %and3A_11, %shift_left3A_12 : vector<256x256xi32>
    %and3A_14 = arith.constant 32767 : i32
    %and3A_15 = vector.broadcast %and3A_14 : i32 to vector<256x256xi32>
    %and3A_16 = arith.andi %and3A_8, %and3A_15 : vector<256x256xi32>
    %shift_left3A_17 = arith.constant 13 : i32
    %shift_left3A_18 = vector.broadcast %shift_left3A_17 : i32 to vector<256x256xi32>
    %shift_left3A_19 = arith.shli %and3A_16, %shift_left3A_18 : vector<256x256xi32>
    %or3A = arith.ori %shift_left3A_13, %shift_left3A_19 : vector<256x256xi32>
    %bitcast_convert_type3A = tpu.bitcast %or3A : vector<256x256xi32> -> vector<256x256xf32>
    %mul3A = arith.constant 5.19229686E+33 : f32
    %mul3A_20 = vector.broadcast %mul3A : f32 to vector<256x256xf32>
    %mul3A_21 = arith.mulf %bitcast_convert_type3A, %mul3A_20 : vector<256x256xf32>
    %shift_right_arithmetic3A = arith.constant 16 : i32
    %shift_right_arithmetic3A_22 = vector.broadcast %shift_right_arithmetic3A : i32 to vector<256x256xi32>
    %shift_right_arithmetic3A_23 = arith.shrsi %get3A_6, %shift_right_arithmetic3A_22 : vector<256x256xi32>
    %and3A_24 = arith.constant 65535 : i32
    %and3A_25 = vector.broadcast %and3A_24 : i32 to vector<256x256xi32>
    %and3A_26 = arith.andi %shift_right_arithmetic3A_23, %and3A_25 : vector<256x256xi32>
    %and3A_27 = arith.constant 32768 : i32
    %and3A_28 = vector.broadcast %and3A_27 : i32 to vector<256x256xi32>
    %and3A_29 = arith.andi %and3A_26, %and3A_28 : vector<256x256xi32>
    %shift_left3A_30 = arith.constant 16 : i32
    %shift_left3A_31 = vector.broadcast %shift_left3A_30 : i32 to vector<256x256xi32>
    %shift_left3A_32 = arith.shli %and3A_29, %shift_left3A_31 : vector<256x256xi32>
    %and3A_33 = arith.constant 32767 : i32
    %and3A_34 = vector.broadcast %and3A_33 : i32 to vector<256x256xi32>
    %and3A_35 = arith.andi %and3A_26, %and3A_34 : vector<256x256xi32>
    %shift_left3A_36 = arith.constant 13 : i32
    %shift_left3A_37 = vector.broadcast %shift_left3A_36 : i32 to vector<256x256xi32>
    %shift_left3A_38 = arith.shli %and3A_35, %shift_left3A_37 : vector<256x256xi32>
    %or3A_39 = arith.ori %shift_left3A_32, %shift_left3A_38 : vector<256x256xi32>
    %bitcast_convert_type3A_40 = tpu.bitcast %or3A_39 : vector<256x256xi32> -> vector<256x256xf32>
    %mul3A_41 = arith.constant 5.19229686E+33 : f32
    %mul3A_42 = vector.broadcast %mul3A_41 : f32 to vector<256x256xf32>
    %mul3A_43 = arith.mulf %bitcast_convert_type3A_40, %mul3A_42 : vector<256x256xf32>
    %concatenate3A = tpu.concatenate %mul3A_21, %mul3A_43 in 1 : vector<256x256xf32>, vector<256x256xf32> -> vector<256x512xf32>
    %get3A_44 = arith.constant 1 : index
    %get3A_45 = arith.constant 0 : index
    %get3A_46 = arith.constant 0 : index
    %get3A_47 = vector.load %arg2[%get3A_44, %get3A_45, %get3A_46] : memref<6x256x256xi32, #tpu.memory_space<vmem>>, vector<1x256x256xi32>
    %get3A_48 = vector.shape_cast %get3A_47 : vector<1x256x256xi32> to vector<256x256xi32>
    %and3A_49 = arith.constant 65535 : i32
    %and3A_50 = vector.broadcast %and3A_49 : i32 to vector<256x256xi32>
    %and3A_51 = arith.andi %get3A_48, %and3A_50 : vector<256x256xi32>
    %and3A_52 = arith.constant 32768 : i32
    %and3A_53 = vector.broadcast %and3A_52 : i32 to vector<256x256xi32>
    %and3A_54 = arith.andi %and3A_51, %and3A_53 : vector<256x256xi32>
    %shift_left3A_55 = arith.constant 16 : i32
    %shift_left3A_56 = vector.broadcast %shift_left3A_55 : i32 to vector<256x256xi32>
    %shift_left3A_57 = arith.shli %and3A_54, %shift_left3A_56 : vector<256x256xi32>
    %and3A_58 = arith.constant 32767 : i32
    %and3A_59 = vector.broadcast %and3A_58 : i32 to vector<256x256xi32>
    %and3A_60 = arith.andi %and3A_51, %and3A_59 : vector<256x256xi32>
    %shift_left3A_61 = arith.constant 13 : i32
    %shift_left3A_62 = vector.broadcast %shift_left3A_61 : i32 to vector<256x256xi32>
    %shift_left3A_63 = arith.shli %and3A_60, %shift_left3A_62 : vector<256x256xi32>
    %or3A_64 = arith.ori %shift_left3A_57, %shift_left3A_63 : vector<256x256xi32>
    %bitcast_convert_type3A_65 = tpu.bitcast %or3A_64 : vector<256x256xi32> -> vector<256x256xf32>
    %mul3A_66 = arith.constant 5.19229686E+33 : f32
    %mul3A_67 = vector.broadcast %mul3A_66 : f32 to vector<256x256xf32>
    %mul3A_68 = arith.mulf %bitcast_convert_type3A_65, %mul3A_67 : vector<256x256xf32>
    %shift_right_arithmetic3A_69 = arith.constant 16 : i32
    %shift_right_arithmetic3A_70 = vector.broadcast %shift_right_arithmetic3A_69 : i32 to vector<256x256xi32>
    %shift_right_arithmetic3A_71 = arith.shrsi %get3A_48, %shift_right_arithmetic3A_70 : vector<256x256xi32>
    %and3A_72 = arith.constant 65535 : i32
    %and3A_73 = vector.broadcast %and3A_72 : i32 to vector<256x256xi32>
    %and3A_74 = arith.andi %shift_right_arithmetic3A_71, %and3A_73 : vector<256x256xi32>
    %and3A_75 = arith.constant 32768 : i32
    %and3A_76 = vector.broadcast %and3A_75 : i32 to vector<256x256xi32>
    %and3A_77 = arith.andi %and3A_74, %and3A_76 : vector<256x256xi32>
    %shift_left3A_78 = arith.constant 16 : i32
    %shift_left3A_79 = vector.broadcast %shift_left3A_78 : i32 to vector<256x256xi32>
    %shift_left3A_80 = arith.shli %and3A_77, %shift_left3A_79 : vector<256x256xi32>
    %and3A_81 = arith.constant 32767 : i32
    %and3A_82 = vector.broadcast %and3A_81 : i32 to vector<256x256xi32>
    %and3A_83 = arith.andi %and3A_74, %and3A_82 : vector<256x256xi32>
    %shift_left3A_84 = arith.constant 13 : i32
    %shift_left3A_85 = vector.broadcast %shift_left3A_84 : i32 to vector<256x256xi32>
    %shift_left3A_86 = arith.shli %and3A_83, %shift_left3A_85 : vector<256x256xi32>
    %or3A_87 = arith.ori %shift_left3A_80, %shift_left3A_86 : vector<256x256xi32>
    %bitcast_convert_type3A_88 = tpu.bitcast %or3A_87 : vector<256x256xi32> -> vector<256x256xf32>
    %mul3A_89 = arith.constant 5.19229686E+33 : f32
    %mul3A_90 = vector.broadcast %mul3A_89 : f32 to vector<256x256xf32>
    %mul3A_91 = arith.mulf %bitcast_convert_type3A_88, %mul3A_90 : vector<256x256xf32>
    %concatenate3A_92 = tpu.concatenate %mul3A_68, %mul3A_91 in 1 : vector<256x256xf32>, vector<256x256xf32> -> vector<256x512xf32>
    %get3A_93 = arith.constant 2 : index
    %get3A_94 = arith.constant 0 : index
    %get3A_95 = arith.constant 0 : index
    %get3A_96 = vector.load %arg2[%get3A_93, %get3A_94, %get3A_95] : memref<6x256x256xi32, #tpu.memory_space<vmem>>, vector<1x256x256xi32>
    %get3A_97 = vector.shape_cast %get3A_96 : vector<1x256x256xi32> to vector<256x256xi32>
    %and3A_98 = arith.constant 65535 : i32
    %and3A_99 = vector.broadcast %and3A_98 : i32 to vector<256x256xi32>
    %and3A_100 = arith.andi %get3A_97, %and3A_99 : vector<256x256xi32>
    %and3A_101 = arith.constant 32768 : i32
    %and3A_102 = vector.broadcast %and3A_101 : i32 to vector<256x256xi32>
    %and3A_103 = arith.andi %and3A_100, %and3A_102 : vector<256x256xi32>
    %shift_left3A_104 = arith.constant 16 : i32
    %shift_left3A_105 = vector.broadcast %shift_left3A_104 : i32 to vector<256x256xi32>
    %shift_left3A_106 = arith.shli %and3A_103, %shift_left3A_105 : vector<256x256xi32>
    %and3A_107 = arith.constant 32767 : i32
    %and3A_108 = vector.broadcast %and3A_107 : i32 to vector<256x256xi32>
    %and3A_109 = arith.andi %and3A_100, %and3A_108 : vector<256x256xi32>
    %shift_left3A_110 = arith.constant 13 : i32
    %shift_left3A_111 = vector.broadcast %shift_left3A_110 : i32 to vector<256x256xi32>
    %shift_left3A_112 = arith.shli %and3A_109, %shift_left3A_111 : vector<256x256xi32>
    %or3A_113 = arith.ori %shift_left3A_106, %shift_left3A_112 : vector<256x256xi32>
    %bitcast_convert_type3A_114 = tpu.bitcast %or3A_113 : vector<256x256xi32> -> vector<256x256xf32>
    %mul3A_115 = arith.constant 5.19229686E+33 : f32
    %mul3A_116 = vector.broadcast %mul3A_115 : f32 to vector<256x256xf32>
    %mul3A_117 = arith.mulf %bitcast_convert_type3A_114, %mul3A_116 : vector<256x256xf32>
    %shift_right_arithmetic3A_118 = arith.constant 16 : i32
    %shift_right_arithmetic3A_119 = vector.broadcast %shift_right_arithmetic3A_118 : i32 to vector<256x256xi32>
    %shift_right_arithmetic3A_120 = arith.shrsi %get3A_97, %shift_right_arithmetic3A_119 : vector<256x256xi32>
    %and3A_121 = arith.constant 65535 : i32
    %and3A_122 = vector.broadcast %and3A_121 : i32 to vector<256x256xi32>
    %and3A_123 = arith.andi %shift_right_arithmetic3A_120, %and3A_122 : vector<256x256xi32>
    %and3A_124 = arith.constant 32768 : i32
    %and3A_125 = vector.broadcast %and3A_124 : i32 to vector<256x256xi32>
    %and3A_126 = arith.andi %and3A_123, %and3A_125 : vector<256x256xi32>
    %shift_left3A_127 = arith.constant 16 : i32
    %shift_left3A_128 = vector.broadcast %shift_left3A_127 : i32 to vector<256x256xi32>
    %shift_left3A_129 = arith.shli %and3A_126, %shift_left3A_128 : vector<256x256xi32>
    %and3A_130 = arith.constant 32767 : i32
    %and3A_131 = vector.broadcast %and3A_130 : i32 to vector<256x256xi32>
    %and3A_132 = arith.andi %and3A_123, %and3A_131 : vector<256x256xi32>
    %shift_left3A_133 = arith.constant 13 : i32
    %shift_left3A_134 = vector.broadcast %shift_left3A_133 : i32 to vector<256x256xi32>
    %shift_left3A_135 = arith.shli %and3A_132, %shift_left3A_134 : vector<256x256xi32>
    %or3A_136 = arith.ori %shift_left3A_129, %shift_left3A_135 : vector<256x256xi32>
    %bitcast_convert_type3A_137 = tpu.bitcast %or3A_136 : vector<256x256xi32> -> vector<256x256xf32>
    %mul3A_138 = arith.constant 5.19229686E+33 : f32
    %mul3A_139 = vector.broadcast %mul3A_138 : f32 to vector<256x256xf32>
    %mul3A_140 = arith.mulf %bitcast_convert_type3A_137, %mul3A_139 : vector<256x256xf32>
    %concatenate3A_141 = tpu.concatenate %mul3A_117, %mul3A_140 in 1 : vector<256x256xf32>, vector<256x256xf32> -> vector<256x512xf32>
    %get3A_142 = arith.constant 3 : index
    %get3A_143 = arith.constant 0 : index
    %get3A_144 = arith.constant 0 : index
    %get3A_145 = vector.load %arg2[%get3A_142, %get3A_143, %get3A_144] : memref<6x256x256xi32, #tpu.memory_space<vmem>>, vector<1x256x256xi32>
    %get3A_146 = vector.shape_cast %get3A_145 : vector<1x256x256xi32> to vector<256x256xi32>
    %and3A_147 = arith.constant 65535 : i32
    %and3A_148 = vector.broadcast %and3A_147 : i32 to vector<256x256xi32>
    %and3A_149 = arith.andi %get3A_146, %and3A_148 : vector<256x256xi32>
    %and3A_150 = arith.constant 32768 : i32
    %and3A_151 = vector.broadcast %and3A_150 : i32 to vector<256x256xi32>
    %and3A_152 = arith.andi %and3A_149, %and3A_151 : vector<256x256xi32>
    %shift_left3A_153 = arith.constant 16 : i32
    %shift_left3A_154 = vector.broadcast %shift_left3A_153 : i32 to vector<256x256xi32>
    %shift_left3A_155 = arith.shli %and3A_152, %shift_left3A_154 : vector<256x256xi32>
    %and3A_156 = arith.constant 32767 : i32
    %and3A_157 = vector.broadcast %and3A_156 : i32 to vector<256x256xi32>
    %and3A_158 = arith.andi %and3A_149, %and3A_157 : vector<256x256xi32>
    %shift_left3A_159 = arith.constant 13 : i32
    %shift_left3A_160 = vector.broadcast %shift_left3A_159 : i32 to vector<256x256xi32>
    %shift_left3A_161 = arith.shli %and3A_158, %shift_left3A_160 : vector<256x256xi32>
    %or3A_162 = arith.ori %shift_left3A_155, %shift_left3A_161 : vector<256x256xi32>
    %bitcast_convert_type3A_163 = tpu.bitcast %or3A_162 : vector<256x256xi32> -> vector<256x256xf32>
    %mul3A_164 = arith.constant 5.19229686E+33 : f32
    %mul3A_165 = vector.broadcast %mul3A_164 : f32 to vector<256x256xf32>
    %mul3A_166 = arith.mulf %bitcast_convert_type3A_163, %mul3A_165 : vector<256x256xf32>
    %shift_right_arithmetic3A_167 = arith.constant 16 : i32
    %shift_right_arithmetic3A_168 = vector.broadcast %shift_right_arithmetic3A_167 : i32 to vector<256x256xi32>
    %shift_right_arithmetic3A_169 = arith.shrsi %get3A_146, %shift_right_arithmetic3A_168 : vector<256x256xi32>
    %and3A_170 = arith.constant 65535 : i32
    %and3A_171 = vector.broadcast %and3A_170 : i32 to vector<256x256xi32>
    %and3A_172 = arith.andi %shift_right_arithmetic3A_169, %and3A_171 : vector<256x256xi32>
    %and3A_173 = arith.constant 32768 : i32
    %and3A_174 = vector.broadcast %and3A_173 : i32 to vector<256x256xi32>
    %and3A_175 = arith.andi %and3A_172, %and3A_174 : vector<256x256xi32>
    %shift_left3A_176 = arith.constant 16 : i32
    %shift_left3A_177 = vector.broadcast %shift_left3A_176 : i32 to vector<256x256xi32>
    %shift_left3A_178 = arith.shli %and3A_175, %shift_left3A_177 : vector<256x256xi32>
    %and3A_179 = arith.constant 32767 : i32
    %and3A_180 = vector.broadcast %and3A_179 : i32 to vector<256x256xi32>
    %and3A_181 = arith.andi %and3A_172, %and3A_180 : vector<256x256xi32>
    %shift_left3A_182 = arith.constant 13 : i32
    %shift_left3A_183 = vector.broadcast %shift_left3A_182 : i32 to vector<256x256xi32>
    %shift_left3A_184 = arith.shli %and3A_181, %shift_left3A_183 : vector<256x256xi32>
    %or3A_185 = arith.ori %shift_left3A_178, %shift_left3A_184 : vector<256x256xi32>
    %bitcast_convert_type3A_186 = tpu.bitcast %or3A_185 : vector<256x256xi32> -> vector<256x256xf32>
    %mul3A_187 = arith.constant 5.19229686E+33 : f32
    %mul3A_188 = vector.broadcast %mul3A_187 : f32 to vector<256x256xf32>
    %mul3A_189 = arith.mulf %bitcast_convert_type3A_186, %mul3A_188 : vector<256x256xf32>
    %concatenate3A_190 = tpu.concatenate %mul3A_166, %mul3A_189 in 1 : vector<256x256xf32>, vector<256x256xf32> -> vector<256x512xf32>
    %get3A_191 = arith.constant 4 : index
    %get3A_192 = arith.constant 0 : index
    %get3A_193 = arith.constant 0 : index
    %get3A_194 = vector.load %arg2[%get3A_191, %get3A_192, %get3A_193] : memref<6x256x256xi32, #tpu.memory_space<vmem>>, vector<1x256x256xi32>
    %get3A_195 = vector.shape_cast %get3A_194 : vector<1x256x256xi32> to vector<256x256xi32>
    %and3A_196 = arith.constant 65535 : i32
    %and3A_197 = vector.broadcast %and3A_196 : i32 to vector<256x256xi32>
    %and3A_198 = arith.andi %get3A_195, %and3A_197 : vector<256x256xi32>
    %and3A_199 = arith.constant 32768 : i32
    %and3A_200 = vector.broadcast %and3A_199 : i32 to vector<256x256xi32>
    %and3A_201 = arith.andi %and3A_198, %and3A_200 : vector<256x256xi32>
    %shift_left3A_202 = arith.constant 16 : i32
    %shift_left3A_203 = vector.broadcast %shift_left3A_202 : i32 to vector<256x256xi32>
    %shift_left3A_204 = arith.shli %and3A_201, %shift_left3A_203 : vector<256x256xi32>
    %and3A_205 = arith.constant 32767 : i32
    %and3A_206 = vector.broadcast %and3A_205 : i32 to vector<256x256xi32>
    %and3A_207 = arith.andi %and3A_198, %and3A_206 : vector<256x256xi32>
    %shift_left3A_208 = arith.constant 13 : i32
    %shift_left3A_209 = vector.broadcast %shift_left3A_208 : i32 to vector<256x256xi32>
    %shift_left3A_210 = arith.shli %and3A_207, %shift_left3A_209 : vector<256x256xi32>
    %or3A_211 = arith.ori %shift_left3A_204, %shift_left3A_210 : vector<256x256xi32>
    %bitcast_convert_type3A_212 = tpu.bitcast %or3A_211 : vector<256x256xi32> -> vector<256x256xf32>
    %mul3A_213 = arith.constant 5.19229686E+33 : f32
    %mul3A_214 = vector.broadcast %mul3A_213 : f32 to vector<256x256xf32>
    %mul3A_215 = arith.mulf %bitcast_convert_type3A_212, %mul3A_214 : vector<256x256xf32>
    %shift_right_arithmetic3A_216 = arith.constant 16 : i32
    %shift_right_arithmetic3A_217 = vector.broadcast %shift_right_arithmetic3A_216 : i32 to vector<256x256xi32>
    %shift_right_arithmetic3A_218 = arith.shrsi %get3A_195, %shift_right_arithmetic3A_217 : vector<256x256xi32>
    %and3A_219 = arith.constant 65535 : i32
    %and3A_220 = vector.broadcast %and3A_219 : i32 to vector<256x256xi32>
    %and3A_221 = arith.andi %shift_right_arithmetic3A_218, %and3A_220 : vector<256x256xi32>
    %and3A_222 = arith.constant 32768 : i32
    %and3A_223 = vector.broadcast %and3A_222 : i32 to vector<256x256xi32>
    %and3A_224 = arith.andi %and3A_221, %and3A_223 : vector<256x256xi32>
    %shift_left3A_225 = arith.constant 16 : i32
    %shift_left3A_226 = vector.broadcast %shift_left3A_225 : i32 to vector<256x256xi32>
    %shift_left3A_227 = arith.shli %and3A_224, %shift_left3A_226 : vector<256x256xi32>
    %and3A_228 = arith.constant 32767 : i32
    %and3A_229 = vector.broadcast %and3A_228 : i32 to vector<256x256xi32>
    %and3A_230 = arith.andi %and3A_221, %and3A_229 : vector<256x256xi32>
    %shift_left3A_231 = arith.constant 13 : i32
    %shift_left3A_232 = vector.broadcast %shift_left3A_231 : i32 to vector<256x256xi32>
    %shift_left3A_233 = arith.shli %and3A_230, %shift_left3A_232 : vector<256x256xi32>
    %or3A_234 = arith.ori %shift_left3A_227, %shift_left3A_233 : vector<256x256xi32>
    %bitcast_convert_type3A_235 = tpu.bitcast %or3A_234 : vector<256x256xi32> -> vector<256x256xf32>
    %mul3A_236 = arith.constant 5.19229686E+33 : f32
    %mul3A_237 = vector.broadcast %mul3A_236 : f32 to vector<256x256xf32>
    %mul3A_238 = arith.mulf %bitcast_convert_type3A_235, %mul3A_237 : vector<256x256xf32>
    %concatenate3A_239 = tpu.concatenate %mul3A_215, %mul3A_238 in 1 : vector<256x256xf32>, vector<256x256xf32> -> vector<256x512xf32>
    %get3A_240 = arith.constant 5 : index
    %get3A_241 = arith.constant 0 : index
    %get3A_242 = arith.constant 0 : index
    %get3A_243 = vector.load %arg2[%get3A_240, %get3A_241, %get3A_242] : memref<6x256x256xi32, #tpu.memory_space<vmem>>, vector<1x256x256xi32>
    %get3A_244 = vector.shape_cast %get3A_243 : vector<1x256x256xi32> to vector<256x256xi32>
    %and3A_245 = arith.constant 65535 : i32
    %and3A_246 = vector.broadcast %and3A_245 : i32 to vector<256x256xi32>
    %and3A_247 = arith.andi %get3A_244, %and3A_246 : vector<256x256xi32>
    %and3A_248 = arith.constant 32768 : i32
    %and3A_249 = vector.broadcast %and3A_248 : i32 to vector<256x256xi32>
    %and3A_250 = arith.andi %and3A_247, %and3A_249 : vector<256x256xi32>
    %shift_left3A_251 = arith.constant 16 : i32
    %shift_left3A_252 = vector.broadcast %shift_left3A_251 : i32 to vector<256x256xi32>
    %shift_left3A_253 = arith.shli %and3A_250, %shift_left3A_252 : vector<256x256xi32>
    %and3A_254 = arith.constant 32767 : i32
    %and3A_255 = vector.broadcast %and3A_254 : i32 to vector<256x256xi32>
    %and3A_256 = arith.andi %and3A_247, %and3A_255 : vector<256x256xi32>
    %shift_left3A_257 = arith.constant 13 : i32
    %shift_left3A_258 = vector.broadcast %shift_left3A_257 : i32 to vector<256x256xi32>
    %shift_left3A_259 = arith.shli %and3A_256, %shift_left3A_258 : vector<256x256xi32>
    %or3A_260 = arith.ori %shift_left3A_253, %shift_left3A_259 : vector<256x256xi32>
    %bitcast_convert_type3A_261 = tpu.bitcast %or3A_260 : vector<256x256xi32> -> vector<256x256xf32>
    %mul3A_262 = arith.constant 5.19229686E+33 : f32
    %mul3A_263 = vector.broadcast %mul3A_262 : f32 to vector<256x256xf32>
    %mul3A_264 = arith.mulf %bitcast_convert_type3A_261, %mul3A_263 : vector<256x256xf32>
    %shift_right_arithmetic3A_265 = arith.constant 16 : i32
    %shift_right_arithmetic3A_266 = vector.broadcast %shift_right_arithmetic3A_265 : i32 to vector<256x256xi32>
    %shift_right_arithmetic3A_267 = arith.shrsi %get3A_244, %shift_right_arithmetic3A_266 : vector<256x256xi32>
    %and3A_268 = arith.constant 65535 : i32
    %and3A_269 = vector.broadcast %and3A_268 : i32 to vector<256x256xi32>
    %and3A_270 = arith.andi %shift_right_arithmetic3A_267, %and3A_269 : vector<256x256xi32>
    %and3A_271 = arith.constant 32768 : i32
    %and3A_272 = vector.broadcast %and3A_271 : i32 to vector<256x256xi32>
    %and3A_273 = arith.andi %and3A_270, %and3A_272 : vector<256x256xi32>
    %shift_left3A_274 = arith.constant 16 : i32
    %shift_left3A_275 = vector.broadcast %shift_left3A_274 : i32 to vector<256x256xi32>
    %shift_left3A_276 = arith.shli %and3A_273, %shift_left3A_275 : vector<256x256xi32>
    %and3A_277 = arith.constant 32767 : i32
    %and3A_278 = vector.broadcast %and3A_277 : i32 to vector<256x256xi32>
    %and3A_279 = arith.andi %and3A_270, %and3A_278 : vector<256x256xi32>
    %shift_left3A_280 = arith.constant 13 : i32
    %shift_left3A_281 = vector.broadcast %shift_left3A_280 : i32 to vector<256x256xi32>
    %shift_left3A_282 = arith.shli %and3A_279, %shift_left3A_281 : vector<256x256xi32>
    %or3A_283 = arith.ori %shift_left3A_276, %shift_left3A_282 : vector<256x256xi32>
    %bitcast_convert_type3A_284 = tpu.bitcast %or3A_283 : vector<256x256xi32> -> vector<256x256xf32>
    %mul3A_285 = arith.constant 5.19229686E+33 : f32
    %mul3A_286 = vector.broadcast %mul3A_285 : f32 to vector<256x256xf32>
    %mul3A_287 = arith.mulf %bitcast_convert_type3A_284, %mul3A_286 : vector<256x256xf32>
    %concatenate3A_288 = tpu.concatenate %mul3A_264, %mul3A_287 in 1 : vector<256x256xf32>, vector<256x256xf32> -> vector<256x512xf32>
    %get3A_289 = arith.constant 0 : index
    %get3A_290 = arith.constant 0 : index
    %get3A_291 = vector.load %arg3[%get3A_289, %get3A_290] : memref<256x8xf32, #tpu.memory_space<vmem>>, vector<256x1xf32>
    %sub3A = arith.constant 2.000000e+00 : f32
    %sub3A_292 = vector.broadcast %sub3A : f32 to vector<256x1xf32>
    %sub3A_293 = arith.subf %sub3A_292, %get3A_291 : vector<256x1xf32>
    %mul3A_294 = vector.broadcast %sub3A_293 : vector<256x1xf32> to vector<256x512xf32>
    %mul3A_295 = arith.mulf %mul3A_294, %get3A_1 : vector<256x512xf32>
    %mul3A_296 = vector.broadcast %get3A_291 : vector<256x1xf32> to vector<256x512xf32>
    %mul3A_297 = arith.mulf %mul3A_296, %concatenate3A : vector<256x512xf32>
    %add3A = arith.addf %mul3A_295, %mul3A_297 : vector<256x512xf32>
    %tanh3A = math.tanh %add3A : vector<256x512xf32>
    %reduce_sum3A = arith.constant dense<0.000000e+00> : vector<256xf32>
    %reduce_sum3A_298 = vector.multi_reduction <add>, %concatenate3A, %reduce_sum3A [1] : vector<256x512xf32> to vector<256xf32>
    %broadcast_in_dim3A = vector.shape_cast %reduce_sum3A_298 : vector<256xf32> to vector<256x1xf32>
    %reduce_sum3A_299 = arith.constant dense<0.000000e+00> : vector<256xf32>
    %reduce_sum3A_300 = vector.multi_reduction <add>, %tanh3A, %reduce_sum3A_299 [1] : vector<256x512xf32> to vector<256xf32>
    %broadcast_in_dim3A_301 = vector.shape_cast %reduce_sum3A_300 : vector<256xf32> to vector<256x1xf32>
    %mul3A_302 = arith.mulf %broadcast_in_dim3A, %broadcast_in_dim3A_301 : vector<256x1xf32>
    %get3A_303 = arith.constant 0 : index
    %get3A_304 = arith.constant 1 : index
    %get3A_305 = vector.load %arg3[%get3A_303, %get3A_304] : memref<256x8xf32, #tpu.memory_space<vmem>>, vector<256x1xf32>
    %sub3A_306 = arith.constant 2.000000e+00 : f32
    %sub3A_307 = vector.broadcast %sub3A_306 : f32 to vector<256x1xf32>
    %sub3A_308 = arith.subf %sub3A_307, %get3A_305 : vector<256x1xf32>
    %mul3A_309 = vector.broadcast %sub3A_308 : vector<256x1xf32> to vector<256x512xf32>
    %mul3A_310 = arith.mulf %mul3A_309, %get3A_1 : vector<256x512xf32>
    %mul3A_311 = vector.broadcast %get3A_305 : vector<256x1xf32> to vector<256x512xf32>
    %mul3A_312 = arith.mulf %mul3A_311, %concatenate3A_92 : vector<256x512xf32>
    %add3A_313 = arith.addf %mul3A_310, %mul3A_312 : vector<256x512xf32>
    %tanh3A_314 = math.tanh %add3A_313 : vector<256x512xf32>
    %reduce_sum3A_315 = arith.constant dense<0.000000e+00> : vector<256xf32>
    %reduce_sum3A_316 = vector.multi_reduction <add>, %concatenate3A_92, %reduce_sum3A_315 [1] : vector<256x512xf32> to vector<256xf32>
    %broadcast_in_dim3A_317 = vector.shape_cast %reduce_sum3A_316 : vector<256xf32> to vector<256x1xf32>
    %reduce_sum3A_318 = arith.constant dense<0.000000e+00> : vector<256xf32>
    %reduce_sum3A_319 = vector.multi_reduction <add>, %tanh3A_314, %reduce_sum3A_318 [1] : vector<256x512xf32> to vector<256xf32>
    %broadcast_in_dim3A_320 = vector.shape_cast %reduce_sum3A_319 : vector<256xf32> to vector<256x1xf32>
    %mul3A_321 = arith.mulf %broadcast_in_dim3A_317, %broadcast_in_dim3A_320 : vector<256x1xf32>
    %get3A_322 = arith.constant 0 : index
    %get3A_323 = arith.constant 2 : index
    %get3A_324 = vector.load %arg3[%get3A_322, %get3A_323] : memref<256x8xf32, #tpu.memory_space<vmem>>, vector<256x1xf32>
    %sub3A_325 = arith.constant 2.000000e+00 : f32
    %sub3A_326 = vector.broadcast %sub3A_325 : f32 to vector<256x1xf32>
    %sub3A_327 = arith.subf %sub3A_326, %get3A_324 : vector<256x1xf32>
    %mul3A_328 = vector.broadcast %sub3A_327 : vector<256x1xf32> to vector<256x512xf32>
    %mul3A_329 = arith.mulf %mul3A_328, %get3A_1 : vector<256x512xf32>
    %mul3A_330 = vector.broadcast %get3A_324 : vector<256x1xf32> to vector<256x512xf32>
    %mul3A_331 = arith.mulf %mul3A_330, %concatenate3A_141 : vector<256x512xf32>
    %add3A_332 = arith.addf %mul3A_329, %mul3A_331 : vector<256x512xf32>
    %tanh3A_333 = math.tanh %add3A_332 : vector<256x512xf32>
    %reduce_sum3A_334 = arith.constant dense<0.000000e+00> : vector<256xf32>
    %reduce_sum3A_335 = vector.multi_reduction <add>, %concatenate3A_141, %reduce_sum3A_334 [1] : vector<256x512xf32> to vector<256xf32>
    %broadcast_in_dim3A_336 = vector.shape_cast %reduce_sum3A_335 : vector<256xf32> to vector<256x1xf32>
    %reduce_sum3A_337 = arith.constant dense<0.000000e+00> : vector<256xf32>
    %reduce_sum3A_338 = vector.multi_reduction <add>, %tanh3A_333, %reduce_sum3A_337 [1] : vector<256x512xf32> to vector<256xf32>
    %broadcast_in_dim3A_339 = vector.shape_cast %reduce_sum3A_338 : vector<256xf32> to vector<256x1xf32>
    %mul3A_340 = arith.mulf %broadcast_in_dim3A_336, %broadcast_in_dim3A_339 : vector<256x1xf32>
    %get3A_341 = arith.constant 0 : index
    %get3A_342 = arith.constant 3 : index
    %get3A_343 = vector.load %arg3[%get3A_341, %get3A_342] : memref<256x8xf32, #tpu.memory_space<vmem>>, vector<256x1xf32>
    %sub3A_344 = arith.constant 2.000000e+00 : f32
    %sub3A_345 = vector.broadcast %sub3A_344 : f32 to vector<256x1xf32>
    %sub3A_346 = arith.subf %sub3A_345, %get3A_343 : vector<256x1xf32>
    %mul3A_347 = vector.broadcast %sub3A_346 : vector<256x1xf32> to vector<256x512xf32>
    %mul3A_348 = arith.mulf %mul3A_347, %get3A_1 : vector<256x512xf32>
    %mul3A_349 = vector.broadcast %get3A_343 : vector<256x1xf32> to vector<256x512xf32>
    %mul3A_350 = arith.mulf %mul3A_349, %concatenate3A_190 : vector<256x512xf32>
    %add3A_351 = arith.addf %mul3A_348, %mul3A_350 : vector<256x512xf32>
    %tanh3A_352 = math.tanh %add3A_351 : vector<256x512xf32>
    %reduce_sum3A_353 = arith.constant dense<0.000000e+00> : vector<256xf32>
    %reduce_sum3A_354 = vector.multi_reduction <add>, %concatenate3A_190, %reduce_sum3A_353 [1] : vector<256x512xf32> to vector<256xf32>
    %broadcast_in_dim3A_355 = vector.shape_cast %reduce_sum3A_354 : vector<256xf32> to vector<256x1xf32>
    %reduce_sum3A_356 = arith.constant dense<0.000000e+00> : vector<256xf32>
    %reduce_sum3A_357 = vector.multi_reduction <add>, %tanh3A_352, %reduce_sum3A_356 [1] : vector<256x512xf32> to vector<256xf32>
    %broadcast_in_dim3A_358 = vector.shape_cast %reduce_sum3A_357 : vector<256xf32> to vector<256x1xf32>
    %mul3A_359 = arith.mulf %broadcast_in_dim3A_355, %broadcast_in_dim3A_358 : vector<256x1xf32>
    %get3A_360 = arith.constant 0 : index
    %get3A_361 = arith.constant 4 : index
    %get3A_362 = vector.load %arg3[%get3A_360, %get3A_361] : memref<256x8xf32, #tpu.memory_space<vmem>>, vector<256x1xf32>
    %sub3A_363 = arith.constant 2.000000e+00 : f32
    %sub3A_364 = vector.broadcast %sub3A_363 : f32 to vector<256x1xf32>
    %sub3A_365 = arith.subf %sub3A_364, %get3A_362 : vector<256x1xf32>
    %mul3A_366 = vector.broadcast %sub3A_365 : vector<256x1xf32> to vector<256x512xf32>
    %mul3A_367 = arith.mulf %mul3A_366, %get3A_1 : vector<256x512xf32>
    %mul3A_368 = vector.broadcast %get3A_362 : vector<256x1xf32> to vector<256x512xf32>
    %mul3A_369 = arith.mulf %mul3A_368, %concatenate3A_239 : vector<256x512xf32>
    %add3A_370 = arith.addf %mul3A_367, %mul3A_369 : vector<256x512xf32>
    %tanh3A_371 = math.tanh %add3A_370 : vector<256x512xf32>
    %reduce_sum3A_372 = arith.constant dense<0.000000e+00> : vector<256xf32>
    %reduce_sum3A_373 = vector.multi_reduction <add>, %concatenate3A_239, %reduce_sum3A_372 [1] : vector<256x512xf32> to vector<256xf32>
    %broadcast_in_dim3A_374 = vector.shape_cast %reduce_sum3A_373 : vector<256xf32> to vector<256x1xf32>
    %reduce_sum3A_375 = arith.constant dense<0.000000e+00> : vector<256xf32>
    %reduce_sum3A_376 = vector.multi_reduction <add>, %tanh3A_371, %reduce_sum3A_375 [1] : vector<256x512xf32> to vector<256xf32>
    %broadcast_in_dim3A_377 = vector.shape_cast %reduce_sum3A_376 : vector<256xf32> to vector<256x1xf32>
    %mul3A_378 = arith.mulf %broadcast_in_dim3A_374, %broadcast_in_dim3A_377 : vector<256x1xf32>
    %get3A_379 = arith.constant 0 : index
    %get3A_380 = arith.constant 5 : index
    %get3A_381 = vector.load %arg3[%get3A_379, %get3A_380] : memref<256x8xf32, #tpu.memory_space<vmem>>, vector<256x1xf32>
    %sub3A_382 = arith.constant 2.000000e+00 : f32
    %sub3A_383 = vector.broadcast %sub3A_382 : f32 to vector<256x1xf32>
    %sub3A_384 = arith.subf %sub3A_383, %get3A_381 : vector<256x1xf32>
    %mul3A_385 = vector.broadcast %sub3A_384 : vector<256x1xf32> to vector<256x512xf32>
    %mul3A_386 = arith.mulf %mul3A_385, %get3A_1 : vector<256x512xf32>
    %mul3A_387 = vector.broadcast %get3A_381 : vector<256x1xf32> to vector<256x512xf32>
    %mul3A_388 = arith.mulf %mul3A_387, %concatenate3A_288 : vector<256x512xf32>
    %add3A_389 = arith.addf %mul3A_386, %mul3A_388 : vector<256x512xf32>
    %tanh3A_390 = math.tanh %add3A_389 : vector<256x512xf32>
    %reduce_sum3A_391 = arith.constant dense<0.000000e+00> : vector<256xf32>
    %reduce_sum3A_392 = vector.multi_reduction <add>, %concatenate3A_288, %reduce_sum3A_391 [1] : vector<256x512xf32> to vector<256xf32>
    %broadcast_in_dim3A_393 = vector.shape_cast %reduce_sum3A_392 : vector<256xf32> to vector<256x1xf32>
    %reduce_sum3A_394 = arith.constant dense<0.000000e+00> : vector<256xf32>
    %reduce_sum3A_395 = vector.multi_reduction <add>, %tanh3A_390, %reduce_sum3A_394 [1] : vector<256x512xf32> to vector<256xf32>
    %broadcast_in_dim3A_396 = vector.shape_cast %reduce_sum3A_395 : vector<256xf32> to vector<256x1xf32>
    %mul3A_397 = arith.mulf %broadcast_in_dim3A_393, %broadcast_in_dim3A_396 : vector<256x1xf32>
    %concatenate3A_398 = tpu.concatenate %mul3A_302, %mul3A_321, %mul3A_340, %mul3A_359, %mul3A_378, %mul3A_397 in 1 : vector<256x1xf32>, vector<256x1xf32>, vector<256x1xf32>, vector<256x1xf32>, vector<256x1xf32>, vector<256x1xf32> -> vector<256x6xf32>
    %reduce_max3A = arith.constant dense<0xFF800000> : vector<256xf32>
    %reduce_max3A_399 = vector.multi_reduction <maximumf>, %concatenate3A_398, %reduce_max3A [1] : vector<256x6xf32> to vector<256xf32>
    %broadcast_in_dim3A_400 = vector.shape_cast %reduce_max3A_399 : vector<256xf32> to vector<256x1xf32>
    %sub3A_401 = vector.broadcast %broadcast_in_dim3A_400 : vector<256x1xf32> to vector<256x6xf32>
    %sub3A_402 = arith.subf %concatenate3A_398, %sub3A_401 : vector<256x6xf32>
    %exp3A = math.exp %sub3A_402 : vector<256x6xf32>
    %reduce_sum3A_403 = arith.constant dense<0.000000e+00> : vector<256xf32>
    %reduce_sum3A_404 = vector.multi_reduction <add>, %exp3A, %reduce_sum3A_403 [1] : vector<256x6xf32> to vector<256xf32>
    %broadcast_in_dim3A_405 = vector.shape_cast %reduce_sum3A_404 : vector<256xf32> to vector<256x1xf32>
    %div3A = arith.constant 1.000000e+00 : f32
    %div3A_406 = vector.broadcast %div3A : f32 to vector<256x1xf32>
    %div3A_407 = arith.divf %div3A_406, %broadcast_in_dim3A_405 : vector<256x1xf32>
    %slice3A = vector.extract_strided_slice %exp3A {offsets = [0, 0], sizes = [256, 1], strides = [1, 1]} : vector<256x6xf32> to vector<256x1xf32>
    %mul3A_408 = arith.mulf %slice3A, %div3A_407 : vector<256x1xf32>
    %mul3A_409 = vector.broadcast %mul3A_408 : vector<256x1xf32> to vector<256x512xf32>
    %mul3A_410 = arith.mulf %mul3A_409, %concatenate3A : vector<256x512xf32>
    %slice3A_411 = vector.extract_strided_slice %exp3A {offsets = [0, 1], sizes = [256, 1], strides = [1, 1]} : vector<256x6xf32> to vector<256x1xf32>
    %mul3A_412 = arith.mulf %slice3A_411, %div3A_407 : vector<256x1xf32>
    %mul3A_413 = vector.broadcast %mul3A_412 : vector<256x1xf32> to vector<256x512xf32>
    %mul3A_414 = arith.mulf %mul3A_413, %concatenate3A_92 : vector<256x512xf32>
    %add3A_415 = arith.addf %mul3A_410, %mul3A_414 : vector<256x512xf32>
    %slice3A_416 = vector.extract_strided_slice %exp3A {offsets = [0, 2], sizes = [256, 1], strides = [1, 1]} : vector<256x6xf32> to vector<256x1xf32>
    %mul3A_417 = arith.mulf %slice3A_416, %div3A_407 : vector<256x1xf32>
    %mul3A_418 = vector.broadcast %mul3A_417 : vector<256x1xf32> to vector<256x512xf32>
    %mul3A_419 = arith.mulf %mul3A_418, %concatenate3A_141 : vector<256x512xf32>
    %add3A_420 = arith.addf %add3A_415, %mul3A_419 : vector<256x512xf32>
    %slice3A_421 = vector.extract_strided_slice %exp3A {offsets = [0, 3], sizes = [256, 1], strides = [1, 1]} : vector<256x6xf32> to vector<256x1xf32>
    %mul3A_422 = arith.mulf %slice3A_421, %div3A_407 : vector<256x1xf32>
    %mul3A_423 = vector.broadcast %mul3A_422 : vector<256x1xf32> to vector<256x512xf32>
    %mul3A_424 = arith.mulf %mul3A_423, %concatenate3A_190 : vector<256x512xf32>
    %add3A_425 = arith.addf %add3A_420, %mul3A_424 : vector<256x512xf32>
    %slice3A_426 = vector.extract_strided_slice %exp3A {offsets = [0, 4], sizes = [256, 1], strides = [1, 1]} : vector<256x6xf32> to vector<256x1xf32>
    %mul3A_427 = arith.mulf %slice3A_426, %div3A_407 : vector<256x1xf32>
    %mul3A_428 = vector.broadcast %mul3A_427 : vector<256x1xf32> to vector<256x512xf32>
    %mul3A_429 = arith.mulf %mul3A_428, %concatenate3A_239 : vector<256x512xf32>
    %add3A_430 = arith.addf %add3A_425, %mul3A_429 : vector<256x512xf32>
    %slice3A_431 = vector.extract_strided_slice %exp3A {offsets = [0, 5], sizes = [256, 1], strides = [1, 1]} : vector<256x6xf32> to vector<256x1xf32>
    %mul3A_432 = arith.mulf %slice3A_431, %div3A_407 : vector<256x1xf32>
    %mul3A_433 = vector.broadcast %mul3A_432 : vector<256x1xf32> to vector<256x512xf32>
    %mul3A_434 = arith.mulf %mul3A_433, %concatenate3A_288 : vector<256x512xf32>
    %add3A_435 = arith.addf %add3A_430, %mul3A_434 : vector<256x512xf32>
    %add3A_436 = arith.addf %get3A_1, %add3A_435 : vector<256x512xf32>
    %get3A_437 = arith.constant 0 : index
    %get3A_438 = arith.constant 0 : index
    %get3A_439 = vector.load %arg4[%get3A_437, %get3A_438] : memref<512x512xf32, #tpu.memory_space<vmem>>, vector<512x512xf32>
    %dot_general3A = arith.constant dense<0.000000e+00> : vector<256x512xf32>
    %dot_general3A_440 = tpu.matmul %add3A_436, %get3A_439, %dot_general3A {dimension_numbers = #tpu.dot_dimension_numbers<[1], [1], [0], [0], [0, 0, 1, 0], [], []>, transpose_lhs_hint = false} : vector<256x512xf32>, vector<512x512xf32>, vector<256x512xf32> -> vector<256x512xf32>
    %get3A_441 = arith.constant 0 : index
    %get3A_442 = arith.constant 0 : index
    %get3A_443 = vector.load %arg5[%get3A_441, %get3A_442] : memref<1x512xf32, #tpu.memory_space<vmem>>, vector<1x512xf32>
    %add3A_444 = vector.broadcast %get3A_443 : vector<1x512xf32> to vector<256x512xf32>
    %add3A_445 = arith.addf %dot_general3A_440, %add3A_444 : vector<256x512xf32>
    %gt3A = arith.constant 0.000000e+00 : f32
    %gt3A_446 = vector.broadcast %gt3A : f32 to vector<256x512xf32>
    %gt3A_447 = arith.cmpf ogt, %add3A_445, %gt3A_446 : vector<256x512xf32>
    %mul3A_448 = arith.constant 0.00999999977 : f32
    %mul3A_449 = vector.broadcast %mul3A_448 : f32 to vector<256x512xf32>
    %mul3A_450 = arith.mulf %mul3A_449, %add3A_445 : vector<256x512xf32>
    %select_n3A = arith.select %gt3A_447, %add3A_445, %mul3A_450 : vector<256x512xi1>, vector<256x512xf32>
    %mul3A_451 = arith.mulf %get3A_1, %add3A_435 : vector<256x512xf32>
    %get3A_452 = arith.constant 0 : index
    %get3A_453 = arith.constant 0 : index
    %get3A_454 = vector.load %arg6[%get3A_452, %get3A_453] : memref<512x512xf32, #tpu.memory_space<vmem>>, vector<512x512xf32>
    %dot_general3A_455 = arith.constant dense<0.000000e+00> : vector<256x512xf32>
    %dot_general3A_456 = tpu.matmul %mul3A_451, %get3A_454, %dot_general3A_455 {dimension_numbers = #tpu.dot_dimension_numbers<[1], [1], [0], [0], [0, 0, 1, 0], [], []>, transpose_lhs_hint = false} : vector<256x512xf32>, vector<512x512xf32>, vector<256x512xf32> -> vector<256x512xf32>
    %get3A_457 = arith.constant 0 : index
    %get3A_458 = arith.constant 0 : index
    %get3A_459 = vector.load %arg7[%get3A_457, %get3A_458] : memref<1x512xf32, #tpu.memory_space<vmem>>, vector<1x512xf32>
    %add3A_460 = vector.broadcast %get3A_459 : vector<1x512xf32> to vector<256x512xf32>
    %add3A_461 = arith.addf %dot_general3A_456, %add3A_460 : vector<256x512xf32>
    %gt3A_462 = arith.constant 0.000000e+00 : f32
    %gt3A_463 = vector.broadcast %gt3A_462 : f32 to vector<256x512xf32>
    %gt3A_464 = arith.cmpf ogt, %add3A_461, %gt3A_463 : vector<256x512xf32>
    %mul3A_465 = arith.constant 0.00999999977 : f32
    %mul3A_466 = vector.broadcast %mul3A_465 : f32 to vector<256x512xf32>
    %mul3A_467 = arith.mulf %mul3A_466, %add3A_461 : vector<256x512xf32>
    %select_n3A_468 = arith.select %gt3A_464, %add3A_461, %mul3A_467 : vector<256x512xi1>, vector<256x512xf32>
    %add3A_469 = arith.addf %select_n3A, %select_n3A_468 : vector<256x512xf32>
    %swap3A = arith.constant 0 : index
    %swap3A_470 = arith.constant 0 : index
    %swap3A_471 = vector.load %arg12[%swap3A, %swap3A_470] : memref<256x512xf32, #tpu.memory_space<vmem>>, vector<256x512xf32>
    tpu.vector_store %arg12[%swap3A, %swap3A_470], %add3A_469 {strides = array<i32>} : memref<256x512xf32, #tpu.memory_space<vmem>>, vector<256x512xf32>,
    %get3A_472 = arith.constant 0 : index
    %get3A_473 = arith.constant 0 : index
    %get3A_474 = vector.load %arg8[%get3A_472, %get3A_473] : memref<256x512xf32, #tpu.memory_space<vmem>>, vector<256x512xf32>
    %dot_general3A_475 = arith.constant dense<0.000000e+00> : vector<256x256xf32>
    %dot_general3A_476 = tpu.matmul %add3A_469, %get3A_474, %dot_general3A_475 {dimension_numbers = #tpu.dot_dimension_numbers<[1], [1], [0], [0], [0, 0, 1, 0], [], []>, transpose_lhs_hint = false} : vector<256x512xf32>, vector<256x512xf32>, vector<256x256xf32> -> vector<256x256xf32>
    %get3A_477 = arith.constant 0 : index
    %get3A_478 = arith.constant 0 : index
    %get3A_479 = vector.load %arg9[%get3A_477, %get3A_478] : memref<1x256xf32, #tpu.memory_space<vmem>>, vector<1x256xf32>
    %add3A_480 = vector.broadcast %get3A_479 : vector<1x256xf32> to vector<256x256xf32>
    %add3A_481 = arith.addf %dot_general3A_476, %add3A_480 : vector<256x256xf32>
    %gt3A_482 = arith.constant 0.000000e+00 : f32
    %gt3A_483 = vector.broadcast %gt3A_482 : f32 to vector<256x256xf32>
    %gt3A_484 = arith.cmpf ogt, %add3A_481, %gt3A_483 : vector<256x256xf32>
    %mul3A_485 = arith.constant 0.00999999977 : f32
    %mul3A_486 = vector.broadcast %mul3A_485 : f32 to vector<256x256xf32>
    %mul3A_487 = arith.mulf %mul3A_486, %add3A_481 : vector<256x256xf32>
    %select_n3A_488 = arith.select %gt3A_484, %add3A_481, %mul3A_487 : vector<256x256xi1>, vector<256x256xf32>
    %get3A_489 = arith.constant 0 : index
    %get3A_490 = arith.constant 0 : index
    %get3A_491 = vector.load %arg10[%get3A_489, %get3A_490] : memref<128x256xf32, #tpu.memory_space<vmem>>, vector<128x256xf32>
    %dot_general3A_492 = arith.constant dense<0.000000e+00> : vector<256x128xf32>
    %dot_general3A_493 = tpu.matmul %select_n3A_488, %get3A_491, %dot_general3A_492 {dimension_numbers = #tpu.dot_dimension_numbers<[1], [1], [0], [0], [0, 0, 1, 0], [], []>, transpose_lhs_hint = false} : vector<256x256xf32>, vector<128x256xf32>, vector<256x128xf32> -> vector<256x128xf32>
    %get3A_494 = arith.constant 0 : index
    %get3A_495 = arith.constant 0 : index
    %get3A_496 = vector.load %arg11[%get3A_494, %get3A_495] : memref<1x128xf32, #tpu.memory_space<vmem>>, vector<1x128xf32>
    %add3A_497 = vector.broadcast %get3A_496 : vector<1x128xf32> to vector<256x128xf32>
    %add3A_498 = arith.addf %dot_general3A_493, %add3A_497 : vector<256x128xf32>
    %swap3A_499 = arith.constant 0 : index
    %swap3A_500 = arith.constant 0 : index
    %swap3A_501 = vector.load %arg13[%swap3A_499, %swap3A_500] : memref<256x128xf32, #tpu.memory_space<vmem>>, vector<256x128xf32>
    tpu.vector_store %arg13[%swap3A_499, %swap3A_500], %add3A_498 {strides = array<i32>} : memref<256x128xf32, #tpu.memory_space<vmem>>, vector<256x128xf32>,
    return
  }
  func.func @transform_0(%arg0: i32) -> (i32, i32) {
    %add3A = arith.constant 8 : i32
    %add3A_0 = arith.addi %arg0, %add3A : i32
    %c0_i32 = arith.constant 0 : i32
    %c0_i32_1 = arith.constant 0 : i32
    return %add3A_0, %c0_i32 : i32, i32
  }
  func.func @transform_1(%arg0: i32) -> (i32, i32, i32) {
    %c0_i32 = arith.constant 0 : i32
    %c0_i32_0 = arith.constant 0 : i32
    %c0_i32_1 = arith.constant 0 : i32
    return %c0_i32, %arg0, %c0_i32_0 : i32, i32, i32
  }
  func.func @transform_2(%arg0: i32) -> (i32, i32) {
    %c0_i32 = arith.constant 0 : i32
    %c0_i32_0 = arith.constant 0 : i32
    return %arg0, %c0_i32 : i32, i32
  }
  func.func @transform_3(%arg0: i32) -> (i32, i32) {
    %c0_i32 = arith.constant 0 : i32
    %c0_i32_0 = arith.constant 0 : i32
    %c0_i32_1 = arith.constant 0 : i32
    return %c0_i32, %c0_i32_0 : i32, i32
  }
  func.func @transform_4(%arg0: i32) -> (i32, i32) {
    %c0_i32 = arith.constant 0 : i32
    %c0_i32_0 = arith.constant 0 : i32
    %c0_i32_1 = arith.constant 0 : i32
    return %c0_i32, %c0_i32_0 : i32, i32
  }
  func.func @transform_5(%arg0: i32) -> (i32, i32) {
    %c0_i32 = arith.constant 0 : i32
    %c0_i32_0 = arith.constant 0 : i32
    %c0_i32_1 = arith.constant 0 : i32
    return %c0_i32, %c0_i32_0 : i32, i32
  }
  func.func @transform_6(%arg0: i32) -> (i32, i32) {
    %c0_i32 = arith.constant 0 : i32
    %c0_i32_0 = arith.constant 0 : i32
    %c0_i32_1 = arith.constant 0 : i32
    return %c0_i32, %c0_i32_0 : i32, i32
  }
  func.func @transform_7(%arg0: i32) -> (i32, i32) {
    %c0_i32 = arith.constant 0 : i32
    %c0_i32_0 = arith.constant 0 : i32
    %c0_i32_1 = arith.constant 0 : i32
    return %c0_i32, %c0_i32_0 : i32, i32
  }
  func.func @transform_8(%arg0: i32) -> (i32, i32) {
    %c0_i32 = arith.constant 0 : i32
    %c0_i32_0 = arith.constant 0 : i32
    %c0_i32_1 = arith.constant 0 : i32
    return %c0_i32, %c0_i32_0 : i32, i32
  }
  func.func @transform_9(%arg0: i32) -> (i32, i32) {
    %c0_i32 = arith.constant 0 : i32
    %c0_i32_0 = arith.constant 0 : i32
    %c0_i32_1 = arith.constant 0 : i32
    return %c0_i32, %c0_i32_0 : i32, i32
  }
  func.func @transform_10(%arg0: i32) -> (i32, i32) {
    %c0_i32 = arith.constant 0 : i32
    %c0_i32_0 = arith.constant 0 : i32
    %c0_i32_1 = arith.constant 0 : i32
    return %c0_i32, %c0_i32_0 : i32, i32
  }
  func.func @transform_11(%arg0: i32) -> (i32, i32) {
    %c0_i32 = arith.constant 0 : i32
    %c0_i32_0 = arith.constant 0 : i32
    return %arg0, %c0_i32 : i32, i32
  }
  func.func @transform_12(%arg0: i32) -> (i32, i32) {
    %c0_i32 = arith.constant 0 : i32
    %c0_i32_0 = arith.constant 0 : i32
    return %arg0, %c0_i32 : i32, i32
  }
}

module attributes {stable_mosaic.version = 14 : i64} {
  func.func @_agg_body(%arg0: i32, %arg1: memref<256x512xf32, #tpu.memory_space<vmem>>, %arg2: memref<6x256x256xi32, #tpu.memory_space<vmem>>, %arg3: memref<256x8xf32, #tpu.memory_space<vmem>>, %arg4: memref<512x512xf32, #tpu.memory_space<vmem>>, %arg5: memref<1x512xf32, #tpu.memory_space<vmem>>, %arg6: memref<512x512xf32, #tpu.memory_space<vmem>>, %arg7: memref<1x512xf32, #tpu.memory_space<vmem>>, %arg8: memref<256x512xf32, #tpu.memory_space<vmem>>, %arg9: memref<1x256xf32, #tpu.memory_space<vmem>>, %arg10: memref<128x256xf32, #tpu.memory_space<vmem>>, %arg11: memref<1x128xf32, #tpu.memory_space<vmem>>, %arg12: memref<256x512xf32, #tpu.memory_space<vmem>>, %arg13: memref<256x128xf32, #tpu.memory_space<vmem>>) attributes {dimension_semantics = [#tpu.dimension_semantics<arbitrary>], iteration_bounds = array<i64: 4>, scalar_prefetch = 0 : i64, scratch_operands = 0 : i64, tpu.core_type = #tpu.core_type<tc>, window_params = [{transform_indices = @transform_0, window_bounds = array<i64: 256, 512>}, {transform_indices = @transform_1, window_bounds = array<i64: 6, 256, 256>}, {transform_indices = @transform_2, window_bounds = array<i64: 256, 8>}, {pipeline_mode = #tpu.pipeline_mode<synchronous>, transform_indices = @transform_3, window_bounds = array<i64: 512, 512>}, {pipeline_mode = #tpu.pipeline_mode<synchronous>, transform_indices = @transform_4, window_bounds = array<i64: 1, 512>}, {pipeline_mode = #tpu.pipeline_mode<synchronous>, transform_indices = @transform_5, window_bounds = array<i64: 512, 512>}, {pipeline_mode = #tpu.pipeline_mode<synchronous>, transform_indices = @transform_6, window_bounds = array<i64: 1, 512>}, {pipeline_mode = #tpu.pipeline_mode<synchronous>, transform_indices = @transform_7, window_bounds = array<i64: 256, 512>}, {pipeline_mode = #tpu.pipeline_mode<synchronous>, transform_indices = @transform_8, window_bounds = array<i64: 1, 256>}, {pipeline_mode = #tpu.pipeline_mode<synchronous>, transform_indices = @transform_9, window_bounds = array<i64: 128, 256>}, {pipeline_mode = #tpu.pipeline_mode<synchronous>, transform_indices = @transform_10, window_bounds = array<i64: 1, 128>}, {transform_indices = @transform_11, window_bounds = array<i64: 256, 512>}, {transform_indices = @transform_12, window_bounds = array<i64: 256, 128>}]} {
    %get3A = arith.constant 0 : index
    %get3A_0 = arith.constant 0 : index
    %get3A_1 = vector.load %arg1[%get3A, %get3A_0] : memref<256x512xf32, #tpu.memory_space<vmem>>, vector<256x512xf32>
    %get3A_2 = arith.constant 0 : index
    %get3A_3 = arith.constant 0 : index
    %get3A_4 = arith.constant 0 : index
    %get3A_5 = vector.load %arg2[%get3A_2, %get3A_3, %get3A_4] : memref<6x256x256xi32, #tpu.memory_space<vmem>>, vector<1x256x256xi32>
    %get3A_6 = vector.shape_cast %get3A_5 : vector<1x256x256xi32> to vector<256x256xi32>
    %and3A = arith.constant 65535 : i32
    %and3A_7 = vector.broadcast %and3A : i32 to vector<256x256xi32>
    %and3A_8 = arith.andi %get3A_6, %and3A_7 : vector<256x256xi32>
    %and3A_9 = arith.constant 32768 : i32
    %and3A_10 = vector.broadcast %and3A_9 : i32 to vector<256x256xi32>
    %and3A_11 = arith.andi %and3A_8, %and3A_10 : vector<256x256xi32>
    %shift_left3A = arith.constant 16 : i32
    %shift_left3A_12 = vector.broadcast %shift_left3A : i32 to vector<256x256xi32>
    %shift_left3A_13 = arith.shli %and3A_11, %shift_left3A_12 : vector<256x256xi32>
    %and3A_14 = arith.constant 32767 : i32
    %and3A_15 = vector.broadcast %and3A_14 : i32 to vector<256x256xi32>
    %and3A_16 = arith.andi %and3A_8, %and3A_15 : vector<256x256xi32>
    %shift_left3A_17 = arith.constant 13 : i32
    %shift_left3A_18 = vector.broadcast %shift_left3A_17 : i32 to vector<256x256xi32>
    %shift_left3A_19 = arith.shli %and3A_16, %shift_left3A_18 : vector<256x256xi32>
    %or3A = arith.ori %shift_left3A_13, %shift_left3A_19 : vector<256x256xi32>
    %bitcast_convert_type3A = tpu.bitcast %or3A : vector<256x256xi32> -> vector<256x256xf32>
    %mul3A = arith.constant 5.19229686E+33 : f32
    %mul3A_20 = vector.broadcast %mul3A : f32 to vector<256x256xf32>
    %mul3A_21 = arith.mulf %bitcast_convert_type3A, %mul3A_20 : vector<256x256xf32>
    %shift_right_arithmetic3A = arith.constant 16 : i32
    %shift_right_arithmetic3A_22 = vector.broadcast %shift_right_arithmetic3A : i32 to vector<256x256xi32>
    %shift_right_arithmetic3A_23 = arith.shrsi %get3A_6, %shift_right_arithmetic3A_22 : vector<256x256xi32>
    %and3A_24 = arith.constant 65535 : i32
    %and3A_25 = vector.broadcast %and3A_24 : i32 to vector<256x256xi32>
    %and3A_26 = arith.andi %shift_right_arithmetic3A_23, %and3A_25 : vector<256x256xi32>
    %and3A_27 = arith.constant 32768 : i32
    %and3A_28 = vector.broadcast %and3A_27 : i32 to vector<256x256xi32>
    %and3A_29 = arith.andi %and3A_26, %and3A_28 : vector<256x256xi32>
    %shift_left3A_30 = arith.constant 16 : i32
    %shift_left3A_31 = vector.broadcast %shift_left3A_30 : i32 to vector<256x256xi32>
    %shift_left3A_32 = arith.shli %and3A_29, %shift_left3A_31 : vector<256x256xi32>
    %and3A_33 = arith.constant 32767 : i32
    %and3A_34 = vector.broadcast %and3A_33 : i32 to vector<256x256xi32>
    %and3A_35 = arith.andi %and3A_26, %and3A_34 : vector<256x256xi32>
    %shift_left3A_36 = arith.constant 13 : i32
    %shift_left3A_37 = vector.broadcast %shift_left3A_36 : i32 to vector<256x256xi32>
    %shift_left3A_38 = arith.shli %and3A_35, %shift_left3A_37 : vector<256x256xi32>
    %or3A_39 = arith.ori %shift_left3A_32, %shift_left3A_38 : vector<256x256xi32>
    %bitcast_convert_type3A_40 = tpu.bitcast %or3A_39 : vector<256x256xi32> -> vector<256x256xf32>
    %mul3A_41 = arith.constant 5.19229686E+33 : f32
    %mul3A_42 = vector.broadcast %mul3A_41 : f32 to vector<256x256xf32>
    %mul3A_43 = arith.mulf %bitcast_convert_type3A_40, %mul3A_42 : vector<256x256xf32>
    %concatenate3A = tpu.concatenate %mul3A_21, %mul3A_43 in 1 : vector<256x256xf32>, vector<256x256xf32> -> vector<256x512xf32>
    %get3A_44 = arith.constant 1 : index
    %get3A_45 = arith.constant 0 : index
    %get3A_46 = arith.constant 0 : index
    %get3A_47 = vector.load %arg2[%get3A_44, %get3A_45, %get3A_46] : memref<6x256x256xi32, #tpu.memory_space<vmem>>, vector<1x256x256xi32>
    %get3A_48 = vector.shape_cast %get3A_47 : vector<1x256x256xi32> to vector<256x256xi32>
    %and3A_49 = arith.constant 65535 : i32
    %and3A_50 = vector.broadcast %and3A_49 : i32 to vector<256x256xi32>
    %and3A_51 = arith.andi %get3A_48, %and3A_50 : vector<256x256xi32>
    %and3A_52 = arith.constant 32768 : i32
    %and3A_53 = vector.broadcast %and3A_52 : i32 to vector<256x256xi32>
    %and3A_54 = arith.andi %and3A_51, %and3A_53 : vector<256x256xi32>
    %shift_left3A_55 = arith.constant 16 : i32
    %shift_left3A_56 = vector.broadcast %shift_left3A_55 : i32 to vector<256x256xi32>
    %shift_left3A_57 = arith.shli %and3A_54, %shift_left3A_56 : vector<256x256xi32>
    %and3A_58 = arith.constant 32767 : i32
    %and3A_59 = vector.broadcast %and3A_58 : i32 to vector<256x256xi32>
    %and3A_60 = arith.andi %and3A_51, %and3A_59 : vector<256x256xi32>
    %shift_left3A_61 = arith.constant 13 : i32
    %shift_left3A_62 = vector.broadcast %shift_left3A_61 : i32 to vector<256x256xi32>
    %shift_left3A_63 = arith.shli %and3A_60, %shift_left3A_62 : vector<256x256xi32>
    %or3A_64 = arith.ori %shift_left3A_57, %shift_left3A_63 : vector<256x256xi32>
    %bitcast_convert_type3A_65 = tpu.bitcast %or3A_64 : vector<256x256xi32> -> vector<256x256xf32>
    %mul3A_66 = arith.constant 5.19229686E+33 : f32
    %mul3A_67 = vector.broadcast %mul3A_66 : f32 to vector<256x256xf32>
    %mul3A_68 = arith.mulf %bitcast_convert_type3A_65, %mul3A_67 : vector<256x256xf32>
    %shift_right_arithmetic3A_69 = arith.constant 16 : i32
    %shift_right_arithmetic3A_70 = vector.broadcast %shift_right_arithmetic3A_69 : i32 to vector<256x256xi32>
    %shift_right_arithmetic3A_71 = arith.shrsi %get3A_48, %shift_right_arithmetic3A_70 : vector<256x256xi32>
    %and3A_72 = arith.constant 65535 : i32
    %and3A_73 = vector.broadcast %and3A_72 : i32 to vector<256x256xi32>
    %and3A_74 = arith.andi %shift_right_arithmetic3A_71, %and3A_73 : vector<256x256xi32>
    %and3A_75 = arith.constant 32768 : i32
    %and3A_76 = vector.broadcast %and3A_75 : i32 to vector<256x256xi32>
    %and3A_77 = arith.andi %and3A_74, %and3A_76 : vector<256x256xi32>
    %shift_left3A_78 = arith.constant 16 : i32
    %shift_left3A_79 = vector.broadcast %shift_left3A_78 : i32 to vector<256x256xi32>
    %shift_left3A_80 = arith.shli %and3A_77, %shift_left3A_79 : vector<256x256xi32>
    %and3A_81 = arith.constant 32767 : i32
    %and3A_82 = vector.broadcast %and3A_81 : i32 to vector<256x256xi32>
    %and3A_83 = arith.andi %and3A_74, %and3A_82 : vector<256x256xi32>
    %shift_left3A_84 = arith.constant 13 : i32
    %shift_left3A_85 = vector.broadcast %shift_left3A_84 : i32 to vector<256x256xi32>
    %shift_left3A_86 = arith.shli %and3A_83, %shift_left3A_85 : vector<256x256xi32>
    %or3A_87 = arith.ori %shift_left3A_80, %shift_left3A_86 : vector<256x256xi32>
    %bitcast_convert_type3A_88 = tpu.bitcast %or3A_87 : vector<256x256xi32> -> vector<256x256xf32>
    %mul3A_89 = arith.constant 5.19229686E+33 : f32
    %mul3A_90 = vector.broadcast %mul3A_89 : f32 to vector<256x256xf32>
    %mul3A_91 = arith.mulf %bitcast_convert_type3A_88, %mul3A_90 : vector<256x256xf32>
    %concatenate3A_92 = tpu.concatenate %mul3A_68, %mul3A_91 in 1 : vector<256x256xf32>, vector<256x256xf32> -> vector<256x512xf32>
    %get3A_93 = arith.constant 2 : index
    %get3A_94 = arith.constant 0 : index
    %get3A_95 = arith.constant 0 : index
    %get3A_96 = vector.load %arg2[%get3A_93, %get3A_94, %get3A_95] : memref<6x256x256xi32, #tpu.memory_space<vmem>>, vector<1x256x256xi32>
    %get3A_97 = vector.shape_cast %get3A_96 : vector<1x256x256xi32> to vector<256x256xi32>
    %and3A_98 = arith.constant 65535 : i32
    %and3A_99 = vector.broadcast %and3A_98 : i32 to vector<256x256xi32>
    %and3A_100 = arith.andi %get3A_97, %and3A_99 : vector<256x256xi32>
    %and3A_101 = arith.constant 32768 : i32
    %and3A_102 = vector.broadcast %and3A_101 : i32 to vector<256x256xi32>
    %and3A_103 = arith.andi %and3A_100, %and3A_102 : vector<256x256xi32>
    %shift_left3A_104 = arith.constant 16 : i32
    %shift_left3A_105 = vector.broadcast %shift_left3A_104 : i32 to vector<256x256xi32>
    %shift_left3A_106 = arith.shli %and3A_103, %shift_left3A_105 : vector<256x256xi32>
    %and3A_107 = arith.constant 32767 : i32
    %and3A_108 = vector.broadcast %and3A_107 : i32 to vector<256x256xi32>
    %and3A_109 = arith.andi %and3A_100, %and3A_108 : vector<256x256xi32>
    %shift_left3A_110 = arith.constant 13 : i32
    %shift_left3A_111 = vector.broadcast %shift_left3A_110 : i32 to vector<256x256xi32>
    %shift_left3A_112 = arith.shli %and3A_109, %shift_left3A_111 : vector<256x256xi32>
    %or3A_113 = arith.ori %shift_left3A_106, %shift_left3A_112 : vector<256x256xi32>
    %bitcast_convert_type3A_114 = tpu.bitcast %or3A_113 : vector<256x256xi32> -> vector<256x256xf32>
    %mul3A_115 = arith.constant 5.19229686E+33 : f32
    %mul3A_116 = vector.broadcast %mul3A_115 : f32 to vector<256x256xf32>
    %mul3A_117 = arith.mulf %bitcast_convert_type3A_114, %mul3A_116 : vector<256x256xf32>
    %shift_right_arithmetic3A_118 = arith.constant 16 : i32
    %shift_right_arithmetic3A_119 = vector.broadcast %shift_right_arithmetic3A_118 : i32 to vector<256x256xi32>
    %shift_right_arithmetic3A_120 = arith.shrsi %get3A_97, %shift_right_arithmetic3A_119 : vector<256x256xi32>
    %and3A_121 = arith.constant 65535 : i32
    %and3A_122 = vector.broadcast %and3A_121 : i32 to vector<256x256xi32>
    %and3A_123 = arith.andi %shift_right_arithmetic3A_120, %and3A_122 : vector<256x256xi32>
    %and3A_124 = arith.constant 32768 : i32
    %and3A_125 = vector.broadcast %and3A_124 : i32 to vector<256x256xi32>
    %and3A_126 = arith.andi %and3A_123, %and3A_125 : vector<256x256xi32>
    %shift_left3A_127 = arith.constant 16 : i32
    %shift_left3A_128 = vector.broadcast %shift_left3A_127 : i32 to vector<256x256xi32>
    %shift_left3A_129 = arith.shli %and3A_126, %shift_left3A_128 : vector<256x256xi32>
    %and3A_130 = arith.constant 32767 : i32
    %and3A_131 = vector.broadcast %and3A_130 : i32 to vector<256x256xi32>
    %and3A_132 = arith.andi %and3A_123, %and3A_131 : vector<256x256xi32>
    %shift_left3A_133 = arith.constant 13 : i32
    %shift_left3A_134 = vector.broadcast %shift_left3A_133 : i32 to vector<256x256xi32>
    %shift_left3A_135 = arith.shli %and3A_132, %shift_left3A_134 : vector<256x256xi32>
    %or3A_136 = arith.ori %shift_left3A_129, %shift_left3A_135 : vector<256x256xi32>
    %bitcast_convert_type3A_137 = tpu.bitcast %or3A_136 : vector<256x256xi32> -> vector<256x256xf32>
    %mul3A_138 = arith.constant 5.19229686E+33 : f32
    %mul3A_139 = vector.broadcast %mul3A_138 : f32 to vector<256x256xf32>
    %mul3A_140 = arith.mulf %bitcast_convert_type3A_137, %mul3A_139 : vector<256x256xf32>
    %concatenate3A_141 = tpu.concatenate %mul3A_117, %mul3A_140 in 1 : vector<256x256xf32>, vector<256x256xf32> -> vector<256x512xf32>
    %get3A_142 = arith.constant 3 : index
    %get3A_143 = arith.constant 0 : index
    %get3A_144 = arith.constant 0 : index
    %get3A_145 = vector.load %arg2[%get3A_142, %get3A_143, %get3A_144] : memref<6x256x256xi32, #tpu.memory_space<vmem>>, vector<1x256x256xi32>
    %get3A_146 = vector.shape_cast %get3A_145 : vector<1x256x256xi32> to vector<256x256xi32>
    %and3A_147 = arith.constant 65535 : i32
    %and3A_148 = vector.broadcast %and3A_147 : i32 to vector<256x256xi32>
    %and3A_149 = arith.andi %get3A_146, %and3A_148 : vector<256x256xi32>
    %and3A_150 = arith.constant 32768 : i32
    %and3A_151 = vector.broadcast %and3A_150 : i32 to vector<256x256xi32>
    %and3A_152 = arith.andi %and3A_149, %and3A_151 : vector<256x256xi32>
    %shift_left3A_153 = arith.constant 16 : i32
    %shift_left3A_154 = vector.broadcast %shift_left3A_153 : i32 to vector<256x256xi32>
    %shift_left3A_155 = arith.shli %and3A_152, %shift_left3A_154 : vector<256x256xi32>
    %and3A_156 = arith.constant 32767 : i32
    %and3A_157 = vector.broadcast %and3A_156 : i32 to vector<256x256xi32>
    %and3A_158 = arith.andi %and3A_149, %and3A_157 : vector<256x256xi32>
    %shift_left3A_159 = arith.constant 13 : i32
    %shift_left3A_160 = vector.broadcast %shift_left3A_159 : i32 to vector<256x256xi32>
    %shift_left3A_161 = arith.shli %and3A_158, %shift_left3A_160 : vector<256x256xi32>
    %or3A_162 = arith.ori %shift_left3A_155, %shift_left3A_161 : vector<256x256xi32>
    %bitcast_convert_type3A_163 = tpu.bitcast %or3A_162 : vector<256x256xi32> -> vector<256x256xf32>
    %mul3A_164 = arith.constant 5.19229686E+33 : f32
    %mul3A_165 = vector.broadcast %mul3A_164 : f32 to vector<256x256xf32>
    %mul3A_166 = arith.mulf %bitcast_convert_type3A_163, %mul3A_165 : vector<256x256xf32>
    %shift_right_arithmetic3A_167 = arith.constant 16 : i32
    %shift_right_arithmetic3A_168 = vector.broadcast %shift_right_arithmetic3A_167 : i32 to vector<256x256xi32>
    %shift_right_arithmetic3A_169 = arith.shrsi %get3A_146, %shift_right_arithmetic3A_168 : vector<256x256xi32>
    %and3A_170 = arith.constant 65535 : i32
    %and3A_171 = vector.broadcast %and3A_170 : i32 to vector<256x256xi32>
    %and3A_172 = arith.andi %shift_right_arithmetic3A_169, %and3A_171 : vector<256x256xi32>
    %and3A_173 = arith.constant 32768 : i32
    %and3A_174 = vector.broadcast %and3A_173 : i32 to vector<256x256xi32>
    %and3A_175 = arith.andi %and3A_172, %and3A_174 : vector<256x256xi32>
    %shift_left3A_176 = arith.constant 16 : i32
    %shift_left3A_177 = vector.broadcast %shift_left3A_176 : i32 to vector<256x256xi32>
    %shift_left3A_178 = arith.shli %and3A_175, %shift_left3A_177 : vector<256x256xi32>
    %and3A_179 = arith.constant 32767 : i32
    %and3A_180 = vector.broadcast %and3A_179 : i32 to vector<256x256xi32>
    %and3A_181 = arith.andi %and3A_172, %and3A_180 : vector<256x256xi32>
    %shift_left3A_182 = arith.constant 13 : i32
    %shift_left3A_183 = vector.broadcast %shift_left3A_182 : i32 to vector<256x256xi32>
    %shift_left3A_184 = arith.shli %and3A_181, %shift_left3A_183 : vector<256x256xi32>
    %or3A_185 = arith.ori %shift_left3A_178, %shift_left3A_184 : vector<256x256xi32>
    %bitcast_convert_type3A_186 = tpu.bitcast %or3A_185 : vector<256x256xi32> -> vector<256x256xf32>
    %mul3A_187 = arith.constant 5.19229686E+33 : f32
    %mul3A_188 = vector.broadcast %mul3A_187 : f32 to vector<256x256xf32>
    %mul3A_189 = arith.mulf %bitcast_convert_type3A_186, %mul3A_188 : vector<256x256xf32>
    %concatenate3A_190 = tpu.concatenate %mul3A_166, %mul3A_189 in 1 : vector<256x256xf32>, vector<256x256xf32> -> vector<256x512xf32>
    %get3A_191 = arith.constant 4 : index
    %get3A_192 = arith.constant 0 : index
    %get3A_193 = arith.constant 0 : index
    %get3A_194 = vector.load %arg2[%get3A_191, %get3A_192, %get3A_193] : memref<6x256x256xi32, #tpu.memory_space<vmem>>, vector<1x256x256xi32>
    %get3A_195 = vector.shape_cast %get3A_194 : vector<1x256x256xi32> to vector<256x256xi32>
    %and3A_196 = arith.constant 65535 : i32
    %and3A_197 = vector.broadcast %and3A_196 : i32 to vector<256x256xi32>
    %and3A_198 = arith.andi %get3A_195, %and3A_197 : vector<256x256xi32>
    %and3A_199 = arith.constant 32768 : i32
    %and3A_200 = vector.broadcast %and3A_199 : i32 to vector<256x256xi32>
    %and3A_201 = arith.andi %and3A_198, %and3A_200 : vector<256x256xi32>
    %shift_left3A_202 = arith.constant 16 : i32
    %shift_left3A_203 = vector.broadcast %shift_left3A_202 : i32 to vector<256x256xi32>
    %shift_left3A_204 = arith.shli %and3A_201, %shift_left3A_203 : vector<256x256xi32>
    %and3A_205 = arith.constant 32767 : i32
    %and3A_206 = vector.broadcast %and3A_205 : i32 to vector<256x256xi32>
    %and3A_207 = arith.andi %and3A_198, %and3A_206 : vector<256x256xi32>
    %shift_left3A_208 = arith.constant 13 : i32
    %shift_left3A_209 = vector.broadcast %shift_left3A_208 : i32 to vector<256x256xi32>
    %shift_left3A_210 = arith.shli %and3A_207, %shift_left3A_209 : vector<256x256xi32>
    %or3A_211 = arith.ori %shift_left3A_204, %shift_left3A_210 : vector<256x256xi32>
    %bitcast_convert_type3A_212 = tpu.bitcast %or3A_211 : vector<256x256xi32> -> vector<256x256xf32>
    %mul3A_213 = arith.constant 5.19229686E+33 : f32
    %mul3A_214 = vector.broadcast %mul3A_213 : f32 to vector<256x256xf32>
    %mul3A_215 = arith.mulf %bitcast_convert_type3A_212, %mul3A_214 : vector<256x256xf32>
    %shift_right_arithmetic3A_216 = arith.constant 16 : i32
    %shift_right_arithmetic3A_217 = vector.broadcast %shift_right_arithmetic3A_216 : i32 to vector<256x256xi32>
    %shift_right_arithmetic3A_218 = arith.shrsi %get3A_195, %shift_right_arithmetic3A_217 : vector<256x256xi32>
    %and3A_219 = arith.constant 65535 : i32
    %and3A_220 = vector.broadcast %and3A_219 : i32 to vector<256x256xi32>
    %and3A_221 = arith.andi %shift_right_arithmetic3A_218, %and3A_220 : vector<256x256xi32>
    %and3A_222 = arith.constant 32768 : i32
    %and3A_223 = vector.broadcast %and3A_222 : i32 to vector<256x256xi32>
    %and3A_224 = arith.andi %and3A_221, %and3A_223 : vector<256x256xi32>
    %shift_left3A_225 = arith.constant 16 : i32
    %shift_left3A_226 = vector.broadcast %shift_left3A_225 : i32 to vector<256x256xi32>
    %shift_left3A_227 = arith.shli %and3A_224, %shift_left3A_226 : vector<256x256xi32>
    %and3A_228 = arith.constant 32767 : i32
    %and3A_229 = vector.broadcast %and3A_228 : i32 to vector<256x256xi32>
    %and3A_230 = arith.andi %and3A_221, %and3A_229 : vector<256x256xi32>
    %shift_left3A_231 = arith.constant 13 : i32
    %shift_left3A_232 = vector.broadcast %shift_left3A_231 : i32 to vector<256x256xi32>
    %shift_left3A_233 = arith.shli %and3A_230, %shift_left3A_232 : vector<256x256xi32>
    %or3A_234 = arith.ori %shift_left3A_227, %shift_left3A_233 : vector<256x256xi32>
    %bitcast_convert_type3A_235 = tpu.bitcast %or3A_234 : vector<256x256xi32> -> vector<256x256xf32>
    %mul3A_236 = arith.constant 5.19229686E+33 : f32
    %mul3A_237 = vector.broadcast %mul3A_236 : f32 to vector<256x256xf32>
    %mul3A_238 = arith.mulf %bitcast_convert_type3A_235, %mul3A_237 : vector<256x256xf32>
    %concatenate3A_239 = tpu.concatenate %mul3A_215, %mul3A_238 in 1 : vector<256x256xf32>, vector<256x256xf32> -> vector<256x512xf32>
    %get3A_240 = arith.constant 5 : index
    %get3A_241 = arith.constant 0 : index
    %get3A_242 = arith.constant 0 : index
    %get3A_243 = vector.load %arg2[%get3A_240, %get3A_241, %get3A_242] : memref<6x256x256xi32, #tpu.memory_space<vmem>>, vector<1x256x256xi32>
    %get3A_244 = vector.shape_cast %get3A_243 : vector<1x256x256xi32> to vector<256x256xi32>
    %and3A_245 = arith.constant 65535 : i32
    %and3A_246 = vector.broadcast %and3A_245 : i32 to vector<256x256xi32>
    %and3A_247 = arith.andi %get3A_244, %and3A_246 : vector<256x256xi32>
    %and3A_248 = arith.constant 32768 : i32
    %and3A_249 = vector.broadcast %and3A_248 : i32 to vector<256x256xi32>
    %and3A_250 = arith.andi %and3A_247, %and3A_249 : vector<256x256xi32>
    %shift_left3A_251 = arith.constant 16 : i32
    %shift_left3A_252 = vector.broadcast %shift_left3A_251 : i32 to vector<256x256xi32>
    %shift_left3A_253 = arith.shli %and3A_250, %shift_left3A_252 : vector<256x256xi32>
    %and3A_254 = arith.constant 32767 : i32
    %and3A_255 = vector.broadcast %and3A_254 : i32 to vector<256x256xi32>
    %and3A_256 = arith.andi %and3A_247, %and3A_255 : vector<256x256xi32>
    %shift_left3A_257 = arith.constant 13 : i32
    %shift_left3A_258 = vector.broadcast %shift_left3A_257 : i32 to vector<256x256xi32>
    %shift_left3A_259 = arith.shli %and3A_256, %shift_left3A_258 : vector<256x256xi32>
    %or3A_260 = arith.ori %shift_left3A_253, %shift_left3A_259 : vector<256x256xi32>
    %bitcast_convert_type3A_261 = tpu.bitcast %or3A_260 : vector<256x256xi32> -> vector<256x256xf32>
    %mul3A_262 = arith.constant 5.19229686E+33 : f32
    %mul3A_263 = vector.broadcast %mul3A_262 : f32 to vector<256x256xf32>
    %mul3A_264 = arith.mulf %bitcast_convert_type3A_261, %mul3A_263 : vector<256x256xf32>
    %shift_right_arithmetic3A_265 = arith.constant 16 : i32
    %shift_right_arithmetic3A_266 = vector.broadcast %shift_right_arithmetic3A_265 : i32 to vector<256x256xi32>
    %shift_right_arithmetic3A_267 = arith.shrsi %get3A_244, %shift_right_arithmetic3A_266 : vector<256x256xi32>
    %and3A_268 = arith.constant 65535 : i32
    %and3A_269 = vector.broadcast %and3A_268 : i32 to vector<256x256xi32>
    %and3A_270 = arith.andi %shift_right_arithmetic3A_267, %and3A_269 : vector<256x256xi32>
    %and3A_271 = arith.constant 32768 : i32
    %and3A_272 = vector.broadcast %and3A_271 : i32 to vector<256x256xi32>
    %and3A_273 = arith.andi %and3A_270, %and3A_272 : vector<256x256xi32>
    %shift_left3A_274 = arith.constant 16 : i32
    %shift_left3A_275 = vector.broadcast %shift_left3A_274 : i32 to vector<256x256xi32>
    %shift_left3A_276 = arith.shli %and3A_273, %shift_left3A_275 : vector<256x256xi32>
    %and3A_277 = arith.constant 32767 : i32
    %and3A_278 = vector.broadcast %and3A_277 : i32 to vector<256x256xi32>
    %and3A_279 = arith.andi %and3A_270, %and3A_278 : vector<256x256xi32>
    %shift_left3A_280 = arith.constant 13 : i32
    %shift_left3A_281 = vector.broadcast %shift_left3A_280 : i32 to vector<256x256xi32>
    %shift_left3A_282 = arith.shli %and3A_279, %shift_left3A_281 : vector<256x256xi32>
    %or3A_283 = arith.ori %shift_left3A_276, %shift_left3A_282 : vector<256x256xi32>
    %bitcast_convert_type3A_284 = tpu.bitcast %or3A_283 : vector<256x256xi32> -> vector<256x256xf32>
    %mul3A_285 = arith.constant 5.19229686E+33 : f32
    %mul3A_286 = vector.broadcast %mul3A_285 : f32 to vector<256x256xf32>
    %mul3A_287 = arith.mulf %bitcast_convert_type3A_284, %mul3A_286 : vector<256x256xf32>
    %concatenate3A_288 = tpu.concatenate %mul3A_264, %mul3A_287 in 1 : vector<256x256xf32>, vector<256x256xf32> -> vector<256x512xf32>
    %get3A_289 = arith.constant 0 : index
    %get3A_290 = arith.constant 0 : index
    %get3A_291 = vector.load %arg3[%get3A_289, %get3A_290] : memref<256x8xf32, #tpu.memory_space<vmem>>, vector<256x1xf32>
    %sub3A = arith.constant 2.000000e+00 : f32
    %sub3A_292 = vector.broadcast %sub3A : f32 to vector<256x1xf32>
    %sub3A_293 = arith.subf %sub3A_292, %get3A_291 : vector<256x1xf32>
    %mul3A_294 = vector.broadcast %sub3A_293 : vector<256x1xf32> to vector<256x512xf32>
    %mul3A_295 = arith.mulf %mul3A_294, %get3A_1 : vector<256x512xf32>
    %mul3A_296 = vector.broadcast %get3A_291 : vector<256x1xf32> to vector<256x512xf32>
    %mul3A_297 = arith.mulf %mul3A_296, %concatenate3A : vector<256x512xf32>
    %add3A = arith.addf %mul3A_295, %mul3A_297 : vector<256x512xf32>
    %tanh3A = math.tanh %add3A : vector<256x512xf32>
    %reduce_sum3A = arith.constant dense<0.000000e+00> : vector<256xf32>
    %reduce_sum3A_298 = vector.multi_reduction <add>, %concatenate3A, %reduce_sum3A [1] : vector<256x512xf32> to vector<256xf32>
    %broadcast_in_dim3A = vector.shape_cast %reduce_sum3A_298 : vector<256xf32> to vector<256x1xf32>
    %reduce_sum3A_299 = arith.constant dense<0.000000e+00> : vector<256xf32>
    %reduce_sum3A_300 = vector.multi_reduction <add>, %tanh3A, %reduce_sum3A_299 [1] : vector<256x512xf32> to vector<256xf32>
    %broadcast_in_dim3A_301 = vector.shape_cast %reduce_sum3A_300 : vector<256xf32> to vector<256x1xf32>
    %mul3A_302 = arith.mulf %broadcast_in_dim3A, %broadcast_in_dim3A_301 : vector<256x1xf32>
    %get3A_303 = arith.constant 0 : index
    %get3A_304 = arith.constant 1 : index
    %get3A_305 = vector.load %arg3[%get3A_303, %get3A_304] : memref<256x8xf32, #tpu.memory_space<vmem>>, vector<256x1xf32>
    %sub3A_306 = arith.constant 2.000000e+00 : f32
    %sub3A_307 = vector.broadcast %sub3A_306 : f32 to vector<256x1xf32>
    %sub3A_308 = arith.subf %sub3A_307, %get3A_305 : vector<256x1xf32>
    %mul3A_309 = vector.broadcast %sub3A_308 : vector<256x1xf32> to vector<256x512xf32>
    %mul3A_310 = arith.mulf %mul3A_309, %get3A_1 : vector<256x512xf32>
    %mul3A_311 = vector.broadcast %get3A_305 : vector<256x1xf32> to vector<256x512xf32>
    %mul3A_312 = arith.mulf %mul3A_311, %concatenate3A_92 : vector<256x512xf32>
    %add3A_313 = arith.addf %mul3A_310, %mul3A_312 : vector<256x512xf32>
    %tanh3A_314 = math.tanh %add3A_313 : vector<256x512xf32>
    %reduce_sum3A_315 = arith.constant dense<0.000000e+00> : vector<256xf32>
    %reduce_sum3A_316 = vector.multi_reduction <add>, %concatenate3A_92, %reduce_sum3A_315 [1] : vector<256x512xf32> to vector<256xf32>
    %broadcast_in_dim3A_317 = vector.shape_cast %reduce_sum3A_316 : vector<256xf32> to vector<256x1xf32>
    %reduce_sum3A_318 = arith.constant dense<0.000000e+00> : vector<256xf32>
    %reduce_sum3A_319 = vector.multi_reduction <add>, %tanh3A_314, %reduce_sum3A_318 [1] : vector<256x512xf32> to vector<256xf32>
    %broadcast_in_dim3A_320 = vector.shape_cast %reduce_sum3A_319 : vector<256xf32> to vector<256x1xf32>
    %mul3A_321 = arith.mulf %broadcast_in_dim3A_317, %broadcast_in_dim3A_320 : vector<256x1xf32>
    %get3A_322 = arith.constant 0 : index
    %get3A_323 = arith.constant 2 : index
    %get3A_324 = vector.load %arg3[%get3A_322, %get3A_323] : memref<256x8xf32, #tpu.memory_space<vmem>>, vector<256x1xf32>
    %sub3A_325 = arith.constant 2.000000e+00 : f32
    %sub3A_326 = vector.broadcast %sub3A_325 : f32 to vector<256x1xf32>
    %sub3A_327 = arith.subf %sub3A_326, %get3A_324 : vector<256x1xf32>
    %mul3A_328 = vector.broadcast %sub3A_327 : vector<256x1xf32> to vector<256x512xf32>
    %mul3A_329 = arith.mulf %mul3A_328, %get3A_1 : vector<256x512xf32>
    %mul3A_330 = vector.broadcast %get3A_324 : vector<256x1xf32> to vector<256x512xf32>
    %mul3A_331 = arith.mulf %mul3A_330, %concatenate3A_141 : vector<256x512xf32>
    %add3A_332 = arith.addf %mul3A_329, %mul3A_331 : vector<256x512xf32>
    %tanh3A_333 = math.tanh %add3A_332 : vector<256x512xf32>
    %reduce_sum3A_334 = arith.constant dense<0.000000e+00> : vector<256xf32>
    %reduce_sum3A_335 = vector.multi_reduction <add>, %concatenate3A_141, %reduce_sum3A_334 [1] : vector<256x512xf32> to vector<256xf32>
    %broadcast_in_dim3A_336 = vector.shape_cast %reduce_sum3A_335 : vector<256xf32> to vector<256x1xf32>
    %reduce_sum3A_337 = arith.constant dense<0.000000e+00> : vector<256xf32>
    %reduce_sum3A_338 = vector.multi_reduction <add>, %tanh3A_333, %reduce_sum3A_337 [1] : vector<256x512xf32> to vector<256xf32>
    %broadcast_in_dim3A_339 = vector.shape_cast %reduce_sum3A_338 : vector<256xf32> to vector<256x1xf32>
    %mul3A_340 = arith.mulf %broadcast_in_dim3A_336, %broadcast_in_dim3A_339 : vector<256x1xf32>
    %get3A_341 = arith.constant 0 : index
    %get3A_342 = arith.constant 3 : index
    %get3A_343 = vector.load %arg3[%get3A_341, %get3A_342] : memref<256x8xf32, #tpu.memory_space<vmem>>, vector<256x1xf32>
    %sub3A_344 = arith.constant 2.000000e+00 : f32
    %sub3A_345 = vector.broadcast %sub3A_344 : f32 to vector<256x1xf32>
    %sub3A_346 = arith.subf %sub3A_345, %get3A_343 : vector<256x1xf32>
    %mul3A_347 = vector.broadcast %sub3A_346 : vector<256x1xf32> to vector<256x512xf32>
    %mul3A_348 = arith.mulf %mul3A_347, %get3A_1 : vector<256x512xf32>
    %mul3A_349 = vector.broadcast %get3A_343 : vector<256x1xf32> to vector<256x512xf32>
    %mul3A_350 = arith.mulf %mul3A_349, %concatenate3A_190 : vector<256x512xf32>
    %add3A_351 = arith.addf %mul3A_348, %mul3A_350 : vector<256x512xf32>
    %tanh3A_352 = math.tanh %add3A_351 : vector<256x512xf32>
    %reduce_sum3A_353 = arith.constant dense<0.000000e+00> : vector<256xf32>
    %reduce_sum3A_354 = vector.multi_reduction <add>, %concatenate3A_190, %reduce_sum3A_353 [1] : vector<256x512xf32> to vector<256xf32>
    %broadcast_in_dim3A_355 = vector.shape_cast %reduce_sum3A_354 : vector<256xf32> to vector<256x1xf32>
    %reduce_sum3A_356 = arith.constant dense<0.000000e+00> : vector<256xf32>
    %reduce_sum3A_357 = vector.multi_reduction <add>, %tanh3A_352, %reduce_sum3A_356 [1] : vector<256x512xf32> to vector<256xf32>
    %broadcast_in_dim3A_358 = vector.shape_cast %reduce_sum3A_357 : vector<256xf32> to vector<256x1xf32>
    %mul3A_359 = arith.mulf %broadcast_in_dim3A_355, %broadcast_in_dim3A_358 : vector<256x1xf32>
    %get3A_360 = arith.constant 0 : index
    %get3A_361 = arith.constant 4 : index
    %get3A_362 = vector.load %arg3[%get3A_360, %get3A_361] : memref<256x8xf32, #tpu.memory_space<vmem>>, vector<256x1xf32>
    %sub3A_363 = arith.constant 2.000000e+00 : f32
    %sub3A_364 = vector.broadcast %sub3A_363 : f32 to vector<256x1xf32>
    %sub3A_365 = arith.subf %sub3A_364, %get3A_362 : vector<256x1xf32>
    %mul3A_366 = vector.broadcast %sub3A_365 : vector<256x1xf32> to vector<256x512xf32>
    %mul3A_367 = arith.mulf %mul3A_366, %get3A_1 : vector<256x512xf32>
    %mul3A_368 = vector.broadcast %get3A_362 : vector<256x1xf32> to vector<256x512xf32>
    %mul3A_369 = arith.mulf %mul3A_368, %concatenate3A_239 : vector<256x512xf32>
    %add3A_370 = arith.addf %mul3A_367, %mul3A_369 : vector<256x512xf32>
    %tanh3A_371 = math.tanh %add3A_370 : vector<256x512xf32>
    %reduce_sum3A_372 = arith.constant dense<0.000000e+00> : vector<256xf32>
    %reduce_sum3A_373 = vector.multi_reduction <add>, %concatenate3A_239, %reduce_sum3A_372 [1] : vector<256x512xf32> to vector<256xf32>
    %broadcast_in_dim3A_374 = vector.shape_cast %reduce_sum3A_373 : vector<256xf32> to vector<256x1xf32>
    %reduce_sum3A_375 = arith.constant dense<0.000000e+00> : vector<256xf32>
    %reduce_sum3A_376 = vector.multi_reduction <add>, %tanh3A_371, %reduce_sum3A_375 [1] : vector<256x512xf32> to vector<256xf32>
    %broadcast_in_dim3A_377 = vector.shape_cast %reduce_sum3A_376 : vector<256xf32> to vector<256x1xf32>
    %mul3A_378 = arith.mulf %broadcast_in_dim3A_374, %broadcast_in_dim3A_377 : vector<256x1xf32>
    %get3A_379 = arith.constant 0 : index
    %get3A_380 = arith.constant 5 : index
    %get3A_381 = vector.load %arg3[%get3A_379, %get3A_380] : memref<256x8xf32, #tpu.memory_space<vmem>>, vector<256x1xf32>
    %sub3A_382 = arith.constant 2.000000e+00 : f32
    %sub3A_383 = vector.broadcast %sub3A_382 : f32 to vector<256x1xf32>
    %sub3A_384 = arith.subf %sub3A_383, %get3A_381 : vector<256x1xf32>
    %mul3A_385 = vector.broadcast %sub3A_384 : vector<256x1xf32> to vector<256x512xf32>
    %mul3A_386 = arith.mulf %mul3A_385, %get3A_1 : vector<256x512xf32>
    %mul3A_387 = vector.broadcast %get3A_381 : vector<256x1xf32> to vector<256x512xf32>
    %mul3A_388 = arith.mulf %mul3A_387, %concatenate3A_288 : vector<256x512xf32>
    %add3A_389 = arith.addf %mul3A_386, %mul3A_388 : vector<256x512xf32>
    %tanh3A_390 = math.tanh %add3A_389 : vector<256x512xf32>
    %reduce_sum3A_391 = arith.constant dense<0.000000e+00> : vector<256xf32>
    %reduce_sum3A_392 = vector.multi_reduction <add>, %concatenate3A_288, %reduce_sum3A_391 [1] : vector<256x512xf32> to vector<256xf32>
    %broadcast_in_dim3A_393 = vector.shape_cast %reduce_sum3A_392 : vector<256xf32> to vector<256x1xf32>
    %reduce_sum3A_394 = arith.constant dense<0.000000e+00> : vector<256xf32>
    %reduce_sum3A_395 = vector.multi_reduction <add>, %tanh3A_390, %reduce_sum3A_394 [1] : vector<256x512xf32> to vector<256xf32>
    %broadcast_in_dim3A_396 = vector.shape_cast %reduce_sum3A_395 : vector<256xf32> to vector<256x1xf32>
    %mul3A_397 = arith.mulf %broadcast_in_dim3A_393, %broadcast_in_dim3A_396 : vector<256x1xf32>
    %concatenate3A_398 = tpu.concatenate %mul3A_302, %mul3A_321, %mul3A_340, %mul3A_359, %mul3A_378, %mul3A_397 in 1 : vector<256x1xf32>, vector<256x1xf32>, vector<256x1xf32>, vector<256x1xf32>, vector<256x1xf32>, vector<256x1xf32> -> vector<256x6xf32>
    %reduce_max3A = arith.constant dense<0xFF800000> : vector<256xf32>
    %reduce_max3A_399 = vector.multi_reduction <maximumf>, %concatenate3A_398, %reduce_max3A [1] : vector<256x6xf32> to vector<256xf32>
    %broadcast_in_dim3A_400 = vector.shape_cast %reduce_max3A_399 : vector<256xf32> to vector<256x1xf32>
    %sub3A_401 = vector.broadcast %broadcast_in_dim3A_400 : vector<256x1xf32> to vector<256x6xf32>
    %sub3A_402 = arith.subf %concatenate3A_398, %sub3A_401 : vector<256x6xf32>
    %exp3A = math.exp %sub3A_402 : vector<256x6xf32>
    %reduce_sum3A_403 = arith.constant dense<0.000000e+00> : vector<256xf32>
    %reduce_sum3A_404 = vector.multi_reduction <add>, %exp3A, %reduce_sum3A_403 [1] : vector<256x6xf32> to vector<256xf32>
    %broadcast_in_dim3A_405 = vector.shape_cast %reduce_sum3A_404 : vector<256xf32> to vector<256x1xf32>
    %div3A = arith.constant 1.000000e+00 : f32
    %div3A_406 = vector.broadcast %div3A : f32 to vector<256x1xf32>
    %div3A_407 = arith.divf %div3A_406, %broadcast_in_dim3A_405 : vector<256x1xf32>
    %slice3A = vector.extract_strided_slice %exp3A {offsets = [0, 0], sizes = [256, 1], strides = [1, 1]} : vector<256x6xf32> to vector<256x1xf32>
    %mul3A_408 = arith.mulf %slice3A, %div3A_407 : vector<256x1xf32>
    %mul3A_409 = vector.broadcast %mul3A_408 : vector<256x1xf32> to vector<256x512xf32>
    %mul3A_410 = arith.mulf %mul3A_409, %concatenate3A : vector<256x512xf32>
    %slice3A_411 = vector.extract_strided_slice %exp3A {offsets = [0, 1], sizes = [256, 1], strides = [1, 1]} : vector<256x6xf32> to vector<256x1xf32>
    %mul3A_412 = arith.mulf %slice3A_411, %div3A_407 : vector<256x1xf32>
    %mul3A_413 = vector.broadcast %mul3A_412 : vector<256x1xf32> to vector<256x512xf32>
    %mul3A_414 = arith.mulf %mul3A_413, %concatenate3A_92 : vector<256x512xf32>
    %add3A_415 = arith.addf %mul3A_410, %mul3A_414 : vector<256x512xf32>
    %slice3A_416 = vector.extract_strided_slice %exp3A {offsets = [0, 2], sizes = [256, 1], strides = [1, 1]} : vector<256x6xf32> to vector<256x1xf32>
    %mul3A_417 = arith.mulf %slice3A_416, %div3A_407 : vector<256x1xf32>
    %mul3A_418 = vector.broadcast %mul3A_417 : vector<256x1xf32> to vector<256x512xf32>
    %mul3A_419 = arith.mulf %mul3A_418, %concatenate3A_141 : vector<256x512xf32>
    %add3A_420 = arith.addf %add3A_415, %mul3A_419 : vector<256x512xf32>
    %slice3A_421 = vector.extract_strided_slice %exp3A {offsets = [0, 3], sizes = [256, 1], strides = [1, 1]} : vector<256x6xf32> to vector<256x1xf32>
    %mul3A_422 = arith.mulf %slice3A_421, %div3A_407 : vector<256x1xf32>
    %mul3A_423 = vector.broadcast %mul3A_422 : vector<256x1xf32> to vector<256x512xf32>
    %mul3A_424 = arith.mulf %mul3A_423, %concatenate3A_190 : vector<256x512xf32>
    %add3A_425 = arith.addf %add3A_420, %mul3A_424 : vector<256x512xf32>
    %slice3A_426 = vector.extract_strided_slice %exp3A {offsets = [0, 4], sizes = [256, 1], strides = [1, 1]} : vector<256x6xf32> to vector<256x1xf32>
    %mul3A_427 = arith.mulf %slice3A_426, %div3A_407 : vector<256x1xf32>
    %mul3A_428 = vector.broadcast %mul3A_427 : vector<256x1xf32> to vector<256x512xf32>
    %mul3A_429 = arith.mulf %mul3A_428, %concatenate3A_239 : vector<256x512xf32>
    %add3A_430 = arith.addf %add3A_425, %mul3A_429 : vector<256x512xf32>
    %slice3A_431 = vector.extract_strided_slice %exp3A {offsets = [0, 5], sizes = [256, 1], strides = [1, 1]} : vector<256x6xf32> to vector<256x1xf32>
    %mul3A_432 = arith.mulf %slice3A_431, %div3A_407 : vector<256x1xf32>
    %mul3A_433 = vector.broadcast %mul3A_432 : vector<256x1xf32> to vector<256x512xf32>
    %mul3A_434 = arith.mulf %mul3A_433, %concatenate3A_288 : vector<256x512xf32>
    %add3A_435 = arith.addf %add3A_430, %mul3A_434 : vector<256x512xf32>
    %add3A_436 = arith.addf %get3A_1, %add3A_435 : vector<256x512xf32>
    %get3A_437 = arith.constant 0 : index
    %get3A_438 = arith.constant 0 : index
    %get3A_439 = vector.load %arg4[%get3A_437, %get3A_438] : memref<512x512xf32, #tpu.memory_space<vmem>>, vector<512x512xf32>
    %dot_general3A = arith.constant dense<0.000000e+00> : vector<256x512xf32>
    %dot_general3A_440 = tpu.matmul %add3A_436, %get3A_439, %dot_general3A {dimension_numbers = #tpu.dot_dimension_numbers<[1], [1], [0], [0], [0, 0, 1, 0], [], []>, transpose_lhs_hint = false} : vector<256x512xf32>, vector<512x512xf32>, vector<256x512xf32> -> vector<256x512xf32>
    %get3A_441 = arith.constant 0 : index
    %get3A_442 = arith.constant 0 : index
    %get3A_443 = vector.load %arg5[%get3A_441, %get3A_442] : memref<1x512xf32, #tpu.memory_space<vmem>>, vector<1x512xf32>
    %add3A_444 = vector.broadcast %get3A_443 : vector<1x512xf32> to vector<256x512xf32>
    %add3A_445 = arith.addf %dot_general3A_440, %add3A_444 : vector<256x512xf32>
    %gt3A = arith.constant 0.000000e+00 : f32
    %gt3A_446 = vector.broadcast %gt3A : f32 to vector<256x512xf32>
    %gt3A_447 = arith.cmpf ogt, %add3A_445, %gt3A_446 : vector<256x512xf32>
    %mul3A_448 = arith.constant 0.00999999977 : f32
    %mul3A_449 = vector.broadcast %mul3A_448 : f32 to vector<256x512xf32>
    %mul3A_450 = arith.mulf %mul3A_449, %add3A_445 : vector<256x512xf32>
    %select_n3A = arith.select %gt3A_447, %add3A_445, %mul3A_450 : vector<256x512xi1>, vector<256x512xf32>
    %mul3A_451 = arith.mulf %get3A_1, %add3A_435 : vector<256x512xf32>
    %get3A_452 = arith.constant 0 : index
    %get3A_453 = arith.constant 0 : index
    %get3A_454 = vector.load %arg6[%get3A_452, %get3A_453] : memref<512x512xf32, #tpu.memory_space<vmem>>, vector<512x512xf32>
    %dot_general3A_455 = arith.constant dense<0.000000e+00> : vector<256x512xf32>
    %dot_general3A_456 = tpu.matmul %mul3A_451, %get3A_454, %dot_general3A_455 {dimension_numbers = #tpu.dot_dimension_numbers<[1], [1], [0], [0], [0, 0, 1, 0], [], []>, transpose_lhs_hint = false} : vector<256x512xf32>, vector<512x512xf32>, vector<256x512xf32> -> vector<256x512xf32>
    %get3A_457 = arith.constant 0 : index
    %get3A_458 = arith.constant 0 : index
    %get3A_459 = vector.load %arg7[%get3A_457, %get3A_458] : memref<1x512xf32, #tpu.memory_space<vmem>>, vector<1x512xf32>
    %add3A_460 = vector.broadcast %get3A_459 : vector<1x512xf32> to vector<256x512xf32>
    %add3A_461 = arith.addf %dot_general3A_456, %add3A_460 : vector<256x512xf32>
    %gt3A_462 = arith.constant 0.000000e+00 : f32
    %gt3A_463 = vector.broadcast %gt3A_462 : f32 to vector<256x512xf32>
    %gt3A_464 = arith.cmpf ogt, %add3A_461, %gt3A_463 : vector<256x512xf32>
    %mul3A_465 = arith.constant 0.00999999977 : f32
    %mul3A_466 = vector.broadcast %mul3A_465 : f32 to vector<256x512xf32>
    %mul3A_467 = arith.mulf %mul3A_466, %add3A_461 : vector<256x512xf32>
    %select_n3A_468 = arith.select %gt3A_464, %add3A_461, %mul3A_467 : vector<256x512xi1>, vector<256x512xf32>
    %add3A_469 = arith.addf %select_n3A, %select_n3A_468 : vector<256x512xf32>
    %swap3A = arith.constant 0 : index
    %swap3A_470 = arith.constant 0 : index
    %swap3A_471 = vector.load %arg12[%swap3A, %swap3A_470] : memref<256x512xf32, #tpu.memory_space<vmem>>, vector<256x512xf32>
    tpu.vector_store %arg12[%swap3A, %swap3A_470], %add3A_469 {strides = array<i32>} : memref<256x512xf32, #tpu.memory_space<vmem>>, vector<256x512xf32>,
    %get3A_472 = arith.constant 0 : index
    %get3A_473 = arith.constant 0 : index
    %get3A_474 = vector.load %arg8[%get3A_472, %get3A_473] : memref<256x512xf32, #tpu.memory_space<vmem>>, vector<256x512xf32>
    %dot_general3A_475 = arith.constant dense<0.000000e+00> : vector<256x256xf32>
    %dot_general3A_476 = tpu.matmul %add3A_469, %get3A_474, %dot_general3A_475 {dimension_numbers = #tpu.dot_dimension_numbers<[1], [1], [0], [0], [0, 0, 1, 0], [], []>, transpose_lhs_hint = false} : vector<256x512xf32>, vector<256x512xf32>, vector<256x256xf32> -> vector<256x256xf32>
    %get3A_477 = arith.constant 0 : index
    %get3A_478 = arith.constant 0 : index
    %get3A_479 = vector.load %arg9[%get3A_477, %get3A_478] : memref<1x256xf32, #tpu.memory_space<vmem>>, vector<1x256xf32>
    %add3A_480 = vector.broadcast %get3A_479 : vector<1x256xf32> to vector<256x256xf32>
    %add3A_481 = arith.addf %dot_general3A_476, %add3A_480 : vector<256x256xf32>
    %gt3A_482 = arith.constant 0.000000e+00 : f32
    %gt3A_483 = vector.broadcast %gt3A_482 : f32 to vector<256x256xf32>
    %gt3A_484 = arith.cmpf ogt, %add3A_481, %gt3A_483 : vector<256x256xf32>
    %mul3A_485 = arith.constant 0.00999999977 : f32
    %mul3A_486 = vector.broadcast %mul3A_485 : f32 to vector<256x256xf32>
    %mul3A_487 = arith.mulf %mul3A_486, %add3A_481 : vector<256x256xf32>
    %select_n3A_488 = arith.select %gt3A_484, %add3A_481, %mul3A_487 : vector<256x256xi1>, vector<256x256xf32>
    %get3A_489 = arith.constant 0 : index
    %get3A_490 = arith.constant 0 : index
    %get3A_491 = vector.load %arg10[%get3A_489, %get3A_490] : memref<128x256xf32, #tpu.memory_space<vmem>>, vector<128x256xf32>
    %dot_general3A_492 = arith.constant dense<0.000000e+00> : vector<256x128xf32>
    %dot_general3A_493 = tpu.matmul %select_n3A_488, %get3A_491, %dot_general3A_492 {dimension_numbers = #tpu.dot_dimension_numbers<[1], [1], [0], [0], [0, 0, 1, 0], [], []>, transpose_lhs_hint = false} : vector<256x256xf32>, vector<128x256xf32>, vector<256x128xf32> -> vector<256x128xf32>
    %get3A_494 = arith.constant 0 : index
    %get3A_495 = arith.constant 0 : index
    %get3A_496 = vector.load %arg11[%get3A_494, %get3A_495] : memref<1x128xf32, #tpu.memory_space<vmem>>, vector<1x128xf32>
    %add3A_497 = vector.broadcast %get3A_496 : vector<1x128xf32> to vector<256x128xf32>
    %add3A_498 = arith.addf %dot_general3A_493, %add3A_497 : vector<256x128xf32>
    %swap3A_499 = arith.constant 0 : index
    %swap3A_500 = arith.constant 0 : index
    %swap3A_501 = vector.load %arg13[%swap3A_499, %swap3A_500] : memref<256x128xf32, #tpu.memory_space<vmem>>, vector<256x128xf32>
    tpu.vector_store %arg13[%swap3A_499, %swap3A_500], %add3A_498 {strides = array<i32>} : memref<256x128xf32, #tpu.memory_space<vmem>>, vector<256x128xf32>,
    return
  }
  func.func @transform_0(%arg0: i32) -> (i32, i32) {
    %add3A = arith.constant 12 : i32
    %add3A_0 = arith.addi %arg0, %add3A : i32
    %c0_i32 = arith.constant 0 : i32
    %c0_i32_1 = arith.constant 0 : i32
    return %add3A_0, %c0_i32 : i32, i32
  }
  func.func @transform_1(%arg0: i32) -> (i32, i32, i32) {
    %c0_i32 = arith.constant 0 : i32
    %c0_i32_0 = arith.constant 0 : i32
    %c0_i32_1 = arith.constant 0 : i32
    return %c0_i32, %arg0, %c0_i32_0 : i32, i32, i32
  }
  func.func @transform_2(%arg0: i32) -> (i32, i32) {
    %c0_i32 = arith.constant 0 : i32
    %c0_i32_0 = arith.constant 0 : i32
    return %arg0, %c0_i32 : i32, i32
  }
  func.func @transform_3(%arg0: i32) -> (i32, i32) {
    %c0_i32 = arith.constant 0 : i32
    %c0_i32_0 = arith.constant 0 : i32
    %c0_i32_1 = arith.constant 0 : i32
    return %c0_i32, %c0_i32_0 : i32, i32
  }
  func.func @transform_4(%arg0: i32) -> (i32, i32) {
    %c0_i32 = arith.constant 0 : i32
    %c0_i32_0 = arith.constant 0 : i32
    %c0_i32_1 = arith.constant 0 : i32
    return %c0_i32, %c0_i32_0 : i32, i32
  }
  func.func @transform_5(%arg0: i32) -> (i32, i32) {
    %c0_i32 = arith.constant 0 : i32
    %c0_i32_0 = arith.constant 0 : i32
    %c0_i32_1 = arith.constant 0 : i32
    return %c0_i32, %c0_i32_0 : i32, i32
  }
  func.func @transform_6(%arg0: i32) -> (i32, i32) {
    %c0_i32 = arith.constant 0 : i32
    %c0_i32_0 = arith.constant 0 : i32
    %c0_i32_1 = arith.constant 0 : i32
    return %c0_i32, %c0_i32_0 : i32, i32
  }
  func.func @transform_7(%arg0: i32) -> (i32, i32) {
    %c0_i32 = arith.constant 0 : i32
    %c0_i32_0 = arith.constant 0 : i32
    %c0_i32_1 = arith.constant 0 : i32
    return %c0_i32, %c0_i32_0 : i32, i32
  }
  func.func @transform_8(%arg0: i32) -> (i32, i32) {
    %c0_i32 = arith.constant 0 : i32
    %c0_i32_0 = arith.constant 0 : i32
    %c0_i32_1 = arith.constant 0 : i32
    return %c0_i32, %c0_i32_0 : i32, i32
  }
  func.func @transform_9(%arg0: i32) -> (i32, i32) {
    %c0_i32 = arith.constant 0 : i32
    %c0_i32_0 = arith.constant 0 : i32
    %c0_i32_1 = arith.constant 0 : i32
    return %c0_i32, %c0_i32_0 : i32, i32
  }
  func.func @transform_10(%arg0: i32) -> (i32, i32) {
    %c0_i32 = arith.constant 0 : i32
    %c0_i32_0 = arith.constant 0 : i32
    %c0_i32_1 = arith.constant 0 : i32
    return %c0_i32, %c0_i32_0 : i32, i32
  }
  func.func @transform_11(%arg0: i32) -> (i32, i32) {
    %c0_i32 = arith.constant 0 : i32
    %c0_i32_0 = arith.constant 0 : i32
    return %arg0, %c0_i32 : i32, i32
  }
  func.func @transform_12(%arg0: i32) -> (i32, i32) {
    %c0_i32 = arith.constant 0 : i32
    %c0_i32_0 = arith.constant 0 : i32
    return %arg0, %c0_i32 : i32, i32
  }
}

module attributes {stable_mosaic.version = 14 : i64} {
  func.func @_read_body(%arg0: memref<4096x512xf32, #tpu.memory_space<vmem>>, %arg1: memref<4096x128xf32, #tpu.memory_space<vmem>>, %arg2: memref<1x512xf32, #tpu.memory_space<vmem>>) attributes {dimension_semantics = [], scalar_prefetch = 0 : i64, scratch_operands = 0 : i64, tpu.core_type = #tpu.core_type<tc>} {
    %get3A = arith.constant 0 : index
    %get3A_0 = arith.constant 0 : index
    %get3A_1 = vector.load %arg1[%get3A, %get3A_0] : memref<4096x128xf32, #tpu.memory_space<vmem>>, vector<4096x1xf32>
    %reduce_max3A = vector.shape_cast %get3A_1 : vector<4096x1xf32> to vector<1x4096x1xf32>
    %reduce_max3A_2 = arith.constant dense<0xFF800000> : vector<1xf32>
    %reduce_max3A_3 = vector.multi_reduction <maximumf>, %reduce_max3A, %reduce_max3A_2 [1, 2] : vector<1x4096x1xf32> to vector<1xf32>
    %reduce_max3A_4 = vector.shape_cast %reduce_max3A_3 : vector<1xf32> to vector<1x1x1xf32>
    %reduce_max3A_5 = vector.extract %reduce_max3A_4[0, 0, 0] : f32 from vector<1x1x1xf32>
    %sub3A = vector.broadcast %reduce_max3A_5 : f32 to vector<4096x1xf32>
    %sub3A_6 = arith.subf %get3A_1, %sub3A : vector<4096x1xf32>
    %exp3A = math.exp %sub3A_6 : vector<4096x1xf32>
    %reduce_sum3A = vector.shape_cast %exp3A : vector<4096x1xf32> to vector<1x4096x1xf32>
    %reduce_sum3A_7 = arith.constant dense<0.000000e+00> : vector<1xf32>
    %reduce_sum3A_8 = vector.multi_reduction <add>, %reduce_sum3A, %reduce_sum3A_7 [1, 2] : vector<1x4096x1xf32> to vector<1xf32>
    %reduce_sum3A_9 = vector.shape_cast %reduce_sum3A_8 : vector<1xf32> to vector<1x1x1xf32>
    %reduce_sum3A_10 = vector.extract %reduce_sum3A_9[0, 0, 0] : f32 from vector<1x1x1xf32>
    %div3A = vector.broadcast %reduce_sum3A_10 : f32 to vector<4096x1xf32>
    %div3A_11 = arith.divf %exp3A, %div3A : vector<4096x1xf32>
    %get3A_12 = arith.constant 0 : index
    %get3A_13 = arith.constant 0 : index
    %get3A_14 = vector.load %arg0[%get3A_12, %get3A_13] : memref<4096x512xf32, #tpu.memory_space<vmem>>, vector<4096x512xf32>
    %mul3A = vector.broadcast %div3A_11 : vector<4096x1xf32> to vector<4096x512xf32>
    %mul3A_15 = arith.mulf %mul3A, %get3A_14 : vector<4096x512xf32>
    %reduce_sum3A_16 = arith.constant dense<0.000000e+00> : vector<512xf32>
    %reduce_sum3A_17 = vector.multi_reduction <add>, %mul3A_15, %reduce_sum3A_16 [0] : vector<4096x512xf32> to vector<512xf32>
    %broadcast_in_dim3A = vector.shape_cast %reduce_sum3A_17 : vector<512xf32> to vector<1x512xf32>
    %swap3A = arith.constant 0 : index
    %swap3A_18 = arith.constant 0 : index
    %swap3A_19 = vector.load %arg2[%swap3A, %swap3A_18] : memref<1x512xf32, #tpu.memory_space<vmem>>, vector<1x512xf32>
    tpu.vector_store %arg2[%swap3A, %swap3A_18], %broadcast_in_dim3A {strides = array<i32>} : memref<1x512xf32, #tpu.memory_space<vmem>>, vector<1x512xf32>,
    return
  }
}

</mosaic_0001>

<sc_bundles>
// kernel: kernel.18.cloned.1.call-start
scs
__scs_entry_jumppad:
0x0: {  	(pc) =	sbr.rel $0x88, $3  }
0x1: {  	(tag) =	ssettag $0x0;
	lr =	simm.s32 $0x1  }
0x2: {  	[smem:$0x3F74] =	sst lr;
	_ =	strace $0xD0000000  }
0x3: {  	_ = 	snop  }
0x4: {  	_ = 	snop  }
0x5: {  	_ = 	snop  }
0x6: {  	_ = 	snop  }
0x7: {  	_ = 	snop  }
__scs_overlays_trampoline_lowered:
0x8: {  	[smem:$0x3F83] =	sst s0  }
0x9: {  	[smem:$0x3F84] =	sst s1  }
0xa: {  	[smem:$0x3F85] =	sst s2  }
0xb: {  	[smem:$0x3F86] =	sst s3  }
0xc: {  	[smem:$0x3F87] =	sst s4  }
0xd: {  	[smem:$0x3F88] =	sst s5  }
0xe: {  	[smem:$0x3F89] =	sst s6  }
0xf: {  	[smem:$0x3F8A] =	sst s7  }
0x10: {  	[smem:$0x3F8B] =	sst s8  }
0x11: {  	[smem:$0x3F8C] =	sst s9;
	s0 =	simm.s32 @!p0 $0x0  }
0x12: {  	s1 =	sld [smem:$0x3F72];
	s0 =	simm.s32 @p0 $0x1  }
0x13: {  	[smem:$0x3F8D] =	sst s0;
	s0 =	simm.s32 @!p1 $0x0  }
0x14: {  	s2 =	sld [smem:$0x3F71];
	s0 =	simm.s32 @p1 $0x1  }
0x15: {  	[smem:$0x3F8E] =	sst s0;
	s0 =	simm.s32 @!p2 $0x0  }
0x16: {  	s3 =	sld [smem:$0x3FDB];
	s0 =	simm.s32 @p2 $0x1  }
0x17: {  	s4 =	simm.s32 $0x1BF5;
	[smem:$0x3F90] =	sst s0  }
0x18: {  	s0 =	sld [smem:$0x3F73];
	_ =	swait.ge [sflag:s4], $0x0  }
0x19: {  	s7 =	sld [smem:$0x3F74]  }
0x1a: {  	s8 =	sadd.s32 $0xFFFFE003, lr  }
0x1b: {  	s9 =	sadd.s32 $0xFFFFFEF7, lr;
	s5 =	simm.s32 $0xFFFFFFFF;
	p2 =	slt.u32 s8, $0xFFFFF086  }
0x1c: {  	p1 =	slt.u32 s9, $0xF7A;
	s5 =	simm.s32 @!p2 $0x0  }
0x1d: {  	s5 =	simm.s32 @p1 $0x1;
	p0 =	seq.s32 s7, s2  }
0x1e: {  	s7 =	smul.u32 @!p0 $0xF7A, s2;
	p2 =	seq.s32 @!p0 s5, $0x0  }
0x1f: {  	s9 =	smul.u32 $0xF7A, s1;
	s8 =	simm.s32 @!p0 $0x1BF5;
	p2 =	por !p2, p0  }
0x20: {  	[sflag:s8] =	ssyncset.s32 @!p0 $0xFFFFF086;
	s6 =	sadd.s32 @!p0 s3, s7;
	s7 =	simm.s32 @!p0 $0x108  }
0x21: {  	s3 =	sadd.s32 s3, s9;
	s6 =	sadd.s32 @!p0 $0x88, s6;
	s7 =	simm.s32 @p2 $0x1082  }
0x22: {  	[simem:s7], [sflag:s8] =	dma.local @!p0 [hbm:s6], $0xF7A  }
0x23: {  	s9 =	sor.u32 $0xD0000000, s2;
	s6 =	simm.s32 $0x108;
	_ =	swait.ge @!p0 [sflag:s8], $0x0  }
0x24: {  	s3 =	sadd.s32 $0x88, s3;
	s6 =	simm.s32 @!p1 $0x1082;
	[sflag:s4] =	ssyncset.s32 $0xFFFFF086  }
0x25: {  	[simem:s6], [sflag:s4] =	dma.local [hbm:s3], $0xF7A  }
0x26: {  	[smem:$0x3F74] =	sst s1;
	(tag) =	ssettag s2;
	_ =	strace s9  }
0x27: {  	s1 =	sld [smem:$0x3F84]  }
0x28: {  	s2 =	sld [smem:$0x3F85]  }
0x29: {  	s4 =	sld [smem:$0x3F87]  }
0x2a: {  	p0 =	seq.s32 s5, $0x0;
	s5 =	sld [smem:$0x3F88]  }
0x2b: {  	s6 =	sld [smem:$0x3F89]  }
0x2c: {  	s7 =	sld [smem:$0x3F8A]  }
0x2d: {  	s3 =	simm.s32 $0x108;
	s8 =	sld [smem:$0x3F8B]  }
0x2e: {  	s3 =	simm.s32 @!p0 $0x1082;
	s9 =	sld [smem:$0x3F8C]  }
0x2f: {  	lr =	sadd.s32 s0, s3;
	s0 =	sld [smem:$0x3F83]  }
0x30: {  	s3 =	sld [smem:$0x3F86]  }
0x31: {  	[smem:$0x3F8F] =	sst s10  }
0x32: {  	s10 =	sld [smem:$0x3F8D];
	_ =	sdelay $0x3  }
0x33: {  	p0 =	seq.s32 s10, $0x1;
	s10 =	sld [smem:$0x3F8F];
	_ =	sdelay $0x3  }
0x34: {  	[smem:$0x3F8F] =	sst s10  }
0x35: {  	s10 =	sld [smem:$0x3F8E];
	_ =	sdelay $0x3  }
0x36: {  	p1 =	seq.s32 s10, $0x1;
	s10 =	sld [smem:$0x3F8F];
	_ =	sdelay $0x3  }
0x37: {  	[smem:$0x3F8F] =	sst s10  }
0x38: {  	s10 =	sld [smem:$0x3F90]  }
0x39: {  	_ = 	snop;
	(pc) =	sbr.ind lr, $3  }
0x3a: {  	_ = 	snop  }
0x3b: {  	_ = 	snop  }
0x3c: {  	p2 =	seq.s32 s10, $0x1;
	s10 =	sld [smem:$0x3F8F]  }
0x3d: {  	_ =	shalt  }
0x3e: {  	_ =	shalt  }
0x3f: {  	_ =	shalt  }
0x40: {  	_ =	shalt  }
0x41: {  	_ =	shalt  }
0x42: {  	_ =	shalt  }
0x43: {  	_ =	shalt  }
0x44: {  	_ =	shalt  }
0x45: {  	_ =	shalt  }
0x46: {  	_ =	shalt  }
0x47: {  	_ =	shalt  }
0x48: {  	_ =	shalt  }
0x49: {  	_ =	shalt  }
0x4a: {  	_ =	shalt  }
0x4b: {  	_ =	shalt  }
0x4c: {  	_ =	shalt  }
0x4d: {  	_ =	shalt  }
0x4e: {  	_ =	shalt  }
0x4f: {  	_ =	shalt  }
0x50: {  	_ =	shalt  }
0x51: {  	_ =	shalt  }
0x52: {  	_ =	shalt  }
0x53: {  	_ =	shalt  }
0x54: {  	_ =	shalt  }
0x55: {  	_ =	shalt  }
0x56: {  	_ =	shalt  }
0x57: {  	_ =	shalt  }
0x58: {  	_ =	shalt  }
0x59: {  	_ =	shalt  }
0x5a: {  	_ =	shalt  }
0x5b: {  	_ =	shalt  }
0x5c: {  	_ =	shalt  }
0x5d: {  	_ =	shalt  }
0x5e: {  	_ =	shalt  }
0x5f: {  	_ =	shalt  }
0x60: {  	_ =	shalt  }
0x61: {  	_ =	shalt  }
0x62: {  	_ =	shalt  }
0x63: {  	_ =	shalt  }
0x64: {  	_ =	shalt  }
0x65: {  	_ =	shalt  }
0x66: {  	_ =	shalt  }
0x67: {  	_ =	shalt  }
0x68: {  	_ =	shalt  }
0x69: {  	_ =	shalt  }
0x6a: {  	_ =	shalt  }
0x6b: {  	_ =	shalt  }
0x6c: {  	_ =	shalt  }
0x6d: {  	_ =	shalt  }
0x6e: {  	_ =	shalt  }
0x6f: {  	_ =	shalt  }
0x70: {  	_ =	shalt  }
0x71: {  	_ =	shalt  }
0x72: {  	_ =	shalt  }
0x73: {  	_ =	shalt  }
0x74: {  	_ =	shalt  }
0x75: {  	_ =	shalt  }
0x76: {  	_ =	shalt  }
0x77: {  	_ =	shalt  }
0x78: {  	_ =	shalt  }
0x79: {  	_ =	shalt  }
0x7a: {  	_ =	shalt  }
0x7b: {  	_ =	shalt  }
0x7c: {  	_ =	shalt  }
0x7d: {  	_ =	shalt  }
0x7e: {  	_ =	shalt  }
0x7f: {  	_ =	shalt  }
0x80: {  	_ =	shalt  }
0x81: {  	_ =	shalt  }
0x82: {  	_ =	shalt  }
0x83: {  	_ =	shalt  }
0x84: {  	_ =	shalt  }
0x85: {  	_ =	shalt  }
0x86: {  	_ =	shalt  }
0x87: {  	_ =	shalt  }
.Lfunc_end0:
.L_simem_size_0:
called_computation_lowered:
.L_overlay_start_0:
0x88: {  	s2 =	sld [smem:$0x3FD9]  }
0x89: {  	s3 =	sld [smem:$0x3FFE];
	_ =	sdelay $0x1  }
0x8a: {  	s1 =	srdreg.scid  }
0x8b: {  	s0 =	sand.u32 $0x1, s1  }
0x8c: {  	s17 =	sshll.u32 s0, $0xA;
	s2 =	sadd.s32 s3, s2  }
0x8d: {  	s2 =	sadd.s32 s2, s17  }
0x8e: {  	[smem:$0x3F9B] =	sst s2  }
0x8f: {  	_ = 	snop  }
0x90: {  	(tm) =	ssettm $0x1  }
0x91: {  	s18 =	sld [smem:$0x3FFB];
	_ =	sdelay $0x3  }
0x92: {  	_ =	strace s18  }
0x93: {  	s2 =	sld [smem:$0x3FFC];
	_ =	sdelay $0x3  }
0x94: {  	_ =	strace s2  }
0x95: {  	s2 =	sld [smem:$0x3FFD];
	_ =	sdelay $0x3  }
0x96: {  	_ =	strace s2  }
0x97: {  	_ =	strace $0x8FFFFFFF  }
0x98: {  	s19 =	sld [smem:$0x3FDB];
	_ =	sdelay $0x1  }
0x99: {  	s20 =	simm.s32 $_scs_section_size  }
0x9a: {  	s4 =	simm.s32 $_size__tile_overlayer_lowered;
	s5 =	simm.s32 $_tile_overlayer_lowered  }
0x9b: {  	s6 =	simm.s32 $0x1BFF;
	s21 =	sshll.u32 s5, $0x1;
	s3 =	sadd.s32 s20, s19  }
0x9c: {  	s22 =	simm.s32 $0x0;
	s4 =	sshll.u32 s4, $0x1;
	s5 =	sadd.s32 s21, s3  }
0x9d: {  	[timem:s22], [sflag:s6] =	dma.local [hbm:s5], s4  }
0x9e: {  	_ =	swait.ge [sflag:s6], s4  }
0x9f: {  	s4 =	ssub.s32 $0x0, s4;
	[sflag:s6] =	ssyncset.done $0x0  }
0xa0: {  	[sflag:s6] =	ssyncadd.s32 s4;
	_ =	sdelay $0x1  }
0xa1: {  	s23 =	simm.s32 $0x1B8B  }
0xa2: {  	_ =	swait.ge [sflag:s23], $0x1  }
0xa3: {  	[sflag:s23] =	ssyncset.done $0x0  }
0xa4: {  	[sflag:s23] =	ssyncadd.s32 $0xFFFFFFFF  }
0xa5: {  	s4 =	sld [smem:$0x0]  }
0xa6: {  	s5 =	sand.u32 $0xFFFFFFFE, s1  }
0xa7: {  	p0 =	sne.s32 s1, s5  }
0xa8: {  	s5 =	sshll.u32 @p0 s5, $0xE  }
0xa9: {  	s5 =	sadd.s32 @p0 $0x11B8D, s5;
	s6 =	sshll.u32 @p0 s4, $0x11  }
0xaa: {  	s5 =	sor.u32 @p0 s6, s5  }
0xab: {  	[sflag:s5] =	ssyncadd.remote.s32 @p0 $0x1;
	_ =	sdelay $0x1  }
0xac: {  	s5 =	simm.s32 @p0 $0x1B8D  }
0xad: {  	_ =	swait.eq @p0 [sflag:s5], $0x1  }
0xae: {  	[sflag:s5] =	ssyncadd.s32 @p0 $0xFFFFFFFF  }
0xaf: {  	s6 =	sshll.u32 @!p0 s1, $0xE  }
0xb0: {  	s6 =	sor.u32 @!p0 $0x4000, s6;
	s5 =	simm.s32 @!p0 $0x1B8D  }
0xb1: {  	s4 =	sshll.u32 @!p0 s4, $0x11;
	s6 =	sadd.s32 @!p0 $0x11B8D, s6;
	_ =	swait.eq @!p0 [sflag:s5], $0x1  }
0xb2: {  	s4 =	sor.u32 @!p0 s4, s6;
	[sflag:s5] =	ssyncadd.s32 @!p0 $0xFFFFFFFF  }
0xb3: {  	s25 =	simm.s32 $0x1B8E;
	s24 =	sld [smem:$0x3FFE];
	[sflag:s4] =	ssyncadd.remote.s32 @!p0 $0x1  }
0xb4: {  	s26 =	simm.s32 $execute0_lowered;
	[smem:$0x3FD2] =	sst s25  }
0xb5: {  	s5 =	sshll.u32 s26, $0x1;
	_ =	strace $0x80000049;
	[dreg:$0x1] =	wrdreg $0xFFFFFFFF  }
0xb6: {  	s28 =	simm.s32 $_size_execute0_lowered;
	s3 =	sadd.s32 s3, s5;
	[dreg:$0x0] =	wrdreg $0x0  }
0xb7: {  	s5 =	sshll.u32 s28, $0x1;
	[dreg:$0x2] =	wrdreg s3  }
0xb8: {  	[dreg:$0x3] =	wrdreg s5  }
0xb9: {  	[dreg:$0x4] =	wrdreg $0xC0  }
0xba: {  	_ =	task [dreg:s22], $0x5FFFF  }
0xbb: {  	[dreg:$0x1] =	wrdreg $0xFFFFFFFF  }
0xbc: {  	[dreg:$0x0] =	wrdreg $0x60  }
0xbd: {  	[dreg:$0x2] =	wrdreg s24  }
0xbe: {  	[dreg:$0x3] =	wrdreg $0x9  }
0xbf: {  	_ =	task.clear_ibuf [dreg:s22], $0x4FFFF;
	_ =	strace $0x90000049  }
0xc0: {  	s29 =	simm.s32 $0x9;
	_ =	strace $0x8000004B  }
0xc1: {  	_ =	swait.ge [sflag:s29], $0x1  }
0xc2: {  	[sflag:s29] =	ssyncadd.s32 $0xFFFFFFFF  }
0xc3: {  	_ =	strace $0x9000004B  }
0xc4: {  	_ =	sfence  }
0xc5: {  	s30 =	sld [smem:$0x0];
	_ =	sdelay $0x2  }
0xc6: {  	s31 =	sshll.u32 s1, $0xD;
	s1 =	sshrl.u32 s1, $0x2  }
0xc7: {  	s4 =	sand.u32 $0x4000, s31;
	s1 =	sadd.s32 s1, s30  }
0xc8: {  	s0 =	sor.u32 s4, s0;
	s1 =	sshll.u32 s1, $0x11  }
0xc9: {  	s0 =	sor.u32 s1, s0  }
0xca: {  	s0 =	sadd.s32 $0x8F2B, s0  }
0xcb: {  	[sflag:s0] =	ssyncadd.remote.s32 $0x1  }
0xcc: {  	_ =	sfence.sel $0xFFFF  }
0xcd: {  	[dreg:$0x0] =	wrdreg $0xFFFFFFFF;
	(pc) =	sbr.abs _section_cstart, $3  }
0xce: {  	[dreg:$0x1] =	wrdreg $0xFFFFFFFF  }
0xcf: {  	_ =	task.clear_ibuf [dreg:s22], $0x2FFFF;
	_ =	strace $0x9FFFFFFF  }
0xd0: {  	(tm) =	ssettm $0x7FFFFFFF  }
0xd1: {  	_ =	shalt  }
tec
execute0_lowered:
.L_overlay_start_1:
0x0: {  	(tag) =	ssettag $0x1  }
0x1: {  	s1 =	srdreg.scid  }
0x2: {  	s0 =	stileid.u32;
	s3 =	rddreg [dreg:$0x0]  }
0x3: {  	s9 =	simm.s32 $0x1900;
	s10 =	simm.s32 $0x2100;
	s11 =	simm.s32 $0x2900  }
0x4: {  	s12 =	simm.s32 $0x3100;
	s13 =	simm.s32 $0x3900;
	s14 =	simm.s32 $0x4100  }
0x5: {  	s15 =	simm.s32 $0x4900;
	s16 =	simm.s32 $0x5100;
	s17 =	simm.s32 $0x5900  }
0x6: {  	s18 =	simm.s32 $0x6100;
	s19 =	simm.s32 $0x6900;
	s20 =	simm.s32 $0x7100  }
0x7: {  	s21 =	simm.s32 $0x7900;
	s22 =	simm.s32 $0x8100;
	s23 =	simm.s32 $0x8900  }
0x8: {  	s24 =	simm.s32 $0x9100;
	s28 =	simm.s32 $0xA900;
	s29 =	simm.s32 $0xB100  }
0x9: {  	s30 =	simm.s32 $0xB900;
	s1 =	sand.u32 $0x1, s1;
	s2 =	sshll.u32 s0, $0x1  }
0xa: {  	s31 =	simm.s32 $0x1;
	s7 =	sadd.s32 $0x68C00, s3;
	s4 =	sor.u32 s1, s2  }
0xb: {  	s2 =	simm.s32 $0x0;
	s1 =	ssub.s32 $0x2, s1;
	s5 =	smul.u32 $0x18, s4  }
0xc: {  	[smem:$0x7FF] =	sst s2;
	s6 =	smul.u32 $0xC000, s4;
	s8 =	sshrl.u32 s1, $0x1  }
0xd: {  	s4 =	smul.u32 $0x1800, s4;
	_ =	strace $0x8000004A;
	s1 =	ssub.s32 s1, s8  }
0xe: {  	s8 =	simm.s32 $0x1100;
	s5 =	sadd.s32 s5, s3;
	s6 =	sshrl.u32 s6, $0x3  }
0xf: {  	s4 =	sadd.s32 s7, s4;
	s3 =	sadd.s32 $0x48C00, s3;
	s5 =	sadd.s32 $0x39000, s5  }
0x10: {  	s25 =	sadd.s32 s7, s6;
	[dreg:$0x3] =	wrdreg s4;
	s4 =	smax.u32 s1, $0x1  }
0x11: {  	v2 =	vlaneseq.u32;
	s6 =	simm.s32 $0x100;
	s7 =	simm.s32 $0x900;
	s1 =	simm.s32 $0x2  }
0x12: {  	vm0 =	vmmov $0xffff;
	v1 =	vshrl.u32 v2, $0x3;
	[dreg:$0x2] =	wrdreg s5;
	s26 =	sadd.s32 $0xC00, s25;
	s5 =	simm.s32 $0x3  }
0x13: {  	v0 =	vand.u32 $0x7, v2;
	v2 =	vor.u32 $0x8, v2;
	v1 =	vmul.u32 $0x8, v1;
	s25 =	simm.s32 $0x9900;
	[dreg:$0x4] =	wrdreg s26;
	s26 =	simm.s32 $0xA100  }
.LBB2_1:
0x14: {  	s0 =	rddreg [dreg:$0x2]  }
0x15: {  	[tilespmem:s2], [sflag:$0x3] =	stream.linear.gather [hbm4b:s0+s2], $0xC0, $0x38;
	[tilespmem:$0xC100] =	vst v63  }
0x16: {  	_ =	swait.ge [sflag:s5], $0xC0  }
0x17: {  	[sflag:s5] =	ssyncset.done $0x0  }
0x18: {  	[sflag:s5] =	ssyncadd.s32 $0xFFFFFF40  }
0x19: {  	v3 =	vld [tilespmem:$0x0];
	_ =	sdelay $0x4  }
0x1a: {  	v4 =	vshll.u32 v3, $0x1  }
0x1b: {  	v3 =	vand.u32 $0x7, v3;
	v4 =	vand.u32 $0xFFFFFFF0, v4  }
0x1c: {  	v3 =	vor.u32 v3, v4  }
0x1d: {  	v4 =	vperm.xlane v3, v0;
	_ =	sdelay $0x1  }
0x1e: {  	v3 =	vperm.xlane v3, v2;
	v4 =	vadd.s32 v1, v4;
	_ =	sdelay $0x1  }
0x1f: {  	v3 =	vadd.s32 v1, v3;
	_ =	sdelay $0x2  }
0x20: {  	[tilespmem:s6], [sflag:$0x1] =	stream.indirect_vreg.gather [hbm4b:s3+s2], $0x80, v4, vm0, $0xb8;
	[tilespmem:$0xC100] =	vst v63  }
0x21: {  	_ = 	snop  }
0x22: {  	[tilespmem:s7], [sflag:$0x1] =	stream.indirect_vreg.gather [hbm4b:s3+s2], $0x80, v3, vm0, $0xb8;
	[tilespmem:$0xC100] =	vst v63  }
0x23: {  	v3 =	vld [tilespmem:$0x10];
	_ =	sdelay $0x4  }
0x24: {  	v53 =	vshll.u32 v3, $0x1  }
0x25: {  	v3 =	vand.u32 $0x7, v3;
	v4 =	vand.u32 $0xFFFFFFF0, v53  }
0x26: {  	v3 =	vor.u32 v3, v4  }
0x27: {  	v4 =	vperm.xlane v3, v0;
	_ =	sdelay $0x1  }
0x28: {  	v3 =	vperm.xlane v3, v2;
	v4 =	vadd.s32 v1, v4;
	_ =	sdelay $0x1  }
0x29: {  	v3 =	vadd.s32 v1, v3;
	_ =	sdelay $0x2  }
0x2a: {  	[tilespmem:s8], [sflag:$0x1] =	stream.indirect_vreg.gather [hbm4b:s3+s2], $0x80, v4, vm0, $0xb8;
	[tilespmem:$0xC100] =	vst v63  }
0x2b: {  	_ = 	snop  }
0x2c: {  	[tilespmem:s9], [sflag:$0x1] =	stream.indirect_vreg.gather [hbm4b:s3+s2], $0x80, v3, vm0, $0xb8;
	[tilespmem:$0xC100] =	vst v63  }
0x2d: {  	v3 =	vld [tilespmem:$0x20];
	_ =	sdelay $0x4  }
0x2e: {  	v54 =	vshll.u32 v3, $0x1  }
0x2f: {  	v3 =	vand.u32 $0x7, v3;
	v4 =	vand.u32 $0xFFFFFFF0, v54  }
0x30: {  	v3 =	vor.u32 v3, v4  }
0x31: {  	v4 =	vperm.xlane v3, v0;
	_ =	sdelay $0x1  }
0x32: {  	v3 =	vperm.xlane v3, v2;
	v4 =	vadd.s32 v1, v4;
	_ =	sdelay $0x1  }
0x33: {  	v3 =	vadd.s32 v1, v3;
	_ =	sdelay $0x2  }
0x34: {  	[tilespmem:s10], [sflag:$0x1] =	stream.indirect_vreg.gather [hbm4b:s3+s2], $0x80, v4, vm0, $0xb8;
	[tilespmem:$0xC100] =	vst v63  }
0x35: {  	_ = 	snop  }
0x36: {  	[tilespmem:s11], [sflag:$0x1] =	stream.indirect_vreg.gather [hbm4b:s3+s2], $0x80, v3, vm0, $0xb8;
	[tilespmem:$0xC100] =	vst v63  }
0x37: {  	v3 =	vld [tilespmem:$0x30];
	_ =	sdelay $0x4  }
0x38: {  	v55 =	vshll.u32 v3, $0x1  }
0x39: {  	v3 =	vand.u32 $0x7, v3;
	v4 =	vand.u32 $0xFFFFFFF0, v55  }
0x3a: {  	v3 =	vor.u32 v3, v4  }
0x3b: {  	v4 =	vperm.xlane v3, v0;
	_ =	sdelay $0x1  }
0x3c: {  	v3 =	vperm.xlane v3, v2;
	v4 =	vadd.s32 v1, v4;
	_ =	sdelay $0x1  }
0x3d: {  	v3 =	vadd.s32 v1, v3;
	_ =	sdelay $0x2  }
0x3e: {  	[tilespmem:s12], [sflag:$0x1] =	stream.indirect_vreg.gather [hbm4b:s3+s2], $0x80, v4, vm0, $0xb8;
	[tilespmem:$0xC100] =	vst v63  }
0x3f: {  	_ = 	snop  }
0x40: {  	[tilespmem:s13], [sflag:$0x1] =	stream.indirect_vreg.gather [hbm4b:s3+s2], $0x80, v3, vm0, $0xb8;
	[tilespmem:$0xC100] =	vst v63  }
0x41: {  	v3 =	vld [tilespmem:$0x40];
	_ =	sdelay $0x4  }
0x42: {  	v56 =	vshll.u32 v3, $0x1  }
0x43: {  	v3 =	vand.u32 $0x7, v3;
	v4 =	vand.u32 $0xFFFFFFF0, v56  }
0x44: {  	v3 =	vor.u32 v3, v4  }
0x45: {  	v4 =	vperm.xlane v3, v0;
	_ =	sdelay $0x1  }
0x46: {  	v3 =	vperm.xlane v3, v2;
	v4 =	vadd.s32 v1, v4;
	_ =	sdelay $0x1  }
0x47: {  	v3 =	vadd.s32 v1, v3;
	_ =	sdelay $0x2  }
0x48: {  	[tilespmem:s14], [sflag:$0x1] =	stream.indirect_vreg.gather [hbm4b:s3+s2], $0x80, v4, vm0, $0xb8;
	[tilespmem:$0xC100] =	vst v63  }
0x49: {  	_ = 	snop  }
0x4a: {  	[tilespmem:s15], [sflag:$0x1] =	stream.indirect_vreg.gather [hbm4b:s3+s2], $0x80, v3, vm0, $0xb8;
	[tilespmem:$0xC100] =	vst v63  }
0x4b: {  	v3 =	vld [tilespmem:$0x50];
	_ =	sdelay $0x4  }
0x4c: {  	v57 =	vshll.u32 v3, $0x1  }
0x4d: {  	v3 =	vand.u32 $0x7, v3;
	v4 =	vand.u32 $0xFFFFFFF0, v57  }
0x4e: {  	v3 =	vor.u32 v3, v4  }
0x4f: {  	v4 =	vperm.xlane v3, v0;
	_ =	sdelay $0x1  }
0x50: {  	v3 =	vperm.xlane v3, v2;
	v4 =	vadd.s32 v1, v4;
	_ =	sdelay $0x1  }
0x51: {  	v3 =	vadd.s32 v1, v3;
	_ =	sdelay $0x2  }
0x52: {  	[tilespmem:s16], [sflag:$0x1] =	stream.indirect_vreg.gather [hbm4b:s3+s2], $0x80, v4, vm0, $0xb8;
	[tilespmem:$0xC100] =	vst v63  }
0x53: {  	_ = 	snop  }
0x54: {  	[tilespmem:s17], [sflag:$0x1] =	stream.indirect_vreg.gather [hbm4b:s3+s2], $0x80, v3, vm0, $0xb8;
	[tilespmem:$0xC100] =	vst v63  }
0x55: {  	v3 =	vld [tilespmem:$0x60];
	_ =	sdelay $0x4  }
0x56: {  	v58 =	vshll.u32 v3, $0x1  }
0x57: {  	v3 =	vand.u32 $0x7, v3;
	v4 =	vand.u32 $0xFFFFFFF0, v58  }
0x58: {  	v3 =	vor.u32 v3, v4  }
0x59: {  	v4 =	vperm.xlane v3, v0;
	_ =	sdelay $0x1  }
0x5a: {  	v3 =	vperm.xlane v3, v2;
	v4 =	vadd.s32 v1, v4;
	_ =	sdelay $0x1  }
0x5b: {  	v3 =	vadd.s32 v1, v3;
	_ =	sdelay $0x2  }
0x5c: {  	[tilespmem:s18], [sflag:$0x2] =	stream.indirect_vreg.gather [hbm4b:s3+s2], $0x80, v4, vm0, $0xb8;
	[tilespmem:$0xC100] =	vst v63  }
0x5d: {  	_ = 	snop  }
0x5e: {  	[tilespmem:s19], [sflag:$0x2] =	stream.indirect_vreg.gather [hbm4b:s3+s2], $0x80, v3, vm0, $0xb8;
	[tilespmem:$0xC100] =	vst v63  }
0x5f: {  	v3 =	vld [tilespmem:$0x70];
	_ =	sdelay $0x4  }
0x60: {  	v59 =	vshll.u32 v3, $0x1  }
0x61: {  	v3 =	vand.u32 $0x7, v3;
	v4 =	vand.u32 $0xFFFFFFF0, v59  }
0x62: {  	v3 =	vor.u32 v3, v4  }
0x63: {  	v4 =	vperm.xlane v3, v0;
	_ =	sdelay $0x1  }
0x64: {  	v3 =	vperm.xlane v3, v2;
	v4 =	vadd.s32 v1, v4;
	_ =	sdelay $0x1  }
0x65: {  	v3 =	vadd.s32 v1, v3;
	_ =	sdelay $0x2  }
0x66: {  	[tilespmem:s20], [sflag:$0x2] =	stream.indirect_vreg.gather [hbm4b:s3+s2], $0x80, v4, vm0, $0xb8;
	[tilespmem:$0xC100] =	vst v63  }
0x67: {  	_ = 	snop  }
0x68: {  	[tilespmem:s21], [sflag:$0x2] =	stream.indirect_vreg.gather [hbm4b:s3+s2], $0x80, v3, vm0, $0xb8;
	[tilespmem:$0xC100] =	vst v63  }
0x69: {  	v3 =	vld [tilespmem:$0x80];
	_ =	sdelay $0x4  }
0x6a: {  	v60 =	vshll.u32 v3, $0x1  }
0x6b: {  	v3 =	vand.u32 $0x7, v3;
	v4 =	vand.u32 $0xFFFFFFF0, v60  }
0x6c: {  	v3 =	vor.u32 v3, v4  }
0x6d: {  	v4 =	vperm.xlane v3, v0;
	_ =	sdelay $0x1  }
0x6e: {  	v3 =	vperm.xlane v3, v2;
	v4 =	vadd.s32 v1, v4;
	_ =	sdelay $0x1  }
0x6f: {  	v3 =	vadd.s32 v1, v3;
	_ =	sdelay $0x2  }
0x70: {  	[tilespmem:s22], [sflag:$0x2] =	stream.indirect_vreg.gather [hbm4b:s3+s2], $0x80, v4, vm0, $0xb8;
	[tilespmem:$0xC100] =	vst v63  }
0x71: {  	_ = 	snop  }
0x72: {  	[tilespmem:s23], [sflag:$0x2] =	stream.indirect_vreg.gather [hbm4b:s3+s2], $0x80, v3, vm0, $0xb8;
	[tilespmem:$0xC100] =	vst v63  }
0x73: {  	v3 =	vld [tilespmem:$0x90];
	_ =	sdelay $0x4  }
0x74: {  	v61 =	vshll.u32 v3, $0x1  }
0x75: {  	v3 =	vand.u32 $0x7, v3;
	v4 =	vand.u32 $0xFFFFFFF0, v61  }
0x76: {  	v3 =	vor.u32 v3, v4  }
0x77: {  	v4 =	vperm.xlane v3, v0;
	_ =	sdelay $0x1  }
0x78: {  	v3 =	vperm.xlane v3, v2;
	v4 =	vadd.s32 v1, v4;
	_ =	sdelay $0x1  }
0x79: {  	v3 =	vadd.s32 v1, v3;
	_ =	sdelay $0x2  }
0x7a: {  	[tilespmem:s24], [sflag:$0x2] =	stream.indirect_vreg.gather [hbm4b:s3+s2], $0x80, v4, vm0, $0xb8;
	[tilespmem:$0xC100] =	vst v63  }
0x7b: {  	_ = 	snop  }
0x7c: {  	[tilespmem:s25], [sflag:$0x2] =	stream.indirect_vreg.gather [hbm4b:s3+s2], $0x80, v3, vm0, $0xb8;
	[tilespmem:$0xC100] =	vst v63  }
0x7d: {  	v3 =	vld [tilespmem:$0xA0];
	_ =	sdelay $0x4  }
0x7e: {  	v62 =	vshll.u32 v3, $0x1  }
0x7f: {  	v3 =	vand.u32 $0x7, v3;
	v4 =	vand.u32 $0xFFFFFFF0, v62  }
0x80: {  	v3 =	vor.u32 v3, v4  }
0x81: {  	v4 =	vperm.xlane v3, v0;
	_ =	sdelay $0x1  }
0x82: {  	v3 =	vperm.xlane v3, v2;
	v4 =	vadd.s32 v1, v4;
	_ =	sdelay $0x1  }
0x83: {  	v3 =	vadd.s32 v1, v3;
	_ =	sdelay $0x2  }
0x84: {  	[tilespmem:s26], [sflag:$0x2] =	stream.indirect_vreg.gather [hbm4b:s3+s2], $0x80, v4, vm0, $0xb8;
	[tilespmem:$0xC100] =	vst v63  }
0x85: {  	_ = 	snop  }
0x86: {  	[tilespmem:s28], [sflag:$0x2] =	stream.indirect_vreg.gather [hbm4b:s3+s2], $0x80, v3, vm0, $0xb8;
	[tilespmem:$0xC100] =	vst v63  }
0x87: {  	v3 =	vld [tilespmem:$0xB0];
	_ =	sdelay $0x4  }
0x88: {  	v63 =	vshll.u32 v3, $0x1  }
0x89: {  	v3 =	vand.u32 $0x7, v3;
	v4 =	vand.u32 $0xFFFFFFF0, v63  }
0x8a: {  	v3 =	vor.u32 v3, v4  }
0x8b: {  	v4 =	vperm.xlane v3, v0;
	_ =	sdelay $0x1  }
0x8c: {  	v3 =	vperm.xlane v3, v2;
	v4 =	vadd.s32 v1, v4;
	_ =	sdelay $0x1  }
0x8d: {  	v3 =	vadd.s32 v1, v3;
	_ =	sdelay $0x2  }
0x8e: {  	[tilespmem:s29], [sflag:$0x2] =	stream.indirect_vreg.gather [hbm4b:s3+s2], $0x80, v4, vm0, $0xb8;
	[tilespmem:$0xC100] =	vst v63  }
0x8f: {  	_ = 	snop  }
0x90: {  	[tilespmem:s30], [sflag:$0x2] =	stream.indirect_vreg.gather [hbm4b:s3+s2], $0x80, v3, vm0, $0xb8;
	[tilespmem:$0xC100] =	vst v63  }
0x91: {  	_ =	swait.ge [sflag:s31], $0x6000  }
0x92: {  	[sflag:s31] =	ssyncset.done $0x0  }
0x93: {  	s0 =	rddreg [dreg:$0x3];
	[sflag:s31] =	ssyncadd.s32 $0xFFFFA000  }
0x94: {  	[hbm4b:s0+s2] =	stream.linear.scatter [tilespmem:s6], [sflag:$0x3], $0x6000, $0x38;
	[tilespmem:$0xC100] =	vst v63  }
0x95: {  	_ =	swait.ge [sflag:s5], $0x6000  }
0x96: {  	[sflag:s5] =	ssyncset.done $0x0  }
0x97: {  	[sflag:s5] =	ssyncadd.s32 $0xFFFFA000  }
0x98: {  	_ =	swait.ge [sflag:s1], $0x6000  }
0x99: {  	p0 =	sne.s32 s4, $0x1;
	[sflag:s1] =	ssyncset.done $0x0  }
.Ltmp0:
0x9a: {  	s0 =	rddreg [dreg:$0x4];
	[sflag:s1] =	ssyncadd.s32 $0xFFFFA000;
	(pc) =	sbr.rel @p0 .LBB2_1-.Ltmp0, $4  }
0x9b: {  	[hbm4b:s0+s2] =	stream.linear.scatter [tilespmem:s18], [sflag:$0x3], $0x6000, $0x38;
	[tilespmem:$0xC100] =	vst v63  }
0x9c: {  	_ =	swait.ge [sflag:s5], $0x6000  }
0x9d: {  	[sflag:s5] =	ssyncset.done $0x0  }
0x9e: {  	s4 =	sadd.s32 $0xFFFFFFFF, s4;
	[sflag:s5] =	ssyncadd.s32 $0xFFFFA000  }
0x9f: {  	_ =	sfence.sel $0x180000  }
0xa0: {  	[bflag:$0x0] =	sbarrier.arrive $0xFFFF  }
0xa1: {  	_ =	strace $0x9000004A  }
0xa2: {  	s0 =	stileid.u32;
	[bflag:$0x2] =	sbarrier.arrive $0xFFFF  }
0xa3: {  	p0 =	sne.s32 s0, $0x0;
	s0 =	rddreg [dreg:$0x1]  }
0xa4: {  	s0 =	sadd.s32 @!p0 $0x100000, s0  }
0xa5: {  	[sflag:s0] =	ssyncadd.tile.s32 @!p0 $0x1;
	_ =	shalt  }
.Lfunc_end2:
_tile_overlayer_lowered:
.L_overlay_start_2:
0xa6: {  	(tag) =	ssettag $0x2  }
0xa7: {  	s0 =	rddreg [dreg:$0x0];
	s2 =	stileid.u32  }
0xa8: {  	s1 =	rddreg [dreg:$0x1];
	p0 =	sne.s32 s2, $0x0  }
0xa9: {  	s3 =	rddreg [dreg:$0x2];
	[bflag:$0x3] =	sbarrier.arrive $0xFFFF;
	s2 =	simm.s32 @!p0 $0x1C03  }
0xaa: {  	[timem:s3], [sflag:s2] =	dma.local @!p0 [hbm:s0], s1  }
0xab: {  	s0 =	simm.s32 @!p0 $0x3  }
0xac: {  	_ =	swait.ge @!p0 [sflag:s0], s1  }
0xad: {  	s1 =	ssub.s32 @!p0 $0x0, s1;
	[sflag:s0] =	ssyncset.done @!p0 $0x0  }
0xae: {  	[sflag:s0] =	ssyncadd.s32 @!p0 s1  }
0xaf: {  	[bflag:$0x3] =	sbarrier.arrive $0xFFFF  }
0xb0: {  	_ =	shalt  }

// kernel: kernel.21.cloned.1.call-start
scs
__scs_entry_jumppad:
0x0: {  	(pc) =	sbr.rel $0x88, $3  }
0x1: {  	(tag) =	ssettag $0x0;
	lr =	simm.s32 $0x1  }
0x2: {  	[smem:$0x3F74] =	sst lr;
	_ =	strace $0xD0000000  }
0x3: {  	_ = 	snop  }
0x4: {  	_ = 	snop  }
0x5: {  	_ = 	snop  }
0x6: {  	_ = 	snop  }
0x7: {  	_ = 	snop  }
__scs_overlays_trampoline_lowered:
0x8: {  	[smem:$0x3F83] =	sst s0  }
0x9: {  	[smem:$0x3F84] =	sst s1  }
0xa: {  	[smem:$0x3F85] =	sst s2  }
0xb: {  	[smem:$0x3F86] =	sst s3  }
0xc: {  	[smem:$0x3F87] =	sst s4  }
0xd: {  	[smem:$0x3F88] =	sst s5  }
0xe: {  	[smem:$0x3F89] =	sst s6  }
0xf: {  	[smem:$0x3F8A] =	sst s7  }
0x10: {  	[smem:$0x3F8B] =	sst s8  }
0x11: {  	[smem:$0x3F8C] =	sst s9;
	s0 =	simm.s32 @!p0 $0x0  }
0x12: {  	s1 =	sld [smem:$0x3F72];
	s0 =	simm.s32 @p0 $0x1  }
0x13: {  	[smem:$0x3F8D] =	sst s0;
	s0 =	simm.s32 @!p1 $0x0  }
0x14: {  	s2 =	sld [smem:$0x3F71];
	s0 =	simm.s32 @p1 $0x1  }
0x15: {  	[smem:$0x3F8E] =	sst s0;
	s0 =	simm.s32 @!p2 $0x0  }
0x16: {  	s3 =	sld [smem:$0x3FDB];
	s0 =	simm.s32 @p2 $0x1  }
0x17: {  	s4 =	simm.s32 $0x1BF5;
	[smem:$0x3F90] =	sst s0  }
0x18: {  	s0 =	sld [smem:$0x3F73];
	_ =	swait.ge [sflag:s4], $0x0  }
0x19: {  	s7 =	sld [smem:$0x3F74]  }
0x1a: {  	s8 =	sadd.s32 $0xFFFFE003, lr  }
0x1b: {  	s9 =	sadd.s32 $0xFFFFFEF7, lr;
	s5 =	simm.s32 $0xFFFFFFFF;
	p2 =	slt.u32 s8, $0xFFFFF086  }
0x1c: {  	p1 =	slt.u32 s9, $0xF7A;
	s5 =	simm.s32 @!p2 $0x0  }
0x1d: {  	s5 =	simm.s32 @p1 $0x1;
	p0 =	seq.s32 s7, s2  }
0x1e: {  	s7 =	smul.u32 @!p0 $0xF7A, s2;
	p2 =	seq.s32 @!p0 s5, $0x0  }
0x1f: {  	s9 =	smul.u32 $0xF7A, s1;
	s8 =	simm.s32 @!p0 $0x1BF5;
	p2 =	por !p2, p0  }
0x20: {  	[sflag:s8] =	ssyncset.s32 @!p0 $0xFFFFF086;
	s6 =	sadd.s32 @!p0 s3, s7;
	s7 =	simm.s32 @!p0 $0x108  }
0x21: {  	s3 =	sadd.s32 s3, s9;
	s6 =	sadd.s32 @!p0 $0x88, s6;
	s7 =	simm.s32 @p2 $0x1082  }
0x22: {  	[simem:s7], [sflag:s8] =	dma.local @!p0 [hbm:s6], $0xF7A  }
0x23: {  	s9 =	sor.u32 $0xD0000000, s2;
	s6 =	simm.s32 $0x108;
	_ =	swait.ge @!p0 [sflag:s8], $0x0  }
0x24: {  	s3 =	sadd.s32 $0x88, s3;
	s6 =	simm.s32 @!p1 $0x1082;
	[sflag:s4] =	ssyncset.s32 $0xFFFFF086  }
0x25: {  	[simem:s6], [sflag:s4] =	dma.local [hbm:s3], $0xF7A  }
0x26: {  	[smem:$0x3F74] =	sst s1;
	(tag) =	ssettag s2;
	_ =	strace s9  }
0x27: {  	s1 =	sld [smem:$0x3F84]  }
0x28: {  	s2 =	sld [smem:$0x3F85]  }
0x29: {  	s4 =	sld [smem:$0x3F87]  }
0x2a: {  	p0 =	seq.s32 s5, $0x0;
	s5 =	sld [smem:$0x3F88]  }
0x2b: {  	s6 =	sld [smem:$0x3F89]  }
0x2c: {  	s7 =	sld [smem:$0x3F8A]  }
0x2d: {  	s3 =	simm.s32 $0x108;
	s8 =	sld [smem:$0x3F8B]  }
0x2e: {  	s3 =	simm.s32 @!p0 $0x1082;
	s9 =	sld [smem:$0x3F8C]  }
0x2f: {  	lr =	sadd.s32 s0, s3;
	s0 =	sld [smem:$0x3F83]  }
0x30: {  	s3 =	sld [smem:$0x3F86]  }
0x31: {  	[smem:$0x3F8F] =	sst s10  }
0x32: {  	s10 =	sld [smem:$0x3F8D];
	_ =	sdelay $0x3  }
0x33: {  	p0 =	seq.s32 s10, $0x1;
	s10 =	sld [smem:$0x3F8F];
	_ =	sdelay $0x3  }
0x34: {  	[smem:$0x3F8F] =	sst s10  }
0x35: {  	s10 =	sld [smem:$0x3F8E];
	_ =	sdelay $0x3  }
0x36: {  	p1 =	seq.s32 s10, $0x1;
	s10 =	sld [smem:$0x3F8F];
	_ =	sdelay $0x3  }
0x37: {  	[smem:$0x3F8F] =	sst s10  }
0x38: {  	s10 =	sld [smem:$0x3F90]  }
0x39: {  	_ = 	snop;
	(pc) =	sbr.ind lr, $3  }
0x3a: {  	_ = 	snop  }
0x3b: {  	_ = 	snop  }
0x3c: {  	p2 =	seq.s32 s10, $0x1;
	s10 =	sld [smem:$0x3F8F]  }
0x3d: {  	_ =	shalt  }
0x3e: {  	_ =	shalt  }
0x3f: {  	_ =	shalt  }
0x40: {  	_ =	shalt  }
0x41: {  	_ =	shalt  }
0x42: {  	_ =	shalt  }
0x43: {  	_ =	shalt  }
0x44: {  	_ =	shalt  }
0x45: {  	_ =	shalt  }
0x46: {  	_ =	shalt  }
0x47: {  	_ =	shalt  }
0x48: {  	_ =	shalt  }
0x49: {  	_ =	shalt  }
0x4a: {  	_ =	shalt  }
0x4b: {  	_ =	shalt  }
0x4c: {  	_ =	shalt  }
0x4d: {  	_ =	shalt  }
0x4e: {  	_ =	shalt  }
0x4f: {  	_ =	shalt  }
0x50: {  	_ =	shalt  }
0x51: {  	_ =	shalt  }
0x52: {  	_ =	shalt  }
0x53: {  	_ =	shalt  }
0x54: {  	_ =	shalt  }
0x55: {  	_ =	shalt  }
0x56: {  	_ =	shalt  }
0x57: {  	_ =	shalt  }
0x58: {  	_ =	shalt  }
0x59: {  	_ =	shalt  }
0x5a: {  	_ =	shalt  }
0x5b: {  	_ =	shalt  }
0x5c: {  	_ =	shalt  }
0x5d: {  	_ =	shalt  }
0x5e: {  	_ =	shalt  }
0x5f: {  	_ =	shalt  }
0x60: {  	_ =	shalt  }
0x61: {  	_ =	shalt  }
0x62: {  	_ =	shalt  }
0x63: {  	_ =	shalt  }
0x64: {  	_ =	shalt  }
0x65: {  	_ =	shalt  }
0x66: {  	_ =	shalt  }
0x67: {  	_ =	shalt  }
0x68: {  	_ =	shalt  }
0x69: {  	_ =	shalt  }
0x6a: {  	_ =	shalt  }
0x6b: {  	_ =	shalt  }
0x6c: {  	_ =	shalt  }
0x6d: {  	_ =	shalt  }
0x6e: {  	_ =	shalt  }
0x6f: {  	_ =	shalt  }
0x70: {  	_ =	shalt  }
0x71: {  	_ =	shalt  }
0x72: {  	_ =	shalt  }
0x73: {  	_ =	shalt  }
0x74: {  	_ =	shalt  }
0x75: {  	_ =	shalt  }
0x76: {  	_ =	shalt  }
0x77: {  	_ =	shalt  }
0x78: {  	_ =	shalt  }
0x79: {  	_ =	shalt  }
0x7a: {  	_ =	shalt  }
0x7b: {  	_ =	shalt  }
0x7c: {  	_ =	shalt  }
0x7d: {  	_ =	shalt  }
0x7e: {  	_ =	shalt  }
0x7f: {  	_ =	shalt  }
0x80: {  	_ =	shalt  }
0x81: {  	_ =	shalt  }
0x82: {  	_ =	shalt  }
0x83: {  	_ =	shalt  }
0x84: {  	_ =	shalt  }
0x85: {  	_ =	shalt  }
0x86: {  	_ =	shalt  }
0x87: {  	_ =	shalt  }
.Lfunc_end0:
.L_simem_size_0:
called_computation.1_lowered:
.L_overlay_start_0:
0x88: {  	s2 =	sld [smem:$0x3FD9]  }
0x89: {  	s3 =	sld [smem:$0x3FFE];
	_ =	sdelay $0x1  }
0x8a: {  	s1 =	srdreg.scid  }
0x8b: {  	s0 =	sand.u32 $0x1, s1  }
0x8c: {  	s16 =	sshll.u32 s0, $0xA;
	s2 =	sadd.s32 s3, s2  }
0x8d: {  	s2 =	sadd.s32 s2, s16  }
0x8e: {  	[smem:$0x3F9B] =	sst s2  }
0x8f: {  	_ = 	snop  }
0x90: {  	(tm) =	ssettm $0x1  }
0x91: {  	s17 =	sld [smem:$0x3FFB];
	_ =	sdelay $0x3  }
0x92: {  	_ =	strace s17  }
0x93: {  	s2 =	sld [smem:$0x3FFC];
	_ =	sdelay $0x3  }
0x94: {  	_ =	strace s2  }
0x95: {  	s2 =	sld [smem:$0x3FFD];
	_ =	sdelay $0x3  }
0x96: {  	_ =	strace s2  }
0x97: {  	_ =	strace $0x8FFFFFFF  }
0x98: {  	s18 =	sld [smem:$0x3FDB];
	_ =	sdelay $0x1  }
0x99: {  	s19 =	simm.s32 $_scs_section_size  }
0x9a: {  	s4 =	simm.s32 $_size__tile_overlayer_lowered;
	s5 =	simm.s32 $_tile_overlayer_lowered  }
0x9b: {  	s22 =	simm.s32 $0x1BFF;
	s21 =	sshll.u32 s5, $0x1;
	s2 =	sadd.s32 s19, s18  }
0x9c: {  	s6 =	simm.s32 $0x0;
	s20 =	sshll.u32 s4, $0x1;
	s4 =	sadd.s32 s21, s2  }
0x9d: {  	[timem:s6], [sflag:s22] =	dma.local [hbm:s4], s20  }
0x9e: {  	_ =	swait.ge [sflag:s22], s20  }
0x9f: {  	s3 =	ssub.s32 $0x0, s20;
	[sflag:s22] =	ssyncset.done $0x0  }
0xa0: {  	[sflag:s22] =	ssyncadd.s32 s3;
	_ =	sdelay $0x1  }
0xa1: {  	s23 =	simm.s32 $0x1B8B  }
0xa2: {  	_ =	swait.ge [sflag:s23], $0x1  }
0xa3: {  	[sflag:s23] =	ssyncset.done $0x0  }
0xa4: {  	s25 =	simm.s32 $0x1B8E;
	s24 =	sld [smem:$0x3FFE];
	[sflag:s23] =	ssyncadd.s32 $0xFFFFFFFF  }
0xa5: {  	s26 =	simm.s32 $execute0_lowered;
	[smem:$0x3FD2] =	sst s25  }
0xa6: {  	s4 =	sshll.u32 s26, $0x1;
	_ =	strace $0x80000046;
	[dreg:$0x1] =	wrdreg $0xFFFFFFFF  }
0xa7: {  	s28 =	simm.s32 $_size_execute0_lowered;
	s2 =	sadd.s32 s2, s4;
	[dreg:$0x0] =	wrdreg $0x0  }
0xa8: {  	s4 =	sshll.u32 s28, $0x1;
	[dreg:$0x2] =	wrdreg s2  }
0xa9: {  	[dreg:$0x3] =	wrdreg s4  }
0xaa: {  	[dreg:$0x4] =	wrdreg $0xC0  }
0xab: {  	_ =	task [dreg:s6], $0x5FFFF  }
0xac: {  	[dreg:$0x1] =	wrdreg $0xFFFFFFFF  }
0xad: {  	[dreg:$0x0] =	wrdreg $0x60  }
0xae: {  	[dreg:$0x2] =	wrdreg s24  }
0xaf: {  	[dreg:$0x3] =	wrdreg $0xA  }
0xb0: {  	_ =	task.clear_ibuf [dreg:s6], $0x4FFFF;
	_ =	strace $0x90000046  }
0xb1: {  	s29 =	simm.s32 $0xA;
	_ =	strace $0x80000048  }
0xb2: {  	_ =	swait.ge [sflag:s29], $0x1  }
0xb3: {  	[sflag:s29] =	ssyncadd.s32 $0xFFFFFFFF  }
0xb4: {  	_ =	strace $0x90000048  }
0xb5: {  	_ =	sfence  }
0xb6: {  	s30 =	sld [smem:$0x0];
	_ =	sdelay $0x2  }
0xb7: {  	s31 =	sshll.u32 s1, $0xD;
	s1 =	sshrl.u32 s1, $0x2  }
0xb8: {  	s3 =	sand.u32 $0x4000, s31;
	s1 =	sadd.s32 s1, s30  }
0xb9: {  	s0 =	sor.u32 s3, s0;
	s1 =	sshll.u32 s1, $0x11  }
0xba: {  	s0 =	sor.u32 s1, s0  }
0xbb: {  	s0 =	sadd.s32 $0x8F2B, s0  }
0xbc: {  	[sflag:s0] =	ssyncadd.remote.s32 $0x1  }
0xbd: {  	_ =	sfence.sel $0xFFFF  }
0xbe: {  	[dreg:$0x0] =	wrdreg $0xFFFFFFFF;
	(pc) =	sbr.abs _section_cstart, $3  }
0xbf: {  	[dreg:$0x1] =	wrdreg $0xFFFFFFFF  }
0xc0: {  	_ =	task.clear_ibuf [dreg:s6], $0x2FFFF;
	_ =	strace $0x9FFFFFFF  }
0xc1: {  	(tm) =	ssettm $0x7FFFFFFF  }
tec
execute0_lowered:
.L_overlay_start_1:
0x0: {  	(tag) =	ssettag $0x1  }
0x1: {  	s1 =	srdreg.scid  }
0x2: {  	s0 =	stileid.u32;
	s3 =	rddreg [dreg:$0x0]  }
0x3: {  	s9 =	simm.s32 $0x1900;
	s10 =	simm.s32 $0x2100;
	s11 =	simm.s32 $0x2900  }
0x4: {  	s12 =	simm.s32 $0x3100;
	s13 =	simm.s32 $0x3900;
	s14 =	simm.s32 $0x4100  }
0x5: {  	s15 =	simm.s32 $0x4900;
	s16 =	simm.s32 $0x5100;
	s17 =	simm.s32 $0x5900  }
0x6: {  	s18 =	simm.s32 $0x6100;
	s19 =	simm.s32 $0x6900;
	s20 =	simm.s32 $0x7100  }
0x7: {  	s21 =	simm.s32 $0x7900;
	s22 =	simm.s32 $0x8100;
	s23 =	simm.s32 $0x8900  }
0x8: {  	s24 =	simm.s32 $0x9100;
	s28 =	simm.s32 $0xA900;
	s29 =	simm.s32 $0xB100  }
0x9: {  	s30 =	simm.s32 $0xB900;
	s1 =	sand.u32 $0x1, s1;
	s2 =	sshll.u32 s0, $0x1  }
0xa: {  	s31 =	simm.s32 $0x1;
	s7 =	sadd.s32 $0x9000, s3;
	s4 =	sor.u32 s1, s2  }
0xb: {  	s2 =	simm.s32 $0x0;
	s1 =	ssub.s32 $0x2, s1;
	s5 =	smul.u32 $0x18, s4  }
0xc: {  	[smem:$0x7FF] =	sst s2;
	s6 =	smul.u32 $0xC000, s4;
	s8 =	sshrl.u32 s1, $0x1  }
0xd: {  	s4 =	smul.u32 $0x1800, s4;
	_ =	strace $0x80000047;
	s1 =	ssub.s32 s1, s8  }
0xe: {  	s8 =	simm.s32 $0x1100;
	s5 =	sadd.s32 s5, s3;
	s6 =	sshrl.u32 s6, $0x3  }
0xf: {  	s4 =	sadd.s32 s7, s4;
	s3 =	sadd.s32 $0x48C00, s3;
	s5 =	sadd.s32 $0x8C00, s5  }
0x10: {  	s25 =	sadd.s32 s7, s6;
	[dreg:$0x3] =	wrdreg s4;
	s4 =	smax.u32 s1, $0x1  }
0x11: {  	v2 =	vlaneseq.u32;
	s6 =	simm.s32 $0x100;
	s7 =	simm.s32 $0x900;
	s1 =	simm.s32 $0x2  }
0x12: {  	vm0 =	vmmov $0xffff;
	v1 =	vshrl.u32 v2, $0x3;
	[dreg:$0x2] =	wrdreg s5;
	s26 =	sadd.s32 $0xC00, s25;
	s5 =	simm.s32 $0x3  }
0x13: {  	v0 =	vand.u32 $0x7, v2;
	v2 =	vor.u32 $0x8, v2;
	v1 =	vmul.u32 $0x8, v1;
	s25 =	simm.s32 $0x9900;
	[dreg:$0x4] =	wrdreg s26;
	s26 =	simm.s32 $0xA100  }
.LBB2_1:
0x14: {  	s0 =	rddreg [dreg:$0x2]  }
0x15: {  	[tilespmem:s2], [sflag:$0x3] =	stream.linear.gather [hbm4b:s0+s2], $0xC0, $0x38;
	[tilespmem:$0xC100] =	vst v63  }
0x16: {  	_ =	swait.ge [sflag:s5], $0xC0  }
0x17: {  	[sflag:s5] =	ssyncset.done $0x0  }
0x18: {  	[sflag:s5] =	ssyncadd.s32 $0xFFFFFF40  }
0x19: {  	v3 =	vld [tilespmem:$0x0];
	_ =	sdelay $0x4  }
0x1a: {  	v4 =	vshll.u32 v3, $0x1  }
0x1b: {  	v3 =	vand.u32 $0x7, v3;
	v4 =	vand.u32 $0xFFFFFFF0, v4  }
0x1c: {  	v3 =	vor.u32 v3, v4  }
0x1d: {  	v4 =	vperm.xlane v3, v0;
	_ =	sdelay $0x1  }
0x1e: {  	v3 =	vperm.xlane v3, v2;
	v4 =	vadd.s32 v1, v4;
	_ =	sdelay $0x1  }
0x1f: {  	v3 =	vadd.s32 v1, v3;
	_ =	sdelay $0x2  }
0x20: {  	[tilespmem:s6], [sflag:$0x1] =	stream.indirect_vreg.gather [hbm4b:s3+s2], $0x80, v4, vm0, $0xb8;
	[tilespmem:$0xC100] =	vst v63  }
0x21: {  	_ = 	snop  }
0x22: {  	[tilespmem:s7], [sflag:$0x1] =	stream.indirect_vreg.gather [hbm4b:s3+s2], $0x80, v3, vm0, $0xb8;
	[tilespmem:$0xC100] =	vst v63  }
0x23: {  	v3 =	vld [tilespmem:$0x10];
	_ =	sdelay $0x4  }
0x24: {  	v53 =	vshll.u32 v3, $0x1  }
0x25: {  	v3 =	vand.u32 $0x7, v3;
	v4 =	vand.u32 $0xFFFFFFF0, v53  }
0x26: {  	v3 =	vor.u32 v3, v4  }
0x27: {  	v4 =	vperm.xlane v3, v0;
	_ =	sdelay $0x1  }
0x28: {  	v3 =	vperm.xlane v3, v2;
	v4 =	vadd.s32 v1, v4;
	_ =	sdelay $0x1  }
0x29: {  	v3 =	vadd.s32 v1, v3;
	_ =	sdelay $0x2  }
0x2a: {  	[tilespmem:s8], [sflag:$0x1] =	stream.indirect_vreg.gather [hbm4b:s3+s2], $0x80, v4, vm0, $0xb8;
	[tilespmem:$0xC100] =	vst v63  }
0x2b: {  	_ = 	snop  }
0x2c: {  	[tilespmem:s9], [sflag:$0x1] =	stream.indirect_vreg.gather [hbm4b:s3+s2], $0x80, v3, vm0, $0xb8;
	[tilespmem:$0xC100] =	vst v63  }
0x2d: {  	v3 =	vld [tilespmem:$0x20];
	_ =	sdelay $0x4  }
0x2e: {  	v54 =	vshll.u32 v3, $0x1  }
0x2f: {  	v3 =	vand.u32 $0x7, v3;
	v4 =	vand.u32 $0xFFFFFFF0, v54  }
0x30: {  	v3 =	vor.u32 v3, v4  }
0x31: {  	v4 =	vperm.xlane v3, v0;
	_ =	sdelay $0x1  }
0x32: {  	v3 =	vperm.xlane v3, v2;
	v4 =	vadd.s32 v1, v4;
	_ =	sdelay $0x1  }
0x33: {  	v3 =	vadd.s32 v1, v3;
	_ =	sdelay $0x2  }
0x34: {  	[tilespmem:s10], [sflag:$0x1] =	stream.indirect_vreg.gather [hbm4b:s3+s2], $0x80, v4, vm0, $0xb8;
	[tilespmem:$0xC100] =	vst v63  }
0x35: {  	_ = 	snop  }
0x36: {  	[tilespmem:s11], [sflag:$0x1] =	stream.indirect_vreg.gather [hbm4b:s3+s2], $0x80, v3, vm0, $0xb8;
	[tilespmem:$0xC100] =	vst v63  }
0x37: {  	v3 =	vld [tilespmem:$0x30];
	_ =	sdelay $0x4  }
0x38: {  	v55 =	vshll.u32 v3, $0x1  }
0x39: {  	v3 =	vand.u32 $0x7, v3;
	v4 =	vand.u32 $0xFFFFFFF0, v55  }
0x3a: {  	v3 =	vor.u32 v3, v4  }
0x3b: {  	v4 =	vperm.xlane v3, v0;
	_ =	sdelay $0x1  }
0x3c: {  	v3 =	vperm.xlane v3, v2;
	v4 =	vadd.s32 v1, v4;
	_ =	sdelay $0x1  }
0x3d: {  	v3 =	vadd.s32 v1, v3;
	_ =	sdelay $0x2  }
0x3e: {  	[tilespmem:s12], [sflag:$0x1] =	stream.indirect_vreg.gather [hbm4b:s3+s2], $0x80, v4, vm0, $0xb8;
	[tilespmem:$0xC100] =	vst v63  }
0x3f: {  	_ = 	snop  }
0x40: {  	[tilespmem:s13], [sflag:$0x1] =	stream.indirect_vreg.gather [hbm4b:s3+s2], $0x80, v3, vm0, $0xb8;
	[tilespmem:$0xC100] =	vst v63  }
0x41: {  	v3 =	vld [tilespmem:$0x40];
	_ =	sdelay $0x4  }
0x42: {  	v56 =	vshll.u32 v3, $0x1  }
0x43: {  	v3 =	vand.u32 $0x7, v3;
	v4 =	vand.u32 $0xFFFFFFF0, v56  }
0x44: {  	v3 =	vor.u32 v3, v4  }
0x45: {  	v4 =	vperm.xlane v3, v0;
	_ =	sdelay $0x1  }
0x46: {  	v3 =	vperm.xlane v3, v2;
	v4 =	vadd.s32 v1, v4;
	_ =	sdelay $0x1  }
0x47: {  	v3 =	vadd.s32 v1, v3;
	_ =	sdelay $0x2  }
0x48: {  	[tilespmem:s14], [sflag:$0x1] =	stream.indirect_vreg.gather [hbm4b:s3+s2], $0x80, v4, vm0, $0xb8;
	[tilespmem:$0xC100] =	vst v63  }
0x49: {  	_ = 	snop  }
0x4a: {  	[tilespmem:s15], [sflag:$0x1] =	stream.indirect_vreg.gather [hbm4b:s3+s2], $0x80, v3, vm0, $0xb8;
	[tilespmem:$0xC100] =	vst v63  }
0x4b: {  	v3 =	vld [tilespmem:$0x50];
	_ =	sdelay $0x4  }
0x4c: {  	v57 =	vshll.u32 v3, $0x1  }
0x4d: {  	v3 =	vand.u32 $0x7, v3;
	v4 =	vand.u32 $0xFFFFFFF0, v57  }
0x4e: {  	v3 =	vor.u32 v3, v4  }
0x4f: {  	v4 =	vperm.xlane v3, v0;
	_ =	sdelay $0x1  }
0x50: {  	v3 =	vperm.xlane v3, v2;
	v4 =	vadd.s32 v1, v4;
	_ =	sdelay $0x1  }
0x51: {  	v3 =	vadd.s32 v1, v3;
	_ =	sdelay $0x2  }
0x52: {  	[tilespmem:s16], [sflag:$0x1] =	stream.indirect_vreg.gather [hbm4b:s3+s2], $0x80, v4, vm0, $0xb8;
	[tilespmem:$0xC100] =	vst v63  }
0x53: {  	_ = 	snop  }
0x54: {  	[tilespmem:s17], [sflag:$0x1] =	stream.indirect_vreg.gather [hbm4b:s3+s2], $0x80, v3, vm0, $0xb8;
	[tilespmem:$0xC100] =	vst v63  }
0x55: {  	v3 =	vld [tilespmem:$0x60];
	_ =	sdelay $0x4  }
0x56: {  	v58 =	vshll.u32 v3, $0x1  }
0x57: {  	v3 =	vand.u32 $0x7, v3;
	v4 =	vand.u32 $0xFFFFFFF0, v58  }
0x58: {  	v3 =	vor.u32 v3, v4  }
0x59: {  	v4 =	vperm.xlane v3, v0;
	_ =	sdelay $0x1  }
0x5a: {  	v3 =	vperm.xlane v3, v2;
	v4 =	vadd.s32 v1, v4;
	_ =	sdelay $0x1  }
0x5b: {  	v3 =	vadd.s32 v1, v3;
	_ =	sdelay $0x2  }
0x5c: {  	[tilespmem:s18], [sflag:$0x2] =	stream.indirect_vreg.gather [hbm4b:s3+s2], $0x80, v4, vm0, $0xb8;
	[tilespmem:$0xC100] =	vst v63  }
0x5d: {  	_ = 	snop  }
0x5e: {  	[tilespmem:s19], [sflag:$0x2] =	stream.indirect_vreg.gather [hbm4b:s3+s2], $0x80, v3, vm0, $0xb8;
	[tilespmem:$0xC100] =	vst v63  }
0x5f: {  	v3 =	vld [tilespmem:$0x70];
	_ =	sdelay $0x4  }
0x60: {  	v59 =	vshll.u32 v3, $0x1  }
0x61: {  	v3 =	vand.u32 $0x7, v3;
	v4 =	vand.u32 $0xFFFFFFF0, v59  }
0x62: {  	v3 =	vor.u32 v3, v4  }
0x63: {  	v4 =	vperm.xlane v3, v0;
	_ =	sdelay $0x1  }
0x64: {  	v3 =	vperm.xlane v3, v2;
	v4 =	vadd.s32 v1, v4;
	_ =	sdelay $0x1  }
0x65: {  	v3 =	vadd.s32 v1, v3;
	_ =	sdelay $0x2  }
0x66: {  	[tilespmem:s20], [sflag:$0x2] =	stream.indirect_vreg.gather [hbm4b:s3+s2], $0x80, v4, vm0, $0xb8;
	[tilespmem:$0xC100] =	vst v63  }
0x67: {  	_ = 	snop  }
0x68: {  	[tilespmem:s21], [sflag:$0x2] =	stream.indirect_vreg.gather [hbm4b:s3+s2], $0x80, v3, vm0, $0xb8;
	[tilespmem:$0xC100] =	vst v63  }
0x69: {  	v3 =	vld [tilespmem:$0x80];
	_ =	sdelay $0x4  }
0x6a: {  	v60 =	vshll.u32 v3, $0x1  }
0x6b: {  	v3 =	vand.u32 $0x7, v3;
	v4 =	vand.u32 $0xFFFFFFF0, v60  }
0x6c: {  	v3 =	vor.u32 v3, v4  }
0x6d: {  	v4 =	vperm.xlane v3, v0;
	_ =	sdelay $0x1  }
0x6e: {  	v3 =	vperm.xlane v3, v2;
	v4 =	vadd.s32 v1, v4;
	_ =	sdelay $0x1  }
0x6f: {  	v3 =	vadd.s32 v1, v3;
	_ =	sdelay $0x2  }
0x70: {  	[tilespmem:s22], [sflag:$0x2] =	stream.indirect_vreg.gather [hbm4b:s3+s2], $0x80, v4, vm0, $0xb8;
	[tilespmem:$0xC100] =	vst v63  }
0x71: {  	_ = 	snop  }
0x72: {  	[tilespmem:s23], [sflag:$0x2] =	stream.indirect_vreg.gather [hbm4b:s3+s2], $0x80, v3, vm0, $0xb8;
	[tilespmem:$0xC100] =	vst v63  }
0x73: {  	v3 =	vld [tilespmem:$0x90];
	_ =	sdelay $0x4  }
0x74: {  	v61 =	vshll.u32 v3, $0x1  }
0x75: {  	v3 =	vand.u32 $0x7, v3;
	v4 =	vand.u32 $0xFFFFFFF0, v61  }
0x76: {  	v3 =	vor.u32 v3, v4  }
0x77: {  	v4 =	vperm.xlane v3, v0;
	_ =	sdelay $0x1  }
0x78: {  	v3 =	vperm.xlane v3, v2;
	v4 =	vadd.s32 v1, v4;
	_ =	sdelay $0x1  }
0x79: {  	v3 =	vadd.s32 v1, v3;
	_ =	sdelay $0x2  }
0x7a: {  	[tilespmem:s24], [sflag:$0x2] =	stream.indirect_vreg.gather [hbm4b:s3+s2], $0x80, v4, vm0, $0xb8;
	[tilespmem:$0xC100] =	vst v63  }
0x7b: {  	_ = 	snop  }
0x7c: {  	[tilespmem:s25], [sflag:$0x2] =	stream.indirect_vreg.gather [hbm4b:s3+s2], $0x80, v3, vm0, $0xb8;
	[tilespmem:$0xC100] =	vst v63  }
0x7d: {  	v3 =	vld [tilespmem:$0xA0];
	_ =	sdelay $0x4  }
0x7e: {  	v62 =	vshll.u32 v3, $0x1  }
0x7f: {  	v3 =	vand.u32 $0x7, v3;
	v4 =	vand.u32 $0xFFFFFFF0, v62  }
0x80: {  	v3 =	vor.u32 v3, v4  }
0x81: {  	v4 =	vperm.xlane v3, v0;
	_ =	sdelay $0x1  }
0x82: {  	v3 =	vperm.xlane v3, v2;
	v4 =	vadd.s32 v1, v4;
	_ =	sdelay $0x1  }
0x83: {  	v3 =	vadd.s32 v1, v3;
	_ =	sdelay $0x2  }
0x84: {  	[tilespmem:s26], [sflag:$0x2] =	stream.indirect_vreg.gather [hbm4b:s3+s2], $0x80, v4, vm0, $0xb8;
	[tilespmem:$0xC100] =	vst v63  }
0x85: {  	_ = 	snop  }
0x86: {  	[tilespmem:s28], [sflag:$0x2] =	stream.indirect_vreg.gather [hbm4b:s3+s2], $0x80, v3, vm0, $0xb8;
	[tilespmem:$0xC100] =	vst v63  }
0x87: {  	v3 =	vld [tilespmem:$0xB0];
	_ =	sdelay $0x4  }
0x88: {  	v63 =	vshll.u32 v3, $0x1  }
0x89: {  	v3 =	vand.u32 $0x7, v3;
	v4 =	vand.u32 $0xFFFFFFF0, v63  }
0x8a: {  	v3 =	vor.u32 v3, v4  }
0x8b: {  	v4 =	vperm.xlane v3, v0;
	_ =	sdelay $0x1  }
0x8c: {  	v3 =	vperm.xlane v3, v2;
	v4 =	vadd.s32 v1, v4;
	_ =	sdelay $0x1  }
0x8d: {  	v3 =	vadd.s32 v1, v3;
	_ =	sdelay $0x2  }
0x8e: {  	[tilespmem:s29], [sflag:$0x2] =	stream.indirect_vreg.gather [hbm4b:s3+s2], $0x80, v4, vm0, $0xb8;
	[tilespmem:$0xC100] =	vst v63  }
0x8f: {  	_ = 	snop  }
0x90: {  	[tilespmem:s30], [sflag:$0x2] =	stream.indirect_vreg.gather [hbm4b:s3+s2], $0x80, v3, vm0, $0xb8;
	[tilespmem:$0xC100] =	vst v63  }
0x91: {  	_ =	swait.ge [sflag:s31], $0x6000  }
0x92: {  	[sflag:s31] =	ssyncset.done $0x0  }
0x93: {  	s0 =	rddreg [dreg:$0x3];
	[sflag:s31] =	ssyncadd.s32 $0xFFFFA000  }
0x94: {  	[hbm4b:s0+s2] =	stream.linear.scatter [tilespmem:s6], [sflag:$0x3], $0x6000, $0x38;
	[tilespmem:$0xC100] =	vst v63  }
0x95: {  	_ =	swait.ge [sflag:s5], $0x6000  }
0x96: {  	[sflag:s5] =	ssyncset.done $0x0  }
0x97: {  	[sflag:s5] =	ssyncadd.s32 $0xFFFFA000  }
0x98: {  	_ =	swait.ge [sflag:s1], $0x6000  }
0x99: {  	p0 =	sne.s32 s4, $0x1;
	[sflag:s1] =	ssyncset.done $0x0  }
.Ltmp0:
0x9a: {  	s0 =	rddreg [dreg:$0x4];
	[sflag:s1] =	ssyncadd.s32 $0xFFFFA000;
	(pc) =	sbr.rel @p0 .LBB2_1-.Ltmp0, $4  }
0x9b: {  	[hbm4b:s0+s2] =	stream.linear.scatter [tilespmem:s18], [sflag:$0x3], $0x6000, $0x38;
	[tilespmem:$0xC100] =	vst v63  }
0x9c: {  	_ =	swait.ge [sflag:s5], $0x6000  }
0x9d: {  	[sflag:s5] =	ssyncset.done $0x0  }
0x9e: {  	s4 =	sadd.s32 $0xFFFFFFFF, s4;
	[sflag:s5] =	ssyncadd.s32 $0xFFFFA000  }
0x9f: {  	_ =	sfence.sel $0x180000  }
0xa0: {  	[bflag:$0x0] =	sbarrier.arrive $0xFFFF  }
0xa1: {  	_ =	strace $0x90000047  }
0xa2: {  	s0 =	stileid.u32;
	[bflag:$0x2] =	sbarrier.arrive $0xFFFF  }
0xa3: {  	p0 =	sne.s32 s0, $0x0;
	s0 =	rddreg [dreg:$0x1]  }
0xa4: {  	s0 =	sadd.s32 @!p0 $0x100000, s0  }
0xa5: {  	[sflag:s0] =	ssyncadd.tile.s32 @!p0 $0x1;
	_ =	shalt  }
.Lfunc_end2:
_tile_overlayer_lowered:
.L_overlay_start_2:
0xa6: {  	(tag) =	ssettag $0x2  }
0xa7: {  	s0 =	rddreg [dreg:$0x0];
	s2 =	stileid.u32  }
0xa8: {  	s1 =	rddreg [dreg:$0x1];
	p0 =	sne.s32 s2, $0x0  }
0xa9: {  	s3 =	rddreg [dreg:$0x2];
	[bflag:$0x3] =	sbarrier.arrive $0xFFFF;
	s2 =	simm.s32 @!p0 $0x1C03  }
0xaa: {  	[timem:s3], [sflag:s2] =	dma.local @!p0 [hbm:s0], s1  }
0xab: {  	s0 =	simm.s32 @!p0 $0x3  }
0xac: {  	_ =	swait.ge @!p0 [sflag:s0], s1  }
0xad: {  	s1 =	ssub.s32 @!p0 $0x0, s1;
	[sflag:s0] =	ssyncset.done @!p0 $0x0  }
0xae: {  	[sflag:s0] =	ssyncadd.s32 @!p0 s1  }
0xaf: {  	[bflag:$0x3] =	sbarrier.arrive $0xFFFF  }
0xb0: {  	_ =	shalt  }

// kernel: kernel.24.cloned.1.call-start
scs
__scs_entry_jumppad:
0x0: {  	(pc) =	sbr.rel $0x88, $3  }
0x1: {  	(tag) =	ssettag $0x0;
	lr =	simm.s32 $0x1  }
0x2: {  	[smem:$0x3F74] =	sst lr;
	_ =	strace $0xD0000000  }
0x3: {  	_ = 	snop  }
0x4: {  	_ = 	snop  }
0x5: {  	_ = 	snop  }
0x6: {  	_ = 	snop  }
0x7: {  	_ = 	snop  }
__scs_overlays_trampoline_lowered:
0x8: {  	[smem:$0x3F83] =	sst s0  }
0x9: {  	[smem:$0x3F84] =	sst s1  }
0xa: {  	[smem:$0x3F85] =	sst s2  }
0xb: {  	[smem:$0x3F86] =	sst s3  }
0xc: {  	[smem:$0x3F87] =	sst s4  }
0xd: {  	[smem:$0x3F88] =	sst s5  }
0xe: {  	[smem:$0x3F89] =	sst s6  }
0xf: {  	[smem:$0x3F8A] =	sst s7  }
0x10: {  	[smem:$0x3F8B] =	sst s8  }
0x11: {  	[smem:$0x3F8C] =	sst s9;
	s0 =	simm.s32 @!p0 $0x0  }
0x12: {  	s1 =	sld [smem:$0x3F72];
	s0 =	simm.s32 @p0 $0x1  }
0x13: {  	[smem:$0x3F8D] =	sst s0;
	s0 =	simm.s32 @!p1 $0x0  }
0x14: {  	s2 =	sld [smem:$0x3F71];
	s0 =	simm.s32 @p1 $0x1  }
0x15: {  	[smem:$0x3F8E] =	sst s0;
	s0 =	simm.s32 @!p2 $0x0  }
0x16: {  	s3 =	sld [smem:$0x3FDB];
	s0 =	simm.s32 @p2 $0x1  }
0x17: {  	s4 =	simm.s32 $0x1BF5;
	[smem:$0x3F90] =	sst s0  }
0x18: {  	s0 =	sld [smem:$0x3F73];
	_ =	swait.ge [sflag:s4], $0x0  }
0x19: {  	s7 =	sld [smem:$0x3F74]  }
0x1a: {  	s8 =	sadd.s32 $0xFFFFE003, lr  }
0x1b: {  	s9 =	sadd.s32 $0xFFFFFEF7, lr;
	s5 =	simm.s32 $0xFFFFFFFF;
	p2 =	slt.u32 s8, $0xFFFFF086  }
0x1c: {  	p1 =	slt.u32 s9, $0xF7A;
	s5 =	simm.s32 @!p2 $0x0  }
0x1d: {  	s5 =	simm.s32 @p1 $0x1;
	p0 =	seq.s32 s7, s2  }
0x1e: {  	s7 =	smul.u32 @!p0 $0xF7A, s2;
	p2 =	seq.s32 @!p0 s5, $0x0  }
0x1f: {  	s9 =	smul.u32 $0xF7A, s1;
	s8 =	simm.s32 @!p0 $0x1BF5;
	p2 =	por !p2, p0  }
0x20: {  	[sflag:s8] =	ssyncset.s32 @!p0 $0xFFFFF086;
	s6 =	sadd.s32 @!p0 s3, s7;
	s7 =	simm.s32 @!p0 $0x108  }
0x21: {  	s3 =	sadd.s32 s3, s9;
	s6 =	sadd.s32 @!p0 $0x88, s6;
	s7 =	simm.s32 @p2 $0x1082  }
0x22: {  	[simem:s7], [sflag:s8] =	dma.local @!p0 [hbm:s6], $0xF7A  }
0x23: {  	s9 =	sor.u32 $0xD0000000, s2;
	s6 =	simm.s32 $0x108;
	_ =	swait.ge @!p0 [sflag:s8], $0x0  }
0x24: {  	s3 =	sadd.s32 $0x88, s3;
	s6 =	simm.s32 @!p1 $0x1082;
	[sflag:s4] =	ssyncset.s32 $0xFFFFF086  }
0x25: {  	[simem:s6], [sflag:s4] =	dma.local [hbm:s3], $0xF7A  }
0x26: {  	[smem:$0x3F74] =	sst s1;
	(tag) =	ssettag s2;
	_ =	strace s9  }
0x27: {  	s1 =	sld [smem:$0x3F84]  }
0x28: {  	s2 =	sld [smem:$0x3F85]  }
0x29: {  	s4 =	sld [smem:$0x3F87]  }
0x2a: {  	p0 =	seq.s32 s5, $0x0;
	s5 =	sld [smem:$0x3F88]  }
0x2b: {  	s6 =	sld [smem:$0x3F89]  }
0x2c: {  	s7 =	sld [smem:$0x3F8A]  }
0x2d: {  	s3 =	simm.s32 $0x108;
	s8 =	sld [smem:$0x3F8B]  }
0x2e: {  	s3 =	simm.s32 @!p0 $0x1082;
	s9 =	sld [smem:$0x3F8C]  }
0x2f: {  	lr =	sadd.s32 s0, s3;
	s0 =	sld [smem:$0x3F83]  }
0x30: {  	s3 =	sld [smem:$0x3F86]  }
0x31: {  	[smem:$0x3F8F] =	sst s10  }
0x32: {  	s10 =	sld [smem:$0x3F8D];
	_ =	sdelay $0x3  }
0x33: {  	p0 =	seq.s32 s10, $0x1;
	s10 =	sld [smem:$0x3F8F];
	_ =	sdelay $0x3  }
0x34: {  	[smem:$0x3F8F] =	sst s10  }
0x35: {  	s10 =	sld [smem:$0x3F8E];
	_ =	sdelay $0x3  }
0x36: {  	p1 =	seq.s32 s10, $0x1;
	s10 =	sld [smem:$0x3F8F];
	_ =	sdelay $0x3  }
0x37: {  	[smem:$0x3F8F] =	sst s10  }
0x38: {  	s10 =	sld [smem:$0x3F90]  }
0x39: {  	_ = 	snop;
	(pc) =	sbr.ind lr, $3  }
0x3a: {  	_ = 	snop  }
0x3b: {  	_ = 	snop  }
0x3c: {  	p2 =	seq.s32 s10, $0x1;
	s10 =	sld [smem:$0x3F8F]  }
0x3d: {  	_ =	shalt  }
0x3e: {  	_ =	shalt  }
0x3f: {  	_ =	shalt  }
0x40: {  	_ =	shalt  }
0x41: {  	_ =	shalt  }
0x42: {  	_ =	shalt  }
0x43: {  	_ =	shalt  }
0x44: {  	_ =	shalt  }
0x45: {  	_ =	shalt  }
0x46: {  	_ =	shalt  }
0x47: {  	_ =	shalt  }
0x48: {  	_ =	shalt  }
0x49: {  	_ =	shalt  }
0x4a: {  	_ =	shalt  }
0x4b: {  	_ =	shalt  }
0x4c: {  	_ =	shalt  }
0x4d: {  	_ =	shalt  }
0x4e: {  	_ =	shalt  }
0x4f: {  	_ =	shalt  }
0x50: {  	_ =	shalt  }
0x51: {  	_ =	shalt  }
0x52: {  	_ =	shalt  }
0x53: {  	_ =	shalt  }
0x54: {  	_ =	shalt  }
0x55: {  	_ =	shalt  }
0x56: {  	_ =	shalt  }
0x57: {  	_ =	shalt  }
0x58: {  	_ =	shalt  }
0x59: {  	_ =	shalt  }
0x5a: {  	_ =	shalt  }
0x5b: {  	_ =	shalt  }
0x5c: {  	_ =	shalt  }
0x5d: {  	_ =	shalt  }
0x5e: {  	_ =	shalt  }
0x5f: {  	_ =	shalt  }
0x60: {  	_ =	shalt  }
0x61: {  	_ =	shalt  }
0x62: {  	_ =	shalt  }
0x63: {  	_ =	shalt  }
0x64: {  	_ =	shalt  }
0x65: {  	_ =	shalt  }
0x66: {  	_ =	shalt  }
0x67: {  	_ =	shalt  }
0x68: {  	_ =	shalt  }
0x69: {  	_ =	shalt  }
0x6a: {  	_ =	shalt  }
0x6b: {  	_ =	shalt  }
0x6c: {  	_ =	shalt  }
0x6d: {  	_ =	shalt  }
0x6e: {  	_ =	shalt  }
0x6f: {  	_ =	shalt  }
0x70: {  	_ =	shalt  }
0x71: {  	_ =	shalt  }
0x72: {  	_ =	shalt  }
0x73: {  	_ =	shalt  }
0x74: {  	_ =	shalt  }
0x75: {  	_ =	shalt  }
0x76: {  	_ =	shalt  }
0x77: {  	_ =	shalt  }
0x78: {  	_ =	shalt  }
0x79: {  	_ =	shalt  }
0x7a: {  	_ =	shalt  }
0x7b: {  	_ =	shalt  }
0x7c: {  	_ =	shalt  }
0x7d: {  	_ =	shalt  }
0x7e: {  	_ =	shalt  }
0x7f: {  	_ =	shalt  }
0x80: {  	_ =	shalt  }
0x81: {  	_ =	shalt  }
0x82: {  	_ =	shalt  }
0x83: {  	_ =	shalt  }
0x84: {  	_ =	shalt  }
0x85: {  	_ =	shalt  }
0x86: {  	_ =	shalt  }
0x87: {  	_ =	shalt  }
.Lfunc_end0:
.L_simem_size_0:
called_computation.2_lowered:
.L_overlay_start_0:
0x88: {  	s2 =	sld [smem:$0x3FD9]  }
0x89: {  	s3 =	sld [smem:$0x3FFE];
	_ =	sdelay $0x1  }
0x8a: {  	s1 =	srdreg.scid  }
0x8b: {  	s0 =	sand.u32 $0x1, s1  }
0x8c: {  	s17 =	sshll.u32 s0, $0xA;
	s2 =	sadd.s32 s3, s2  }
0x8d: {  	s2 =	sadd.s32 s2, s17  }
0x8e: {  	[smem:$0x3F9B] =	sst s2  }
0x8f: {  	_ = 	snop  }
0x90: {  	(tm) =	ssettm $0x1  }
0x91: {  	s18 =	sld [smem:$0x3FFB];
	_ =	sdelay $0x3  }
0x92: {  	_ =	strace s18  }
0x93: {  	s2 =	sld [smem:$0x3FFC];
	_ =	sdelay $0x3  }
0x94: {  	_ =	strace s2  }
0x95: {  	s2 =	sld [smem:$0x3FFD];
	_ =	sdelay $0x3  }
0x96: {  	_ =	strace s2  }
0x97: {  	_ =	strace $0x8FFFFFFF  }
0x98: {  	s19 =	sld [smem:$0x3FDB];
	_ =	sdelay $0x1  }
0x99: {  	s20 =	simm.s32 $_scs_section_size  }
0x9a: {  	s4 =	simm.s32 $_size__tile_overlayer_lowered;
	s5 =	simm.s32 $_tile_overlayer_lowered  }
0x9b: {  	s6 =	simm.s32 $0x1BFF;
	s21 =	sshll.u32 s5, $0x1;
	s3 =	sadd.s32 s20, s19  }
0x9c: {  	s22 =	simm.s32 $0x0;
	s4 =	sshll.u32 s4, $0x1;
	s5 =	sadd.s32 s21, s3  }
0x9d: {  	[timem:s22], [sflag:s6] =	dma.local [hbm:s5], s4  }
0x9e: {  	_ =	swait.ge [sflag:s6], s4  }
0x9f: {  	s4 =	ssub.s32 $0x0, s4;
	[sflag:s6] =	ssyncset.done $0x0  }
0xa0: {  	[sflag:s6] =	ssyncadd.s32 s4;
	_ =	sdelay $0x1  }
0xa1: {  	s23 =	simm.s32 $0x1B8B  }
0xa2: {  	_ =	swait.ge [sflag:s23], $0x1  }
0xa3: {  	[sflag:s23] =	ssyncset.done $0x0  }
0xa4: {  	[sflag:s23] =	ssyncadd.s32 $0xFFFFFFFF  }
0xa5: {  	s4 =	sld [smem:$0x0]  }
0xa6: {  	s5 =	sand.u32 $0xFFFFFFFE, s1  }
0xa7: {  	p0 =	sne.s32 s1, s5  }
0xa8: {  	s5 =	sshll.u32 @p0 s5, $0xE  }
0xa9: {  	s5 =	sadd.s32 @p0 $0x11B8D, s5;
	s6 =	sshll.u32 @p0 s4, $0x11  }
0xaa: {  	s5 =	sor.u32 @p0 s6, s5  }
0xab: {  	[sflag:s5] =	ssyncadd.remote.s32 @p0 $0x1;
	_ =	sdelay $0x1  }
0xac: {  	s5 =	simm.s32 @p0 $0x1B8D  }
0xad: {  	_ =	swait.eq @p0 [sflag:s5], $0x1  }
0xae: {  	[sflag:s5] =	ssyncadd.s32 @p0 $0xFFFFFFFF  }
0xaf: {  	s6 =	sshll.u32 @!p0 s1, $0xE  }
0xb0: {  	s6 =	sor.u32 @!p0 $0x4000, s6;
	s5 =	simm.s32 @!p0 $0x1B8D  }
0xb1: {  	s4 =	sshll.u32 @!p0 s4, $0x11;
	s6 =	sadd.s32 @!p0 $0x11B8D, s6;
	_ =	swait.eq @!p0 [sflag:s5], $0x1  }
0xb2: {  	s4 =	sor.u32 @!p0 s4, s6;
	[sflag:s5] =	ssyncadd.s32 @!p0 $0xFFFFFFFF  }
0xb3: {  	s25 =	simm.s32 $0x1B8E;
	s24 =	sld [smem:$0x3FFE];
	[sflag:s4] =	ssyncadd.remote.s32 @!p0 $0x1  }
0xb4: {  	s26 =	simm.s32 $execute0_lowered;
	[smem:$0x3FD2] =	sst s25  }
0xb5: {  	s5 =	sshll.u32 s26, $0x1;
	_ =	strace $0x8000004C;
	[dreg:$0x1] =	wrdreg $0xFFFFFFFF  }
0xb6: {  	s28 =	simm.s32 $_size_execute0_lowered;
	s3 =	sadd.s32 s3, s5;
	[dreg:$0x0] =	wrdreg $0x0  }
0xb7: {  	s5 =	sshll.u32 s28, $0x1;
	[dreg:$0x2] =	wrdreg s3  }
0xb8: {  	[dreg:$0x3] =	wrdreg s5  }
0xb9: {  	[dreg:$0x4] =	wrdreg $0xC0  }
0xba: {  	_ =	task [dreg:s22], $0x5FFFF  }
0xbb: {  	[dreg:$0x1] =	wrdreg $0xFFFFFFFF  }
0xbc: {  	[dreg:$0x0] =	wrdreg $0x60  }
0xbd: {  	[dreg:$0x2] =	wrdreg s24  }
0xbe: {  	[dreg:$0x3] =	wrdreg $0xB  }
0xbf: {  	_ =	task.clear_ibuf [dreg:s22], $0x4FFFF;
	_ =	strace $0x9000004C  }
0xc0: {  	s29 =	simm.s32 $0xB;
	_ =	strace $0x8000004E  }
0xc1: {  	_ =	swait.ge [sflag:s29], $0x1  }
0xc2: {  	[sflag:s29] =	ssyncadd.s32 $0xFFFFFFFF  }
0xc3: {  	_ =	strace $0x9000004E  }
0xc4: {  	_ =	sfence  }
0xc5: {  	s30 =	sld [smem:$0x0];
	_ =	sdelay $0x2  }
0xc6: {  	s31 =	sshll.u32 s1, $0xD;
	s1 =	sshrl.u32 s1, $0x2  }
0xc7: {  	s4 =	sand.u32 $0x4000, s31;
	s1 =	sadd.s32 s1, s30  }
0xc8: {  	s0 =	sor.u32 s4, s0;
	s1 =	sshll.u32 s1, $0x11  }
0xc9: {  	s0 =	sor.u32 s1, s0  }
0xca: {  	s0 =	sadd.s32 $0x8F2B, s0  }
0xcb: {  	[sflag:s0] =	ssyncadd.remote.s32 $0x1  }
0xcc: {  	_ =	sfence.sel $0xFFFF  }
0xcd: {  	[dreg:$0x0] =	wrdreg $0xFFFFFFFF;
	(pc) =	sbr.abs _section_cstart, $3  }
0xce: {  	[dreg:$0x1] =	wrdreg $0xFFFFFFFF  }
0xcf: {  	_ =	task.clear_ibuf [dreg:s22], $0x2FFFF;
	_ =	strace $0x9FFFFFFF  }
0xd0: {  	(tm) =	ssettm $0x7FFFFFFF  }
0xd1: {  	_ =	shalt  }
tec
execute0_lowered:
.L_overlay_start_1:
0x0: {  	(tag) =	ssettag $0x1  }
0x1: {  	s1 =	srdreg.scid  }
0x2: {  	s0 =	stileid.u32;
	s3 =	rddreg [dreg:$0x0]  }
0x3: {  	s9 =	simm.s32 $0x1900;
	s10 =	simm.s32 $0x2100;
	s11 =	simm.s32 $0x2900  }
0x4: {  	s12 =	simm.s32 $0x3100;
	s13 =	simm.s32 $0x3900;
	s14 =	simm.s32 $0x4100  }
0x5: {  	s15 =	simm.s32 $0x4900;
	s16 =	simm.s32 $0x5100;
	s17 =	simm.s32 $0x5900  }
0x6: {  	s18 =	simm.s32 $0x6100;
	s19 =	simm.s32 $0x6900;
	s20 =	simm.s32 $0x7100  }
0x7: {  	s21 =	simm.s32 $0x7900;
	s22 =	simm.s32 $0x8100;
	s23 =	simm.s32 $0x8900  }
0x8: {  	s24 =	simm.s32 $0x9100;
	s28 =	simm.s32 $0xA900;
	s29 =	simm.s32 $0xB100  }
0x9: {  	s30 =	simm.s32 $0xB900;
	s1 =	sand.u32 $0x1, s1;
	s2 =	sshll.u32 s0, $0x1  }
0xa: {  	s31 =	simm.s32 $0x1;
	s7 =	sadd.s32 $0x98C00, s3;
	s4 =	sor.u32 s1, s2  }
0xb: {  	s2 =	simm.s32 $0x0;
	s1 =	ssub.s32 $0x2, s1;
	s5 =	smul.u32 $0x18, s4  }
0xc: {  	[smem:$0x7FF] =	sst s2;
	s6 =	smul.u32 $0xC000, s4;
	s8 =	sshrl.u32 s1, $0x1  }
0xd: {  	s4 =	smul.u32 $0x1800, s4;
	_ =	strace $0x8000004D;
	s1 =	ssub.s32 s1, s8  }
0xe: {  	s8 =	simm.s32 $0x1100;
	s5 =	sadd.s32 s5, s3;
	s6 =	sshrl.u32 s6, $0x3  }
0xf: {  	s4 =	sadd.s32 s7, s4;
	s3 =	sadd.s32 $0x48C00, s3;
	s5 =	sadd.s32 $0x39400, s5  }
0x10: {  	s25 =	sadd.s32 s7, s6;
	[dreg:$0x3] =	wrdreg s4;
	s4 =	smax.u32 s1, $0x1  }
0x11: {  	v2 =	vlaneseq.u32;
	s6 =	simm.s32 $0x100;
	s7 =	simm.s32 $0x900;
	s1 =	simm.s32 $0x2  }
0x12: {  	vm0 =	vmmov $0xffff;
	v1 =	vshrl.u32 v2, $0x3;
	[dreg:$0x2] =	wrdreg s5;
	s26 =	sadd.s32 $0xC00, s25;
	s5 =	simm.s32 $0x3  }
0x13: {  	v0 =	vand.u32 $0x7, v2;
	v2 =	vor.u32 $0x8, v2;
	v1 =	vmul.u32 $0x8, v1;
	s25 =	simm.s32 $0x9900;
	[dreg:$0x4] =	wrdreg s26;
	s26 =	simm.s32 $0xA100  }
.LBB2_1:
0x14: {  	s0 =	rddreg [dreg:$0x2]  }
0x15: {  	[tilespmem:s2], [sflag:$0x3] =	stream.linear.gather [hbm4b:s0+s2], $0xC0, $0x38;
	[tilespmem:$0xC100] =	vst v63  }
0x16: {  	_ =	swait.ge [sflag:s5], $0xC0  }
0x17: {  	[sflag:s5] =	ssyncset.done $0x0  }
0x18: {  	[sflag:s5] =	ssyncadd.s32 $0xFFFFFF40  }
0x19: {  	v3 =	vld [tilespmem:$0x0];
	_ =	sdelay $0x4  }
0x1a: {  	v4 =	vshll.u32 v3, $0x1  }
0x1b: {  	v3 =	vand.u32 $0x7, v3;
	v4 =	vand.u32 $0xFFFFFFF0, v4  }
0x1c: {  	v3 =	vor.u32 v3, v4  }
0x1d: {  	v4 =	vperm.xlane v3, v0;
	_ =	sdelay $0x1  }
0x1e: {  	v3 =	vperm.xlane v3, v2;
	v4 =	vadd.s32 v1, v4;
	_ =	sdelay $0x1  }
0x1f: {  	v3 =	vadd.s32 v1, v3;
	_ =	sdelay $0x2  }
0x20: {  	[tilespmem:s6], [sflag:$0x1] =	stream.indirect_vreg.gather [hbm4b:s3+s2], $0x80, v4, vm0, $0xb8;
	[tilespmem:$0xC100] =	vst v63  }
0x21: {  	_ = 	snop  }
0x22: {  	[tilespmem:s7], [sflag:$0x1] =	stream.indirect_vreg.gather [hbm4b:s3+s2], $0x80, v3, vm0, $0xb8;
	[tilespmem:$0xC100] =	vst v63  }
0x23: {  	v3 =	vld [tilespmem:$0x10];
	_ =	sdelay $0x4  }
0x24: {  	v53 =	vshll.u32 v3, $0x1  }
0x25: {  	v3 =	vand.u32 $0x7, v3;
	v4 =	vand.u32 $0xFFFFFFF0, v53  }
0x26: {  	v3 =	vor.u32 v3, v4  }
0x27: {  	v4 =	vperm.xlane v3, v0;
	_ =	sdelay $0x1  }
0x28: {  	v3 =	vperm.xlane v3, v2;
	v4 =	vadd.s32 v1, v4;
	_ =	sdelay $0x1  }
0x29: {  	v3 =	vadd.s32 v1, v3;
	_ =	sdelay $0x2  }
0x2a: {  	[tilespmem:s8], [sflag:$0x1] =	stream.indirect_vreg.gather [hbm4b:s3+s2], $0x80, v4, vm0, $0xb8;
	[tilespmem:$0xC100] =	vst v63  }
0x2b: {  	_ = 	snop  }
0x2c: {  	[tilespmem:s9], [sflag:$0x1] =	stream.indirect_vreg.gather [hbm4b:s3+s2], $0x80, v3, vm0, $0xb8;
	[tilespmem:$0xC100] =	vst v63  }
0x2d: {  	v3 =	vld [tilespmem:$0x20];
	_ =	sdelay $0x4  }
0x2e: {  	v54 =	vshll.u32 v3, $0x1  }
0x2f: {  	v3 =	vand.u32 $0x7, v3;
	v4 =	vand.u32 $0xFFFFFFF0, v54  }
0x30: {  	v3 =	vor.u32 v3, v4  }
0x31: {  	v4 =	vperm.xlane v3, v0;
	_ =	sdelay $0x1  }
0x32: {  	v3 =	vperm.xlane v3, v2;
	v4 =	vadd.s32 v1, v4;
	_ =	sdelay $0x1  }
0x33: {  	v3 =	vadd.s32 v1, v3;
	_ =	sdelay $0x2  }
0x34: {  	[tilespmem:s10], [sflag:$0x1] =	stream.indirect_vreg.gather [hbm4b:s3+s2], $0x80, v4, vm0, $0xb8;
	[tilespmem:$0xC100] =	vst v63  }
0x35: {  	_ = 	snop  }
0x36: {  	[tilespmem:s11], [sflag:$0x1] =	stream.indirect_vreg.gather [hbm4b:s3+s2], $0x80, v3, vm0, $0xb8;
	[tilespmem:$0xC100] =	vst v63  }
0x37: {  	v3 =	vld [tilespmem:$0x30];
	_ =	sdelay $0x4  }
0x38: {  	v55 =	vshll.u32 v3, $0x1  }
0x39: {  	v3 =	vand.u32 $0x7, v3;
	v4 =	vand.u32 $0xFFFFFFF0, v55  }
0x3a: {  	v3 =	vor.u32 v3, v4  }
0x3b: {  	v4 =	vperm.xlane v3, v0;
	_ =	sdelay $0x1  }
0x3c: {  	v3 =	vperm.xlane v3, v2;
	v4 =	vadd.s32 v1, v4;
	_ =	sdelay $0x1  }
0x3d: {  	v3 =	vadd.s32 v1, v3;
	_ =	sdelay $0x2  }
0x3e: {  	[tilespmem:s12], [sflag:$0x1] =	stream.indirect_vreg.gather [hbm4b:s3+s2], $0x80, v4, vm0, $0xb8;
	[tilespmem:$0xC100] =	vst v63  }
0x3f: {  	_ = 	snop  }
0x40: {  	[tilespmem:s13], [sflag:$0x1] =	stream.indirect_vreg.gather [hbm4b:s3+s2], $0x80, v3, vm0, $0xb8;
	[tilespmem:$0xC100] =	vst v63  }
0x41: {  	v3 =	vld [tilespmem:$0x40];
	_ =	sdelay $0x4  }
0x42: {  	v56 =	vshll.u32 v3, $0x1  }
0x43: {  	v3 =	vand.u32 $0x7, v3;
	v4 =	vand.u32 $0xFFFFFFF0, v56  }
0x44: {  	v3 =	vor.u32 v3, v4  }
0x45: {  	v4 =	vperm.xlane v3, v0;
	_ =	sdelay $0x1  }
0x46: {  	v3 =	vperm.xlane v3, v2;
	v4 =	vadd.s32 v1, v4;
	_ =	sdelay $0x1  }
0x47: {  	v3 =	vadd.s32 v1, v3;
	_ =	sdelay $0x2  }
0x48: {  	[tilespmem:s14], [sflag:$0x1] =	stream.indirect_vreg.gather [hbm4b:s3+s2], $0x80, v4, vm0, $0xb8;
	[tilespmem:$0xC100] =	vst v63  }
0x49: {  	_ = 	snop  }
0x4a: {  	[tilespmem:s15], [sflag:$0x1] =	stream.indirect_vreg.gather [hbm4b:s3+s2], $0x80, v3, vm0, $0xb8;
	[tilespmem:$0xC100] =	vst v63  }
0x4b: {  	v3 =	vld [tilespmem:$0x50];
	_ =	sdelay $0x4  }
0x4c: {  	v57 =	vshll.u32 v3, $0x1  }
0x4d: {  	v3 =	vand.u32 $0x7, v3;
	v4 =	vand.u32 $0xFFFFFFF0, v57  }
0x4e: {  	v3 =	vor.u32 v3, v4  }
0x4f: {  	v4 =	vperm.xlane v3, v0;
	_ =	sdelay $0x1  }
0x50: {  	v3 =	vperm.xlane v3, v2;
	v4 =	vadd.s32 v1, v4;
	_ =	sdelay $0x1  }
0x51: {  	v3 =	vadd.s32 v1, v3;
	_ =	sdelay $0x2  }
0x52: {  	[tilespmem:s16], [sflag:$0x1] =	stream.indirect_vreg.gather [hbm4b:s3+s2], $0x80, v4, vm0, $0xb8;
	[tilespmem:$0xC100] =	vst v63  }
0x53: {  	_ = 	snop  }
0x54: {  	[tilespmem:s17], [sflag:$0x1] =	stream.indirect_vreg.gather [hbm4b:s3+s2], $0x80, v3, vm0, $0xb8;
	[tilespmem:$0xC100] =	vst v63  }
0x55: {  	v3 =	vld [tilespmem:$0x60];
	_ =	sdelay $0x4  }
0x56: {  	v58 =	vshll.u32 v3, $0x1  }
0x57: {  	v3 =	vand.u32 $0x7, v3;
	v4 =	vand.u32 $0xFFFFFFF0, v58  }
0x58: {  	v3 =	vor.u32 v3, v4  }
0x59: {  	v4 =	vperm.xlane v3, v0;
	_ =	sdelay $0x1  }
0x5a: {  	v3 =	vperm.xlane v3, v2;
	v4 =	vadd.s32 v1, v4;
	_ =	sdelay $0x1  }
0x5b: {  	v3 =	vadd.s32 v1, v3;
	_ =	sdelay $0x2  }
0x5c: {  	[tilespmem:s18], [sflag:$0x2] =	stream.indirect_vreg.gather [hbm4b:s3+s2], $0x80, v4, vm0, $0xb8;
	[tilespmem:$0xC100] =	vst v63  }
0x5d: {  	_ = 	snop  }
0x5e: {  	[tilespmem:s19], [sflag:$0x2] =	stream.indirect_vreg.gather [hbm4b:s3+s2], $0x80, v3, vm0, $0xb8;
	[tilespmem:$0xC100] =	vst v63  }
0x5f: {  	v3 =	vld [tilespmem:$0x70];
	_ =	sdelay $0x4  }
0x60: {  	v59 =	vshll.u32 v3, $0x1  }
0x61: {  	v3 =	vand.u32 $0x7, v3;
	v4 =	vand.u32 $0xFFFFFFF0, v59  }
0x62: {  	v3 =	vor.u32 v3, v4  }
0x63: {  	v4 =	vperm.xlane v3, v0;
	_ =	sdelay $0x1  }
0x64: {  	v3 =	vperm.xlane v3, v2;
	v4 =	vadd.s32 v1, v4;
	_ =	sdelay $0x1  }
0x65: {  	v3 =	vadd.s32 v1, v3;
	_ =	sdelay $0x2  }
0x66: {  	[tilespmem:s20], [sflag:$0x2] =	stream.indirect_vreg.gather [hbm4b:s3+s2], $0x80, v4, vm0, $0xb8;
	[tilespmem:$0xC100] =	vst v63  }
0x67: {  	_ = 	snop  }
0x68: {  	[tilespmem:s21], [sflag:$0x2] =	stream.indirect_vreg.gather [hbm4b:s3+s2], $0x80, v3, vm0, $0xb8;
	[tilespmem:$0xC100] =	vst v63  }
0x69: {  	v3 =	vld [tilespmem:$0x80];
	_ =	sdelay $0x4  }
0x6a: {  	v60 =	vshll.u32 v3, $0x1  }
0x6b: {  	v3 =	vand.u32 $0x7, v3;
	v4 =	vand.u32 $0xFFFFFFF0, v60  }
0x6c: {  	v3 =	vor.u32 v3, v4  }
0x6d: {  	v4 =	vperm.xlane v3, v0;
	_ =	sdelay $0x1  }
0x6e: {  	v3 =	vperm.xlane v3, v2;
	v4 =	vadd.s32 v1, v4;
	_ =	sdelay $0x1  }
0x6f: {  	v3 =	vadd.s32 v1, v3;
	_ =	sdelay $0x2  }
0x70: {  	[tilespmem:s22], [sflag:$0x2] =	stream.indirect_vreg.gather [hbm4b:s3+s2], $0x80, v4, vm0, $0xb8;
	[tilespmem:$0xC100] =	vst v63  }
0x71: {  	_ = 	snop  }
0x72: {  	[tilespmem:s23], [sflag:$0x2] =	stream.indirect_vreg.gather [hbm4b:s3+s2], $0x80, v3, vm0, $0xb8;
	[tilespmem:$0xC100] =	vst v63  }
0x73: {  	v3 =	vld [tilespmem:$0x90];
	_ =	sdelay $0x4  }
0x74: {  	v61 =	vshll.u32 v3, $0x1  }
0x75: {  	v3 =	vand.u32 $0x7, v3;
	v4 =	vand.u32 $0xFFFFFFF0, v61  }
0x76: {  	v3 =	vor.u32 v3, v4  }
0x77: {  	v4 =	vperm.xlane v3, v0;
	_ =	sdelay $0x1  }
0x78: {  	v3 =	vperm.xlane v3, v2;
	v4 =	vadd.s32 v1, v4;
	_ =	sdelay $0x1  }
0x79: {  	v3 =	vadd.s32 v1, v3;
	_ =	sdelay $0x2  }
0x7a: {  	[tilespmem:s24], [sflag:$0x2] =	stream.indirect_vreg.gather [hbm4b:s3+s2], $0x80, v4, vm0, $0xb8;
	[tilespmem:$0xC100] =	vst v63  }
0x7b: {  	_ = 	snop  }
0x7c: {  	[tilespmem:s25], [sflag:$0x2] =	stream.indirect_vreg.gather [hbm4b:s3+s2], $0x80, v3, vm0, $0xb8;
	[tilespmem:$0xC100] =	vst v63  }
0x7d: {  	v3 =	vld [tilespmem:$0xA0];
	_ =	sdelay $0x4  }
0x7e: {  	v62 =	vshll.u32 v3, $0x1  }
0x7f: {  	v3 =	vand.u32 $0x7, v3;
	v4 =	vand.u32 $0xFFFFFFF0, v62  }
0x80: {  	v3 =	vor.u32 v3, v4  }
0x81: {  	v4 =	vperm.xlane v3, v0;
	_ =	sdelay $0x1  }
0x82: {  	v3 =	vperm.xlane v3, v2;
	v4 =	vadd.s32 v1, v4;
	_ =	sdelay $0x1  }
0x83: {  	v3 =	vadd.s32 v1, v3;
	_ =	sdelay $0x2  }
0x84: {  	[tilespmem:s26], [sflag:$0x2] =	stream.indirect_vreg.gather [hbm4b:s3+s2], $0x80, v4, vm0, $0xb8;
	[tilespmem:$0xC100] =	vst v63  }
0x85: {  	_ = 	snop  }
0x86: {  	[tilespmem:s28], [sflag:$0x2] =	stream.indirect_vreg.gather [hbm4b:s3+s2], $0x80, v3, vm0, $0xb8;
	[tilespmem:$0xC100] =	vst v63  }
0x87: {  	v3 =	vld [tilespmem:$0xB0];
	_ =	sdelay $0x4  }
0x88: {  	v63 =	vshll.u32 v3, $0x1  }
0x89: {  	v3 =	vand.u32 $0x7, v3;
	v4 =	vand.u32 $0xFFFFFFF0, v63  }
0x8a: {  	v3 =	vor.u32 v3, v4  }
0x8b: {  	v4 =	vperm.xlane v3, v0;
	_ =	sdelay $0x1  }
0x8c: {  	v3 =	vperm.xlane v3, v2;
	v4 =	vadd.s32 v1, v4;
	_ =	sdelay $0x1  }
0x8d: {  	v3 =	vadd.s32 v1, v3;
	_ =	sdelay $0x2  }
0x8e: {  	[tilespmem:s29], [sflag:$0x2] =	stream.indirect_vreg.gather [hbm4b:s3+s2], $0x80, v4, vm0, $0xb8;
	[tilespmem:$0xC100] =	vst v63  }
0x8f: {  	_ = 	snop  }
0x90: {  	[tilespmem:s30], [sflag:$0x2] =	stream.indirect_vreg.gather [hbm4b:s3+s2], $0x80, v3, vm0, $0xb8;
	[tilespmem:$0xC100] =	vst v63  }
0x91: {  	_ =	swait.ge [sflag:s31], $0x6000  }
0x92: {  	[sflag:s31] =	ssyncset.done $0x0  }
0x93: {  	s0 =	rddreg [dreg:$0x3];
	[sflag:s31] =	ssyncadd.s32 $0xFFFFA000  }
0x94: {  	[hbm4b:s0+s2] =	stream.linear.scatter [tilespmem:s6], [sflag:$0x3], $0x6000, $0x38;
	[tilespmem:$0xC100] =	vst v63  }
0x95: {  	_ =	swait.ge [sflag:s5], $0x6000  }
0x96: {  	[sflag:s5] =	ssyncset.done $0x0  }
0x97: {  	[sflag:s5] =	ssyncadd.s32 $0xFFFFA000  }
0x98: {  	_ =	swait.ge [sflag:s1], $0x6000  }
0x99: {  	p0 =	sne.s32 s4, $0x1;
	[sflag:s1] =	ssyncset.done $0x0  }
.Ltmp0:
0x9a: {  	s0 =	rddreg [dreg:$0x4];
	[sflag:s1] =	ssyncadd.s32 $0xFFFFA000;
	(pc) =	sbr.rel @p0 .LBB2_1-.Ltmp0, $4  }
0x9b: {  	[hbm4b:s0+s2] =	stream.linear.scatter [tilespmem:s18], [sflag:$0x3], $0x6000, $0x38;
	[tilespmem:$0xC100] =	vst v63  }
0x9c: {  	_ =	swait.ge [sflag:s5], $0x6000  }
0x9d: {  	[sflag:s5] =	ssyncset.done $0x0  }
0x9e: {  	s4 =	sadd.s32 $0xFFFFFFFF, s4;
	[sflag:s5] =	ssyncadd.s32 $0xFFFFA000  }
0x9f: {  	_ =	sfence.sel $0x180000  }
0xa0: {  	[bflag:$0x0] =	sbarrier.arrive $0xFFFF  }
0xa1: {  	_ =	strace $0x9000004D  }
0xa2: {  	s0 =	stileid.u32;
	[bflag:$0x2] =	sbarrier.arrive $0xFFFF  }
0xa3: {  	p0 =	sne.s32 s0, $0x0;
	s0 =	rddreg [dreg:$0x1]  }
0xa4: {  	s0 =	sadd.s32 @!p0 $0x100000, s0  }
0xa5: {  	[sflag:s0] =	ssyncadd.tile.s32 @!p0 $0x1;
	_ =	shalt  }
.Lfunc_end2:
_tile_overlayer_lowered:
.L_overlay_start_2:
0xa6: {  	(tag) =	ssettag $0x2  }
0xa7: {  	s0 =	rddreg [dreg:$0x0];
	s2 =	stileid.u32  }
0xa8: {  	s1 =	rddreg [dreg:$0x1];
	p0 =	sne.s32 s2, $0x0  }
0xa9: {  	s3 =	rddreg [dreg:$0x2];
	[bflag:$0x3] =	sbarrier.arrive $0xFFFF;
	s2 =	simm.s32 @!p0 $0x1C03  }
0xaa: {  	[timem:s3], [sflag:s2] =	dma.local @!p0 [hbm:s0], s1  }
0xab: {  	s0 =	simm.s32 @!p0 $0x3  }
0xac: {  	_ =	swait.ge @!p0 [sflag:s0], s1  }
0xad: {  	s1 =	ssub.s32 @!p0 $0x0, s1;
	[sflag:s0] =	ssyncset.done @!p0 $0x0  }
0xae: {  	[sflag:s0] =	ssyncadd.s32 @!p0 s1  }
0xaf: {  	[bflag:$0x3] =	sbarrier.arrive $0xFFFF  }
0xb0: {  	_ =	shalt  }

// kernel: kernel.27.cloned.1.call-start
scs
__scs_entry_jumppad:
0x0: {  	(pc) =	sbr.rel $0x88, $3  }
0x1: {  	(tag) =	ssettag $0x0;
	lr =	simm.s32 $0x1  }
0x2: {  	[smem:$0x3F74] =	sst lr;
	_ =	strace $0xD0000000  }
0x3: {  	_ = 	snop  }
0x4: {  	_ = 	snop  }
0x5: {  	_ = 	snop  }
0x6: {  	_ = 	snop  }
0x7: {  	_ = 	snop  }
__scs_overlays_trampoline_lowered:
0x8: {  	[smem:$0x3F83] =	sst s0  }
0x9: {  	[smem:$0x3F84] =	sst s1  }
0xa: {  	[smem:$0x3F85] =	sst s2  }
0xb: {  	[smem:$0x3F86] =	sst s3  }
0xc: {  	[smem:$0x3F87] =	sst s4  }
0xd: {  	[smem:$0x3F88] =	sst s5  }
0xe: {  	[smem:$0x3F89] =	sst s6  }
0xf: {  	[smem:$0x3F8A] =	sst s7  }
0x10: {  	[smem:$0x3F8B] =	sst s8  }
0x11: {  	[smem:$0x3F8C] =	sst s9;
	s0 =	simm.s32 @!p0 $0x0  }
0x12: {  	s1 =	sld [smem:$0x3F72];
	s0 =	simm.s32 @p0 $0x1  }
0x13: {  	[smem:$0x3F8D] =	sst s0;
	s0 =	simm.s32 @!p1 $0x0  }
0x14: {  	s2 =	sld [smem:$0x3F71];
	s0 =	simm.s32 @p1 $0x1  }
0x15: {  	[smem:$0x3F8E] =	sst s0;
	s0 =	simm.s32 @!p2 $0x0  }
0x16: {  	s3 =	sld [smem:$0x3FDB];
	s0 =	simm.s32 @p2 $0x1  }
0x17: {  	s4 =	simm.s32 $0x1BF5;
	[smem:$0x3F90] =	sst s0  }
0x18: {  	s0 =	sld [smem:$0x3F73];
	_ =	swait.ge [sflag:s4], $0x0  }
0x19: {  	s7 =	sld [smem:$0x3F74]  }
0x1a: {  	s8 =	sadd.s32 $0xFFFFE003, lr  }
0x1b: {  	s9 =	sadd.s32 $0xFFFFFEF7, lr;
	s5 =	simm.s32 $0xFFFFFFFF;
	p2 =	slt.u32 s8, $0xFFFFF086  }
0x1c: {  	p1 =	slt.u32 s9, $0xF7A;
	s5 =	simm.s32 @!p2 $0x0  }
0x1d: {  	s5 =	simm.s32 @p1 $0x1;
	p0 =	seq.s32 s7, s2  }
0x1e: {  	s7 =	smul.u32 @!p0 $0xF7A, s2;
	p2 =	seq.s32 @!p0 s5, $0x0  }
0x1f: {  	s9 =	smul.u32 $0xF7A, s1;
	s8 =	simm.s32 @!p0 $0x1BF5;
	p2 =	por !p2, p0  }
0x20: {  	[sflag:s8] =	ssyncset.s32 @!p0 $0xFFFFF086;
	s6 =	sadd.s32 @!p0 s3, s7;
	s7 =	simm.s32 @!p0 $0x108  }
0x21: {  	s3 =	sadd.s32 s3, s9;
	s6 =	sadd.s32 @!p0 $0x88, s6;
	s7 =	simm.s32 @p2 $0x1082  }
0x22: {  	[simem:s7], [sflag:s8] =	dma.local @!p0 [hbm:s6], $0xF7A  }
0x23: {  	s9 =	sor.u32 $0xD0000000, s2;
	s6 =	simm.s32 $0x108;
	_ =	swait.ge @!p0 [sflag:s8], $0x0  }
0x24: {  	s3 =	sadd.s32 $0x88, s3;
	s6 =	simm.s32 @!p1 $0x1082;
	[sflag:s4] =	ssyncset.s32 $0xFFFFF086  }
0x25: {  	[simem:s6], [sflag:s4] =	dma.local [hbm:s3], $0xF7A  }
0x26: {  	[smem:$0x3F74] =	sst s1;
	(tag) =	ssettag s2;
	_ =	strace s9  }
0x27: {  	s1 =	sld [smem:$0x3F84]  }
0x28: {  	s2 =	sld [smem:$0x3F85]  }
0x29: {  	s4 =	sld [smem:$0x3F87]  }
0x2a: {  	p0 =	seq.s32 s5, $0x0;
	s5 =	sld [smem:$0x3F88]  }
0x2b: {  	s6 =	sld [smem:$0x3F89]  }
0x2c: {  	s7 =	sld [smem:$0x3F8A]  }
0x2d: {  	s3 =	simm.s32 $0x108;
	s8 =	sld [smem:$0x3F8B]  }
0x2e: {  	s3 =	simm.s32 @!p0 $0x1082;
	s9 =	sld [smem:$0x3F8C]  }
0x2f: {  	lr =	sadd.s32 s0, s3;
	s0 =	sld [smem:$0x3F83]  }
0x30: {  	s3 =	sld [smem:$0x3F86]  }
0x31: {  	[smem:$0x3F8F] =	sst s10  }
0x32: {  	s10 =	sld [smem:$0x3F8D];
	_ =	sdelay $0x3  }
0x33: {  	p0 =	seq.s32 s10, $0x1;
	s10 =	sld [smem:$0x3F8F];
	_ =	sdelay $0x3  }
0x34: {  	[smem:$0x3F8F] =	sst s10  }
0x35: {  	s10 =	sld [smem:$0x3F8E];
	_ =	sdelay $0x3  }
0x36: {  	p1 =	seq.s32 s10, $0x1;
	s10 =	sld [smem:$0x3F8F];
	_ =	sdelay $0x3  }
0x37: {  	[smem:$0x3F8F] =	sst s10  }
0x38: {  	s10 =	sld [smem:$0x3F90]  }
0x39: {  	_ = 	snop;
	(pc) =	sbr.ind lr, $3  }
0x3a: {  	_ = 	snop  }
0x3b: {  	_ = 	snop  }
0x3c: {  	p2 =	seq.s32 s10, $0x1;
	s10 =	sld [smem:$0x3F8F]  }
0x3d: {  	_ =	shalt  }
0x3e: {  	_ =	shalt  }
0x3f: {  	_ =	shalt  }
0x40: {  	_ =	shalt  }
0x41: {  	_ =	shalt  }
0x42: {  	_ =	shalt  }
0x43: {  	_ =	shalt  }
0x44: {  	_ =	shalt  }
0x45: {  	_ =	shalt  }
0x46: {  	_ =	shalt  }
0x47: {  	_ =	shalt  }
0x48: {  	_ =	shalt  }
0x49: {  	_ =	shalt  }
0x4a: {  	_ =	shalt  }
0x4b: {  	_ =	shalt  }
0x4c: {  	_ =	shalt  }
0x4d: {  	_ =	shalt  }
0x4e: {  	_ =	shalt  }
0x4f: {  	_ =	shalt  }
0x50: {  	_ =	shalt  }
0x51: {  	_ =	shalt  }
0x52: {  	_ =	shalt  }
0x53: {  	_ =	shalt  }
0x54: {  	_ =	shalt  }
0x55: {  	_ =	shalt  }
0x56: {  	_ =	shalt  }
0x57: {  	_ =	shalt  }
0x58: {  	_ =	shalt  }
0x59: {  	_ =	shalt  }
0x5a: {  	_ =	shalt  }
0x5b: {  	_ =	shalt  }
0x5c: {  	_ =	shalt  }
0x5d: {  	_ =	shalt  }
0x5e: {  	_ =	shalt  }
0x5f: {  	_ =	shalt  }
0x60: {  	_ =	shalt  }
0x61: {  	_ =	shalt  }
0x62: {  	_ =	shalt  }
0x63: {  	_ =	shalt  }
0x64: {  	_ =	shalt  }
0x65: {  	_ =	shalt  }
0x66: {  	_ =	shalt  }
0x67: {  	_ =	shalt  }
0x68: {  	_ =	shalt  }
0x69: {  	_ =	shalt  }
0x6a: {  	_ =	shalt  }
0x6b: {  	_ =	shalt  }
0x6c: {  	_ =	shalt  }
0x6d: {  	_ =	shalt  }
0x6e: {  	_ =	shalt  }
0x6f: {  	_ =	shalt  }
0x70: {  	_ =	shalt  }
0x71: {  	_ =	shalt  }
0x72: {  	_ =	shalt  }
0x73: {  	_ =	shalt  }
0x74: {  	_ =	shalt  }
0x75: {  	_ =	shalt  }
0x76: {  	_ =	shalt  }
0x77: {  	_ =	shalt  }
0x78: {  	_ =	shalt  }
0x79: {  	_ =	shalt  }
0x7a: {  	_ =	shalt  }
0x7b: {  	_ =	shalt  }
0x7c: {  	_ =	shalt  }
0x7d: {  	_ =	shalt  }
0x7e: {  	_ =	shalt  }
0x7f: {  	_ =	shalt  }
0x80: {  	_ =	shalt  }
0x81: {  	_ =	shalt  }
0x82: {  	_ =	shalt  }
0x83: {  	_ =	shalt  }
0x84: {  	_ =	shalt  }
0x85: {  	_ =	shalt  }
0x86: {  	_ =	shalt  }
0x87: {  	_ =	shalt  }
.Lfunc_end0:
.L_simem_size_0:
called_computation.3_lowered:
.L_overlay_start_0:
0x88: {  	s2 =	sld [smem:$0x3FD9]  }
0x89: {  	s3 =	sld [smem:$0x3FFE];
	_ =	sdelay $0x1  }
0x8a: {  	s1 =	srdreg.scid  }
0x8b: {  	s0 =	sand.u32 $0x1, s1  }
0x8c: {  	s15 =	sshll.u32 s0, $0xA;
	s2 =	sadd.s32 s3, s2  }
0x8d: {  	s2 =	sadd.s32 s2, s15  }
0x8e: {  	[smem:$0x3F9B] =	sst s2  }
0x8f: {  	_ = 	snop  }
0x90: {  	s2 =	sld [smem:$0x3FD0];
	_ =	sdelay $0x2  }
0x91: {  	s16 =	simm.s32 $0xD;
	s4 =	simm.s32 $0x10  }
0x92: {  	[smem:s4], [sflag:s16] =	dma.local [hbm:s2], $0x1  }
0x93: {  	_ =	swait.eq [sflag:s16], $0x1  }
0x94: {  	[sflag:s16] =	ssyncset.done $0x0  }
0x95: {  	[sflag:s16] =	ssyncadd.s32 $0xFFFFFFFF  }
0x96: {  	s17 =	sld [smem:$0x11];
	(tm) =	ssettm $0x1  }
0x97: {  	s18 =	sld [smem:$0x3FFB];
	_ =	sdelay $0x3  }
0x98: {  	_ =	strace s18  }
0x99: {  	s2 =	sld [smem:$0x3FFC];
	_ =	sdelay $0x3  }
0x9a: {  	_ =	strace s2  }
0x9b: {  	s2 =	sld [smem:$0x3FFD];
	_ =	sdelay $0x3  }
0x9c: {  	_ =	strace s2  }
0x9d: {  	_ =	strace $0x8FFFFFFF  }
0x9e: {  	s19 =	sld [smem:$0x3FDB];
	_ =	sdelay $0x1  }
0x9f: {  	s20 =	simm.s32 $_scs_section_size  }
0xa0: {  	s5 =	simm.s32 $_size__tile_overlayer_lowered;
	s6 =	simm.s32 $_tile_overlayer_lowered  }
0xa1: {  	s7 =	simm.s32 $0x1BFF;
	s21 =	sshll.u32 s6, $0x1;
	s4 =	sadd.s32 s20, s19  }
0xa2: {  	s22 =	simm.s32 $0x0;
	s5 =	sshll.u32 s5, $0x1;
	s6 =	sadd.s32 s21, s4  }
0xa3: {  	[timem:s22], [sflag:s7] =	dma.local [hbm:s6], s5  }
0xa4: {  	_ =	swait.ge [sflag:s7], s5  }
0xa5: {  	s5 =	ssub.s32 $0x0, s5;
	[sflag:s7] =	ssyncset.done $0x0  }
0xa6: {  	[sflag:s7] =	ssyncadd.s32 s5;
	_ =	sdelay $0x1  }
0xa7: {  	s23 =	simm.s32 $0x1B8B  }
0xa8: {  	_ =	swait.ge [sflag:s23], $0x1  }
0xa9: {  	[sflag:s23] =	ssyncset.done $0x0  }
0xaa: {  	[sflag:s23] =	ssyncadd.s32 $0xFFFFFFFF  }
0xab: {  	s5 =	sld [smem:$0x0]  }
0xac: {  	s6 =	sand.u32 $0xFFFFFFFE, s1  }
0xad: {  	p0 =	sne.s32 s1, s6  }
0xae: {  	s6 =	sshll.u32 @p0 s6, $0xE  }
0xaf: {  	s6 =	sadd.s32 @p0 $0x11B8D, s6;
	s7 =	sshll.u32 @p0 s5, $0x11  }
0xb0: {  	s6 =	sor.u32 @p0 s7, s6  }
0xb1: {  	[sflag:s6] =	ssyncadd.remote.s32 @p0 $0x1;
	_ =	sdelay $0x1  }
0xb2: {  	s6 =	simm.s32 @p0 $0x1B8D  }
0xb3: {  	_ =	swait.eq @p0 [sflag:s6], $0x1  }
0xb4: {  	[sflag:s6] =	ssyncadd.s32 @p0 $0xFFFFFFFF  }
0xb5: {  	s7 =	sshll.u32 @!p0 s1, $0xE  }
0xb6: {  	s7 =	sor.u32 @!p0 $0x4000, s7;
	s6 =	simm.s32 @!p0 $0x1B8D  }
0xb7: {  	s5 =	sshll.u32 @!p0 s5, $0x11;
	s7 =	sadd.s32 @!p0 $0x11B8D, s7;
	_ =	swait.eq @!p0 [sflag:s6], $0x1  }
0xb8: {  	s5 =	sor.u32 @!p0 s5, s7;
	[sflag:s6] =	ssyncadd.s32 @!p0 $0xFFFFFFFF  }
0xb9: {  	s25 =	simm.s32 $0x1B8E;
	s24 =	sld [smem:$0x3FFE];
	[sflag:s5] =	ssyncadd.remote.s32 @!p0 $0x1  }
0xba: {  	s26 =	simm.s32 $execute0_lowered;
	[smem:$0x3FD2] =	sst s25  }
0xbb: {  	s6 =	sshll.u32 s26, $0x1;
	_ =	strace $0x8000004F;
	[dreg:$0x1] =	wrdreg $0xFFFFFFFF  }
0xbc: {  	s28 =	simm.s32 $_size_execute0_lowered;
	s4 =	sadd.s32 s4, s6;
	[dreg:$0x0] =	wrdreg $0x0  }
0xbd: {  	s6 =	sshll.u32 s28, $0x1;
	[dreg:$0x2] =	wrdreg s4  }
0xbe: {  	[dreg:$0x3] =	wrdreg s6  }
0xbf: {  	[dreg:$0x4] =	wrdreg $0xC0  }
0xc0: {  	_ =	task [dreg:s22], $0x5FFFF  }
0xc1: {  	[dreg:$0x1] =	wrdreg $0xFFFFFFFF  }
0xc2: {  	[dreg:$0x0] =	wrdreg $0x60  }
0xc3: {  	[dreg:$0x2] =	wrdreg s24  }
0xc4: {  	[dreg:$0x3] =	wrdreg s17  }
0xc5: {  	[dreg:$0x4] =	wrdreg $0xC  }
0xc6: {  	_ =	task.clear_ibuf [dreg:s22], $0x5FFFF;
	_ =	strace $0x9000004F  }
0xc7: {  	s29 =	simm.s32 $0xC;
	_ =	strace $0x80000051  }
0xc8: {  	_ =	swait.ge [sflag:s29], $0x1  }
0xc9: {  	[sflag:s29] =	ssyncadd.s32 $0xFFFFFFFF  }
0xca: {  	_ =	strace $0x90000051  }
0xcb: {  	_ =	sfence  }
0xcc: {  	s30 =	sld [smem:$0x0];
	_ =	sdelay $0x2  }
0xcd: {  	s31 =	sshll.u32 s1, $0xD;
	s1 =	sshrl.u32 s1, $0x2  }
0xce: {  	s4 =	sand.u32 $0x4000, s31;
	s1 =	sadd.s32 s1, s30  }
0xcf: {  	s0 =	sor.u32 s4, s0;
	s1 =	sshll.u32 s1, $0x11  }
0xd0: {  	s0 =	sor.u32 s1, s0  }
0xd1: {  	s0 =	sadd.s32 $0x8F2B, s0  }
0xd2: {  	[sflag:s0] =	ssyncadd.remote.s32 $0x1  }
0xd3: {  	_ =	sfence.sel $0xFFFF  }
0xd4: {  	[dreg:$0x0] =	wrdreg $0xFFFFFFFF;
	(pc) =	sbr.abs _section_cstart, $3  }
0xd5: {  	[dreg:$0x1] =	wrdreg $0xFFFFFFFF  }
0xd6: {  	_ =	task.clear_ibuf [dreg:s22], $0x2FFFF;
	_ =	strace $0x9FFFFFFF  }
0xd7: {  	(tm) =	ssettm $0x7FFFFFFF  }
tec
execute0_lowered:
.L_overlay_start_1:
0x0: {  	(tag) =	ssettag $0x1  }
0x1: {  	s1 =	rddreg [dreg:$0x0]  }
0x2: {  	s2 =	srdreg.scid;
	s0 =	stileid.u32  }
0x3: {  	s3 =	rddreg [dreg:$0x1];
	s9 =	simm.s32 $0x1900;
	s10 =	simm.s32 $0x2100  }
0x4: {  	s11 =	simm.s32 $0x2900;
	s12 =	simm.s32 $0x3100;
	s13 =	simm.s32 $0x3900  }
0x5: {  	s14 =	simm.s32 $0x4100;
	s15 =	simm.s32 $0x4900;
	s16 =	simm.s32 $0x5100  }
0x6: {  	s17 =	simm.s32 $0x5900;
	s18 =	simm.s32 $0x6100;
	s19 =	simm.s32 $0x6900  }
0x7: {  	s20 =	simm.s32 $0x7100;
	s21 =	simm.s32 $0x7900;
	s22 =	simm.s32 $0x8100  }
0x8: {  	s23 =	simm.s32 $0x8900;
	s24 =	simm.s32 $0x9100;
	s25 =	simm.s32 $0x9900  }
0x9: {  	s28 =	simm.s32 $0xA900;
	s4 =	sand.u32 $0x1, s2;
	s5 =	sshll.u32 s0, $0x1  }
0xa: {  	s29 =	simm.s32 $0xB100;
	s30 =	simm.s32 $0xB900;
	s5 =	sor.u32 s4, s5  }
0xb: {  	s31 =	simm.s32 $0x1;
	s2 =	simm.s32 $0x0;
	s6 =	smul.u32 $0x18, s5  }
0xc: {  	[smem:$0x7FF] =	sst s2;
	s4 =	ssub.s32 $0x2, s4;
	s7 =	smul.u32 $0xC000, s5  }
0xd: {  	_ =	strace $0x80000050;
	s5 =	smul.u32 $0x1800, s5;
	s8 =	sshrl.u32 s4, $0x1  }
0xe: {  	s4 =	ssub.s32 s4, s8;
	s8 =	simm.s32 $0x1100;
	s6 =	sadd.s32 s6, s1  }
0xf: {  	s7 =	sshrl.u32 s7, $0x3;
	s5 =	sadd.s32 s3, s5;
	s4 =	smax.u32 s4, $0x1  }
0x10: {  	s6 =	sadd.s32 $0x39800, s6;
	s3 =	sadd.s32 s3, s7;
	[dreg:$0x4] =	wrdreg s5  }
0x11: {  	v2 =	vlaneseq.u32;
	s5 =	simm.s32 $0x3;
	s7 =	simm.s32 $0x900;
	[dreg:$0x3] =	wrdreg s6  }
0x12: {  	vm0 =	vmmov $0xffff;
	v1 =	vshrl.u32 v2, $0x3;
	s26 =	sadd.s32 $0xC00, s3;
	s3 =	sadd.s32 $0x48C00, s1;
	s6 =	simm.s32 $0x100  }
0x13: {  	v0 =	vand.u32 $0x7, v2;
	v2 =	vor.u32 $0x8, v2;
	v1 =	vmul.u32 $0x8, v1;
	s1 =	simm.s32 $0x2;
	[dreg:$0x5] =	wrdreg s26;
	s26 =	simm.s32 $0xA100  }
.LBB2_1:
0x14: {  	s0 =	rddreg [dreg:$0x3]  }
0x15: {  	[tilespmem:s2], [sflag:$0x3] =	stream.linear.gather [hbm4b:s0+s2], $0xC0, $0x38;
	[tilespmem:$0xC100] =	vst v63  }
0x16: {  	_ =	swait.ge [sflag:s5], $0xC0  }
0x17: {  	[sflag:s5] =	ssyncset.done $0x0  }
0x18: {  	[sflag:s5] =	ssyncadd.s32 $0xFFFFFF40  }
0x19: {  	v3 =	vld [tilespmem:$0x0];
	_ =	sdelay $0x4  }
0x1a: {  	v4 =	vshll.u32 v3, $0x1  }
0x1b: {  	v3 =	vand.u32 $0x7, v3;
	v4 =	vand.u32 $0xFFFFFFF0, v4  }
0x1c: {  	v3 =	vor.u32 v3, v4  }
0x1d: {  	v4 =	vperm.xlane v3, v0;
	_ =	sdelay $0x1  }
0x1e: {  	v3 =	vperm.xlane v3, v2;
	v4 =	vadd.s32 v1, v4;
	_ =	sdelay $0x1  }
0x1f: {  	v3 =	vadd.s32 v1, v3;
	_ =	sdelay $0x2  }
0x20: {  	[tilespmem:s6], [sflag:$0x1] =	stream.indirect_vreg.gather [hbm4b:s3+s2], $0x80, v4, vm0, $0xb8;
	[tilespmem:$0xC100] =	vst v63  }
0x21: {  	_ = 	snop  }
0x22: {  	[tilespmem:s7], [sflag:$0x1] =	stream.indirect_vreg.gather [hbm4b:s3+s2], $0x80, v3, vm0, $0xb8;
	[tilespmem:$0xC100] =	vst v63  }
0x23: {  	v3 =	vld [tilespmem:$0x10];
	_ =	sdelay $0x4  }
0x24: {  	v53 =	vshll.u32 v3, $0x1  }
0x25: {  	v3 =	vand.u32 $0x7, v3;
	v4 =	vand.u32 $0xFFFFFFF0, v53  }
0x26: {  	v3 =	vor.u32 v3, v4  }
0x27: {  	v4 =	vperm.xlane v3, v0;
	_ =	sdelay $0x1  }
0x28: {  	v3 =	vperm.xlane v3, v2;
	v4 =	vadd.s32 v1, v4;
	_ =	sdelay $0x1  }
0x29: {  	v3 =	vadd.s32 v1, v3;
	_ =	sdelay $0x2  }
0x2a: {  	[tilespmem:s8], [sflag:$0x1] =	stream.indirect_vreg.gather [hbm4b:s3+s2], $0x80, v4, vm0, $0xb8;
	[tilespmem:$0xC100] =	vst v63  }
0x2b: {  	_ = 	snop  }
0x2c: {  	[tilespmem:s9], [sflag:$0x1] =	stream.indirect_vreg.gather [hbm4b:s3+s2], $0x80, v3, vm0, $0xb8;
	[tilespmem:$0xC100] =	vst v63  }
0x2d: {  	v3 =	vld [tilespmem:$0x20];
	_ =	sdelay $0x4  }
0x2e: {  	v54 =	vshll.u32 v3, $0x1  }
0x2f: {  	v3 =	vand.u32 $0x7, v3;
	v4 =	vand.u32 $0xFFFFFFF0, v54  }
0x30: {  	v3 =	vor.u32 v3, v4  }
0x31: {  	v4 =	vperm.xlane v3, v0;
	_ =	sdelay $0x1  }
0x32: {  	v3 =	vperm.xlane v3, v2;
	v4 =	vadd.s32 v1, v4;
	_ =	sdelay $0x1  }
0x33: {  	v3 =	vadd.s32 v1, v3;
	_ =	sdelay $0x2  }
0x34: {  	[tilespmem:s10], [sflag:$0x1] =	stream.indirect_vreg.gather [hbm4b:s3+s2], $0x80, v4, vm0, $0xb8;
	[tilespmem:$0xC100] =	vst v63  }
0x35: {  	_ = 	snop  }
0x36: {  	[tilespmem:s11], [sflag:$0x1] =	stream.indirect_vreg.gather [hbm4b:s3+s2], $0x80, v3, vm0, $0xb8;
	[tilespmem:$0xC100] =	vst v63  }
0x37: {  	v3 =	vld [tilespmem:$0x30];
	_ =	sdelay $0x4  }
0x38: {  	v55 =	vshll.u32 v3, $0x1  }
0x39: {  	v3 =	vand.u32 $0x7, v3;
	v4 =	vand.u32 $0xFFFFFFF0, v55  }
0x3a: {  	v3 =	vor.u32 v3, v4  }
0x3b: {  	v4 =	vperm.xlane v3, v0;
	_ =	sdelay $0x1  }
0x3c: {  	v3 =	vperm.xlane v3, v2;
	v4 =	vadd.s32 v1, v4;
	_ =	sdelay $0x1  }
0x3d: {  	v3 =	vadd.s32 v1, v3;
	_ =	sdelay $0x2  }
0x3e: {  	[tilespmem:s12], [sflag:$0x1] =	stream.indirect_vreg.gather [hbm4b:s3+s2], $0x80, v4, vm0, $0xb8;
	[tilespmem:$0xC100] =	vst v63  }
0x3f: {  	_ = 	snop  }
0x40: {  	[tilespmem:s13], [sflag:$0x1] =	stream.indirect_vreg.gather [hbm4b:s3+s2], $0x80, v3, vm0, $0xb8;
	[tilespmem:$0xC100] =	vst v63  }
0x41: {  	v3 =	vld [tilespmem:$0x40];
	_ =	sdelay $0x4  }
0x42: {  	v56 =	vshll.u32 v3, $0x1  }
0x43: {  	v3 =	vand.u32 $0x7, v3;
	v4 =	vand.u32 $0xFFFFFFF0, v56  }
0x44: {  	v3 =	vor.u32 v3, v4  }
0x45: {  	v4 =	vperm.xlane v3, v0;
	_ =	sdelay $0x1  }
0x46: {  	v3 =	vperm.xlane v3, v2;
	v4 =	vadd.s32 v1, v4;
	_ =	sdelay $0x1  }
0x47: {  	v3 =	vadd.s32 v1, v3;
	_ =	sdelay $0x2  }
0x48: {  	[tilespmem:s14], [sflag:$0x1] =	stream.indirect_vreg.gather [hbm4b:s3+s2], $0x80, v4, vm0, $0xb8;
	[tilespmem:$0xC100] =	vst v63  }
0x49: {  	_ = 	snop  }
0x4a: {  	[tilespmem:s15], [sflag:$0x1] =	stream.indirect_vreg.gather [hbm4b:s3+s2], $0x80, v3, vm0, $0xb8;
	[tilespmem:$0xC100] =	vst v63  }
0x4b: {  	v3 =	vld [tilespmem:$0x50];
	_ =	sdelay $0x4  }
0x4c: {  	v57 =	vshll.u32 v3, $0x1  }
0x4d: {  	v3 =	vand.u32 $0x7, v3;
	v4 =	vand.u32 $0xFFFFFFF0, v57  }
0x4e: {  	v3 =	vor.u32 v3, v4  }
0x4f: {  	v4 =	vperm.xlane v3, v0;
	_ =	sdelay $0x1  }
0x50: {  	v3 =	vperm.xlane v3, v2;
	v4 =	vadd.s32 v1, v4;
	_ =	sdelay $0x1  }
0x51: {  	v3 =	vadd.s32 v1, v3;
	_ =	sdelay $0x2  }
0x52: {  	[tilespmem:s16], [sflag:$0x1] =	stream.indirect_vreg.gather [hbm4b:s3+s2], $0x80, v4, vm0, $0xb8;
	[tilespmem:$0xC100] =	vst v63  }
0x53: {  	_ = 	snop  }
0x54: {  	[tilespmem:s17], [sflag:$0x1] =	stream.indirect_vreg.gather [hbm4b:s3+s2], $0x80, v3, vm0, $0xb8;
	[tilespmem:$0xC100] =	vst v63  }
0x55: {  	v3 =	vld [tilespmem:$0x60];
	_ =	sdelay $0x4  }
0x56: {  	v58 =	vshll.u32 v3, $0x1  }
0x57: {  	v3 =	vand.u32 $0x7, v3;
	v4 =	vand.u32 $0xFFFFFFF0, v58  }
0x58: {  	v3 =	vor.u32 v3, v4  }
0x59: {  	v4 =	vperm.xlane v3, v0;
	_ =	sdelay $0x1  }
0x5a: {  	v3 =	vperm.xlane v3, v2;
	v4 =	vadd.s32 v1, v4;
	_ =	sdelay $0x1  }
0x5b: {  	v3 =	vadd.s32 v1, v3;
	_ =	sdelay $0x2  }
0x5c: {  	[tilespmem:s18], [sflag:$0x2] =	stream.indirect_vreg.gather [hbm4b:s3+s2], $0x80, v4, vm0, $0xb8;
	[tilespmem:$0xC100] =	vst v63  }
0x5d: {  	_ = 	snop  }
0x5e: {  	[tilespmem:s19], [sflag:$0x2] =	stream.indirect_vreg.gather [hbm4b:s3+s2], $0x80, v3, vm0, $0xb8;
	[tilespmem:$0xC100] =	vst v63  }
0x5f: {  	v3 =	vld [tilespmem:$0x70];
	_ =	sdelay $0x4  }
0x60: {  	v59 =	vshll.u32 v3, $0x1  }
0x61: {  	v3 =	vand.u32 $0x7, v3;
	v4 =	vand.u32 $0xFFFFFFF0, v59  }
0x62: {  	v3 =	vor.u32 v3, v4  }
0x63: {  	v4 =	vperm.xlane v3, v0;
	_ =	sdelay $0x1  }
0x64: {  	v3 =	vperm.xlane v3, v2;
	v4 =	vadd.s32 v1, v4;
	_ =	sdelay $0x1  }
0x65: {  	v3 =	vadd.s32 v1, v3;
	_ =	sdelay $0x2  }
0x66: {  	[tilespmem:s20], [sflag:$0x2] =	stream.indirect_vreg.gather [hbm4b:s3+s2], $0x80, v4, vm0, $0xb8;
	[tilespmem:$0xC100] =	vst v63  }
0x67: {  	_ = 	snop  }
0x68: {  	[tilespmem:s21], [sflag:$0x2] =	stream.indirect_vreg.gather [hbm4b:s3+s2], $0x80, v3, vm0, $0xb8;
	[tilespmem:$0xC100] =	vst v63  }
0x69: {  	v3 =	vld [tilespmem:$0x80];
	_ =	sdelay $0x4  }
0x6a: {  	v60 =	vshll.u32 v3, $0x1  }
0x6b: {  	v3 =	vand.u32 $0x7, v3;
	v4 =	vand.u32 $0xFFFFFFF0, v60  }
0x6c: {  	v3 =	vor.u32 v3, v4  }
0x6d: {  	v4 =	vperm.xlane v3, v0;
	_ =	sdelay $0x1  }
0x6e: {  	v3 =	vperm.xlane v3, v2;
	v4 =	vadd.s32 v1, v4;
	_ =	sdelay $0x1  }
0x6f: {  	v3 =	vadd.s32 v1, v3;
	_ =	sdelay $0x2  }
0x70: {  	[tilespmem:s22], [sflag:$0x2] =	stream.indirect_vreg.gather [hbm4b:s3+s2], $0x80, v4, vm0, $0xb8;
	[tilespmem:$0xC100] =	vst v63  }
0x71: {  	_ = 	snop  }
0x72: {  	[tilespmem:s23], [sflag:$0x2] =	stream.indirect_vreg.gather [hbm4b:s3+s2], $0x80, v3, vm0, $0xb8;
	[tilespmem:$0xC100] =	vst v63  }
0x73: {  	v3 =	vld [tilespmem:$0x90];
	_ =	sdelay $0x4  }
0x74: {  	v61 =	vshll.u32 v3, $0x1  }
0x75: {  	v3 =	vand.u32 $0x7, v3;
	v4 =	vand.u32 $0xFFFFFFF0, v61  }
0x76: {  	v3 =	vor.u32 v3, v4  }
0x77: {  	v4 =	vperm.xlane v3, v0;
	_ =	sdelay $0x1  }
0x78: {  	v3 =	vperm.xlane v3, v2;
	v4 =	vadd.s32 v1, v4;
	_ =	sdelay $0x1  }
0x79: {  	v3 =	vadd.s32 v1, v3;
	_ =	sdelay $0x2  }
0x7a: {  	[tilespmem:s24], [sflag:$0x2] =	stream.indirect_vreg.gather [hbm4b:s3+s2], $0x80, v4, vm0, $0xb8;
	[tilespmem:$0xC100] =	vst v63  }
0x7b: {  	_ = 	snop  }
0x7c: {  	[tilespmem:s25], [sflag:$0x2] =	stream.indirect_vreg.gather [hbm4b:s3+s2], $0x80, v3, vm0, $0xb8;
	[tilespmem:$0xC100] =	vst v63  }
0x7d: {  	v3 =	vld [tilespmem:$0xA0];
	_ =	sdelay $0x4  }
0x7e: {  	v62 =	vshll.u32 v3, $0x1  }
0x7f: {  	v3 =	vand.u32 $0x7, v3;
	v4 =	vand.u32 $0xFFFFFFF0, v62  }
0x80: {  	v3 =	vor.u32 v3, v4  }
0x81: {  	v4 =	vperm.xlane v3, v0;
	_ =	sdelay $0x1  }
0x82: {  	v3 =	vperm.xlane v3, v2;
	v4 =	vadd.s32 v1, v4;
	_ =	sdelay $0x1  }
0x83: {  	v3 =	vadd.s32 v1, v3;
	_ =	sdelay $0x2  }
0x84: {  	[tilespmem:s26], [sflag:$0x2] =	stream.indirect_vreg.gather [hbm4b:s3+s2], $0x80, v4, vm0, $0xb8;
	[tilespmem:$0xC100] =	vst v63  }
0x85: {  	_ = 	snop  }
0x86: {  	[tilespmem:s28], [sflag:$0x2] =	stream.indirect_vreg.gather [hbm4b:s3+s2], $0x80, v3, vm0, $0xb8;
	[tilespmem:$0xC100] =	vst v63  }
0x87: {  	v3 =	vld [tilespmem:$0xB0];
	_ =	sdelay $0x4  }
0x88: {  	v63 =	vshll.u32 v3, $0x1  }
0x89: {  	v3 =	vand.u32 $0x7, v3;
	v4 =	vand.u32 $0xFFFFFFF0, v63  }
0x8a: {  	v3 =	vor.u32 v3, v4  }
0x8b: {  	v4 =	vperm.xlane v3, v0;
	_ =	sdelay $0x1  }
0x8c: {  	v3 =	vperm.xlane v3, v2;
	v4 =	vadd.s32 v1, v4;
	_ =	sdelay $0x1  }
0x8d: {  	v3 =	vadd.s32 v1, v3;
	_ =	sdelay $0x2  }
0x8e: {  	[tilespmem:s29], [sflag:$0x2] =	stream.indirect_vreg.gather [hbm4b:s3+s2], $0x80, v4, vm0, $0xb8;
	[tilespmem:$0xC100] =	vst v63  }
0x8f: {  	_ = 	snop  }
0x90: {  	[tilespmem:s30], [sflag:$0x2] =	stream.indirect_vreg.gather [hbm4b:s3+s2], $0x80, v3, vm0, $0xb8;
	[tilespmem:$0xC100] =	vst v63  }
0x91: {  	_ =	swait.ge [sflag:s31], $0x6000  }
0x92: {  	[sflag:s31] =	ssyncset.done $0x0  }
0x93: {  	s0 =	rddreg [dreg:$0x4];
	[sflag:s31] =	ssyncadd.s32 $0xFFFFA000  }
0x94: {  	[hbm4b:s0+s2] =	stream.linear.scatter [tilespmem:s6], [sflag:$0x3], $0x6000, $0x38;
	[tilespmem:$0xC100] =	vst v63  }
0x95: {  	_ =	swait.ge [sflag:s5], $0x6000  }
0x96: {  	[sflag:s5] =	ssyncset.done $0x0  }
0x97: {  	[sflag:s5] =	ssyncadd.s32 $0xFFFFA000  }
0x98: {  	_ =	swait.ge [sflag:s1], $0x6000  }
0x99: {  	p0 =	sne.s32 s4, $0x1;
	[sflag:s1] =	ssyncset.done $0x0  }
.Ltmp0:
0x9a: {  	s0 =	rddreg [dreg:$0x5];
	[sflag:s1] =	ssyncadd.s32 $0xFFFFA000;
	(pc) =	sbr.rel @p0 .LBB2_1-.Ltmp0, $4  }
0x9b: {  	[hbm4b:s0+s2] =	stream.linear.scatter [tilespmem:s18], [sflag:$0x3], $0x6000, $0x38;
	[tilespmem:$0xC100] =	vst v63  }
0x9c: {  	_ =	swait.ge [sflag:s5], $0x6000  }
0x9d: {  	[sflag:s5] =	ssyncset.done $0x0  }
0x9e: {  	s4 =	sadd.s32 $0xFFFFFFFF, s4;
	[sflag:s5] =	ssyncadd.s32 $0xFFFFA000  }
0x9f: {  	_ =	sfence.sel $0x180000  }
0xa0: {  	[bflag:$0x0] =	sbarrier.arrive $0xFFFF  }
0xa1: {  	_ =	strace $0x90000050  }
0xa2: {  	s0 =	stileid.u32;
	[bflag:$0x2] =	sbarrier.arrive $0xFFFF  }
0xa3: {  	p0 =	sne.s32 s0, $0x0;
	s0 =	rddreg [dreg:$0x2]  }
0xa4: {  	s0 =	sadd.s32 @!p0 $0x100000, s0  }
0xa5: {  	[sflag:s0] =	ssyncadd.tile.s32 @!p0 $0x1;
	_ =	shalt  }
.Lfunc_end2:
_tile_overlayer_lowered:
.L_overlay_start_2:
0xa6: {  	(tag) =	ssettag $0x2  }
0xa7: {  	s0 =	rddreg [dreg:$0x0];
	s2 =	stileid.u32  }
0xa8: {  	s1 =	rddreg [dreg:$0x1];
	p0 =	sne.s32 s2, $0x0  }
0xa9: {  	s3 =	rddreg [dreg:$0x2];
	[bflag:$0x3] =	sbarrier.arrive $0xFFFF;
	s2 =	simm.s32 @!p0 $0x1C03  }
0xaa: {  	[timem:s3], [sflag:s2] =	dma.local @!p0 [hbm:s0], s1  }
0xab: {  	s0 =	simm.s32 @!p0 $0x3  }
0xac: {  	_ =	swait.ge @!p0 [sflag:s0], s1  }
0xad: {  	s1 =	ssub.s32 @!p0 $0x0, s1;
	[sflag:s0] =	ssyncset.done @!p0 $0x0  }
0xae: {  	[sflag:s0] =	ssyncadd.s32 @!p0 s1  }
0xaf: {  	[bflag:$0x3] =	sbarrier.arrive $0xFFFF  }
0xb0: {  	_ =	shalt  }

</sc_bundles>
